<compile_context>
chip_gen: v7x
topology: tpu7x:2x2x1
jax: 0.10.2.dev20260603
libtpu: 0.0.44.dev20260713+nightly
codegen_flags: <defaults>
</compile_context>

<pallas_src>
import functools

import jax
import jax.numpy as jnp
from jax import lax
from jax.experimental import pallas as pl
from jax.experimental.pallas import tpu as pltpu
from jax.experimental.pallas import tpu_sc as plsc

_W = 1024
_H = 1024
_B = 4
_PR = (0.0, -51.2, -5.0, 102.4, 51.2, 3.0)
_XS = _W / (_PR[3] - _PR[0])
_YS = _H / (_PR[4] - _PR[1])
_YOFF = (_PR[4] - _PR[1]) / 2.0

_N = 600000
_NW = 32
_PPW = 18752
_NPTS = _NW * _PPW
_CHUNK = 4688
_NSLAB = 256
_SLABSZ = 16384
_OFFW = 272
_GCAP = 128
_GROUNDS = 32
_CHCAP = _GCAP * _GROUNDS

_f32 = jnp.float32
_i32 = jnp.int32


def _iota():
    return lax.iota(_i32, 16)


def _c16(v, dtype=_i32):
    return jnp.full((16,), v, dtype)


def _take16(v, idx):
    return lax.gather(
        v, idx.reshape(16, 1),
        dimension_numbers=lax.GatherDimensionNumbers(
            offset_dims=(), collapsed_slice_dims=(0,), start_index_map=(0,)),
        slice_sizes=(1,),
        mode=lax.GatherScatterMode.PROMISE_IN_BOUNDS)


def _scalar_at(vec, lane):
    return jnp.sum(jnp.where(_iota() == lane, vec, 0))


def _cell_of(b, x, y):
    xp = (x * _XS).astype(_i32)
    yp = ((y + _YOFF) * _YS).astype(_i32)
    m = (xp < _W) & (xp >= 0) & (yp < _H) & (yp >= 0)
    bi = jnp.clip(b.astype(_i32), 0, _B - 1)
    cell = bi * (_H * _W) + yp * _W + xp
    return m, cell




def _k1_body(bx_hbm, xx_hbm, yx_hbm, zx_hbm, ix_hbm, reco_hbm, recz_hbm,
             reci_hbm, offs_hbm, fa0, fb0, fc0, fa1, fb1, fc1, cell_v,
             rec_ov, rec_zv, rec_iv, hist, base, ctr, sem0, sem1):
    wid = lax.axis_index("s") * 2 + lax.axis_index("c")
    it16 = _iota()
    nch = _PPW // _CHUNK
    bufs = ((fa0, fb0, fc0), (fa1, fb1, fc1))
    sems = (sem0, sem1)

    def crng(c):
        return pl.ds(wid * _PPW + c * _CHUNK, _CHUNK)

    def zero_hist(k, _):
        hist[pl.ds(k * 16, 16)] = _c16(0)
        return 0

    lax.fori_loop(0, _OFFW // 16, zero_hist, 0)

    def a_copies(c):
        fa, fb, fc = bufs[c % 2]
        s = sems[c % 2]
        return (pltpu.make_async_copy(bx_hbm.at[crng(c)], fa, s),
                pltpu.make_async_copy(xx_hbm.at[crng(c)], fb, s),
                pltpu.make_async_copy(yx_hbm.at[crng(c)], fc, s))

    for cp in a_copies(0):
        cp.start()
    for c in range(nch):
        if c + 1 < nch:
            for cp in a_copies(c + 1):
                cp.start()
        for cp in a_copies(c):
            cp.wait()
        fa, fb, fc = bufs[c % 2]

        def pass_a(i, _):
            lds = pl.ds(i * 16, 16)
            m, cell = _cell_of(fa[lds], fb[lds], fc[lds])
            slab = jnp.where(m, lax.shift_right_arithmetic(cell, 14), _NSLAB)
            cell_v[pl.ds(c * _CHUNK + i * 16, 16)] = jnp.where(m, cell, -1)
            plsc.addupdate_scatter(hist, [slab], _c16(1))
            return 0

        lax.fori_loop(0, _CHUNK // 16, pass_a, 0)

    def prefix(k, carry):
        v = hist[pl.ds(k * 16, 16)]
        cs = plsc.cumsum(v)
        bvec = cs - v + carry
        base[pl.ds(k * 16, 16)] = bvec
        ctr[pl.ds(k * 16, 16)] = bvec
        return carry + jnp.sum(v)

    lax.fori_loop(0, _OFFW // 16, prefix, 0)

    def b_copies(c):
        fa, fb, _ = bufs[c % 2]
        s = sems[c % 2]
        return (pltpu.make_async_copy(zx_hbm.at[crng(c)], fa, s),
                pltpu.make_async_copy(ix_hbm.at[crng(c)], fb, s))

    for cp in b_copies(0):
        cp.start()
    for c in range(nch):
        if c + 1 < nch:
            for cp in b_copies(c + 1):
                cp.start()
        for cp in b_copies(c):
            cp.wait()
        fa, fb, _ = bufs[c % 2]

        def pass_b(i, _):
            lds = pl.ds(i * 16, 16)
            cell = cell_v[pl.ds(c * _CHUNK + i * 16, 16)]
            valid = cell >= 0
            slab = jnp.where(valid, lax.shift_right_arithmetic(cell, 14),
                             _NSLAB)
            z = fa[lds]
            inten = fb[lds]
            ks, perm = plsc.sort_key_val(slab, it16)
            prev = _take16(ks, jnp.maximum(it16 - 1, 0))
            is_start = (it16 == 0) | (ks != prev)
            spos = plsc.cummax(jnp.where(is_start, it16, 0))
            rank = it16 - spos
            cg = plsc.load_gather(ctr, [ks])
            dst = cg + rank
            nxt = _take16(ks, jnp.minimum(it16 + 1, 15))
            is_last = (it16 == 15) | (ks != nxt)
            plsc.store_scatter(ctr, [ks], dst + 1, mask=is_last)
            o = jnp.bitwise_and(_take16(cell, perm), _SLABSZ - 1)
            plsc.store_scatter(rec_ov, [dst], o)
            plsc.store_scatter(rec_zv, [dst], _take16(z, perm))
            plsc.store_scatter(rec_iv, [dst], _take16(inten, perm))
            return 0

        lax.fori_loop(0, _CHUNK // 16, pass_b, 0)

    reg = pl.ds(wid * _PPW, _PPW)
    outs = (
        pltpu.make_async_copy(rec_ov, reco_hbm.at[reg], sem0),
        pltpu.make_async_copy(rec_zv, recz_hbm.at[reg], sem0),
        pltpu.make_async_copy(rec_iv, reci_hbm.at[reg], sem0),
        pltpu.make_async_copy(base, offs_hbm.at[pl.ds(wid * _OFFW, _OFFW)],
                              sem0),
    )
    for cp in outs:
        cp.start()
    for cp in outs:
        cp.wait()


@functools.lru_cache(maxsize=None)
def _make_k1():
    return pl.kernel(
        _k1_body,
        out_type=(
            jax.ShapeDtypeStruct((_NPTS,), _i32),
            jax.ShapeDtypeStruct((_NPTS,), _f32),
            jax.ShapeDtypeStruct((_NPTS,), _f32),
            jax.ShapeDtypeStruct((_NW * _OFFW,), _i32),
        ),
        mesh=plsc.VectorSubcoreMesh(core_axis_name="c",
                                    subcore_axis_name="s"),
        compiler_params=pltpu.CompilerParams(use_tc_tiling_on_sc=False,
                                             needs_layout_passes=False),
        scratch_types=[
            pltpu.VMEM((_CHUNK,), _f32),
            pltpu.VMEM((_CHUNK,), _f32),
            pltpu.VMEM((_CHUNK,), _f32),
            pltpu.VMEM((_CHUNK,), _f32),
            pltpu.VMEM((_CHUNK,), _f32),
            pltpu.VMEM((_CHUNK,), _f32),
            pltpu.VMEM((_PPW,), _i32),
            pltpu.VMEM((_PPW,), _i32),
            pltpu.VMEM((_PPW,), _f32),
            pltpu.VMEM((_PPW,), _f32),
            pltpu.VMEM((_OFFW,), _i32),
            pltpu.VMEM((_OFFW,), _i32),
            pltpu.VMEM((_OFFW,), _i32),
            pltpu.SemaphoreType.DMA,
            pltpu.SemaphoreType.DMA,
        ],
    )




def _k2_body(reco_hbm, recz_hbm, reci_hbm, offs_hbm, bev_hbm, sf_hbm, offs_v,
             acc_cnt, acc_zs, acc_im, acc_zm, idx_v, seg_o, seg_z, seg_i,
             band_v, pool_v, sem, osem):
    wid = lax.axis_index("s") * 2 + lax.axis_index("c")
    it16 = _iota()
    inf = _c16(jnp.inf, _f32)

    pltpu.sync_copy(offs_hbm, offs_v)

    def out_copies(s):
        slab = wid * 8 + s
        bi = lax.shift_right_logical(slab, 6)
        rowgrp = jnp.bitwise_and(slab, 63)
        plane = bi * 4 * _H * _W + rowgrp * _SLABSZ
        cps = [
            pltpu.make_async_copy(acc_cnt, bev_hbm.at[pl.ds(plane, _SLABSZ)],
                                  osem),
            pltpu.make_async_copy(acc_im,
                                  bev_hbm.at[pl.ds(plane + _H * _W,
                                                   _SLABSZ)], osem),
            pltpu.make_async_copy(acc_zs,
                                  bev_hbm.at[pl.ds(plane + 2 * _H * _W,
                                                   _SLABSZ)], osem),
            pltpu.make_async_copy(acc_zm,
                                  bev_hbm.at[pl.ds(plane + 3 * _H * _W,
                                                   _SLABSZ)], osem),
        ]
        for ci in range(4):
            cps.append(pltpu.make_async_copy(
                pool_v.at[pl.ds(ci * 256, 256)],
                sf_hbm.at[pl.ds((bi * 4 + ci) * 16384 + rowgrp * 256, 256)],
                osem))
        return cps

    def bounds_of(slab):
        st = []
        ln = []
        wp = []
        carry = 0
        for g in range(2):
            wv = (it16 + g * 16) * _OFFW
            sg = plsc.load_gather(offs_v, [wv + slab])
            eg = plsc.load_gather(offs_v, [wv + slab + 1])
            lg = eg - sg
            cs = plsc.cumsum(lg)
            wp.append(cs - lg + carry)
            carry = carry + jnp.sum(lg)
            st.append(sg)
            ln.append(lg)
        return st, ln, wp, carry

    def build_fire(st, ln, wp, total, done):
        cnt = jnp.minimum(total - done, _CHCAP)
        for g in range(2):
            def build(w2, _):
                lw = _scalar_at(ln[g], w2)
                sw = _scalar_at(st[g], w2)
                pw = _scalar_at(wp[g], w2)
                rowbase = (g * 16 + w2) * _PPW + sw

                def fill(j, _):
                    rel = j * 16 + it16
                    p = pw + rel - done
                    plsc.store_scatter(
                        idx_v,
                        [lax.shift_right_logical(p, 7),
                         jnp.bitwise_and(p, _GCAP - 1)],
                        rowbase + rel,
                        mask=(rel < lw) & (p >= 0) & (p < _CHCAP))
                    return 0

                lax.fori_loop(0, (lw + 15) // 16, fill, 0)
                return 0

            lax.fori_loop(0, 16, build, 0)

        nrounds = (cnt + _GCAP - 1) // _GCAP

        def pad(j, _):
            p = cnt + j * 16 + it16
            plsc.store_scatter(
                idx_v,
                [lax.shift_right_logical(p, 7),
                 jnp.bitwise_and(p, _GCAP - 1)],
                _c16(0), mask=p < nrounds * _GCAP)
            return 0

        lax.fori_loop(0, (_GCAP + 15) // 16, pad, 0)

        def fire(r, _):
            pltpu.async_copy(reco_hbm.at[idx_v.at[r]], seg_o.at[r], sem)
            pltpu.async_copy(recz_hbm.at[idx_v.at[r]], seg_z.at[r], sem)
            pltpu.async_copy(reci_hbm.at[idx_v.at[r]], seg_i.at[r], sem)
            return 0

        lax.fori_loop(0, nrounds, fire, 0)
        return cnt

    def drain_accum(cnt):
        nrounds = (cnt + _GCAP - 1) // _GCAP

        def drain(r, _):
            pltpu.make_async_copy(reco_hbm.at[idx_v.at[r]], seg_o.at[r],
                                  sem).wait()
            pltpu.make_async_copy(recz_hbm.at[idx_v.at[r]], seg_z.at[r],
                                  sem).wait()
            pltpu.make_async_copy(reci_hbm.at[idx_v.at[r]], seg_i.at[r],
                                  sem).wait()
            return 0

        lax.fori_loop(0, nrounds, drain, 0)

        def accum(v, _):
            r16 = v * 16
            row = lax.shift_right_logical(r16, 7)
            cds = pl.ds(jnp.bitwise_and(r16, _GCAP - 1), 16)
            mask = (r16 + it16) < cnt
            o = seg_o[row, cds]
            z = seg_z[row, cds]
            inten = seg_i[row, cds]
            o = jnp.where(mask, o, _SLABSZ - 1)
            z = jnp.where(mask, z, inf)
            inten = jnp.where(mask, inten, -inf)
            plsc.addupdate_scatter(acc_cnt, [o],
                                   jnp.where(mask, 1.0, 0.0).astype(_f32))
            plsc.addupdate_scatter(acc_zs, [o], jnp.where(mask, z, 0.0))
            ks, perm = plsc.sort_key_val(o, it16)
            zp = _take16(z, perm)
            ip = _take16(inten, perm)
            for d in (1, 2, 4, 8):
                idxd = jnp.maximum(it16 - d, 0)
                samek = (ks == _take16(ks, idxd)) & (it16 >= d)
                zp = jnp.where(samek, jnp.minimum(zp, _take16(zp, idxd)), zp)
                ip = jnp.where(samek, jnp.maximum(ip, _take16(ip, idxd)), ip)
            nxt = _take16(ks, jnp.minimum(it16 + 1, 15))
            is_last = (it16 == 15) | (ks != nxt)
            oldi = plsc.load_gather(acc_im, [ks])
            oldz = plsc.load_gather(acc_zm, [ks])
            plsc.store_scatter(acc_im, [ks], jnp.maximum(oldi, ip),
                               mask=is_last)
            plsc.store_scatter(acc_zm, [ks], jnp.minimum(oldz, zp),
                               mask=is_last)
            return 0

        lax.fori_loop(0, (cnt + 15) // 16, accum, 0)

    def do_slab(s8, _):
        slab = wid * 8 + s8

        st, ln, wp, total = bounds_of(slab)
        cnt0 = build_fire(st, ln, wp, total, 0)

        @pl.when(s8 > 0)
        def _():
            for cp in out_copies(s8 - 1):
                cp.wait()

        def init(v, _):
            cds = pl.ds(v * 16, 16)
            acc_cnt[cds] = _c16(0.0, _f32)
            acc_zs[cds] = _c16(0.0, _f32)
            acc_im[cds] = _c16(0.0, _f32)
            acc_zm[cds] = _c16(10.0, _f32)
            return 0

        lax.fori_loop(0, _SLABSZ // 16, init, 0)

        drain_accum(cnt0)

        def extra(done):
            c = build_fire(st, ln, wp, total, done)
            drain_accum(c)
            return done + _CHCAP

        lax.while_loop(lambda done: done < total, extra, _CHCAP)

        def finvert(colv, _):
            cb = colv * 16
            for bnd in range(2):
                m0 = m1 = m2 = m3 = None
                for r in range(8):
                    ds_ = pl.ds((bnd * 8 + r) * _W + cb, 16)
                    cnt = acc_cnt[ds_]
                    zs = acc_zs[ds_]
                    im = acc_im[ds_]
                    zm = acc_zm[ds_]
                    safe = jnp.where(cnt == 0.0, 1.0, cnt)
                    c0 = safe / 50.0
                    c2 = zs / safe
                    acc_cnt[ds_] = c0
                    acc_zs[ds_] = c2
                    if r == 0:
                        m0, m1, m2, m3 = c0, im, c2, zm
                    else:
                        m0 = jnp.maximum(m0, c0)
                        m1 = jnp.maximum(m1, im)
                        m2 = jnp.maximum(m2, c2)
                        m3 = jnp.maximum(m3, zm)
                band_v[pl.ds(bnd * _W + cb, 16)] = m0
                band_v[pl.ds(2048 + bnd * _W + cb, 16)] = m1
                band_v[pl.ds(2 * 2048 + bnd * _W + cb, 16)] = m2
                band_v[pl.ds(3 * 2048 + bnd * _W + cb, 16)] = m3
            return 0

        lax.fori_loop(0, _W // 16, finvert, 0)

        def horiz(gv, _):
            cols = (gv * 16 + it16) * 8
            for ci in range(4):
                for bnd in range(2):
                    cbase = ci * 2048 + bnd * _W + cols
                    m = plsc.load_gather(band_v, [cbase])
                    for t in range(1, 8):
                        m = jnp.maximum(m,
                                        plsc.load_gather(band_v, [cbase + t]))
                    pool_v[pl.ds(ci * 256 + bnd * 128 + gv * 16, 16)] = m
            return 0

        lax.fori_loop(0, 8, horiz, 0)

        for cp in out_copies(s8):
            cp.start()
        return 0

    lax.fori_loop(0, 8, do_slab, 0)

    for cp in out_copies(7):
        cp.wait()


@functools.lru_cache(maxsize=None)
def _make_k2():
    return pl.kernel(
        _k2_body,
        out_type=(
            jax.ShapeDtypeStruct((_B * 4 * _H * _W,), _f32),
            jax.ShapeDtypeStruct((_B * 4 * (_H // 8) * (_W // 8),), _f32),
        ),
        mesh=plsc.VectorSubcoreMesh(core_axis_name="c",
                                    subcore_axis_name="s"),
        compiler_params=pltpu.CompilerParams(use_tc_tiling_on_sc=False,
                                             needs_layout_passes=False),
        scratch_types=[
            pltpu.VMEM((_NW * _OFFW,), _i32),
            pltpu.VMEM((_SLABSZ,), _f32),
            pltpu.VMEM((_SLABSZ,), _f32),
            pltpu.VMEM((_SLABSZ,), _f32),
            pltpu.VMEM((_SLABSZ,), _f32),
            pltpu.VMEM((_GROUNDS, _GCAP), _i32),
            pltpu.VMEM((_GROUNDS, _GCAP), _i32),
            pltpu.VMEM((_GROUNDS, _GCAP), _f32),
            pltpu.VMEM((_GROUNDS, _GCAP), _f32),
            pltpu.VMEM((8192,), _f32),
            pltpu.VMEM((1024,), _f32),
            pltpu.SemaphoreType.DMA,
            pltpu.SemaphoreType.DMA,
        ],
    )


def kernel(points, batch_size):
    del batch_size
    cols = [jnp.pad(points[:, i], (0, _NPTS - _N), constant_values=-1.0)
            for i in range(5)]
    reco, recz, reci, offs = _make_k1()(*cols)
    bev, sf = _make_k2()(reco, recz, reci, offs)
    return (bev.reshape(_B, 4, _H, _W), sf.reshape(_B, 4, _H // 8, _W // 8))

# --- scband reference (transcript-rebuilt; emitter-appended) ---
"""Pipeline reference for scband-bevconv-sv10-19696720019820 (READ-ONLY COPY).

The authoritative reference and input builder live on the scoring server;
editing this copy changes nothing except your own understanding.
"""

import jax, jax.numpy as jnp
import numpy as np

POINT_RANGE = (0.0, -51.2, -5.0, 102.4, 51.2, 3.0)
SIZE = (1024, 1024)
BATCH = 4

def setup_inputs(seed: int = 0):
    key = jax.random.key(seed)
    k1, k2, k3, k4, k5 = jax.random.split(key, 5)
    n = 600000
    b = jax.random.randint(k1, (n,), 0, 4).astype(jnp.float32)
    x = jax.random.uniform(k2, (n,), minval=0.0, maxval=102.4)
    y = jax.random.uniform(k3, (n,), minval=-51.2, maxval=51.2)
    z = jax.random.uniform(k4, (n,), minval=-5.0, maxval=3.0)
    inten = jax.random.uniform(k5, (n,), minval=0.0, maxval=1.0)
    points = jnp.stack([b, x, y, z, inten], axis=1).astype(jnp.float32)
    return {"points": points, "batch_size": 4}

def _bev_maps(points, batch_size):
    pr = POINT_RANGE
    W, H = SIZE
    xs = W / (pr[3] - pr[0])
    ys = H / (pr[4] - pr[1])
    # point_range[0] == 0 branch of the original code
    xp = (points[:, 1] * xs).astype(jnp.int32)
    yp = ((points[:, 2] + (pr[4] - pr[1]) / 2.0) * ys).astype(jnp.int32)
    m = (xp < W) & (xp >= 0) & (yp < H) & (yp >= 0)
    bi = jnp.clip(points[:, 0].astype(jnp.int32), 0, batch_size - 1)
    xi = jnp.clip(xp, 0, W - 1)
    yi = jnp.clip(yp, 0, H - 1)
    w = m.astype(jnp.float32)
    shape = (BATCH, 1, H, W)
    zeros = jnp.zeros(shape, dtype=jnp.float32)
    # points_nums_to_bev: scatter-add counts and z-sum
    counts = zeros.at[bi, 0, yi, xi].add(w)
    zsum = zeros.at[bi, 0, yi, xi].add(points[:, 3] * w)
    counts_safe = jnp.where(counts == 0.0, 1.0, counts)
    bev_zmean = zsum / counts_safe
    bev_points = counts_safe / 50.0
    # intensity_to_bev: scatter-max of intensity into zero-initialized grid
    iv = jnp.where(m, points[:, 4], -jnp.inf)
    bev_intensity = zeros.at[bi, 0, yi, xi].max(iv)
    # points_to_bev_zmin: scatter-min of z into 10-initialized grid
    zvmin = jnp.where(m, points[:, 3], jnp.inf)
    bev_zmin = (jnp.ones(shape, dtype=jnp.float32) * 10.0).at[bi, 0, yi, xi].min(zvmin)
    return jnp.concatenate([bev_points, bev_intensity, bev_zmean, bev_zmin], axis=1)

def reference(points, batch_size):
    bev = _bev_maps(points, batch_size)
    # three stacked 2x2/s2 max-pools == one 8x8/s8 max-pool (non-overlapping)
    sf = jax.lax.reduce_window(bev, -jnp.inf, jax.lax.max, (1, 1, 8, 8), (1, 1, 8, 8), 'VALID')
    return (bev, sf)

if __name__ == "__main__":
    import jax
    _d = setup_inputs()
    print(jax.jit(kernel)(*tuple(_d.values())))

</pallas_src>

<mosaic_0001>
#map = affine_map<(d0, d1) -> (0)>
module attributes {stable_mosaic.version = 14 : i64} {
  func.func @_k2_body(%arg0: i32, %arg1: i32, %arg2: memref<600064xi32, #tpu.memory_space<hbm>>, %arg3: memref<600064xf32, #tpu.memory_space<hbm>>, %arg4: memref<600064xf32, #tpu.memory_space<hbm>>, %arg5: memref<8704xi32, #tpu.memory_space<hbm>>, %arg6: memref<16777216xf32, #tpu.memory_space<hbm>>, %arg7: memref<262144xf32, #tpu.memory_space<hbm>>, %arg8: memref<8704xi32, #tpu.memory_space<vmem>>, %arg9: memref<16384xf32, #tpu.memory_space<vmem>>, %arg10: memref<16384xf32, #tpu.memory_space<vmem>>, %arg11: memref<16384xf32, #tpu.memory_space<vmem>>, %arg12: memref<16384xf32, #tpu.memory_space<vmem>>, %arg13: memref<32x128xi32, #tpu.memory_space<vmem>>, %arg14: memref<32x128xi32, #tpu.memory_space<vmem>>, %arg15: memref<32x128xf32, #tpu.memory_space<vmem>>, %arg16: memref<32x128xf32, #tpu.memory_space<vmem>>, %arg17: memref<8192xf32, #tpu.memory_space<vmem>>, %arg18: memref<1024xf32, #tpu.memory_space<vmem>>, %arg19: memref<!tpu.dma_semaphore, #tpu.memory_space<semaphore_mem>>, %arg20: memref<!tpu.dma_semaphore, #tpu.memory_space<semaphore_mem>>) attributes {dimension_semantics = [#tpu.dimension_semantics<core_parallel>, #tpu.dimension_semantics<subcore_parallel>], iteration_bounds = array<i64: 2, 16>, scalar_prefetch = 0 : i64, scratch_operands = 13 : i64, tpu.core_type = #tpu.core_type<sc_vector_subcore>, window_params = [{transform_indices = #map}, {transform_indices = #map}, {transform_indices = #map}, {transform_indices = #map}, {transform_indices = #map}, {transform_indices = #map}]} {
    %mul3A = arith.constant 2 : i32
    %mul3A_0 = arith.muli %arg1, %mul3A : i32
    %add3A = arith.addi %mul3A_0, %arg0 : i32
    %iota3A = tpu.iota {dimensions = array<i32: 0>} : vector<16xi32>
    %broadcast_in_dim3A = arith.constant 0x7F800000 : f32
    %broadcast_in_dim3A_1 = vector.broadcast %broadcast_in_dim3A : f32 to vector<16xf32>
    "tpu.region"() ({
      %run_scoped3A = tpu.sem_alloc : memref<!tpu.dma_semaphore, #tpu.memory_space<semaphore_mem>>
      tpu.enqueue_dma source(%arg5 : memref<8704xi32, #tpu.memory_space<hbm>>) target(%arg8 : memref<8704xi32, #tpu.memory_space<vmem>>) target_semaphore(%run_scoped3A : memref<!tpu.dma_semaphore, #tpu.memory_space<semaphore_mem>>)
      tpu.wait_dma2 semaphore(%run_scoped3A : memref<!tpu.dma_semaphore, #tpu.memory_space<semaphore_mem>>) src(%arg5 : memref<8704xi32, #tpu.memory_space<hbm>>) dst(%arg8 : memref<8704xi32, #tpu.memory_space<vmem>>)
      tpu.yield
    }) : () -> ()
    %scan3A = arith.constant 0 : i32
    %scan3A_2 = arith.constant 0 : i32
    %scan3A_3 = arith.constant 8 : i32
    %scan3A_4 = arith.addi %scan3A_2, %scan3A_3 : i32
    %scan3A_5 = arith.constant 1 : i32
    %scan3A_6 = scf.for %scan3A_96 = %scan3A_2 to %scan3A_4 step %scan3A_5 iter_args(%scan3A_97 = %scan3A) -> (i32)  : i32 {
      %mul3A_98 = arith.constant 8 : i32
      %mul3A_99 = arith.muli %add3A, %mul3A_98 : i32
      %add3A_100 = arith.addi %mul3A_99, %scan3A_96 : i32
      %add3A_101 = arith.constant 0 : i32
      %add3A_102 = vector.broadcast %add3A_101 : i32 to vector<16xi32>
      %add3A_103 = arith.addi %iota3A, %add3A_102 : vector<16xi32>
      %mul3A_104 = arith.constant 272 : i32
      %mul3A_105 = vector.broadcast %mul3A_104 : i32 to vector<16xi32>
      %mul3A_106 = arith.muli %add3A_103, %mul3A_105 : vector<16xi32>
      %add3A_107 = vector.broadcast %add3A_100 : i32 to vector<16xi32>
      %add3A_108 = arith.addi %mul3A_106, %add3A_107 : vector<16xi32>
      %gather3A = tpu.vector_load_idx %arg8[%add3A_108] : memref<8704xi32, #tpu.memory_space<vmem>>[vector<16xi32>], vector<16xi32>,
      %add3A_109 = vector.broadcast %add3A_100 : i32 to vector<16xi32>
      %add3A_110 = arith.addi %mul3A_106, %add3A_109 : vector<16xi32>
      %add3A_111 = arith.constant 1 : i32
      %add3A_112 = vector.broadcast %add3A_111 : i32 to vector<16xi32>
      %add3A_113 = arith.addi %add3A_110, %add3A_112 : vector<16xi32>
      %gather3A_114 = tpu.vector_load_idx %arg8[%add3A_113] : memref<8704xi32, #tpu.memory_space<vmem>>[vector<16xi32>], vector<16xi32>,
      %sub3A = arith.subi %gather3A_114, %gather3A : vector<16xi32>
      %broadcast_in_dim3A_115 = arith.constant true
      %broadcast_in_dim3A_116 = vector.broadcast %broadcast_in_dim3A_115 : i1 to vector<16xi1>
      %masked_cumsum3A = tpu.scan <sum>, %sub3A masked %broadcast_in_dim3A_116 : vector<16xi32>, vector<16xi1> -> vector<16xi32>
      %sub3A_117 = arith.subi %masked_cumsum3A, %sub3A : vector<16xi32>
      %add3A_118 = arith.constant 0 : i32
      %add3A_119 = vector.broadcast %add3A_118 : i32 to vector<16xi32>
      %add3A_120 = arith.addi %sub3A_117, %add3A_119 : vector<16xi32>
      %reduce_sum3A = arith.constant true
      %reduce_sum3A_121 = vector.broadcast %reduce_sum3A : i1 to vector<16xi1>
      %reduce_sum3A_122 = tpu.scan <sum>, %sub3A masked %reduce_sum3A_121 : vector<16xi32>, vector<16xi1> -> vector<16xi32>
      %reduce_sum3A_123 = vector.extract %reduce_sum3A_122[15] : i32 from vector<16xi32>
      %add3A_124 = arith.constant 0 : i32
      %add3A_125 = arith.addi %add3A_124, %reduce_sum3A_123 : i32
      %add3A_126 = arith.constant 16 : i32
      %add3A_127 = vector.broadcast %add3A_126 : i32 to vector<16xi32>
      %add3A_128 = arith.addi %iota3A, %add3A_127 : vector<16xi32>
      %mul3A_129 = arith.constant 272 : i32
      %mul3A_130 = vector.broadcast %mul3A_129 : i32 to vector<16xi32>
      %mul3A_131 = arith.muli %add3A_128, %mul3A_130 : vector<16xi32>
      %add3A_132 = vector.broadcast %add3A_100 : i32 to vector<16xi32>
      %add3A_133 = arith.addi %mul3A_131, %add3A_132 : vector<16xi32>
      %gather3A_134 = tpu.vector_load_idx %arg8[%add3A_133] : memref<8704xi32, #tpu.memory_space<vmem>>[vector<16xi32>], vector<16xi32>,
      %add3A_135 = vector.broadcast %add3A_100 : i32 to vector<16xi32>
      %add3A_136 = arith.addi %mul3A_131, %add3A_135 : vector<16xi32>
      %add3A_137 = arith.constant 1 : i32
      %add3A_138 = vector.broadcast %add3A_137 : i32 to vector<16xi32>
      %add3A_139 = arith.addi %add3A_136, %add3A_138 : vector<16xi32>
      %gather3A_140 = tpu.vector_load_idx %arg8[%add3A_139] : memref<8704xi32, #tpu.memory_space<vmem>>[vector<16xi32>], vector<16xi32>,
      %sub3A_141 = arith.subi %gather3A_140, %gather3A_134 : vector<16xi32>
      %broadcast_in_dim3A_142 = arith.constant true
      %broadcast_in_dim3A_143 = vector.broadcast %broadcast_in_dim3A_142 : i1 to vector<16xi1>
      %masked_cumsum3A_144 = tpu.scan <sum>, %sub3A_141 masked %broadcast_in_dim3A_143 : vector<16xi32>, vector<16xi1> -> vector<16xi32>
      %sub3A_145 = arith.subi %masked_cumsum3A_144, %sub3A_141 : vector<16xi32>
      %add3A_146 = vector.broadcast %add3A_125 : i32 to vector<16xi32>
      %add3A_147 = arith.addi %sub3A_145, %add3A_146 : vector<16xi32>
      %reduce_sum3A_148 = arith.constant true
      %reduce_sum3A_149 = vector.broadcast %reduce_sum3A_148 : i1 to vector<16xi1>
      %reduce_sum3A_150 = tpu.scan <sum>, %sub3A_141 masked %reduce_sum3A_149 : vector<16xi32>, vector<16xi1> -> vector<16xi32>
      %reduce_sum3A_151 = vector.extract %reduce_sum3A_150[15] : i32 from vector<16xi32>
      %add3A_152 = arith.addi %add3A_125, %reduce_sum3A_151 : i32
      %sub3A_153 = arith.constant 0 : i32
      %sub3A_154 = arith.subi %add3A_152, %sub3A_153 : i32
      %min3A = arith.constant 4096 : i32
      %min3A_155 = arith.minsi %sub3A_154, %min3A : i32
      %scan3A_156 = arith.constant 0 : i32
      %scan3A_157 = arith.constant 0 : i32
      %scan3A_158 = arith.constant 16 : i32
      %scan3A_159 = arith.addi %scan3A_157, %scan3A_158 : i32
      %scan3A_160 = arith.constant 1 : i32
      %scan3A_161 = scf.for %scan3A_403 = %scan3A_157 to %scan3A_159 step %scan3A_160 iter_args(%scan3A_404 = %scan3A_156) -> (i32)  : i32 {
        %iota3A_405 = tpu.iota {dimensions = array<i32: 0>} : vector<16xi32>
        %eq3A = vector.broadcast %scan3A_403 : i32 to vector<16xi32>
        %eq3A_406 = arith.cmpi eq, %iota3A_405, %eq3A : vector<16xi32>
        %jit3A_407 = arith.constant 0 : i32
        %broadcast_in_dim3A_408 = vector.broadcast %jit3A_407 : i32 to vector<16xi32>
        %select_n3A_409 = arith.select %eq3A_406, %sub3A, %broadcast_in_dim3A_408 : vector<16xi1>, vector<16xi32>
        %reduce_sum3A_410 = arith.constant true
        %reduce_sum3A_411 = vector.broadcast %reduce_sum3A_410 : i1 to vector<16xi1>
        %reduce_sum3A_412 = tpu.scan <sum>, %select_n3A_409 masked %reduce_sum3A_411 : vector<16xi32>, vector<16xi1> -> vector<16xi32>
        %reduce_sum3A_413 = vector.extract %reduce_sum3A_412[15] : i32 from vector<16xi32>
        %iota3A_414 = tpu.iota {dimensions = array<i32: 0>} : vector<16xi32>
        %eq3A_415 = vector.broadcast %scan3A_403 : i32 to vector<16xi32>
        %eq3A_416 = arith.cmpi eq, %iota3A_414, %eq3A_415 : vector<16xi32>
        %jit3A_417 = arith.constant 0 : i32
        %broadcast_in_dim3A_418 = vector.broadcast %jit3A_417 : i32 to vector<16xi32>
        %select_n3A_419 = arith.select %eq3A_416, %gather3A, %broadcast_in_dim3A_418 : vector<16xi1>, vector<16xi32>
        %reduce_sum3A_420 = arith.constant true
        %reduce_sum3A_421 = vector.broadcast %reduce_sum3A_420 : i1 to vector<16xi1>
        %reduce_sum3A_422 = tpu.scan <sum>, %select_n3A_419 masked %reduce_sum3A_421 : vector<16xi32>, vector<16xi1> -> vector<16xi32>
        %reduce_sum3A_423 = vector.extract %reduce_sum3A_422[15] : i32 from vector<16xi32>
        %iota3A_424 = tpu.iota {dimensions = array<i32: 0>} : vector<16xi32>
        %eq3A_425 = vector.broadcast %scan3A_403 : i32 to vector<16xi32>
        %eq3A_426 = arith.cmpi eq, %iota3A_424, %eq3A_425 : vector<16xi32>
        %jit3A_427 = arith.constant 0 : i32
        %broadcast_in_dim3A_428 = vector.broadcast %jit3A_427 : i32 to vector<16xi32>
        %select_n3A_429 = arith.select %eq3A_426, %add3A_120, %broadcast_in_dim3A_428 : vector<16xi1>, vector<16xi32>
        %reduce_sum3A_430 = arith.constant true
        %reduce_sum3A_431 = vector.broadcast %reduce_sum3A_430 : i1 to vector<16xi1>
        %reduce_sum3A_432 = tpu.scan <sum>, %select_n3A_429 masked %reduce_sum3A_431 : vector<16xi32>, vector<16xi1> -> vector<16xi32>
        %reduce_sum3A_433 = vector.extract %reduce_sum3A_432[15] : i32 from vector<16xi32>
        %add3A_434 = arith.constant 0 : i32
        %add3A_435 = arith.addi %add3A_434, %scan3A_403 : i32
        %mul3A_436 = arith.constant 18752 : i32
        %mul3A_437 = arith.muli %add3A_435, %mul3A_436 : i32
        %add3A_438 = arith.addi %mul3A_437, %reduce_sum3A_423 : i32
        %add3A_439 = arith.constant 15 : i32
        %add3A_440 = arith.addi %reduce_sum3A_413, %add3A_439 : i32
        %jit3A_441 = arith.constant 16 : i32
        %div3A_442 = arith.divsi %add3A_440, %jit3A_441 : i32
        %sign3A_443 = arith.constant 0 : i32
        %sign3A_444 = arith.cmpi sgt, %add3A_440, %sign3A_443 : i32
        %sign3A_445 = arith.extui %sign3A_444 : i1 to i32
        %sign3A_446 = arith.constant 0 : i32
        %sign3A_447 = arith.cmpi slt, %add3A_440, %sign3A_446 : i32
        %sign3A_448 = arith.extui %sign3A_447 : i1 to i32
        %sign3A_449 = arith.subi %sign3A_445, %sign3A_448 : i32
        %sign3A_450 = arith.constant 0 : i32
        %sign3A_451 = arith.cmpi sgt, %jit3A_441, %sign3A_450 : i32
        %sign3A_452 = arith.extui %sign3A_451 : i1 to i32
        %sign3A_453 = arith.constant 0 : i32
        %sign3A_454 = arith.cmpi slt, %jit3A_441, %sign3A_453 : i32
        %sign3A_455 = arith.extui %sign3A_454 : i1 to i32
        %sign3A_456 = arith.subi %sign3A_452, %sign3A_455 : i32
        %ne3A_457 = arith.cmpi ne, %sign3A_449, %sign3A_456 : i32
        %rem3A_458 = arith.remsi %add3A_440, %jit3A_441 : i32
        %ne3A_459 = arith.constant 0 : i32
        %ne3A_460 = arith.cmpi ne, %rem3A_458, %ne3A_459 : i32
        %and3A_461 = arith.andi %ne3A_457, %ne3A_460 : i1
        %sub3A_462 = arith.constant 1 : i32
        %sub3A_463 = arith.subi %div3A_442, %sub3A_462 : i32
        %select_n3A_464 = arith.select %and3A_461, %sub3A_463, %div3A_442 : i32
        %while3A_465 = arith.constant 0 : i32
        %while3A_466 = arith.constant 0 : i32
        %while3A_467 = arith.subi %select_n3A_464, %while3A_465 : i32
        %while3A_468 = arith.addi %while3A_465, %while3A_467 : i32
        %while3A_469 = arith.constant 1 : i32
        %while3A_470 = arith.divsi %while3A_467, %while3A_469 : i32
        %while3A_471 = arith.muli %while3A_470, %while3A_469 : i32
        %while3A_472 = arith.addi %while3A_465, %while3A_471 : i32
        %while3A_473 = arith.constant 1 : i32
        %while3A_474 = scf.for %while3A_478 = %while3A_465 to %while3A_472 step %while3A_473 iter_args(%while3A_479 = %while3A_466) -> (i32)  : i32 {
          %mul3A_480 = arith.constant 16 : i32
          %mul3A_481 = arith.muli %while3A_478, %mul3A_480 : i32
          %add3A_482 = vector.broadcast %mul3A_481 : i32 to vector<16xi32>
          %add3A_483 = arith.addi %add3A_482, %iota3A : vector<16xi32>
          %add3A_484 = vector.broadcast %reduce_sum3A_433 : i32 to vector<16xi32>
          %add3A_485 = arith.addi %add3A_484, %add3A_483 : vector<16xi32>
          %sub3A_486 = arith.constant 0 : i32
          %sub3A_487 = vector.broadcast %sub3A_486 : i32 to vector<16xi32>
          %sub3A_488 = arith.subi %add3A_485, %sub3A_487 : vector<16xi32>
          %shift_right_logical3A_489 = arith.constant 7 : i32
          %shift_right_logical3A_490 = vector.broadcast %shift_right_logical3A_489 : i32 to vector<16xi32>
          %shift_right_logical3A_491 = arith.shrui %sub3A_488, %shift_right_logical3A_490 : vector<16xi32>
          %and3A_492 = arith.constant 127 : i32
          %and3A_493 = vector.broadcast %and3A_492 : i32 to vector<16xi32>
          %and3A_494 = arith.andi %sub3A_488, %and3A_493 : vector<16xi32>
          %add3A_495 = vector.broadcast %add3A_438 : i32 to vector<16xi32>
          %add3A_496 = arith.addi %add3A_495, %add3A_483 : vector<16xi32>
          %lt3A = vector.broadcast %reduce_sum3A_413 : i32 to vector<16xi32>
          %lt3A_497 = arith.cmpi slt, %add3A_483, %lt3A : vector<16xi32>
          %ge3A = arith.constant 0 : i32
          %ge3A_498 = vector.broadcast %ge3A : i32 to vector<16xi32>
          %ge3A_499 = arith.cmpi sge, %sub3A_488, %ge3A_498 : vector<16xi32>
          %and3A_500 = arith.andi %lt3A_497, %ge3A_499 : vector<16xi1>
          %lt3A_501 = arith.constant 4096 : i32
          %lt3A_502 = vector.broadcast %lt3A_501 : i32 to vector<16xi32>
          %lt3A_503 = arith.cmpi slt, %sub3A_488, %lt3A_502 : vector<16xi32>
          %and3A_504 = arith.andi %and3A_500, %lt3A_503 : vector<16xi1>
          tpu.vector_store_idx %arg13[%shift_right_logical3A_491, %and3A_494], %add3A_496 masked %and3A_504 : memref<32x128xi32, #tpu.memory_space<vmem>>[vector<16xi32>, vector<16xi32>], vector<16xi32>, vector<16xi1>
          %while3A_505 = arith.constant 0 : i32
          scf.yield %while3A_505 : i32
        }
        %while3A_475 = arith.constant 1 : i32
        %while3A_476 = scf.for %while3A_478 = %while3A_472 to %while3A_468 step %while3A_475 iter_args(%while3A_479 = %while3A_474) -> (i32)  : i32 {
          %mul3A_480 = arith.constant 16 : i32
          %mul3A_481 = arith.muli %while3A_478, %mul3A_480 : i32
          %add3A_482 = vector.broadcast %mul3A_481 : i32 to vector<16xi32>
          %add3A_483 = arith.addi %add3A_482, %iota3A : vector<16xi32>
          %add3A_484 = vector.broadcast %reduce_sum3A_433 : i32 to vector<16xi32>
          %add3A_485 = arith.addi %add3A_484, %add3A_483 : vector<16xi32>
          %sub3A_486 = arith.constant 0 : i32
          %sub3A_487 = vector.broadcast %sub3A_486 : i32 to vector<16xi32>
          %sub3A_488 = arith.subi %add3A_485, %sub3A_487 : vector<16xi32>
          %shift_right_logical3A_489 = arith.constant 7 : i32
          %shift_right_logical3A_490 = vector.broadcast %shift_right_logical3A_489 : i32 to vector<16xi32>
          %shift_right_logical3A_491 = arith.shrui %sub3A_488, %shift_right_logical3A_490 : vector<16xi32>
          %and3A_492 = arith.constant 127 : i32
          %and3A_493 = vector.broadcast %and3A_492 : i32 to vector<16xi32>
          %and3A_494 = arith.andi %sub3A_488, %and3A_493 : vector<16xi32>
          %add3A_495 = vector.broadcast %add3A_438 : i32 to vector<16xi32>
          %add3A_496 = arith.addi %add3A_495, %add3A_483 : vector<16xi32>
          %lt3A = vector.broadcast %reduce_sum3A_413 : i32 to vector<16xi32>
          %lt3A_497 = arith.cmpi slt, %add3A_483, %lt3A : vector<16xi32>
          %ge3A = arith.constant 0 : i32
          %ge3A_498 = vector.broadcast %ge3A : i32 to vector<16xi32>
          %ge3A_499 = arith.cmpi sge, %sub3A_488, %ge3A_498 : vector<16xi32>
          %and3A_500 = arith.andi %lt3A_497, %ge3A_499 : vector<16xi1>
          %lt3A_501 = arith.constant 4096 : i32
          %lt3A_502 = vector.broadcast %lt3A_501 : i32 to vector<16xi32>
          %lt3A_503 = arith.cmpi slt, %sub3A_488, %lt3A_502 : vector<16xi32>
          %and3A_504 = arith.andi %and3A_500, %lt3A_503 : vector<16xi1>
          tpu.vector_store_idx %arg13[%shift_right_logical3A_491, %and3A_494], %add3A_496 masked %and3A_504 : memref<32x128xi32, #tpu.memory_space<vmem>>[vector<16xi32>, vector<16xi32>], vector<16xi32>, vector<16xi1>
          %while3A_505 = arith.constant 0 : i32
          scf.yield %while3A_505 : i32
        }
        %scan3A_477 = arith.constant 0 : i32
        scf.yield %scan3A_477 : i32
      }
      %scan3A_162 = arith.constant 16 : i32
      %scan3A_163 = arith.constant 0 : i32
      %scan3A_164 = arith.constant 0 : i32
      %scan3A_165 = arith.constant 16 : i32
      %scan3A_166 = arith.addi %scan3A_164, %scan3A_165 : i32
      %scan3A_167 = arith.constant 1 : i32
      %scan3A_168 = scf.for %scan3A_403 = %scan3A_164 to %scan3A_166 step %scan3A_167 iter_args(%scan3A_404 = %scan3A_163) -> (i32)  : i32 {
        %iota3A_405 = tpu.iota {dimensions = array<i32: 0>} : vector<16xi32>
        %eq3A = vector.broadcast %scan3A_403 : i32 to vector<16xi32>
        %eq3A_406 = arith.cmpi eq, %iota3A_405, %eq3A : vector<16xi32>
        %jit3A_407 = arith.constant 0 : i32
        %broadcast_in_dim3A_408 = vector.broadcast %jit3A_407 : i32 to vector<16xi32>
        %select_n3A_409 = arith.select %eq3A_406, %sub3A_141, %broadcast_in_dim3A_408 : vector<16xi1>, vector<16xi32>
        %reduce_sum3A_410 = arith.constant true
        %reduce_sum3A_411 = vector.broadcast %reduce_sum3A_410 : i1 to vector<16xi1>
        %reduce_sum3A_412 = tpu.scan <sum>, %select_n3A_409 masked %reduce_sum3A_411 : vector<16xi32>, vector<16xi1> -> vector<16xi32>
        %reduce_sum3A_413 = vector.extract %reduce_sum3A_412[15] : i32 from vector<16xi32>
        %iota3A_414 = tpu.iota {dimensions = array<i32: 0>} : vector<16xi32>
        %eq3A_415 = vector.broadcast %scan3A_403 : i32 to vector<16xi32>
        %eq3A_416 = arith.cmpi eq, %iota3A_414, %eq3A_415 : vector<16xi32>
        %jit3A_417 = arith.constant 0 : i32
        %broadcast_in_dim3A_418 = vector.broadcast %jit3A_417 : i32 to vector<16xi32>
        %select_n3A_419 = arith.select %eq3A_416, %gather3A_134, %broadcast_in_dim3A_418 : vector<16xi1>, vector<16xi32>
        %reduce_sum3A_420 = arith.constant true
        %reduce_sum3A_421 = vector.broadcast %reduce_sum3A_420 : i1 to vector<16xi1>
        %reduce_sum3A_422 = tpu.scan <sum>, %select_n3A_419 masked %reduce_sum3A_421 : vector<16xi32>, vector<16xi1> -> vector<16xi32>
        %reduce_sum3A_423 = vector.extract %reduce_sum3A_422[15] : i32 from vector<16xi32>
        %iota3A_424 = tpu.iota {dimensions = array<i32: 0>} : vector<16xi32>
        %eq3A_425 = vector.broadcast %scan3A_403 : i32 to vector<16xi32>
        %eq3A_426 = arith.cmpi eq, %iota3A_424, %eq3A_425 : vector<16xi32>
        %jit3A_427 = arith.constant 0 : i32
        %broadcast_in_dim3A_428 = vector.broadcast %jit3A_427 : i32 to vector<16xi32>
        %select_n3A_429 = arith.select %eq3A_426, %add3A_147, %broadcast_in_dim3A_428 : vector<16xi1>, vector<16xi32>
        %reduce_sum3A_430 = arith.constant true
        %reduce_sum3A_431 = vector.broadcast %reduce_sum3A_430 : i1 to vector<16xi1>
        %reduce_sum3A_432 = tpu.scan <sum>, %select_n3A_429 masked %reduce_sum3A_431 : vector<16xi32>, vector<16xi1> -> vector<16xi32>
        %reduce_sum3A_433 = vector.extract %reduce_sum3A_432[15] : i32 from vector<16xi32>
        %add3A_434 = arith.constant 16 : i32
        %add3A_435 = arith.addi %add3A_434, %scan3A_403 : i32
        %mul3A_436 = arith.constant 18752 : i32
        %mul3A_437 = arith.muli %add3A_435, %mul3A_436 : i32
        %add3A_438 = arith.addi %mul3A_437, %reduce_sum3A_423 : i32
        %add3A_439 = arith.constant 15 : i32
        %add3A_440 = arith.addi %reduce_sum3A_413, %add3A_439 : i32
        %jit3A_441 = arith.constant 16 : i32
        %div3A_442 = arith.divsi %add3A_440, %jit3A_441 : i32
        %sign3A_443 = arith.constant 0 : i32
        %sign3A_444 = arith.cmpi sgt, %add3A_440, %sign3A_443 : i32
        %sign3A_445 = arith.extui %sign3A_444 : i1 to i32
        %sign3A_446 = arith.constant 0 : i32
        %sign3A_447 = arith.cmpi slt, %add3A_440, %sign3A_446 : i32
        %sign3A_448 = arith.extui %sign3A_447 : i1 to i32
        %sign3A_449 = arith.subi %sign3A_445, %sign3A_448 : i32
        %sign3A_450 = arith.constant 0 : i32
        %sign3A_451 = arith.cmpi sgt, %jit3A_441, %sign3A_450 : i32
        %sign3A_452 = arith.extui %sign3A_451 : i1 to i32
        %sign3A_453 = arith.constant 0 : i32
        %sign3A_454 = arith.cmpi slt, %jit3A_441, %sign3A_453 : i32
        %sign3A_455 = arith.extui %sign3A_454 : i1 to i32
        %sign3A_456 = arith.subi %sign3A_452, %sign3A_455 : i32
        %ne3A_457 = arith.cmpi ne, %sign3A_449, %sign3A_456 : i32
        %rem3A_458 = arith.remsi %add3A_440, %jit3A_441 : i32
        %ne3A_459 = arith.constant 0 : i32
        %ne3A_460 = arith.cmpi ne, %rem3A_458, %ne3A_459 : i32
        %and3A_461 = arith.andi %ne3A_457, %ne3A_460 : i1
        %sub3A_462 = arith.constant 1 : i32
        %sub3A_463 = arith.subi %div3A_442, %sub3A_462 : i32
        %select_n3A_464 = arith.select %and3A_461, %sub3A_463, %div3A_442 : i32
        %while3A_465 = arith.constant 0 : i32
        %while3A_466 = arith.constant 0 : i32
        %while3A_467 = arith.subi %select_n3A_464, %while3A_465 : i32
        %while3A_468 = arith.addi %while3A_465, %while3A_467 : i32
        %while3A_469 = arith.constant 1 : i32
        %while3A_470 = arith.divsi %while3A_467, %while3A_469 : i32
        %while3A_471 = arith.muli %while3A_470, %while3A_469 : i32
        %while3A_472 = arith.addi %while3A_465, %while3A_471 : i32
        %while3A_473 = arith.constant 1 : i32
        %while3A_474 = scf.for %while3A_478 = %while3A_465 to %while3A_472 step %while3A_473 iter_args(%while3A_479 = %while3A_466) -> (i32)  : i32 {
          %mul3A_480 = arith.constant 16 : i32
          %mul3A_481 = arith.muli %while3A_478, %mul3A_480 : i32
          %add3A_482 = vector.broadcast %mul3A_481 : i32 to vector<16xi32>
          %add3A_483 = arith.addi %add3A_482, %iota3A : vector<16xi32>
          %add3A_484 = vector.broadcast %reduce_sum3A_433 : i32 to vector<16xi32>
          %add3A_485 = arith.addi %add3A_484, %add3A_483 : vector<16xi32>
          %sub3A_486 = arith.constant 0 : i32
          %sub3A_487 = vector.broadcast %sub3A_486 : i32 to vector<16xi32>
          %sub3A_488 = arith.subi %add3A_485, %sub3A_487 : vector<16xi32>
          %shift_right_logical3A_489 = arith.constant 7 : i32
          %shift_right_logical3A_490 = vector.broadcast %shift_right_logical3A_489 : i32 to vector<16xi32>
          %shift_right_logical3A_491 = arith.shrui %sub3A_488, %shift_right_logical3A_490 : vector<16xi32>
          %and3A_492 = arith.constant 127 : i32
          %and3A_493 = vector.broadcast %and3A_492 : i32 to vector<16xi32>
          %and3A_494 = arith.andi %sub3A_488, %and3A_493 : vector<16xi32>
          %add3A_495 = vector.broadcast %add3A_438 : i32 to vector<16xi32>
          %add3A_496 = arith.addi %add3A_495, %add3A_483 : vector<16xi32>
          %lt3A = vector.broadcast %reduce_sum3A_413 : i32 to vector<16xi32>
          %lt3A_497 = arith.cmpi slt, %add3A_483, %lt3A : vector<16xi32>
          %ge3A = arith.constant 0 : i32
          %ge3A_498 = vector.broadcast %ge3A : i32 to vector<16xi32>
          %ge3A_499 = arith.cmpi sge, %sub3A_488, %ge3A_498 : vector<16xi32>
          %and3A_500 = arith.andi %lt3A_497, %ge3A_499 : vector<16xi1>
          %lt3A_501 = arith.constant 4096 : i32
          %lt3A_502 = vector.broadcast %lt3A_501 : i32 to vector<16xi32>
          %lt3A_503 = arith.cmpi slt, %sub3A_488, %lt3A_502 : vector<16xi32>
          %and3A_504 = arith.andi %and3A_500, %lt3A_503 : vector<16xi1>
          tpu.vector_store_idx %arg13[%shift_right_logical3A_491, %and3A_494], %add3A_496 masked %and3A_504 : memref<32x128xi32, #tpu.memory_space<vmem>>[vector<16xi32>, vector<16xi32>], vector<16xi32>, vector<16xi1>
          %while3A_505 = arith.constant 0 : i32
          scf.yield %while3A_505 : i32
        }
        %while3A_475 = arith.constant 1 : i32
        %while3A_476 = scf.for %while3A_478 = %while3A_472 to %while3A_468 step %while3A_475 iter_args(%while3A_479 = %while3A_474) -> (i32)  : i32 {
          %mul3A_480 = arith.constant 16 : i32
          %mul3A_481 = arith.muli %while3A_478, %mul3A_480 : i32
          %add3A_482 = vector.broadcast %mul3A_481 : i32 to vector<16xi32>
          %add3A_483 = arith.addi %add3A_482, %iota3A : vector<16xi32>
          %add3A_484 = vector.broadcast %reduce_sum3A_433 : i32 to vector<16xi32>
          %add3A_485 = arith.addi %add3A_484, %add3A_483 : vector<16xi32>
          %sub3A_486 = arith.constant 0 : i32
          %sub3A_487 = vector.broadcast %sub3A_486 : i32 to vector<16xi32>
          %sub3A_488 = arith.subi %add3A_485, %sub3A_487 : vector<16xi32>
          %shift_right_logical3A_489 = arith.constant 7 : i32
          %shift_right_logical3A_490 = vector.broadcast %shift_right_logical3A_489 : i32 to vector<16xi32>
          %shift_right_logical3A_491 = arith.shrui %sub3A_488, %shift_right_logical3A_490 : vector<16xi32>
          %and3A_492 = arith.constant 127 : i32
          %and3A_493 = vector.broadcast %and3A_492 : i32 to vector<16xi32>
          %and3A_494 = arith.andi %sub3A_488, %and3A_493 : vector<16xi32>
          %add3A_495 = vector.broadcast %add3A_438 : i32 to vector<16xi32>
          %add3A_496 = arith.addi %add3A_495, %add3A_483 : vector<16xi32>
          %lt3A = vector.broadcast %reduce_sum3A_413 : i32 to vector<16xi32>
          %lt3A_497 = arith.cmpi slt, %add3A_483, %lt3A : vector<16xi32>
          %ge3A = arith.constant 0 : i32
          %ge3A_498 = vector.broadcast %ge3A : i32 to vector<16xi32>
          %ge3A_499 = arith.cmpi sge, %sub3A_488, %ge3A_498 : vector<16xi32>
          %and3A_500 = arith.andi %lt3A_497, %ge3A_499 : vector<16xi1>
          %lt3A_501 = arith.constant 4096 : i32
          %lt3A_502 = vector.broadcast %lt3A_501 : i32 to vector<16xi32>
          %lt3A_503 = arith.cmpi slt, %sub3A_488, %lt3A_502 : vector<16xi32>
          %and3A_504 = arith.andi %and3A_500, %lt3A_503 : vector<16xi1>
          tpu.vector_store_idx %arg13[%shift_right_logical3A_491, %and3A_494], %add3A_496 masked %and3A_504 : memref<32x128xi32, #tpu.memory_space<vmem>>[vector<16xi32>, vector<16xi32>], vector<16xi32>, vector<16xi1>
          %while3A_505 = arith.constant 0 : i32
          scf.yield %while3A_505 : i32
        }
        %scan3A_477 = arith.constant 0 : i32
        scf.yield %scan3A_477 : i32
      }
      %scan3A_169 = arith.constant 16 : i32
      %add3A_170 = arith.constant 128 : i32
      %add3A_171 = arith.addi %min3A_155, %add3A_170 : i32
      %sub3A_172 = arith.constant 1 : i32
      %sub3A_173 = arith.subi %add3A_171, %sub3A_172 : i32
      %jit3A = arith.constant 128 : i32
      %div3A = arith.divsi %sub3A_173, %jit3A : i32
      %sign3A = arith.constant 0 : i32
      %sign3A_174 = arith.cmpi sgt, %sub3A_173, %sign3A : i32
      %sign3A_175 = arith.extui %sign3A_174 : i1 to i32
      %sign3A_176 = arith.constant 0 : i32
      %sign3A_177 = arith.cmpi slt, %sub3A_173, %sign3A_176 : i32
      %sign3A_178 = arith.extui %sign3A_177 : i1 to i32
      %sign3A_179 = arith.subi %sign3A_175, %sign3A_178 : i32
      %sign3A_180 = arith.constant 0 : i32
      %sign3A_181 = arith.cmpi sgt, %jit3A, %sign3A_180 : i32
      %sign3A_182 = arith.extui %sign3A_181 : i1 to i32
      %sign3A_183 = arith.constant 0 : i32
      %sign3A_184 = arith.cmpi slt, %jit3A, %sign3A_183 : i32
      %sign3A_185 = arith.extui %sign3A_184 : i1 to i32
      %sign3A_186 = arith.subi %sign3A_182, %sign3A_185 : i32
      %ne3A = arith.cmpi ne, %sign3A_179, %sign3A_186 : i32
      %rem3A = arith.remsi %sub3A_173, %jit3A : i32
      %ne3A_187 = arith.constant 0 : i32
      %ne3A_188 = arith.cmpi ne, %rem3A, %ne3A_187 : i32
      %and3A_189 = arith.andi %ne3A, %ne3A_188 : i1
      %sub3A_190 = arith.constant 1 : i32
      %sub3A_191 = arith.subi %div3A, %sub3A_190 : i32
      %select_n3A = arith.select %and3A_189, %sub3A_191, %div3A : i32
      %scan3A_192 = arith.constant 0 : i32
      %scan3A_193 = arith.constant 0 : i32
      %scan3A_194 = arith.constant 8 : i32
      %scan3A_195 = arith.addi %scan3A_193, %scan3A_194 : i32
      %scan3A_196 = arith.constant 1 : i32
      %scan3A_197 = scf.for %scan3A_403 = %scan3A_193 to %scan3A_195 step %scan3A_196 iter_args(%scan3A_404 = %scan3A_192) -> (i32)  : i32 {
        %mul3A_405 = arith.constant 16 : i32
        %mul3A_406 = arith.muli %scan3A_403, %mul3A_405 : i32
        %add3A_407 = arith.addi %min3A_155, %mul3A_406 : i32
        %add3A_408 = vector.broadcast %add3A_407 : i32 to vector<16xi32>
        %add3A_409 = arith.addi %add3A_408, %iota3A : vector<16xi32>
        %shift_right_logical3A_410 = arith.constant 7 : i32
        %shift_right_logical3A_411 = vector.broadcast %shift_right_logical3A_410 : i32 to vector<16xi32>
        %shift_right_logical3A_412 = arith.shrui %add3A_409, %shift_right_logical3A_411 : vector<16xi32>
        %and3A_413 = arith.constant 127 : i32
        %and3A_414 = vector.broadcast %and3A_413 : i32 to vector<16xi32>
        %and3A_415 = arith.andi %add3A_409, %and3A_414 : vector<16xi32>
        %broadcast_in_dim3A_416 = arith.constant 0 : i32
        %broadcast_in_dim3A_417 = vector.broadcast %broadcast_in_dim3A_416 : i32 to vector<16xi32>
        %mul3A_418 = arith.constant 128 : i32
        %mul3A_419 = arith.muli %select_n3A, %mul3A_418 : i32
        %lt3A = vector.broadcast %mul3A_419 : i32 to vector<16xi32>
        %lt3A_420 = arith.cmpi slt, %add3A_409, %lt3A : vector<16xi32>
        tpu.vector_store_idx %arg13[%shift_right_logical3A_412, %and3A_415], %broadcast_in_dim3A_417 masked %lt3A_420 : memref<32x128xi32, #tpu.memory_space<vmem>>[vector<16xi32>, vector<16xi32>], vector<16xi32>, vector<16xi1>
        %scan3A_421 = arith.constant 0 : i32
        scf.yield %scan3A_421 : i32
      }
      %scan3A_198 = arith.constant 8 : i32
      %while3A = arith.constant 0 : i32
      %while3A_199 = arith.constant 0 : i32
      %while3A_200 = arith.subi %select_n3A, %while3A : i32
      %while3A_201 = arith.addi %while3A, %while3A_200 : i32
      %while3A_202 = arith.constant 1 : i32
      %while3A_203 = arith.divsi %while3A_200, %while3A_202 : i32
      %while3A_204 = arith.muli %while3A_203, %while3A_202 : i32
      %while3A_205 = arith.addi %while3A, %while3A_204 : i32
      %while3A_206 = arith.constant 1 : i32
      %while3A_207 = scf.for %while3A_403 = %while3A to %while3A_205 step %while3A_206 iter_args(%while3A_404 = %while3A_199) -> (i32)  : i32 {
        %dma_start3A_405 = arith.constant 0 : i32
        %dma_start3A_406 = tpu.memref_slice %arg14[%while3A_403, %dma_start3A_405] : memref<32x128xi32, #tpu.memory_space<vmem>> -> memref<1x128xi32, #tpu.memory_space<vmem>>
        %dma_start3A_407 = tpu.memref_squeeze %dma_start3A_406 : memref<1x128xi32, #tpu.memory_space<vmem>> -> memref<128xi32, #tpu.memory_space<vmem>>
        %dma_start3A_408 = arith.constant 0 : i32
        %dma_start3A_409 = tpu.memref_slice %arg13[%while3A_403, %dma_start3A_408] : memref<32x128xi32, #tpu.memory_space<vmem>> -> memref<1x128xi32, #tpu.memory_space<vmem>>
        %dma_start3A_410 = tpu.memref_squeeze %dma_start3A_409 : memref<1x128xi32, #tpu.memory_space<vmem>> -> memref<128xi32, #tpu.memory_space<vmem>>
        %dma_start3A_411 = arith.constant 0 : i32
        %dma_start3A_412 = tpu.memref_slice %arg2[%dma_start3A_411] : memref<600064xi32, #tpu.memory_space<hbm>> -> memref<600064xi32, #tpu.memory_space<hbm>>
        tpu.enqueue_indirect_dma source(%dma_start3A_412 : memref<600064xi32, #tpu.memory_space<hbm>>) target(%dma_start3A_407 : memref<128xi32, #tpu.memory_space<vmem>>) offsets(%dma_start3A_410 : memref<128xi32, #tpu.memory_space<vmem>>) semaphore(%arg19 : memref<!tpu.dma_semaphore, #tpu.memory_space<semaphore_mem>>)
        %dma_start3A_413 = arith.constant 0 : i32
        %dma_start3A_414 = tpu.memref_slice %arg15[%while3A_403, %dma_start3A_413] : memref<32x128xf32, #tpu.memory_space<vmem>> -> memref<1x128xf32, #tpu.memory_space<vmem>>
        %dma_start3A_415 = tpu.memref_squeeze %dma_start3A_414 : memref<1x128xf32, #tpu.memory_space<vmem>> -> memref<128xf32, #tpu.memory_space<vmem>>
        %dma_start3A_416 = arith.constant 0 : i32
        %dma_start3A_417 = tpu.memref_slice %arg13[%while3A_403, %dma_start3A_416] : memref<32x128xi32, #tpu.memory_space<vmem>> -> memref<1x128xi32, #tpu.memory_space<vmem>>
        %dma_start3A_418 = tpu.memref_squeeze %dma_start3A_417 : memref<1x128xi32, #tpu.memory_space<vmem>> -> memref<128xi32, #tpu.memory_space<vmem>>
        %dma_start3A_419 = arith.constant 0 : i32
        %dma_start3A_420 = tpu.memref_slice %arg3[%dma_start3A_419] : memref<600064xf32, #tpu.memory_space<hbm>> -> memref<600064xf32, #tpu.memory_space<hbm>>
        tpu.enqueue_indirect_dma source(%dma_start3A_420 : memref<600064xf32, #tpu.memory_space<hbm>>) target(%dma_start3A_415 : memref<128xf32, #tpu.memory_space<vmem>>) offsets(%dma_start3A_418 : memref<128xi32, #tpu.memory_space<vmem>>) semaphore(%arg19 : memref<!tpu.dma_semaphore, #tpu.memory_space<semaphore_mem>>)
        %dma_start3A_421 = arith.constant 0 : i32
        %dma_start3A_422 = tpu.memref_slice %arg16[%while3A_403, %dma_start3A_421] : memref<32x128xf32, #tpu.memory_space<vmem>> -> memref<1x128xf32, #tpu.memory_space<vmem>>
        %dma_start3A_423 = tpu.memref_squeeze %dma_start3A_422 : memref<1x128xf32, #tpu.memory_space<vmem>> -> memref<128xf32, #tpu.memory_space<vmem>>
        %dma_start3A_424 = arith.constant 0 : i32
        %dma_start3A_425 = tpu.memref_slice %arg13[%while3A_403, %dma_start3A_424] : memref<32x128xi32, #tpu.memory_space<vmem>> -> memref<1x128xi32, #tpu.memory_space<vmem>>
        %dma_start3A_426 = tpu.memref_squeeze %dma_start3A_425 : memref<1x128xi32, #tpu.memory_space<vmem>> -> memref<128xi32, #tpu.memory_space<vmem>>
        %dma_start3A_427 = arith.constant 0 : i32
        %dma_start3A_428 = tpu.memref_slice %arg4[%dma_start3A_427] : memref<600064xf32, #tpu.memory_space<hbm>> -> memref<600064xf32, #tpu.memory_space<hbm>>
        tpu.enqueue_indirect_dma source(%dma_start3A_428 : memref<600064xf32, #tpu.memory_space<hbm>>) target(%dma_start3A_423 : memref<128xf32, #tpu.memory_space<vmem>>) offsets(%dma_start3A_426 : memref<128xi32, #tpu.memory_space<vmem>>) semaphore(%arg19 : memref<!tpu.dma_semaphore, #tpu.memory_space<semaphore_mem>>)
        %while3A_429 = arith.constant 0 : i32
        scf.yield %while3A_429 : i32
      }
      %while3A_208 = arith.constant 1 : i32
      %while3A_209 = scf.for %while3A_403 = %while3A_205 to %while3A_201 step %while3A_208 iter_args(%while3A_404 = %while3A_207) -> (i32)  : i32 {
        %dma_start3A_405 = arith.constant 0 : i32
        %dma_start3A_406 = tpu.memref_slice %arg14[%while3A_403, %dma_start3A_405] : memref<32x128xi32, #tpu.memory_space<vmem>> -> memref<1x128xi32, #tpu.memory_space<vmem>>
        %dma_start3A_407 = tpu.memref_squeeze %dma_start3A_406 : memref<1x128xi32, #tpu.memory_space<vmem>> -> memref<128xi32, #tpu.memory_space<vmem>>
        %dma_start3A_408 = arith.constant 0 : i32
        %dma_start3A_409 = tpu.memref_slice %arg13[%while3A_403, %dma_start3A_408] : memref<32x128xi32, #tpu.memory_space<vmem>> -> memref<1x128xi32, #tpu.memory_space<vmem>>
        %dma_start3A_410 = tpu.memref_squeeze %dma_start3A_409 : memref<1x128xi32, #tpu.memory_space<vmem>> -> memref<128xi32, #tpu.memory_space<vmem>>
        %dma_start3A_411 = arith.constant 0 : i32
        %dma_start3A_412 = tpu.memref_slice %arg2[%dma_start3A_411] : memref<600064xi32, #tpu.memory_space<hbm>> -> memref<600064xi32, #tpu.memory_space<hbm>>
        tpu.enqueue_indirect_dma source(%dma_start3A_412 : memref<600064xi32, #tpu.memory_space<hbm>>) target(%dma_start3A_407 : memref<128xi32, #tpu.memory_space<vmem>>) offsets(%dma_start3A_410 : memref<128xi32, #tpu.memory_space<vmem>>) semaphore(%arg19 : memref<!tpu.dma_semaphore, #tpu.memory_space<semaphore_mem>>)
        %dma_start3A_413 = arith.constant 0 : i32
        %dma_start3A_414 = tpu.memref_slice %arg15[%while3A_403, %dma_start3A_413] : memref<32x128xf32, #tpu.memory_space<vmem>> -> memref<1x128xf32, #tpu.memory_space<vmem>>
        %dma_start3A_415 = tpu.memref_squeeze %dma_start3A_414 : memref<1x128xf32, #tpu.memory_space<vmem>> -> memref<128xf32, #tpu.memory_space<vmem>>
        %dma_start3A_416 = arith.constant 0 : i32
        %dma_start3A_417 = tpu.memref_slice %arg13[%while3A_403, %dma_start3A_416] : memref<32x128xi32, #tpu.memory_space<vmem>> -> memref<1x128xi32, #tpu.memory_space<vmem>>
        %dma_start3A_418 = tpu.memref_squeeze %dma_start3A_417 : memref<1x128xi32, #tpu.memory_space<vmem>> -> memref<128xi32, #tpu.memory_space<vmem>>
        %dma_start3A_419 = arith.constant 0 : i32
        %dma_start3A_420 = tpu.memref_slice %arg3[%dma_start3A_419] : memref<600064xf32, #tpu.memory_space<hbm>> -> memref<600064xf32, #tpu.memory_space<hbm>>
        tpu.enqueue_indirect_dma source(%dma_start3A_420 : memref<600064xf32, #tpu.memory_space<hbm>>) target(%dma_start3A_415 : memref<128xf32, #tpu.memory_space<vmem>>) offsets(%dma_start3A_418 : memref<128xi32, #tpu.memory_space<vmem>>) semaphore(%arg19 : memref<!tpu.dma_semaphore, #tpu.memory_space<semaphore_mem>>)
        %dma_start3A_421 = arith.constant 0 : i32
        %dma_start3A_422 = tpu.memref_slice %arg16[%while3A_403, %dma_start3A_421] : memref<32x128xf32, #tpu.memory_space<vmem>> -> memref<1x128xf32, #tpu.memory_space<vmem>>
        %dma_start3A_423 = tpu.memref_squeeze %dma_start3A_422 : memref<1x128xf32, #tpu.memory_space<vmem>> -> memref<128xf32, #tpu.memory_space<vmem>>
        %dma_start3A_424 = arith.constant 0 : i32
        %dma_start3A_425 = tpu.memref_slice %arg13[%while3A_403, %dma_start3A_424] : memref<32x128xi32, #tpu.memory_space<vmem>> -> memref<1x128xi32, #tpu.memory_space<vmem>>
        %dma_start3A_426 = tpu.memref_squeeze %dma_start3A_425 : memref<1x128xi32, #tpu.memory_space<vmem>> -> memref<128xi32, #tpu.memory_space<vmem>>
        %dma_start3A_427 = arith.constant 0 : i32
        %dma_start3A_428 = tpu.memref_slice %arg4[%dma_start3A_427] : memref<600064xf32, #tpu.memory_space<hbm>> -> memref<600064xf32, #tpu.memory_space<hbm>>
        tpu.enqueue_indirect_dma source(%dma_start3A_428 : memref<600064xf32, #tpu.memory_space<hbm>>) target(%dma_start3A_423 : memref<128xf32, #tpu.memory_space<vmem>>) offsets(%dma_start3A_426 : memref<128xi32, #tpu.memory_space<vmem>>) semaphore(%arg19 : memref<!tpu.dma_semaphore, #tpu.memory_space<semaphore_mem>>)
        %while3A_429 = arith.constant 0 : i32
        scf.yield %while3A_429 : i32
      }
      %gt3A = arith.constant 0 : i32
      %gt3A_210 = arith.cmpi sgt, %scan3A_96, %gt3A : i32
      %convert_element_type3A = arith.extui %gt3A_210 : i1 to i32
      %cond3A = arith.constant 0 : i32
      %cond3A_211 = arith.cmpi ne, %convert_element_type3A, %cond3A : i32
      scf.if %cond3A_211 {
        %sub3A_403 = arith.constant 1 : i32
        %sub3A_404 = arith.subi %scan3A_96, %sub3A_403 : i32
        %mul3A_405 = arith.constant 8 : i32
        %mul3A_406 = arith.muli %add3A, %mul3A_405 : i32
        %add3A_407 = arith.addi %mul3A_406, %sub3A_404 : i32
        %shift_right_logical3A_408 = arith.constant 6 : i32
        %shift_right_logical3A_409 = arith.shrui %add3A_407, %shift_right_logical3A_408 : i32
        %and3A_410 = arith.constant 63 : i32
        %and3A_411 = arith.andi %add3A_407, %and3A_410 : i32
        %mul3A_412 = arith.constant 4 : i32
        %mul3A_413 = arith.muli %shift_right_logical3A_409, %mul3A_412 : i32
        %mul3A_414 = arith.constant 1024 : i32
        %mul3A_415 = arith.muli %mul3A_413, %mul3A_414 : i32
        %mul3A_416 = arith.constant 1024 : i32
        %mul3A_417 = arith.muli %mul3A_415, %mul3A_416 : i32
        %mul3A_418 = arith.constant 16384 : i32
        %mul3A_419 = arith.muli %and3A_411, %mul3A_418 : i32
        %add3A_420 = arith.addi %mul3A_417, %mul3A_419 : i32
        %add3A_421 = arith.constant 1048576 : i32
        %add3A_422 = arith.addi %add3A_420, %add3A_421 : i32
        %add3A_423 = arith.constant 2097152 : i32
        %add3A_424 = arith.addi %add3A_420, %add3A_423 : i32
        %add3A_425 = arith.constant 3145728 : i32
        %add3A_426 = arith.addi %add3A_420, %add3A_425 : i32
        %mul3A_427 = arith.constant 4 : i32
        %mul3A_428 = arith.muli %shift_right_logical3A_409, %mul3A_427 : i32
        %add3A_429 = arith.constant 0 : i32
        %add3A_430 = arith.addi %mul3A_428, %add3A_429 : i32
        %mul3A_431 = arith.constant 16384 : i32
        %mul3A_432 = arith.muli %add3A_430, %mul3A_431 : i32
        %mul3A_433 = arith.constant 256 : i32
        %mul3A_434 = arith.muli %and3A_411, %mul3A_433 : i32
        %add3A_435 = arith.addi %mul3A_432, %mul3A_434 : i32
        %mul3A_436 = arith.constant 4 : i32
        %mul3A_437 = arith.muli %shift_right_logical3A_409, %mul3A_436 : i32
        %add3A_438 = arith.constant 1 : i32
        %add3A_439 = arith.addi %mul3A_437, %add3A_438 : i32
        %mul3A_440 = arith.constant 16384 : i32
        %mul3A_441 = arith.muli %add3A_439, %mul3A_440 : i32
        %mul3A_442 = arith.constant 256 : i32
        %mul3A_443 = arith.muli %and3A_411, %mul3A_442 : i32
        %add3A_444 = arith.addi %mul3A_441, %mul3A_443 : i32
        %mul3A_445 = arith.constant 4 : i32
        %mul3A_446 = arith.muli %shift_right_logical3A_409, %mul3A_445 : i32
        %add3A_447 = arith.constant 2 : i32
        %add3A_448 = arith.addi %mul3A_446, %add3A_447 : i32
        %mul3A_449 = arith.constant 16384 : i32
        %mul3A_450 = arith.muli %add3A_448, %mul3A_449 : i32
        %mul3A_451 = arith.constant 256 : i32
        %mul3A_452 = arith.muli %and3A_411, %mul3A_451 : i32
        %add3A_453 = arith.addi %mul3A_450, %mul3A_452 : i32
        %mul3A_454 = arith.constant 4 : i32
        %mul3A_455 = arith.muli %shift_right_logical3A_409, %mul3A_454 : i32
        %add3A_456 = arith.constant 3 : i32
        %add3A_457 = arith.addi %mul3A_455, %add3A_456 : i32
        %mul3A_458 = arith.constant 16384 : i32
        %mul3A_459 = arith.muli %add3A_457, %mul3A_458 : i32
        %mul3A_460 = arith.constant 256 : i32
        %mul3A_461 = arith.muli %and3A_411, %mul3A_460 : i32
        %add3A_462 = arith.addi %mul3A_459, %mul3A_461 : i32
        %dma_wait3A_463 = tpu.memref_slice %arg6[%add3A_420] : memref<16777216xf32, #tpu.memory_space<hbm>> -> memref<16384xf32, #tpu.memory_space<hbm>>
        %dma_wait3A_464 = tpu.memref_slice %arg6[%add3A_420] : memref<16777216xf32, #tpu.memory_space<hbm>> -> memref<16384xf32, #tpu.memory_space<hbm>>
        tpu.wait_dma2 semaphore(%arg20 : memref<!tpu.dma_semaphore, #tpu.memory_space<semaphore_mem>>) src(%arg9 : memref<16384xf32, #tpu.memory_space<vmem>>) dst(%dma_wait3A_464 : memref<16384xf32, #tpu.memory_space<hbm>>)
        %dma_wait3A_465 = tpu.memref_slice %arg6[%add3A_422] : memref<16777216xf32, #tpu.memory_space<hbm>> -> memref<16384xf32, #tpu.memory_space<hbm>>
        %dma_wait3A_466 = tpu.memref_slice %arg6[%add3A_422] : memref<16777216xf32, #tpu.memory_space<hbm>> -> memref<16384xf32, #tpu.memory_space<hbm>>
        tpu.wait_dma2 semaphore(%arg20 : memref<!tpu.dma_semaphore, #tpu.memory_space<semaphore_mem>>) src(%arg11 : memref<16384xf32, #tpu.memory_space<vmem>>) dst(%dma_wait3A_466 : memref<16384xf32, #tpu.memory_space<hbm>>)
        %dma_wait3A_467 = tpu.memref_slice %arg6[%add3A_424] : memref<16777216xf32, #tpu.memory_space<hbm>> -> memref<16384xf32, #tpu.memory_space<hbm>>
        %dma_wait3A_468 = tpu.memref_slice %arg6[%add3A_424] : memref<16777216xf32, #tpu.memory_space<hbm>> -> memref<16384xf32, #tpu.memory_space<hbm>>
        tpu.wait_dma2 semaphore(%arg20 : memref<!tpu.dma_semaphore, #tpu.memory_space<semaphore_mem>>) src(%arg10 : memref<16384xf32, #tpu.memory_space<vmem>>) dst(%dma_wait3A_468 : memref<16384xf32, #tpu.memory_space<hbm>>)
        %dma_wait3A_469 = tpu.memref_slice %arg6[%add3A_426] : memref<16777216xf32, #tpu.memory_space<hbm>> -> memref<16384xf32, #tpu.memory_space<hbm>>
        %dma_wait3A_470 = tpu.memref_slice %arg6[%add3A_426] : memref<16777216xf32, #tpu.memory_space<hbm>> -> memref<16384xf32, #tpu.memory_space<hbm>>
        tpu.wait_dma2 semaphore(%arg20 : memref<!tpu.dma_semaphore, #tpu.memory_space<semaphore_mem>>) src(%arg12 : memref<16384xf32, #tpu.memory_space<vmem>>) dst(%dma_wait3A_470 : memref<16384xf32, #tpu.memory_space<hbm>>)
        %dma_wait3A_471 = arith.constant 0 : i32
        %dma_wait3A_472 = tpu.memref_slice %arg18[%dma_wait3A_471] : memref<1024xf32, #tpu.memory_space<vmem>> -> memref<256xf32, #tpu.memory_space<vmem>>
        %dma_wait3A_473 = tpu.memref_slice %arg7[%add3A_435] : memref<262144xf32, #tpu.memory_space<hbm>> -> memref<256xf32, #tpu.memory_space<hbm>>
        %dma_wait3A_474 = tpu.memref_slice %arg7[%add3A_435] : memref<262144xf32, #tpu.memory_space<hbm>> -> memref<256xf32, #tpu.memory_space<hbm>>
        %dma_wait3A_475 = arith.constant 0 : i32
        %dma_wait3A_476 = tpu.memref_slice %arg18[%dma_wait3A_475] : memref<1024xf32, #tpu.memory_space<vmem>> -> memref<256xf32, #tpu.memory_space<vmem>>
        tpu.wait_dma2 semaphore(%arg20 : memref<!tpu.dma_semaphore, #tpu.memory_space<semaphore_mem>>) src(%dma_wait3A_476 : memref<256xf32, #tpu.memory_space<vmem>>) dst(%dma_wait3A_474 : memref<256xf32, #tpu.memory_space<hbm>>)
        %dma_wait3A_477 = arith.constant 256 : i32
        %dma_wait3A_478 = tpu.memref_slice %arg18[%dma_wait3A_477] : memref<1024xf32, #tpu.memory_space<vmem>> -> memref<256xf32, #tpu.memory_space<vmem>>
        %dma_wait3A_479 = tpu.memref_slice %arg7[%add3A_444] : memref<262144xf32, #tpu.memory_space<hbm>> -> memref<256xf32, #tpu.memory_space<hbm>>
        %dma_wait3A_480 = tpu.memref_slice %arg7[%add3A_444] : memref<262144xf32, #tpu.memory_space<hbm>> -> memref<256xf32, #tpu.memory_space<hbm>>
        %dma_wait3A_481 = arith.constant 256 : i32
        %dma_wait3A_482 = tpu.memref_slice %arg18[%dma_wait3A_481] : memref<1024xf32, #tpu.memory_space<vmem>> -> memref<256xf32, #tpu.memory_space<vmem>>
        tpu.wait_dma2 semaphore(%arg20 : memref<!tpu.dma_semaphore, #tpu.memory_space<semaphore_mem>>) src(%dma_wait3A_482 : memref<256xf32, #tpu.memory_space<vmem>>) dst(%dma_wait3A_480 : memref<256xf32, #tpu.memory_space<hbm>>)
        %dma_wait3A_483 = arith.constant 512 : i32
        %dma_wait3A_484 = tpu.memref_slice %arg18[%dma_wait3A_483] : memref<1024xf32, #tpu.memory_space<vmem>> -> memref<256xf32, #tpu.memory_space<vmem>>
        %dma_wait3A_485 = tpu.memref_slice %arg7[%add3A_453] : memref<262144xf32, #tpu.memory_space<hbm>> -> memref<256xf32, #tpu.memory_space<hbm>>
        %dma_wait3A_486 = tpu.memref_slice %arg7[%add3A_453] : memref<262144xf32, #tpu.memory_space<hbm>> -> memref<256xf32, #tpu.memory_space<hbm>>
        %dma_wait3A_487 = arith.constant 512 : i32
        %dma_wait3A_488 = tpu.memref_slice %arg18[%dma_wait3A_487] : memref<1024xf32, #tpu.memory_space<vmem>> -> memref<256xf32, #tpu.memory_space<vmem>>
        tpu.wait_dma2 semaphore(%arg20 : memref<!tpu.dma_semaphore, #tpu.memory_space<semaphore_mem>>) src(%dma_wait3A_488 : memref<256xf32, #tpu.memory_space<vmem>>) dst(%dma_wait3A_486 : memref<256xf32, #tpu.memory_space<hbm>>)
        %dma_wait3A_489 = arith.constant 768 : i32
        %dma_wait3A_490 = tpu.memref_slice %arg18[%dma_wait3A_489] : memref<1024xf32, #tpu.memory_space<vmem>> -> memref<256xf32, #tpu.memory_space<vmem>>
        %dma_wait3A_491 = tpu.memref_slice %arg7[%add3A_462] : memref<262144xf32, #tpu.memory_space<hbm>> -> memref<256xf32, #tpu.memory_space<hbm>>
        %dma_wait3A_492 = tpu.memref_slice %arg7[%add3A_462] : memref<262144xf32, #tpu.memory_space<hbm>> -> memref<256xf32, #tpu.memory_space<hbm>>
        %dma_wait3A_493 = arith.constant 768 : i32
        %dma_wait3A_494 = tpu.memref_slice %arg18[%dma_wait3A_493] : memref<1024xf32, #tpu.memory_space<vmem>> -> memref<256xf32, #tpu.memory_space<vmem>>
        tpu.wait_dma2 semaphore(%arg20 : memref<!tpu.dma_semaphore, #tpu.memory_space<semaphore_mem>>) src(%dma_wait3A_494 : memref<256xf32, #tpu.memory_space<vmem>>) dst(%dma_wait3A_492 : memref<256xf32, #tpu.memory_space<hbm>>)
      } else {
      }
      %scan3A_212 = arith.constant 0 : i32
      %scan3A_213 = arith.constant 0 : i32
      %scan3A_214 = arith.constant 1024 : i32
      %scan3A_215 = arith.addi %scan3A_213, %scan3A_214 : i32
      %scan3A_216 = arith.constant 1 : i32
      %scan3A_217 = scf.for %scan3A_403 = %scan3A_213 to %scan3A_215 step %scan3A_216 iter_args(%scan3A_404 = %scan3A_212) -> (i32)  : i32 {
        %mul3A_405 = arith.constant 16 : i32
        %mul3A_406 = arith.muli %scan3A_403, %mul3A_405 : i32
        %broadcast_in_dim3A_407 = arith.constant 0.000000e+00 : f32
        %broadcast_in_dim3A_408 = vector.broadcast %broadcast_in_dim3A_407 : f32 to vector<16xf32>
        %swap3A = arith.index_cast %mul3A_406 : i32 to index
        %swap3A_409 = tpu.vector_load %arg9[%swap3A] {strides = array<i32>} : memref<16384xf32, #tpu.memory_space<vmem>>, vector<16xf32>,
        tpu.vector_store %arg9[%swap3A], %broadcast_in_dim3A_408 {strides = array<i32>} : memref<16384xf32, #tpu.memory_space<vmem>>, vector<16xf32>,
        %broadcast_in_dim3A_410 = arith.constant 0.000000e+00 : f32
        %broadcast_in_dim3A_411 = vector.broadcast %broadcast_in_dim3A_410 : f32 to vector<16xf32>
        %swap3A_412 = arith.index_cast %mul3A_406 : i32 to index
        %swap3A_413 = tpu.vector_load %arg10[%swap3A_412] {strides = array<i32>} : memref<16384xf32, #tpu.memory_space<vmem>>, vector<16xf32>,
        tpu.vector_store %arg10[%swap3A_412], %broadcast_in_dim3A_411 {strides = array<i32>} : memref<16384xf32, #tpu.memory_space<vmem>>, vector<16xf32>,
        %broadcast_in_dim3A_414 = arith.constant 0.000000e+00 : f32
        %broadcast_in_dim3A_415 = vector.broadcast %broadcast_in_dim3A_414 : f32 to vector<16xf32>
        %swap3A_416 = arith.index_cast %mul3A_406 : i32 to index
        %swap3A_417 = tpu.vector_load %arg11[%swap3A_416] {strides = array<i32>} : memref<16384xf32, #tpu.memory_space<vmem>>, vector<16xf32>,
        tpu.vector_store %arg11[%swap3A_416], %broadcast_in_dim3A_415 {strides = array<i32>} : memref<16384xf32, #tpu.memory_space<vmem>>, vector<16xf32>,
        %broadcast_in_dim3A_418 = arith.constant 1.000000e+01 : f32
        %broadcast_in_dim3A_419 = vector.broadcast %broadcast_in_dim3A_418 : f32 to vector<16xf32>
        %swap3A_420 = arith.index_cast %mul3A_406 : i32 to index
        %swap3A_421 = tpu.vector_load %arg12[%swap3A_420] {strides = array<i32>} : memref<16384xf32, #tpu.memory_space<vmem>>, vector<16xf32>,
        tpu.vector_store %arg12[%swap3A_420], %broadcast_in_dim3A_419 {strides = array<i32>} : memref<16384xf32, #tpu.memory_space<vmem>>, vector<16xf32>,
        %scan3A_422 = arith.constant 0 : i32
        scf.yield %scan3A_422 : i32
      }
      %scan3A_218 = arith.constant 1024 : i32
      %add3A_219 = arith.constant 128 : i32
      %add3A_220 = arith.addi %min3A_155, %add3A_219 : i32
      %sub3A_221 = arith.constant 1 : i32
      %sub3A_222 = arith.subi %add3A_220, %sub3A_221 : i32
      %jit3A_223 = arith.constant 128 : i32
      %div3A_224 = arith.divsi %sub3A_222, %jit3A_223 : i32
      %sign3A_225 = arith.constant 0 : i32
      %sign3A_226 = arith.cmpi sgt, %sub3A_222, %sign3A_225 : i32
      %sign3A_227 = arith.extui %sign3A_226 : i1 to i32
      %sign3A_228 = arith.constant 0 : i32
      %sign3A_229 = arith.cmpi slt, %sub3A_222, %sign3A_228 : i32
      %sign3A_230 = arith.extui %sign3A_229 : i1 to i32
      %sign3A_231 = arith.subi %sign3A_227, %sign3A_230 : i32
      %sign3A_232 = arith.constant 0 : i32
      %sign3A_233 = arith.cmpi sgt, %jit3A_223, %sign3A_232 : i32
      %sign3A_234 = arith.extui %sign3A_233 : i1 to i32
      %sign3A_235 = arith.constant 0 : i32
      %sign3A_236 = arith.cmpi slt, %jit3A_223, %sign3A_235 : i32
      %sign3A_237 = arith.extui %sign3A_236 : i1 to i32
      %sign3A_238 = arith.subi %sign3A_234, %sign3A_237 : i32
      %ne3A_239 = arith.cmpi ne, %sign3A_231, %sign3A_238 : i32
      %rem3A_240 = arith.remsi %sub3A_222, %jit3A_223 : i32
      %ne3A_241 = arith.constant 0 : i32
      %ne3A_242 = arith.cmpi ne, %rem3A_240, %ne3A_241 : i32
      %and3A_243 = arith.andi %ne3A_239, %ne3A_242 : i1
      %sub3A_244 = arith.constant 1 : i32
      %sub3A_245 = arith.subi %div3A_224, %sub3A_244 : i32
      %select_n3A_246 = arith.select %and3A_243, %sub3A_245, %div3A_224 : i32
      %while3A_247 = arith.constant 0 : i32
      %while3A_248 = arith.constant 0 : i32
      %while3A_249 = arith.subi %select_n3A_246, %while3A_247 : i32
      %while3A_250 = arith.addi %while3A_247, %while3A_249 : i32
      %while3A_251 = arith.constant 1 : i32
      %while3A_252 = arith.divsi %while3A_249, %while3A_251 : i32
      %while3A_253 = arith.muli %while3A_252, %while3A_251 : i32
      %while3A_254 = arith.addi %while3A_247, %while3A_253 : i32
      %while3A_255 = arith.constant 1 : i32
      %while3A_256 = scf.for %while3A_403 = %while3A_247 to %while3A_254 step %while3A_255 iter_args(%while3A_404 = %while3A_248) -> (i32)  : i32 {
        %dma_wait3A_405 = arith.constant 0 : i32
        %dma_wait3A_406 = tpu.memref_slice %arg14[%while3A_403, %dma_wait3A_405] : memref<32x128xi32, #tpu.memory_space<vmem>> -> memref<1x128xi32, #tpu.memory_space<vmem>>
        %dma_wait3A_407 = tpu.memref_squeeze %dma_wait3A_406 : memref<1x128xi32, #tpu.memory_space<vmem>> -> memref<128xi32, #tpu.memory_space<vmem>>
        %dma_wait3A_408 = arith.constant 0 : i32
        %dma_wait3A_409 = tpu.memref_slice %arg13[%while3A_403, %dma_wait3A_408] : memref<32x128xi32, #tpu.memory_space<vmem>> -> memref<1x128xi32, #tpu.memory_space<vmem>>
        %dma_wait3A_410 = tpu.memref_squeeze %dma_wait3A_409 : memref<1x128xi32, #tpu.memory_space<vmem>> -> memref<128xi32, #tpu.memory_space<vmem>>
        %dma_wait3A_411 = arith.constant 0 : i32
        %dma_wait3A_412 = tpu.memref_slice %arg2[%dma_wait3A_411] : memref<600064xi32, #tpu.memory_space<hbm>> -> memref<600064xi32, #tpu.memory_space<hbm>>
        tpu.wait_indirect_dma semaphore(%arg19 : memref<!tpu.dma_semaphore, #tpu.memory_space<semaphore_mem>>) src(%dma_wait3A_412 : memref<600064xi32, #tpu.memory_space<hbm>>) dst(%dma_wait3A_407 : memref<128xi32, #tpu.memory_space<vmem>>)
        %dma_wait3A_413 = arith.constant 0 : i32
        %dma_wait3A_414 = tpu.memref_slice %arg15[%while3A_403, %dma_wait3A_413] : memref<32x128xf32, #tpu.memory_space<vmem>> -> memref<1x128xf32, #tpu.memory_space<vmem>>
        %dma_wait3A_415 = tpu.memref_squeeze %dma_wait3A_414 : memref<1x128xf32, #tpu.memory_space<vmem>> -> memref<128xf32, #tpu.memory_space<vmem>>
        %dma_wait3A_416 = arith.constant 0 : i32
        %dma_wait3A_417 = tpu.memref_slice %arg13[%while3A_403, %dma_wait3A_416] : memref<32x128xi32, #tpu.memory_space<vmem>> -> memref<1x128xi32, #tpu.memory_space<vmem>>
        %dma_wait3A_418 = tpu.memref_squeeze %dma_wait3A_417 : memref<1x128xi32, #tpu.memory_space<vmem>> -> memref<128xi32, #tpu.memory_space<vmem>>
        %dma_wait3A_419 = arith.constant 0 : i32
        %dma_wait3A_420 = tpu.memref_slice %arg3[%dma_wait3A_419] : memref<600064xf32, #tpu.memory_space<hbm>> -> memref<600064xf32, #tpu.memory_space<hbm>>
        tpu.wait_indirect_dma semaphore(%arg19 : memref<!tpu.dma_semaphore, #tpu.memory_space<semaphore_mem>>) src(%dma_wait3A_420 : memref<600064xf32, #tpu.memory_space<hbm>>) dst(%dma_wait3A_415 : memref<128xf32, #tpu.memory_space<vmem>>)
        %dma_wait3A_421 = arith.constant 0 : i32
        %dma_wait3A_422 = tpu.memref_slice %arg16[%while3A_403, %dma_wait3A_421] : memref<32x128xf32, #tpu.memory_space<vmem>> -> memref<1x128xf32, #tpu.memory_space<vmem>>
        %dma_wait3A_423 = tpu.memref_squeeze %dma_wait3A_422 : memref<1x128xf32, #tpu.memory_space<vmem>> -> memref<128xf32, #tpu.memory_space<vmem>>
        %dma_wait3A_424 = arith.constant 0 : i32
        %dma_wait3A_425 = tpu.memref_slice %arg13[%while3A_403, %dma_wait3A_424] : memref<32x128xi32, #tpu.memory_space<vmem>> -> memref<1x128xi32, #tpu.memory_space<vmem>>
        %dma_wait3A_426 = tpu.memref_squeeze %dma_wait3A_425 : memref<1x128xi32, #tpu.memory_space<vmem>> -> memref<128xi32, #tpu.memory_space<vmem>>
        %dma_wait3A_427 = arith.constant 0 : i32
        %dma_wait3A_428 = tpu.memref_slice %arg4[%dma_wait3A_427] : memref<600064xf32, #tpu.memory_space<hbm>> -> memref<600064xf32, #tpu.memory_space<hbm>>
        tpu.wait_indirect_dma semaphore(%arg19 : memref<!tpu.dma_semaphore, #tpu.memory_space<semaphore_mem>>) src(%dma_wait3A_428 : memref<600064xf32, #tpu.memory_space<hbm>>) dst(%dma_wait3A_423 : memref<128xf32, #tpu.memory_space<vmem>>)
        %while3A_429 = arith.constant 0 : i32
        scf.yield %while3A_429 : i32
      }
      %while3A_257 = arith.constant 1 : i32
      %while3A_258 = scf.for %while3A_403 = %while3A_254 to %while3A_250 step %while3A_257 iter_args(%while3A_404 = %while3A_256) -> (i32)  : i32 {
        %dma_wait3A_405 = arith.constant 0 : i32
        %dma_wait3A_406 = tpu.memref_slice %arg14[%while3A_403, %dma_wait3A_405] : memref<32x128xi32, #tpu.memory_space<vmem>> -> memref<1x128xi32, #tpu.memory_space<vmem>>
        %dma_wait3A_407 = tpu.memref_squeeze %dma_wait3A_406 : memref<1x128xi32, #tpu.memory_space<vmem>> -> memref<128xi32, #tpu.memory_space<vmem>>
        %dma_wait3A_408 = arith.constant 0 : i32
        %dma_wait3A_409 = tpu.memref_slice %arg13[%while3A_403, %dma_wait3A_408] : memref<32x128xi32, #tpu.memory_space<vmem>> -> memref<1x128xi32, #tpu.memory_space<vmem>>
        %dma_wait3A_410 = tpu.memref_squeeze %dma_wait3A_409 : memref<1x128xi32, #tpu.memory_space<vmem>> -> memref<128xi32, #tpu.memory_space<vmem>>
        %dma_wait3A_411 = arith.constant 0 : i32
        %dma_wait3A_412 = tpu.memref_slice %arg2[%dma_wait3A_411] : memref<600064xi32, #tpu.memory_space<hbm>> -> memref<600064xi32, #tpu.memory_space<hbm>>
        tpu.wait_indirect_dma semaphore(%arg19 : memref<!tpu.dma_semaphore, #tpu.memory_space<semaphore_mem>>) src(%dma_wait3A_412 : memref<600064xi32, #tpu.memory_space<hbm>>) dst(%dma_wait3A_407 : memref<128xi32, #tpu.memory_space<vmem>>)
        %dma_wait3A_413 = arith.constant 0 : i32
        %dma_wait3A_414 = tpu.memref_slice %arg15[%while3A_403, %dma_wait3A_413] : memref<32x128xf32, #tpu.memory_space<vmem>> -> memref<1x128xf32, #tpu.memory_space<vmem>>
        %dma_wait3A_415 = tpu.memref_squeeze %dma_wait3A_414 : memref<1x128xf32, #tpu.memory_space<vmem>> -> memref<128xf32, #tpu.memory_space<vmem>>
        %dma_wait3A_416 = arith.constant 0 : i32
        %dma_wait3A_417 = tpu.memref_slice %arg13[%while3A_403, %dma_wait3A_416] : memref<32x128xi32, #tpu.memory_space<vmem>> -> memref<1x128xi32, #tpu.memory_space<vmem>>
        %dma_wait3A_418 = tpu.memref_squeeze %dma_wait3A_417 : memref<1x128xi32, #tpu.memory_space<vmem>> -> memref<128xi32, #tpu.memory_space<vmem>>
        %dma_wait3A_419 = arith.constant 0 : i32
        %dma_wait3A_420 = tpu.memref_slice %arg3[%dma_wait3A_419] : memref<600064xf32, #tpu.memory_space<hbm>> -> memref<600064xf32, #tpu.memory_space<hbm>>
        tpu.wait_indirect_dma semaphore(%arg19 : memref<!tpu.dma_semaphore, #tpu.memory_space<semaphore_mem>>) src(%dma_wait3A_420 : memref<600064xf32, #tpu.memory_space<hbm>>) dst(%dma_wait3A_415 : memref<128xf32, #tpu.memory_space<vmem>>)
        %dma_wait3A_421 = arith.constant 0 : i32
        %dma_wait3A_422 = tpu.memref_slice %arg16[%while3A_403, %dma_wait3A_421] : memref<32x128xf32, #tpu.memory_space<vmem>> -> memref<1x128xf32, #tpu.memory_space<vmem>>
        %dma_wait3A_423 = tpu.memref_squeeze %dma_wait3A_422 : memref<1x128xf32, #tpu.memory_space<vmem>> -> memref<128xf32, #tpu.memory_space<vmem>>
        %dma_wait3A_424 = arith.constant 0 : i32
        %dma_wait3A_425 = tpu.memref_slice %arg13[%while3A_403, %dma_wait3A_424] : memref<32x128xi32, #tpu.memory_space<vmem>> -> memref<1x128xi32, #tpu.memory_space<vmem>>
        %dma_wait3A_426 = tpu.memref_squeeze %dma_wait3A_425 : memref<1x128xi32, #tpu.memory_space<vmem>> -> memref<128xi32, #tpu.memory_space<vmem>>
        %dma_wait3A_427 = arith.constant 0 : i32
        %dma_wait3A_428 = tpu.memref_slice %arg4[%dma_wait3A_427] : memref<600064xf32, #tpu.memory_space<hbm>> -> memref<600064xf32, #tpu.memory_space<hbm>>
        tpu.wait_indirect_dma semaphore(%arg19 : memref<!tpu.dma_semaphore, #tpu.memory_space<semaphore_mem>>) src(%dma_wait3A_428 : memref<600064xf32, #tpu.memory_space<hbm>>) dst(%dma_wait3A_423 : memref<128xf32, #tpu.memory_space<vmem>>)
        %while3A_429 = arith.constant 0 : i32
        scf.yield %while3A_429 : i32
      }
      %add3A_259 = arith.constant 15 : i32
      %add3A_260 = arith.addi %min3A_155, %add3A_259 : i32
      %jit3A_261 = arith.constant 16 : i32
      %div3A_262 = arith.divsi %add3A_260, %jit3A_261 : i32
      %sign3A_263 = arith.constant 0 : i32
      %sign3A_264 = arith.cmpi sgt, %add3A_260, %sign3A_263 : i32
      %sign3A_265 = arith.extui %sign3A_264 : i1 to i32
      %sign3A_266 = arith.constant 0 : i32
      %sign3A_267 = arith.cmpi slt, %add3A_260, %sign3A_266 : i32
      %sign3A_268 = arith.extui %sign3A_267 : i1 to i32
      %sign3A_269 = arith.subi %sign3A_265, %sign3A_268 : i32
      %sign3A_270 = arith.constant 0 : i32
      %sign3A_271 = arith.cmpi sgt, %jit3A_261, %sign3A_270 : i32
      %sign3A_272 = arith.extui %sign3A_271 : i1 to i32
      %sign3A_273 = arith.constant 0 : i32
      %sign3A_274 = arith.cmpi slt, %jit3A_261, %sign3A_273 : i32
      %sign3A_275 = arith.extui %sign3A_274 : i1 to i32
      %sign3A_276 = arith.subi %sign3A_272, %sign3A_275 : i32
      %ne3A_277 = arith.cmpi ne, %sign3A_269, %sign3A_276 : i32
      %rem3A_278 = arith.remsi %add3A_260, %jit3A_261 : i32
      %ne3A_279 = arith.constant 0 : i32
      %ne3A_280 = arith.cmpi ne, %rem3A_278, %ne3A_279 : i32
      %and3A_281 = arith.andi %ne3A_277, %ne3A_280 : i1
      %sub3A_282 = arith.constant 1 : i32
      %sub3A_283 = arith.subi %div3A_262, %sub3A_282 : i32
      %select_n3A_284 = arith.select %and3A_281, %sub3A_283, %div3A_262 : i32
      %while3A_285 = arith.constant 0 : i32
      %while3A_286 = arith.constant 0 : i32
      %while3A_287 = arith.subi %select_n3A_284, %while3A_285 : i32
      %while3A_288 = arith.addi %while3A_285, %while3A_287 : i32
      %while3A_289 = arith.constant 1 : i32
      %while3A_290 = arith.divsi %while3A_287, %while3A_289 : i32
      %while3A_291 = arith.muli %while3A_290, %while3A_289 : i32
      %while3A_292 = arith.addi %while3A_285, %while3A_291 : i32
      %while3A_293 = arith.constant 1 : i32
      %while3A_294 = scf.for %while3A_403 = %while3A_285 to %while3A_292 step %while3A_293 iter_args(%while3A_404 = %while3A_286) -> (i32)  : i32 {
        %mul3A_405 = arith.constant 16 : i32
        %mul3A_406 = arith.muli %while3A_403, %mul3A_405 : i32
        %shift_right_logical3A_407 = arith.constant 7 : i32
        %shift_right_logical3A_408 = arith.shrui %mul3A_406, %shift_right_logical3A_407 : i32
        %and3A_409 = arith.constant 127 : i32
        %and3A_410 = arith.andi %mul3A_406, %and3A_409 : i32
        %add3A_411 = vector.broadcast %mul3A_406 : i32 to vector<16xi32>
        %add3A_412 = arith.addi %add3A_411, %iota3A : vector<16xi32>
        %lt3A = vector.broadcast %min3A_155 : i32 to vector<16xi32>
        %lt3A_413 = arith.cmpi slt, %add3A_412, %lt3A : vector<16xi32>
        %get3A = arith.index_cast %shift_right_logical3A_408 : i32 to index
        %get3A_414 = arith.index_cast %and3A_410 : i32 to index
        %get3A_415 = tpu.vector_load %arg14[%get3A, %get3A_414] {strides = array<i32>} : memref<32x128xi32, #tpu.memory_space<vmem>>, vector<16xi32>,
        %get3A_416 = arith.index_cast %shift_right_logical3A_408 : i32 to index
        %get3A_417 = arith.index_cast %and3A_410 : i32 to index
        %get3A_418 = tpu.vector_load %arg15[%get3A_416, %get3A_417] {strides = array<i32>} : memref<32x128xf32, #tpu.memory_space<vmem>>, vector<16xf32>,
        %get3A_419 = arith.index_cast %shift_right_logical3A_408 : i32 to index
        %get3A_420 = arith.index_cast %and3A_410 : i32 to index
        %get3A_421 = tpu.vector_load %arg16[%get3A_419, %get3A_420] {strides = array<i32>} : memref<32x128xf32, #tpu.memory_space<vmem>>, vector<16xf32>,
        %jit3A_422 = arith.constant 16383 : i32
        %broadcast_in_dim3A_423 = vector.broadcast %jit3A_422 : i32 to vector<16xi32>
        %select_n3A_424 = arith.select %lt3A_413, %get3A_415, %broadcast_in_dim3A_423 : vector<16xi1>, vector<16xi32>
        %select_n3A_425 = arith.select %lt3A_413, %get3A_418, %broadcast_in_dim3A_1 : vector<16xi1>, vector<16xf32>
        %neg3A = arith.constant 0.000000e+00 : f32
        %neg3A_426 = vector.broadcast %neg3A : f32 to vector<16xf32>
        %neg3A_427 = arith.subf %neg3A_426, %broadcast_in_dim3A_1 : vector<16xf32>
        %select_n3A_428 = arith.select %lt3A_413, %get3A_421, %neg3A_427 : vector<16xi1>, vector<16xf32>
        %jit3A_429 = arith.constant 1.000000e+00 : f32
        %jit3A_430 = arith.constant 0.000000e+00 : f32
        %broadcast_in_dim3A_431 = vector.broadcast %jit3A_429 : f32 to vector<16xf32>
        %broadcast_in_dim3A_432 = vector.broadcast %jit3A_430 : f32 to vector<16xf32>
        %select_n3A_433 = arith.select %lt3A_413, %broadcast_in_dim3A_431, %broadcast_in_dim3A_432 : vector<16xi1>, vector<16xf32>
        tpu.vector_store_idx %arg9[%select_n3A_424], %select_n3A_433 {add = true} : memref<16384xf32, #tpu.memory_space<vmem>>[vector<16xi32>], vector<16xf32>,
        %jit3A_434 = arith.constant 0.000000e+00 : f32
        %broadcast_in_dim3A_435 = vector.broadcast %jit3A_434 : f32 to vector<16xf32>
        %select_n3A_436 = arith.select %lt3A_413, %select_n3A_425, %broadcast_in_dim3A_435 : vector<16xi1>, vector<16xf32>
        tpu.vector_store_idx %arg10[%select_n3A_424], %select_n3A_436 {add = true} : memref<16384xf32, #tpu.memory_space<vmem>>[vector<16xi32>], vector<16xf32>,
        %masked_sort3A = arith.constant dense<true> : vector<16xi1>
        %masked_sort3A_437 = arith.constant -2147483648 : i32
        %masked_sort3A_438 = vector.broadcast %masked_sort3A_437 : i32 to vector<16xi32>
        %masked_sort3A_439 = arith.xori %select_n3A_424, %masked_sort3A_438 : vector<16xi32>
        %masked_sort3A_440, %masked_sort3A_441, %masked_sort3A_442 = tpu.sort %masked_sort3A_439, %iota3A masked %masked_sort3A : (vector<16xi32>, vector<16xi32>, vector<16xi1>) -> (vector<16xi1>, vector<16xi32>, vector<16xi32>)
        %masked_sort3A_443 = arith.xori %masked_sort3A_441, %masked_sort3A_438 : vector<16xi32>
        %reshape3A = vector.shape_cast %masked_sort3A_442 : vector<16xi32> to vector<16x1xi32>
        %gather3A_444 = vector.shape_cast %reshape3A : vector<16x1xi32> to vector<16xi32>
        %gather3A_445 = tpu.dynamic_gather %select_n3A_425[%gather3A_444] in [0] : vector<16xf32>, vector<16xi32> -> vector<16xf32>
        %reshape3A_446 = vector.shape_cast %masked_sort3A_442 : vector<16xi32> to vector<16x1xi32>
        %gather3A_447 = vector.shape_cast %reshape3A_446 : vector<16x1xi32> to vector<16xi32>
        %gather3A_448 = tpu.dynamic_gather %select_n3A_428[%gather3A_447] in [0] : vector<16xf32>, vector<16xi32> -> vector<16xf32>
        %sub3A_449 = arith.constant 1 : i32
        %sub3A_450 = vector.broadcast %sub3A_449 : i32 to vector<16xi32>
        %sub3A_451 = arith.subi %iota3A, %sub3A_450 : vector<16xi32>
        %max3A = arith.constant 0 : i32
        %max3A_452 = vector.broadcast %max3A : i32 to vector<16xi32>
        %max3A_453 = arith.maxsi %sub3A_451, %max3A_452 : vector<16xi32>
        %reshape3A_454 = vector.shape_cast %max3A_453 : vector<16xi32> to vector<16x1xi32>
        %gather3A_455 = vector.shape_cast %reshape3A_454 : vector<16x1xi32> to vector<16xi32>
        %gather3A_456 = tpu.dynamic_gather %masked_sort3A_443[%gather3A_455] in [0] : vector<16xi32>, vector<16xi32> -> vector<16xi32>
        %eq3A = arith.cmpi eq, %masked_sort3A_443, %gather3A_456 : vector<16xi32>
        %ge3A = arith.constant 1 : i32
        %ge3A_457 = vector.broadcast %ge3A : i32 to vector<16xi32>
        %ge3A_458 = arith.cmpi sge, %iota3A, %ge3A_457 : vector<16xi32>
        %and3A_459 = arith.andi %eq3A, %ge3A_458 : vector<16xi1>
        %reshape3A_460 = vector.shape_cast %max3A_453 : vector<16xi32> to vector<16x1xi32>
        %gather3A_461 = vector.shape_cast %reshape3A_460 : vector<16x1xi32> to vector<16xi32>
        %gather3A_462 = tpu.dynamic_gather %gather3A_445[%gather3A_461] in [0] : vector<16xf32>, vector<16xi32> -> vector<16xf32>
        %min3A_463 = arith.minimumf %gather3A_445, %gather3A_462 : vector<16xf32>
        %select_n3A_464 = arith.select %and3A_459, %min3A_463, %gather3A_445 : vector<16xi1>, vector<16xf32>
        %reshape3A_465 = vector.shape_cast %max3A_453 : vector<16xi32> to vector<16x1xi32>
        %gather3A_466 = vector.shape_cast %reshape3A_465 : vector<16x1xi32> to vector<16xi32>
        %gather3A_467 = tpu.dynamic_gather %gather3A_448[%gather3A_466] in [0] : vector<16xf32>, vector<16xi32> -> vector<16xf32>
        %max3A_468 = arith.maximumf %gather3A_448, %gather3A_467 : vector<16xf32>
        %select_n3A_469 = arith.select %and3A_459, %max3A_468, %gather3A_448 : vector<16xi1>, vector<16xf32>
        %sub3A_470 = arith.constant 2 : i32
        %sub3A_471 = vector.broadcast %sub3A_470 : i32 to vector<16xi32>
        %sub3A_472 = arith.subi %iota3A, %sub3A_471 : vector<16xi32>
        %max3A_473 = arith.constant 0 : i32
        %max3A_474 = vector.broadcast %max3A_473 : i32 to vector<16xi32>
        %max3A_475 = arith.maxsi %sub3A_472, %max3A_474 : vector<16xi32>
        %reshape3A_476 = vector.shape_cast %max3A_475 : vector<16xi32> to vector<16x1xi32>
        %gather3A_477 = vector.shape_cast %reshape3A_476 : vector<16x1xi32> to vector<16xi32>
        %gather3A_478 = tpu.dynamic_gather %masked_sort3A_443[%gather3A_477] in [0] : vector<16xi32>, vector<16xi32> -> vector<16xi32>
        %eq3A_479 = arith.cmpi eq, %masked_sort3A_443, %gather3A_478 : vector<16xi32>
        %ge3A_480 = arith.constant 2 : i32
        %ge3A_481 = vector.broadcast %ge3A_480 : i32 to vector<16xi32>
        %ge3A_482 = arith.cmpi sge, %iota3A, %ge3A_481 : vector<16xi32>
        %and3A_483 = arith.andi %eq3A_479, %ge3A_482 : vector<16xi1>
        %reshape3A_484 = vector.shape_cast %max3A_475 : vector<16xi32> to vector<16x1xi32>
        %gather3A_485 = vector.shape_cast %reshape3A_484 : vector<16x1xi32> to vector<16xi32>
        %gather3A_486 = tpu.dynamic_gather %select_n3A_464[%gather3A_485] in [0] : vector<16xf32>, vector<16xi32> -> vector<16xf32>
        %min3A_487 = arith.minimumf %select_n3A_464, %gather3A_486 : vector<16xf32>
        %select_n3A_488 = arith.select %and3A_483, %min3A_487, %select_n3A_464 : vector<16xi1>, vector<16xf32>
        %reshape3A_489 = vector.shape_cast %max3A_475 : vector<16xi32> to vector<16x1xi32>
        %gather3A_490 = vector.shape_cast %reshape3A_489 : vector<16x1xi32> to vector<16xi32>
        %gather3A_491 = tpu.dynamic_gather %select_n3A_469[%gather3A_490] in [0] : vector<16xf32>, vector<16xi32> -> vector<16xf32>
        %max3A_492 = arith.maximumf %select_n3A_469, %gather3A_491 : vector<16xf32>
        %select_n3A_493 = arith.select %and3A_483, %max3A_492, %select_n3A_469 : vector<16xi1>, vector<16xf32>
        %sub3A_494 = arith.constant 4 : i32
        %sub3A_495 = vector.broadcast %sub3A_494 : i32 to vector<16xi32>
        %sub3A_496 = arith.subi %iota3A, %sub3A_495 : vector<16xi32>
        %max3A_497 = arith.constant 0 : i32
        %max3A_498 = vector.broadcast %max3A_497 : i32 to vector<16xi32>
        %max3A_499 = arith.maxsi %sub3A_496, %max3A_498 : vector<16xi32>
        %reshape3A_500 = vector.shape_cast %max3A_499 : vector<16xi32> to vector<16x1xi32>
        %gather3A_501 = vector.shape_cast %reshape3A_500 : vector<16x1xi32> to vector<16xi32>
        %gather3A_502 = tpu.dynamic_gather %masked_sort3A_443[%gather3A_501] in [0] : vector<16xi32>, vector<16xi32> -> vector<16xi32>
        %eq3A_503 = arith.cmpi eq, %masked_sort3A_443, %gather3A_502 : vector<16xi32>
        %ge3A_504 = arith.constant 4 : i32
        %ge3A_505 = vector.broadcast %ge3A_504 : i32 to vector<16xi32>
        %ge3A_506 = arith.cmpi sge, %iota3A, %ge3A_505 : vector<16xi32>
        %and3A_507 = arith.andi %eq3A_503, %ge3A_506 : vector<16xi1>
        %reshape3A_508 = vector.shape_cast %max3A_499 : vector<16xi32> to vector<16x1xi32>
        %gather3A_509 = vector.shape_cast %reshape3A_508 : vector<16x1xi32> to vector<16xi32>
        %gather3A_510 = tpu.dynamic_gather %select_n3A_488[%gather3A_509] in [0] : vector<16xf32>, vector<16xi32> -> vector<16xf32>
        %min3A_511 = arith.minimumf %select_n3A_488, %gather3A_510 : vector<16xf32>
        %select_n3A_512 = arith.select %and3A_507, %min3A_511, %select_n3A_488 : vector<16xi1>, vector<16xf32>
        %reshape3A_513 = vector.shape_cast %max3A_499 : vector<16xi32> to vector<16x1xi32>
        %gather3A_514 = vector.shape_cast %reshape3A_513 : vector<16x1xi32> to vector<16xi32>
        %gather3A_515 = tpu.dynamic_gather %select_n3A_493[%gather3A_514] in [0] : vector<16xf32>, vector<16xi32> -> vector<16xf32>
        %max3A_516 = arith.maximumf %select_n3A_493, %gather3A_515 : vector<16xf32>
        %select_n3A_517 = arith.select %and3A_507, %max3A_516, %select_n3A_493 : vector<16xi1>, vector<16xf32>
        %sub3A_518 = arith.constant 8 : i32
        %sub3A_519 = vector.broadcast %sub3A_518 : i32 to vector<16xi32>
        %sub3A_520 = arith.subi %iota3A, %sub3A_519 : vector<16xi32>
        %max3A_521 = arith.constant 0 : i32
        %max3A_522 = vector.broadcast %max3A_521 : i32 to vector<16xi32>
        %max3A_523 = arith.maxsi %sub3A_520, %max3A_522 : vector<16xi32>
        %reshape3A_524 = vector.shape_cast %max3A_523 : vector<16xi32> to vector<16x1xi32>
        %gather3A_525 = vector.shape_cast %reshape3A_524 : vector<16x1xi32> to vector<16xi32>
        %gather3A_526 = tpu.dynamic_gather %masked_sort3A_443[%gather3A_525] in [0] : vector<16xi32>, vector<16xi32> -> vector<16xi32>
        %eq3A_527 = arith.cmpi eq, %masked_sort3A_443, %gather3A_526 : vector<16xi32>
        %ge3A_528 = arith.constant 8 : i32
        %ge3A_529 = vector.broadcast %ge3A_528 : i32 to vector<16xi32>
        %ge3A_530 = arith.cmpi sge, %iota3A, %ge3A_529 : vector<16xi32>
        %and3A_531 = arith.andi %eq3A_527, %ge3A_530 : vector<16xi1>
        %reshape3A_532 = vector.shape_cast %max3A_523 : vector<16xi32> to vector<16x1xi32>
        %gather3A_533 = vector.shape_cast %reshape3A_532 : vector<16x1xi32> to vector<16xi32>
        %gather3A_534 = tpu.dynamic_gather %select_n3A_512[%gather3A_533] in [0] : vector<16xf32>, vector<16xi32> -> vector<16xf32>
        %min3A_535 = arith.minimumf %select_n3A_512, %gather3A_534 : vector<16xf32>
        %select_n3A_536 = arith.select %and3A_531, %min3A_535, %select_n3A_512 : vector<16xi1>, vector<16xf32>
        %reshape3A_537 = vector.shape_cast %max3A_523 : vector<16xi32> to vector<16x1xi32>
        %gather3A_538 = vector.shape_cast %reshape3A_537 : vector<16x1xi32> to vector<16xi32>
        %gather3A_539 = tpu.dynamic_gather %select_n3A_517[%gather3A_538] in [0] : vector<16xf32>, vector<16xi32> -> vector<16xf32>
        %max3A_540 = arith.maximumf %select_n3A_517, %gather3A_539 : vector<16xf32>
        %select_n3A_541 = arith.select %and3A_531, %max3A_540, %select_n3A_517 : vector<16xi1>, vector<16xf32>
        %add3A_542 = arith.constant 1 : i32
        %add3A_543 = vector.broadcast %add3A_542 : i32 to vector<16xi32>
        %add3A_544 = arith.addi %iota3A, %add3A_543 : vector<16xi32>
        %min3A_545 = arith.constant 15 : i32
        %min3A_546 = vector.broadcast %min3A_545 : i32 to vector<16xi32>
        %min3A_547 = arith.minsi %add3A_544, %min3A_546 : vector<16xi32>
        %reshape3A_548 = vector.shape_cast %min3A_547 : vector<16xi32> to vector<16x1xi32>
        %gather3A_549 = vector.shape_cast %reshape3A_548 : vector<16x1xi32> to vector<16xi32>
        %gather3A_550 = tpu.dynamic_gather %masked_sort3A_443[%gather3A_549] in [0] : vector<16xi32>, vector<16xi32> -> vector<16xi32>
        %eq3A_551 = arith.constant 15 : i32
        %eq3A_552 = vector.broadcast %eq3A_551 : i32 to vector<16xi32>
        %eq3A_553 = arith.cmpi eq, %iota3A, %eq3A_552 : vector<16xi32>
        %ne3A_554 = arith.cmpi ne, %masked_sort3A_443, %gather3A_550 : vector<16xi32>
        %or3A = arith.ori %eq3A_553, %ne3A_554 : vector<16xi1>
        %gather3A_555 = tpu.vector_load_idx %arg11[%masked_sort3A_443] : memref<16384xf32, #tpu.memory_space<vmem>>[vector<16xi32>], vector<16xf32>,
        %gather3A_556 = tpu.vector_load_idx %arg12[%masked_sort3A_443] : memref<16384xf32, #tpu.memory_space<vmem>>[vector<16xi32>], vector<16xf32>,
        %max3A_557 = arith.maximumf %gather3A_555, %select_n3A_541 : vector<16xf32>
        tpu.vector_store_idx %arg11[%masked_sort3A_443], %max3A_557 masked %or3A : memref<16384xf32, #tpu.memory_space<vmem>>[vector<16xi32>], vector<16xf32>, vector<16xi1>
        %min3A_558 = arith.minimumf %gather3A_556, %select_n3A_536 : vector<16xf32>
        tpu.vector_store_idx %arg12[%masked_sort3A_443], %min3A_558 masked %or3A : memref<16384xf32, #tpu.memory_space<vmem>>[vector<16xi32>], vector<16xf32>, vector<16xi1>
        %while3A_559 = arith.constant 0 : i32
        scf.yield %while3A_559 : i32
      }
      %while3A_295 = arith.constant 1 : i32
      %while3A_296 = scf.for %while3A_403 = %while3A_292 to %while3A_288 step %while3A_295 iter_args(%while3A_404 = %while3A_294) -> (i32)  : i32 {
        %mul3A_405 = arith.constant 16 : i32
        %mul3A_406 = arith.muli %while3A_403, %mul3A_405 : i32
        %shift_right_logical3A_407 = arith.constant 7 : i32
        %shift_right_logical3A_408 = arith.shrui %mul3A_406, %shift_right_logical3A_407 : i32
        %and3A_409 = arith.constant 127 : i32
        %and3A_410 = arith.andi %mul3A_406, %and3A_409 : i32
        %add3A_411 = vector.broadcast %mul3A_406 : i32 to vector<16xi32>
        %add3A_412 = arith.addi %add3A_411, %iota3A : vector<16xi32>
        %lt3A = vector.broadcast %min3A_155 : i32 to vector<16xi32>
        %lt3A_413 = arith.cmpi slt, %add3A_412, %lt3A : vector<16xi32>
        %get3A = arith.index_cast %shift_right_logical3A_408 : i32 to index
        %get3A_414 = arith.index_cast %and3A_410 : i32 to index
        %get3A_415 = tpu.vector_load %arg14[%get3A, %get3A_414] {strides = array<i32>} : memref<32x128xi32, #tpu.memory_space<vmem>>, vector<16xi32>,
        %get3A_416 = arith.index_cast %shift_right_logical3A_408 : i32 to index
        %get3A_417 = arith.index_cast %and3A_410 : i32 to index
        %get3A_418 = tpu.vector_load %arg15[%get3A_416, %get3A_417] {strides = array<i32>} : memref<32x128xf32, #tpu.memory_space<vmem>>, vector<16xf32>,
        %get3A_419 = arith.index_cast %shift_right_logical3A_408 : i32 to index
        %get3A_420 = arith.index_cast %and3A_410 : i32 to index
        %get3A_421 = tpu.vector_load %arg16[%get3A_419, %get3A_420] {strides = array<i32>} : memref<32x128xf32, #tpu.memory_space<vmem>>, vector<16xf32>,
        %jit3A_422 = arith.constant 16383 : i32
        %broadcast_in_dim3A_423 = vector.broadcast %jit3A_422 : i32 to vector<16xi32>
        %select_n3A_424 = arith.select %lt3A_413, %get3A_415, %broadcast_in_dim3A_423 : vector<16xi1>, vector<16xi32>
        %select_n3A_425 = arith.select %lt3A_413, %get3A_418, %broadcast_in_dim3A_1 : vector<16xi1>, vector<16xf32>
        %neg3A = arith.constant 0.000000e+00 : f32
        %neg3A_426 = vector.broadcast %neg3A : f32 to vector<16xf32>
        %neg3A_427 = arith.subf %neg3A_426, %broadcast_in_dim3A_1 : vector<16xf32>
        %select_n3A_428 = arith.select %lt3A_413, %get3A_421, %neg3A_427 : vector<16xi1>, vector<16xf32>
        %jit3A_429 = arith.constant 1.000000e+00 : f32
        %jit3A_430 = arith.constant 0.000000e+00 : f32
        %broadcast_in_dim3A_431 = vector.broadcast %jit3A_429 : f32 to vector<16xf32>
        %broadcast_in_dim3A_432 = vector.broadcast %jit3A_430 : f32 to vector<16xf32>
        %select_n3A_433 = arith.select %lt3A_413, %broadcast_in_dim3A_431, %broadcast_in_dim3A_432 : vector<16xi1>, vector<16xf32>
        tpu.vector_store_idx %arg9[%select_n3A_424], %select_n3A_433 {add = true} : memref<16384xf32, #tpu.memory_space<vmem>>[vector<16xi32>], vector<16xf32>,
        %jit3A_434 = arith.constant 0.000000e+00 : f32
        %broadcast_in_dim3A_435 = vector.broadcast %jit3A_434 : f32 to vector<16xf32>
        %select_n3A_436 = arith.select %lt3A_413, %select_n3A_425, %broadcast_in_dim3A_435 : vector<16xi1>, vector<16xf32>
        tpu.vector_store_idx %arg10[%select_n3A_424], %select_n3A_436 {add = true} : memref<16384xf32, #tpu.memory_space<vmem>>[vector<16xi32>], vector<16xf32>,
        %masked_sort3A = arith.constant dense<true> : vector<16xi1>
        %masked_sort3A_437 = arith.constant -2147483648 : i32
        %masked_sort3A_438 = vector.broadcast %masked_sort3A_437 : i32 to vector<16xi32>
        %masked_sort3A_439 = arith.xori %select_n3A_424, %masked_sort3A_438 : vector<16xi32>
        %masked_sort3A_440, %masked_sort3A_441, %masked_sort3A_442 = tpu.sort %masked_sort3A_439, %iota3A masked %masked_sort3A : (vector<16xi32>, vector<16xi32>, vector<16xi1>) -> (vector<16xi1>, vector<16xi32>, vector<16xi32>)
        %masked_sort3A_443 = arith.xori %masked_sort3A_441, %masked_sort3A_438 : vector<16xi32>
        %reshape3A = vector.shape_cast %masked_sort3A_442 : vector<16xi32> to vector<16x1xi32>
        %gather3A_444 = vector.shape_cast %reshape3A : vector<16x1xi32> to vector<16xi32>
        %gather3A_445 = tpu.dynamic_gather %select_n3A_425[%gather3A_444] in [0] : vector<16xf32>, vector<16xi32> -> vector<16xf32>
        %reshape3A_446 = vector.shape_cast %masked_sort3A_442 : vector<16xi32> to vector<16x1xi32>
        %gather3A_447 = vector.shape_cast %reshape3A_446 : vector<16x1xi32> to vector<16xi32>
        %gather3A_448 = tpu.dynamic_gather %select_n3A_428[%gather3A_447] in [0] : vector<16xf32>, vector<16xi32> -> vector<16xf32>
        %sub3A_449 = arith.constant 1 : i32
        %sub3A_450 = vector.broadcast %sub3A_449 : i32 to vector<16xi32>
        %sub3A_451 = arith.subi %iota3A, %sub3A_450 : vector<16xi32>
        %max3A = arith.constant 0 : i32
        %max3A_452 = vector.broadcast %max3A : i32 to vector<16xi32>
        %max3A_453 = arith.maxsi %sub3A_451, %max3A_452 : vector<16xi32>
        %reshape3A_454 = vector.shape_cast %max3A_453 : vector<16xi32> to vector<16x1xi32>
        %gather3A_455 = vector.shape_cast %reshape3A_454 : vector<16x1xi32> to vector<16xi32>
        %gather3A_456 = tpu.dynamic_gather %masked_sort3A_443[%gather3A_455] in [0] : vector<16xi32>, vector<16xi32> -> vector<16xi32>
        %eq3A = arith.cmpi eq, %masked_sort3A_443, %gather3A_456 : vector<16xi32>
        %ge3A = arith.constant 1 : i32
        %ge3A_457 = vector.broadcast %ge3A : i32 to vector<16xi32>
        %ge3A_458 = arith.cmpi sge, %iota3A, %ge3A_457 : vector<16xi32>
        %and3A_459 = arith.andi %eq3A, %ge3A_458 : vector<16xi1>
        %reshape3A_460 = vector.shape_cast %max3A_453 : vector<16xi32> to vector<16x1xi32>
        %gather3A_461 = vector.shape_cast %reshape3A_460 : vector<16x1xi32> to vector<16xi32>
        %gather3A_462 = tpu.dynamic_gather %gather3A_445[%gather3A_461] in [0] : vector<16xf32>, vector<16xi32> -> vector<16xf32>
        %min3A_463 = arith.minimumf %gather3A_445, %gather3A_462 : vector<16xf32>
        %select_n3A_464 = arith.select %and3A_459, %min3A_463, %gather3A_445 : vector<16xi1>, vector<16xf32>
        %reshape3A_465 = vector.shape_cast %max3A_453 : vector<16xi32> to vector<16x1xi32>
        %gather3A_466 = vector.shape_cast %reshape3A_465 : vector<16x1xi32> to vector<16xi32>
        %gather3A_467 = tpu.dynamic_gather %gather3A_448[%gather3A_466] in [0] : vector<16xf32>, vector<16xi32> -> vector<16xf32>
        %max3A_468 = arith.maximumf %gather3A_448, %gather3A_467 : vector<16xf32>
        %select_n3A_469 = arith.select %and3A_459, %max3A_468, %gather3A_448 : vector<16xi1>, vector<16xf32>
        %sub3A_470 = arith.constant 2 : i32
        %sub3A_471 = vector.broadcast %sub3A_470 : i32 to vector<16xi32>
        %sub3A_472 = arith.subi %iota3A, %sub3A_471 : vector<16xi32>
        %max3A_473 = arith.constant 0 : i32
        %max3A_474 = vector.broadcast %max3A_473 : i32 to vector<16xi32>
        %max3A_475 = arith.maxsi %sub3A_472, %max3A_474 : vector<16xi32>
        %reshape3A_476 = vector.shape_cast %max3A_475 : vector<16xi32> to vector<16x1xi32>
        %gather3A_477 = vector.shape_cast %reshape3A_476 : vector<16x1xi32> to vector<16xi32>
        %gather3A_478 = tpu.dynamic_gather %masked_sort3A_443[%gather3A_477] in [0] : vector<16xi32>, vector<16xi32> -> vector<16xi32>
        %eq3A_479 = arith.cmpi eq, %masked_sort3A_443, %gather3A_478 : vector<16xi32>
        %ge3A_480 = arith.constant 2 : i32
        %ge3A_481 = vector.broadcast %ge3A_480 : i32 to vector<16xi32>
        %ge3A_482 = arith.cmpi sge, %iota3A, %ge3A_481 : vector<16xi32>
        %and3A_483 = arith.andi %eq3A_479, %ge3A_482 : vector<16xi1>
        %reshape3A_484 = vector.shape_cast %max3A_475 : vector<16xi32> to vector<16x1xi32>
        %gather3A_485 = vector.shape_cast %reshape3A_484 : vector<16x1xi32> to vector<16xi32>
        %gather3A_486 = tpu.dynamic_gather %select_n3A_464[%gather3A_485] in [0] : vector<16xf32>, vector<16xi32> -> vector<16xf32>
        %min3A_487 = arith.minimumf %select_n3A_464, %gather3A_486 : vector<16xf32>
        %select_n3A_488 = arith.select %and3A_483, %min3A_487, %select_n3A_464 : vector<16xi1>, vector<16xf32>
        %reshape3A_489 = vector.shape_cast %max3A_475 : vector<16xi32> to vector<16x1xi32>
        %gather3A_490 = vector.shape_cast %reshape3A_489 : vector<16x1xi32> to vector<16xi32>
        %gather3A_491 = tpu.dynamic_gather %select_n3A_469[%gather3A_490] in [0] : vector<16xf32>, vector<16xi32> -> vector<16xf32>
        %max3A_492 = arith.maximumf %select_n3A_469, %gather3A_491 : vector<16xf32>
        %select_n3A_493 = arith.select %and3A_483, %max3A_492, %select_n3A_469 : vector<16xi1>, vector<16xf32>
        %sub3A_494 = arith.constant 4 : i32
        %sub3A_495 = vector.broadcast %sub3A_494 : i32 to vector<16xi32>
        %sub3A_496 = arith.subi %iota3A, %sub3A_495 : vector<16xi32>
        %max3A_497 = arith.constant 0 : i32
        %max3A_498 = vector.broadcast %max3A_497 : i32 to vector<16xi32>
        %max3A_499 = arith.maxsi %sub3A_496, %max3A_498 : vector<16xi32>
        %reshape3A_500 = vector.shape_cast %max3A_499 : vector<16xi32> to vector<16x1xi32>
        %gather3A_501 = vector.shape_cast %reshape3A_500 : vector<16x1xi32> to vector<16xi32>
        %gather3A_502 = tpu.dynamic_gather %masked_sort3A_443[%gather3A_501] in [0] : vector<16xi32>, vector<16xi32> -> vector<16xi32>
        %eq3A_503 = arith.cmpi eq, %masked_sort3A_443, %gather3A_502 : vector<16xi32>
        %ge3A_504 = arith.constant 4 : i32
        %ge3A_505 = vector.broadcast %ge3A_504 : i32 to vector<16xi32>
        %ge3A_506 = arith.cmpi sge, %iota3A, %ge3A_505 : vector<16xi32>
        %and3A_507 = arith.andi %eq3A_503, %ge3A_506 : vector<16xi1>
        %reshape3A_508 = vector.shape_cast %max3A_499 : vector<16xi32> to vector<16x1xi32>
        %gather3A_509 = vector.shape_cast %reshape3A_508 : vector<16x1xi32> to vector<16xi32>
        %gather3A_510 = tpu.dynamic_gather %select_n3A_488[%gather3A_509] in [0] : vector<16xf32>, vector<16xi32> -> vector<16xf32>
        %min3A_511 = arith.minimumf %select_n3A_488, %gather3A_510 : vector<16xf32>
        %select_n3A_512 = arith.select %and3A_507, %min3A_511, %select_n3A_488 : vector<16xi1>, vector<16xf32>
        %reshape3A_513 = vector.shape_cast %max3A_499 : vector<16xi32> to vector<16x1xi32>
        %gather3A_514 = vector.shape_cast %reshape3A_513 : vector<16x1xi32> to vector<16xi32>
        %gather3A_515 = tpu.dynamic_gather %select_n3A_493[%gather3A_514] in [0] : vector<16xf32>, vector<16xi32> -> vector<16xf32>
        %max3A_516 = arith.maximumf %select_n3A_493, %gather3A_515 : vector<16xf32>
        %select_n3A_517 = arith.select %and3A_507, %max3A_516, %select_n3A_493 : vector<16xi1>, vector<16xf32>
        %sub3A_518 = arith.constant 8 : i32
        %sub3A_519 = vector.broadcast %sub3A_518 : i32 to vector<16xi32>
        %sub3A_520 = arith.subi %iota3A, %sub3A_519 : vector<16xi32>
        %max3A_521 = arith.constant 0 : i32
        %max3A_522 = vector.broadcast %max3A_521 : i32 to vector<16xi32>
        %max3A_523 = arith.maxsi %sub3A_520, %max3A_522 : vector<16xi32>
        %reshape3A_524 = vector.shape_cast %max3A_523 : vector<16xi32> to vector<16x1xi32>
        %gather3A_525 = vector.shape_cast %reshape3A_524 : vector<16x1xi32> to vector<16xi32>
        %gather3A_526 = tpu.dynamic_gather %masked_sort3A_443[%gather3A_525] in [0] : vector<16xi32>, vector<16xi32> -> vector<16xi32>
        %eq3A_527 = arith.cmpi eq, %masked_sort3A_443, %gather3A_526 : vector<16xi32>
        %ge3A_528 = arith.constant 8 : i32
        %ge3A_529 = vector.broadcast %ge3A_528 : i32 to vector<16xi32>
        %ge3A_530 = arith.cmpi sge, %iota3A, %ge3A_529 : vector<16xi32>
        %and3A_531 = arith.andi %eq3A_527, %ge3A_530 : vector<16xi1>
        %reshape3A_532 = vector.shape_cast %max3A_523 : vector<16xi32> to vector<16x1xi32>
        %gather3A_533 = vector.shape_cast %reshape3A_532 : vector<16x1xi32> to vector<16xi32>
        %gather3A_534 = tpu.dynamic_gather %select_n3A_512[%gather3A_533] in [0] : vector<16xf32>, vector<16xi32> -> vector<16xf32>
        %min3A_535 = arith.minimumf %select_n3A_512, %gather3A_534 : vector<16xf32>
        %select_n3A_536 = arith.select %and3A_531, %min3A_535, %select_n3A_512 : vector<16xi1>, vector<16xf32>
        %reshape3A_537 = vector.shape_cast %max3A_523 : vector<16xi32> to vector<16x1xi32>
        %gather3A_538 = vector.shape_cast %reshape3A_537 : vector<16x1xi32> to vector<16xi32>
        %gather3A_539 = tpu.dynamic_gather %select_n3A_517[%gather3A_538] in [0] : vector<16xf32>, vector<16xi32> -> vector<16xf32>
        %max3A_540 = arith.maximumf %select_n3A_517, %gather3A_539 : vector<16xf32>
        %select_n3A_541 = arith.select %and3A_531, %max3A_540, %select_n3A_517 : vector<16xi1>, vector<16xf32>
        %add3A_542 = arith.constant 1 : i32
        %add3A_543 = vector.broadcast %add3A_542 : i32 to vector<16xi32>
        %add3A_544 = arith.addi %iota3A, %add3A_543 : vector<16xi32>
        %min3A_545 = arith.constant 15 : i32
        %min3A_546 = vector.broadcast %min3A_545 : i32 to vector<16xi32>
        %min3A_547 = arith.minsi %add3A_544, %min3A_546 : vector<16xi32>
        %reshape3A_548 = vector.shape_cast %min3A_547 : vector<16xi32> to vector<16x1xi32>
        %gather3A_549 = vector.shape_cast %reshape3A_548 : vector<16x1xi32> to vector<16xi32>
        %gather3A_550 = tpu.dynamic_gather %masked_sort3A_443[%gather3A_549] in [0] : vector<16xi32>, vector<16xi32> -> vector<16xi32>
        %eq3A_551 = arith.constant 15 : i32
        %eq3A_552 = vector.broadcast %eq3A_551 : i32 to vector<16xi32>
        %eq3A_553 = arith.cmpi eq, %iota3A, %eq3A_552 : vector<16xi32>
        %ne3A_554 = arith.cmpi ne, %masked_sort3A_443, %gather3A_550 : vector<16xi32>
        %or3A = arith.ori %eq3A_553, %ne3A_554 : vector<16xi1>
        %gather3A_555 = tpu.vector_load_idx %arg11[%masked_sort3A_443] : memref<16384xf32, #tpu.memory_space<vmem>>[vector<16xi32>], vector<16xf32>,
        %gather3A_556 = tpu.vector_load_idx %arg12[%masked_sort3A_443] : memref<16384xf32, #tpu.memory_space<vmem>>[vector<16xi32>], vector<16xf32>,
        %max3A_557 = arith.maximumf %gather3A_555, %select_n3A_541 : vector<16xf32>
        tpu.vector_store_idx %arg11[%masked_sort3A_443], %max3A_557 masked %or3A : memref<16384xf32, #tpu.memory_space<vmem>>[vector<16xi32>], vector<16xf32>, vector<16xi1>
        %min3A_558 = arith.minimumf %gather3A_556, %select_n3A_536 : vector<16xf32>
        tpu.vector_store_idx %arg12[%masked_sort3A_443], %min3A_558 masked %or3A : memref<16384xf32, #tpu.memory_space<vmem>>[vector<16xi32>], vector<16xf32>, vector<16xi1>
        %while3A_559 = arith.constant 0 : i32
        scf.yield %while3A_559 : i32
      }
      %while3A_297 = arith.constant 4096 : i32
      %while3A_298 = scf.while (%while3A_403 = %while3A_297) : (i32) -> i32 {
        %lt3A = arith.cmpi slt, %while3A_403, %add3A_152 : i32
        scf.condition(%lt3A) %while3A_403 : i32
      } do {
      ^bb0(%while3A_403: i32):
        %sub3A_404 = arith.subi %add3A_152, %while3A_403 : i32
        %min3A_405 = arith.constant 4096 : i32
        %min3A_406 = arith.minsi %sub3A_404, %min3A_405 : i32
        %scan3A_407 = arith.constant 0 : i32
        %scan3A_408 = arith.constant 0 : i32
        %scan3A_409 = arith.constant 16 : i32
        %scan3A_410 = arith.addi %scan3A_408, %scan3A_409 : i32
        %scan3A_411 = arith.constant 1 : i32
        %scan3A_412 = scf.for %scan3A_548 = %scan3A_408 to %scan3A_410 step %scan3A_411 iter_args(%scan3A_549 = %scan3A_407) -> (i32)  : i32 {
          %iota3A_550 = tpu.iota {dimensions = array<i32: 0>} : vector<16xi32>
          %eq3A = vector.broadcast %scan3A_548 : i32 to vector<16xi32>
          %eq3A_551 = arith.cmpi eq, %iota3A_550, %eq3A : vector<16xi32>
          %jit3A_552 = arith.constant 0 : i32
          %broadcast_in_dim3A_553 = vector.broadcast %jit3A_552 : i32 to vector<16xi32>
          %select_n3A_554 = arith.select %eq3A_551, %sub3A, %broadcast_in_dim3A_553 : vector<16xi1>, vector<16xi32>
          %reduce_sum3A_555 = arith.constant true
          %reduce_sum3A_556 = vector.broadcast %reduce_sum3A_555 : i1 to vector<16xi1>
          %reduce_sum3A_557 = tpu.scan <sum>, %select_n3A_554 masked %reduce_sum3A_556 : vector<16xi32>, vector<16xi1> -> vector<16xi32>
          %reduce_sum3A_558 = vector.extract %reduce_sum3A_557[15] : i32 from vector<16xi32>
          %iota3A_559 = tpu.iota {dimensions = array<i32: 0>} : vector<16xi32>
          %eq3A_560 = vector.broadcast %scan3A_548 : i32 to vector<16xi32>
          %eq3A_561 = arith.cmpi eq, %iota3A_559, %eq3A_560 : vector<16xi32>
          %jit3A_562 = arith.constant 0 : i32
          %broadcast_in_dim3A_563 = vector.broadcast %jit3A_562 : i32 to vector<16xi32>
          %select_n3A_564 = arith.select %eq3A_561, %gather3A, %broadcast_in_dim3A_563 : vector<16xi1>, vector<16xi32>
          %reduce_sum3A_565 = arith.constant true
          %reduce_sum3A_566 = vector.broadcast %reduce_sum3A_565 : i1 to vector<16xi1>
          %reduce_sum3A_567 = tpu.scan <sum>, %select_n3A_564 masked %reduce_sum3A_566 : vector<16xi32>, vector<16xi1> -> vector<16xi32>
          %reduce_sum3A_568 = vector.extract %reduce_sum3A_567[15] : i32 from vector<16xi32>
          %iota3A_569 = tpu.iota {dimensions = array<i32: 0>} : vector<16xi32>
          %eq3A_570 = vector.broadcast %scan3A_548 : i32 to vector<16xi32>
          %eq3A_571 = arith.cmpi eq, %iota3A_569, %eq3A_570 : vector<16xi32>
          %jit3A_572 = arith.constant 0 : i32
          %broadcast_in_dim3A_573 = vector.broadcast %jit3A_572 : i32 to vector<16xi32>
          %select_n3A_574 = arith.select %eq3A_571, %add3A_120, %broadcast_in_dim3A_573 : vector<16xi1>, vector<16xi32>
          %reduce_sum3A_575 = arith.constant true
          %reduce_sum3A_576 = vector.broadcast %reduce_sum3A_575 : i1 to vector<16xi1>
          %reduce_sum3A_577 = tpu.scan <sum>, %select_n3A_574 masked %reduce_sum3A_576 : vector<16xi32>, vector<16xi1> -> vector<16xi32>
          %reduce_sum3A_578 = vector.extract %reduce_sum3A_577[15] : i32 from vector<16xi32>
          %add3A_579 = arith.constant 0 : i32
          %add3A_580 = arith.addi %add3A_579, %scan3A_548 : i32
          %mul3A_581 = arith.constant 18752 : i32
          %mul3A_582 = arith.muli %add3A_580, %mul3A_581 : i32
          %add3A_583 = arith.addi %mul3A_582, %reduce_sum3A_568 : i32
          %add3A_584 = arith.constant 15 : i32
          %add3A_585 = arith.addi %reduce_sum3A_558, %add3A_584 : i32
          %jit3A_586 = arith.constant 16 : i32
          %div3A_587 = arith.divsi %add3A_585, %jit3A_586 : i32
          %sign3A_588 = arith.constant 0 : i32
          %sign3A_589 = arith.cmpi sgt, %add3A_585, %sign3A_588 : i32
          %sign3A_590 = arith.extui %sign3A_589 : i1 to i32
          %sign3A_591 = arith.constant 0 : i32
          %sign3A_592 = arith.cmpi slt, %add3A_585, %sign3A_591 : i32
          %sign3A_593 = arith.extui %sign3A_592 : i1 to i32
          %sign3A_594 = arith.subi %sign3A_590, %sign3A_593 : i32
          %sign3A_595 = arith.constant 0 : i32
          %sign3A_596 = arith.cmpi sgt, %jit3A_586, %sign3A_595 : i32
          %sign3A_597 = arith.extui %sign3A_596 : i1 to i32
          %sign3A_598 = arith.constant 0 : i32
          %sign3A_599 = arith.cmpi slt, %jit3A_586, %sign3A_598 : i32
          %sign3A_600 = arith.extui %sign3A_599 : i1 to i32
          %sign3A_601 = arith.subi %sign3A_597, %sign3A_600 : i32
          %ne3A_602 = arith.cmpi ne, %sign3A_594, %sign3A_601 : i32
          %rem3A_603 = arith.remsi %add3A_585, %jit3A_586 : i32
          %ne3A_604 = arith.constant 0 : i32
          %ne3A_605 = arith.cmpi ne, %rem3A_603, %ne3A_604 : i32
          %and3A_606 = arith.andi %ne3A_602, %ne3A_605 : i1
          %sub3A_607 = arith.constant 1 : i32
          %sub3A_608 = arith.subi %div3A_587, %sub3A_607 : i32
          %select_n3A_609 = arith.select %and3A_606, %sub3A_608, %div3A_587 : i32
          %while3A_610 = arith.constant 0 : i32
          %while3A_611 = arith.constant 0 : i32
          %while3A_612 = arith.subi %select_n3A_609, %while3A_610 : i32
          %while3A_613 = arith.addi %while3A_610, %while3A_612 : i32
          %while3A_614 = arith.constant 1 : i32
          %while3A_615 = arith.divsi %while3A_612, %while3A_614 : i32
          %while3A_616 = arith.muli %while3A_615, %while3A_614 : i32
          %while3A_617 = arith.addi %while3A_610, %while3A_616 : i32
          %while3A_618 = arith.constant 1 : i32
          %while3A_619 = scf.for %while3A_623 = %while3A_610 to %while3A_617 step %while3A_618 iter_args(%while3A_624 = %while3A_611) -> (i32)  : i32 {
            %mul3A_625 = arith.constant 16 : i32
            %mul3A_626 = arith.muli %while3A_623, %mul3A_625 : i32
            %add3A_627 = vector.broadcast %mul3A_626 : i32 to vector<16xi32>
            %add3A_628 = arith.addi %add3A_627, %iota3A : vector<16xi32>
            %add3A_629 = vector.broadcast %reduce_sum3A_578 : i32 to vector<16xi32>
            %add3A_630 = arith.addi %add3A_629, %add3A_628 : vector<16xi32>
            %sub3A_631 = vector.broadcast %while3A_403 : i32 to vector<16xi32>
            %sub3A_632 = arith.subi %add3A_630, %sub3A_631 : vector<16xi32>
            %shift_right_logical3A_633 = arith.constant 7 : i32
            %shift_right_logical3A_634 = vector.broadcast %shift_right_logical3A_633 : i32 to vector<16xi32>
            %shift_right_logical3A_635 = arith.shrui %sub3A_632, %shift_right_logical3A_634 : vector<16xi32>
            %and3A_636 = arith.constant 127 : i32
            %and3A_637 = vector.broadcast %and3A_636 : i32 to vector<16xi32>
            %and3A_638 = arith.andi %sub3A_632, %and3A_637 : vector<16xi32>
            %add3A_639 = vector.broadcast %add3A_583 : i32 to vector<16xi32>
            %add3A_640 = arith.addi %add3A_639, %add3A_628 : vector<16xi32>
            %lt3A = vector.broadcast %reduce_sum3A_558 : i32 to vector<16xi32>
            %lt3A_641 = arith.cmpi slt, %add3A_628, %lt3A : vector<16xi32>
            %ge3A = arith.constant 0 : i32
            %ge3A_642 = vector.broadcast %ge3A : i32 to vector<16xi32>
            %ge3A_643 = arith.cmpi sge, %sub3A_632, %ge3A_642 : vector<16xi32>
            %and3A_644 = arith.andi %lt3A_641, %ge3A_643 : vector<16xi1>
            %lt3A_645 = arith.constant 4096 : i32
            %lt3A_646 = vector.broadcast %lt3A_645 : i32 to vector<16xi32>
            %lt3A_647 = arith.cmpi slt, %sub3A_632, %lt3A_646 : vector<16xi32>
            %and3A_648 = arith.andi %and3A_644, %lt3A_647 : vector<16xi1>
            tpu.vector_store_idx %arg13[%shift_right_logical3A_635, %and3A_638], %add3A_640 masked %and3A_648 : memref<32x128xi32, #tpu.memory_space<vmem>>[vector<16xi32>, vector<16xi32>], vector<16xi32>, vector<16xi1>
            %while3A_649 = arith.constant 0 : i32
            scf.yield %while3A_649 : i32
          }
          %while3A_620 = arith.constant 1 : i32
          %while3A_621 = scf.for %while3A_623 = %while3A_617 to %while3A_613 step %while3A_620 iter_args(%while3A_624 = %while3A_619) -> (i32)  : i32 {
            %mul3A_625 = arith.constant 16 : i32
            %mul3A_626 = arith.muli %while3A_623, %mul3A_625 : i32
            %add3A_627 = vector.broadcast %mul3A_626 : i32 to vector<16xi32>
            %add3A_628 = arith.addi %add3A_627, %iota3A : vector<16xi32>
            %add3A_629 = vector.broadcast %reduce_sum3A_578 : i32 to vector<16xi32>
            %add3A_630 = arith.addi %add3A_629, %add3A_628 : vector<16xi32>
            %sub3A_631 = vector.broadcast %while3A_403 : i32 to vector<16xi32>
            %sub3A_632 = arith.subi %add3A_630, %sub3A_631 : vector<16xi32>
            %shift_right_logical3A_633 = arith.constant 7 : i32
            %shift_right_logical3A_634 = vector.broadcast %shift_right_logical3A_633 : i32 to vector<16xi32>
            %shift_right_logical3A_635 = arith.shrui %sub3A_632, %shift_right_logical3A_634 : vector<16xi32>
            %and3A_636 = arith.constant 127 : i32
            %and3A_637 = vector.broadcast %and3A_636 : i32 to vector<16xi32>
            %and3A_638 = arith.andi %sub3A_632, %and3A_637 : vector<16xi32>
            %add3A_639 = vector.broadcast %add3A_583 : i32 to vector<16xi32>
            %add3A_640 = arith.addi %add3A_639, %add3A_628 : vector<16xi32>
            %lt3A = vector.broadcast %reduce_sum3A_558 : i32 to vector<16xi32>
            %lt3A_641 = arith.cmpi slt, %add3A_628, %lt3A : vector<16xi32>
            %ge3A = arith.constant 0 : i32
            %ge3A_642 = vector.broadcast %ge3A : i32 to vector<16xi32>
            %ge3A_643 = arith.cmpi sge, %sub3A_632, %ge3A_642 : vector<16xi32>
            %and3A_644 = arith.andi %lt3A_641, %ge3A_643 : vector<16xi1>
            %lt3A_645 = arith.constant 4096 : i32
            %lt3A_646 = vector.broadcast %lt3A_645 : i32 to vector<16xi32>
            %lt3A_647 = arith.cmpi slt, %sub3A_632, %lt3A_646 : vector<16xi32>
            %and3A_648 = arith.andi %and3A_644, %lt3A_647 : vector<16xi1>
            tpu.vector_store_idx %arg13[%shift_right_logical3A_635, %and3A_638], %add3A_640 masked %and3A_648 : memref<32x128xi32, #tpu.memory_space<vmem>>[vector<16xi32>, vector<16xi32>], vector<16xi32>, vector<16xi1>
            %while3A_649 = arith.constant 0 : i32
            scf.yield %while3A_649 : i32
          }
          %scan3A_622 = arith.constant 0 : i32
          scf.yield %scan3A_622 : i32
        }
        %scan3A_413 = arith.constant 16 : i32
        %scan3A_414 = arith.constant 0 : i32
        %scan3A_415 = arith.constant 0 : i32
        %scan3A_416 = arith.constant 16 : i32
        %scan3A_417 = arith.addi %scan3A_415, %scan3A_416 : i32
        %scan3A_418 = arith.constant 1 : i32
        %scan3A_419 = scf.for %scan3A_548 = %scan3A_415 to %scan3A_417 step %scan3A_418 iter_args(%scan3A_549 = %scan3A_414) -> (i32)  : i32 {
          %iota3A_550 = tpu.iota {dimensions = array<i32: 0>} : vector<16xi32>
          %eq3A = vector.broadcast %scan3A_548 : i32 to vector<16xi32>
          %eq3A_551 = arith.cmpi eq, %iota3A_550, %eq3A : vector<16xi32>
          %jit3A_552 = arith.constant 0 : i32
          %broadcast_in_dim3A_553 = vector.broadcast %jit3A_552 : i32 to vector<16xi32>
          %select_n3A_554 = arith.select %eq3A_551, %sub3A_141, %broadcast_in_dim3A_553 : vector<16xi1>, vector<16xi32>
          %reduce_sum3A_555 = arith.constant true
          %reduce_sum3A_556 = vector.broadcast %reduce_sum3A_555 : i1 to vector<16xi1>
          %reduce_sum3A_557 = tpu.scan <sum>, %select_n3A_554 masked %reduce_sum3A_556 : vector<16xi32>, vector<16xi1> -> vector<16xi32>
          %reduce_sum3A_558 = vector.extract %reduce_sum3A_557[15] : i32 from vector<16xi32>
          %iota3A_559 = tpu.iota {dimensions = array<i32: 0>} : vector<16xi32>
          %eq3A_560 = vector.broadcast %scan3A_548 : i32 to vector<16xi32>
          %eq3A_561 = arith.cmpi eq, %iota3A_559, %eq3A_560 : vector<16xi32>
          %jit3A_562 = arith.constant 0 : i32
          %broadcast_in_dim3A_563 = vector.broadcast %jit3A_562 : i32 to vector<16xi32>
          %select_n3A_564 = arith.select %eq3A_561, %gather3A_134, %broadcast_in_dim3A_563 : vector<16xi1>, vector<16xi32>
          %reduce_sum3A_565 = arith.constant true
          %reduce_sum3A_566 = vector.broadcast %reduce_sum3A_565 : i1 to vector<16xi1>
          %reduce_sum3A_567 = tpu.scan <sum>, %select_n3A_564 masked %reduce_sum3A_566 : vector<16xi32>, vector<16xi1> -> vector<16xi32>
          %reduce_sum3A_568 = vector.extract %reduce_sum3A_567[15] : i32 from vector<16xi32>
          %iota3A_569 = tpu.iota {dimensions = array<i32: 0>} : vector<16xi32>
          %eq3A_570 = vector.broadcast %scan3A_548 : i32 to vector<16xi32>
          %eq3A_571 = arith.cmpi eq, %iota3A_569, %eq3A_570 : vector<16xi32>
          %jit3A_572 = arith.constant 0 : i32
          %broadcast_in_dim3A_573 = vector.broadcast %jit3A_572 : i32 to vector<16xi32>
          %select_n3A_574 = arith.select %eq3A_571, %add3A_147, %broadcast_in_dim3A_573 : vector<16xi1>, vector<16xi32>
          %reduce_sum3A_575 = arith.constant true
          %reduce_sum3A_576 = vector.broadcast %reduce_sum3A_575 : i1 to vector<16xi1>
          %reduce_sum3A_577 = tpu.scan <sum>, %select_n3A_574 masked %reduce_sum3A_576 : vector<16xi32>, vector<16xi1> -> vector<16xi32>
          %reduce_sum3A_578 = vector.extract %reduce_sum3A_577[15] : i32 from vector<16xi32>
          %add3A_579 = arith.constant 16 : i32
          %add3A_580 = arith.addi %add3A_579, %scan3A_548 : i32
          %mul3A_581 = arith.constant 18752 : i32
          %mul3A_582 = arith.muli %add3A_580, %mul3A_581 : i32
          %add3A_583 = arith.addi %mul3A_582, %reduce_sum3A_568 : i32
          %add3A_584 = arith.constant 15 : i32
          %add3A_585 = arith.addi %reduce_sum3A_558, %add3A_584 : i32
          %jit3A_586 = arith.constant 16 : i32
          %div3A_587 = arith.divsi %add3A_585, %jit3A_586 : i32
          %sign3A_588 = arith.constant 0 : i32
          %sign3A_589 = arith.cmpi sgt, %add3A_585, %sign3A_588 : i32
          %sign3A_590 = arith.extui %sign3A_589 : i1 to i32
          %sign3A_591 = arith.constant 0 : i32
          %sign3A_592 = arith.cmpi slt, %add3A_585, %sign3A_591 : i32
          %sign3A_593 = arith.extui %sign3A_592 : i1 to i32
          %sign3A_594 = arith.subi %sign3A_590, %sign3A_593 : i32
          %sign3A_595 = arith.constant 0 : i32
          %sign3A_596 = arith.cmpi sgt, %jit3A_586, %sign3A_595 : i32
          %sign3A_597 = arith.extui %sign3A_596 : i1 to i32
          %sign3A_598 = arith.constant 0 : i32
          %sign3A_599 = arith.cmpi slt, %jit3A_586, %sign3A_598 : i32
          %sign3A_600 = arith.extui %sign3A_599 : i1 to i32
          %sign3A_601 = arith.subi %sign3A_597, %sign3A_600 : i32
          %ne3A_602 = arith.cmpi ne, %sign3A_594, %sign3A_601 : i32
          %rem3A_603 = arith.remsi %add3A_585, %jit3A_586 : i32
          %ne3A_604 = arith.constant 0 : i32
          %ne3A_605 = arith.cmpi ne, %rem3A_603, %ne3A_604 : i32
          %and3A_606 = arith.andi %ne3A_602, %ne3A_605 : i1
          %sub3A_607 = arith.constant 1 : i32
          %sub3A_608 = arith.subi %div3A_587, %sub3A_607 : i32
          %select_n3A_609 = arith.select %and3A_606, %sub3A_608, %div3A_587 : i32
          %while3A_610 = arith.constant 0 : i32
          %while3A_611 = arith.constant 0 : i32
          %while3A_612 = arith.subi %select_n3A_609, %while3A_610 : i32
          %while3A_613 = arith.addi %while3A_610, %while3A_612 : i32
          %while3A_614 = arith.constant 1 : i32
          %while3A_615 = arith.divsi %while3A_612, %while3A_614 : i32
          %while3A_616 = arith.muli %while3A_615, %while3A_614 : i32
          %while3A_617 = arith.addi %while3A_610, %while3A_616 : i32
          %while3A_618 = arith.constant 1 : i32
          %while3A_619 = scf.for %while3A_623 = %while3A_610 to %while3A_617 step %while3A_618 iter_args(%while3A_624 = %while3A_611) -> (i32)  : i32 {
            %mul3A_625 = arith.constant 16 : i32
            %mul3A_626 = arith.muli %while3A_623, %mul3A_625 : i32
            %add3A_627 = vector.broadcast %mul3A_626 : i32 to vector<16xi32>
            %add3A_628 = arith.addi %add3A_627, %iota3A : vector<16xi32>
            %add3A_629 = vector.broadcast %reduce_sum3A_578 : i32 to vector<16xi32>
            %add3A_630 = arith.addi %add3A_629, %add3A_628 : vector<16xi32>
            %sub3A_631 = vector.broadcast %while3A_403 : i32 to vector<16xi32>
            %sub3A_632 = arith.subi %add3A_630, %sub3A_631 : vector<16xi32>
            %shift_right_logical3A_633 = arith.constant 7 : i32
            %shift_right_logical3A_634 = vector.broadcast %shift_right_logical3A_633 : i32 to vector<16xi32>
            %shift_right_logical3A_635 = arith.shrui %sub3A_632, %shift_right_logical3A_634 : vector<16xi32>
            %and3A_636 = arith.constant 127 : i32
            %and3A_637 = vector.broadcast %and3A_636 : i32 to vector<16xi32>
            %and3A_638 = arith.andi %sub3A_632, %and3A_637 : vector<16xi32>
            %add3A_639 = vector.broadcast %add3A_583 : i32 to vector<16xi32>
            %add3A_640 = arith.addi %add3A_639, %add3A_628 : vector<16xi32>
            %lt3A = vector.broadcast %reduce_sum3A_558 : i32 to vector<16xi32>
            %lt3A_641 = arith.cmpi slt, %add3A_628, %lt3A : vector<16xi32>
            %ge3A = arith.constant 0 : i32
            %ge3A_642 = vector.broadcast %ge3A : i32 to vector<16xi32>
            %ge3A_643 = arith.cmpi sge, %sub3A_632, %ge3A_642 : vector<16xi32>
            %and3A_644 = arith.andi %lt3A_641, %ge3A_643 : vector<16xi1>
            %lt3A_645 = arith.constant 4096 : i32
            %lt3A_646 = vector.broadcast %lt3A_645 : i32 to vector<16xi32>
            %lt3A_647 = arith.cmpi slt, %sub3A_632, %lt3A_646 : vector<16xi32>
            %and3A_648 = arith.andi %and3A_644, %lt3A_647 : vector<16xi1>
            tpu.vector_store_idx %arg13[%shift_right_logical3A_635, %and3A_638], %add3A_640 masked %and3A_648 : memref<32x128xi32, #tpu.memory_space<vmem>>[vector<16xi32>, vector<16xi32>], vector<16xi32>, vector<16xi1>
            %while3A_649 = arith.constant 0 : i32
            scf.yield %while3A_649 : i32
          }
          %while3A_620 = arith.constant 1 : i32
          %while3A_621 = scf.for %while3A_623 = %while3A_617 to %while3A_613 step %while3A_620 iter_args(%while3A_624 = %while3A_619) -> (i32)  : i32 {
            %mul3A_625 = arith.constant 16 : i32
            %mul3A_626 = arith.muli %while3A_623, %mul3A_625 : i32
            %add3A_627 = vector.broadcast %mul3A_626 : i32 to vector<16xi32>
            %add3A_628 = arith.addi %add3A_627, %iota3A : vector<16xi32>
            %add3A_629 = vector.broadcast %reduce_sum3A_578 : i32 to vector<16xi32>
            %add3A_630 = arith.addi %add3A_629, %add3A_628 : vector<16xi32>
            %sub3A_631 = vector.broadcast %while3A_403 : i32 to vector<16xi32>
            %sub3A_632 = arith.subi %add3A_630, %sub3A_631 : vector<16xi32>
            %shift_right_logical3A_633 = arith.constant 7 : i32
            %shift_right_logical3A_634 = vector.broadcast %shift_right_logical3A_633 : i32 to vector<16xi32>
            %shift_right_logical3A_635 = arith.shrui %sub3A_632, %shift_right_logical3A_634 : vector<16xi32>
            %and3A_636 = arith.constant 127 : i32
            %and3A_637 = vector.broadcast %and3A_636 : i32 to vector<16xi32>
            %and3A_638 = arith.andi %sub3A_632, %and3A_637 : vector<16xi32>
            %add3A_639 = vector.broadcast %add3A_583 : i32 to vector<16xi32>
            %add3A_640 = arith.addi %add3A_639, %add3A_628 : vector<16xi32>
            %lt3A = vector.broadcast %reduce_sum3A_558 : i32 to vector<16xi32>
            %lt3A_641 = arith.cmpi slt, %add3A_628, %lt3A : vector<16xi32>
            %ge3A = arith.constant 0 : i32
            %ge3A_642 = vector.broadcast %ge3A : i32 to vector<16xi32>
            %ge3A_643 = arith.cmpi sge, %sub3A_632, %ge3A_642 : vector<16xi32>
            %and3A_644 = arith.andi %lt3A_641, %ge3A_643 : vector<16xi1>
            %lt3A_645 = arith.constant 4096 : i32
            %lt3A_646 = vector.broadcast %lt3A_645 : i32 to vector<16xi32>
            %lt3A_647 = arith.cmpi slt, %sub3A_632, %lt3A_646 : vector<16xi32>
            %and3A_648 = arith.andi %and3A_644, %lt3A_647 : vector<16xi1>
            tpu.vector_store_idx %arg13[%shift_right_logical3A_635, %and3A_638], %add3A_640 masked %and3A_648 : memref<32x128xi32, #tpu.memory_space<vmem>>[vector<16xi32>, vector<16xi32>], vector<16xi32>, vector<16xi1>
            %while3A_649 = arith.constant 0 : i32
            scf.yield %while3A_649 : i32
          }
          %scan3A_622 = arith.constant 0 : i32
          scf.yield %scan3A_622 : i32
        }
        %scan3A_420 = arith.constant 16 : i32
        %add3A_421 = arith.constant 128 : i32
        %add3A_422 = arith.addi %min3A_406, %add3A_421 : i32
        %sub3A_423 = arith.constant 1 : i32
        %sub3A_424 = arith.subi %add3A_422, %sub3A_423 : i32
        %jit3A_425 = arith.constant 128 : i32
        %div3A_426 = arith.divsi %sub3A_424, %jit3A_425 : i32
        %sign3A_427 = arith.constant 0 : i32
        %sign3A_428 = arith.cmpi sgt, %sub3A_424, %sign3A_427 : i32
        %sign3A_429 = arith.extui %sign3A_428 : i1 to i32
        %sign3A_430 = arith.constant 0 : i32
        %sign3A_431 = arith.cmpi slt, %sub3A_424, %sign3A_430 : i32
        %sign3A_432 = arith.extui %sign3A_431 : i1 to i32
        %sign3A_433 = arith.subi %sign3A_429, %sign3A_432 : i32
        %sign3A_434 = arith.constant 0 : i32
        %sign3A_435 = arith.cmpi sgt, %jit3A_425, %sign3A_434 : i32
        %sign3A_436 = arith.extui %sign3A_435 : i1 to i32
        %sign3A_437 = arith.constant 0 : i32
        %sign3A_438 = arith.cmpi slt, %jit3A_425, %sign3A_437 : i32
        %sign3A_439 = arith.extui %sign3A_438 : i1 to i32
        %sign3A_440 = arith.subi %sign3A_436, %sign3A_439 : i32
        %ne3A_441 = arith.cmpi ne, %sign3A_433, %sign3A_440 : i32
        %rem3A_442 = arith.remsi %sub3A_424, %jit3A_425 : i32
        %ne3A_443 = arith.constant 0 : i32
        %ne3A_444 = arith.cmpi ne, %rem3A_442, %ne3A_443 : i32
        %and3A_445 = arith.andi %ne3A_441, %ne3A_444 : i1
        %sub3A_446 = arith.constant 1 : i32
        %sub3A_447 = arith.subi %div3A_426, %sub3A_446 : i32
        %select_n3A_448 = arith.select %and3A_445, %sub3A_447, %div3A_426 : i32
        %scan3A_449 = arith.constant 0 : i32
        %scan3A_450 = arith.constant 0 : i32
        %scan3A_451 = arith.constant 8 : i32
        %scan3A_452 = arith.addi %scan3A_450, %scan3A_451 : i32
        %scan3A_453 = arith.constant 1 : i32
        %scan3A_454 = scf.for %scan3A_548 = %scan3A_450 to %scan3A_452 step %scan3A_453 iter_args(%scan3A_549 = %scan3A_449) -> (i32)  : i32 {
          %mul3A_550 = arith.constant 16 : i32
          %mul3A_551 = arith.muli %scan3A_548, %mul3A_550 : i32
          %add3A_552 = arith.addi %min3A_406, %mul3A_551 : i32
          %add3A_553 = vector.broadcast %add3A_552 : i32 to vector<16xi32>
          %add3A_554 = arith.addi %add3A_553, %iota3A : vector<16xi32>
          %shift_right_logical3A_555 = arith.constant 7 : i32
          %shift_right_logical3A_556 = vector.broadcast %shift_right_logical3A_555 : i32 to vector<16xi32>
          %shift_right_logical3A_557 = arith.shrui %add3A_554, %shift_right_logical3A_556 : vector<16xi32>
          %and3A_558 = arith.constant 127 : i32
          %and3A_559 = vector.broadcast %and3A_558 : i32 to vector<16xi32>
          %and3A_560 = arith.andi %add3A_554, %and3A_559 : vector<16xi32>
          %broadcast_in_dim3A_561 = arith.constant 0 : i32
          %broadcast_in_dim3A_562 = vector.broadcast %broadcast_in_dim3A_561 : i32 to vector<16xi32>
          %mul3A_563 = arith.constant 128 : i32
          %mul3A_564 = arith.muli %select_n3A_448, %mul3A_563 : i32
          %lt3A = vector.broadcast %mul3A_564 : i32 to vector<16xi32>
          %lt3A_565 = arith.cmpi slt, %add3A_554, %lt3A : vector<16xi32>
          tpu.vector_store_idx %arg13[%shift_right_logical3A_557, %and3A_560], %broadcast_in_dim3A_562 masked %lt3A_565 : memref<32x128xi32, #tpu.memory_space<vmem>>[vector<16xi32>, vector<16xi32>], vector<16xi32>, vector<16xi1>
          %scan3A_566 = arith.constant 0 : i32
          scf.yield %scan3A_566 : i32
        }
        %scan3A_455 = arith.constant 8 : i32
        %while3A_456 = arith.constant 0 : i32
        %while3A_457 = arith.constant 0 : i32
        %while3A_458 = arith.subi %select_n3A_448, %while3A_456 : i32
        %while3A_459 = arith.addi %while3A_456, %while3A_458 : i32
        %while3A_460 = arith.constant 1 : i32
        %while3A_461 = arith.divsi %while3A_458, %while3A_460 : i32
        %while3A_462 = arith.muli %while3A_461, %while3A_460 : i32
        %while3A_463 = arith.addi %while3A_456, %while3A_462 : i32
        %while3A_464 = arith.constant 1 : i32
        %while3A_465 = scf.for %while3A_548 = %while3A_456 to %while3A_463 step %while3A_464 iter_args(%while3A_549 = %while3A_457) -> (i32)  : i32 {
          %dma_start3A_550 = arith.constant 0 : i32
          %dma_start3A_551 = tpu.memref_slice %arg14[%while3A_548, %dma_start3A_550] : memref<32x128xi32, #tpu.memory_space<vmem>> -> memref<1x128xi32, #tpu.memory_space<vmem>>
          %dma_start3A_552 = tpu.memref_squeeze %dma_start3A_551 : memref<1x128xi32, #tpu.memory_space<vmem>> -> memref<128xi32, #tpu.memory_space<vmem>>
          %dma_start3A_553 = arith.constant 0 : i32
          %dma_start3A_554 = tpu.memref_slice %arg13[%while3A_548, %dma_start3A_553] : memref<32x128xi32, #tpu.memory_space<vmem>> -> memref<1x128xi32, #tpu.memory_space<vmem>>
          %dma_start3A_555 = tpu.memref_squeeze %dma_start3A_554 : memref<1x128xi32, #tpu.memory_space<vmem>> -> memref<128xi32, #tpu.memory_space<vmem>>
          %dma_start3A_556 = arith.constant 0 : i32
          %dma_start3A_557 = tpu.memref_slice %arg2[%dma_start3A_556] : memref<600064xi32, #tpu.memory_space<hbm>> -> memref<600064xi32, #tpu.memory_space<hbm>>
          tpu.enqueue_indirect_dma source(%dma_start3A_557 : memref<600064xi32, #tpu.memory_space<hbm>>) target(%dma_start3A_552 : memref<128xi32, #tpu.memory_space<vmem>>) offsets(%dma_start3A_555 : memref<128xi32, #tpu.memory_space<vmem>>) semaphore(%arg19 : memref<!tpu.dma_semaphore, #tpu.memory_space<semaphore_mem>>)
          %dma_start3A_558 = arith.constant 0 : i32
          %dma_start3A_559 = tpu.memref_slice %arg15[%while3A_548, %dma_start3A_558] : memref<32x128xf32, #tpu.memory_space<vmem>> -> memref<1x128xf32, #tpu.memory_space<vmem>>
          %dma_start3A_560 = tpu.memref_squeeze %dma_start3A_559 : memref<1x128xf32, #tpu.memory_space<vmem>> -> memref<128xf32, #tpu.memory_space<vmem>>
          %dma_start3A_561 = arith.constant 0 : i32
          %dma_start3A_562 = tpu.memref_slice %arg13[%while3A_548, %dma_start3A_561] : memref<32x128xi32, #tpu.memory_space<vmem>> -> memref<1x128xi32, #tpu.memory_space<vmem>>
          %dma_start3A_563 = tpu.memref_squeeze %dma_start3A_562 : memref<1x128xi32, #tpu.memory_space<vmem>> -> memref<128xi32, #tpu.memory_space<vmem>>
          %dma_start3A_564 = arith.constant 0 : i32
          %dma_start3A_565 = tpu.memref_slice %arg3[%dma_start3A_564] : memref<600064xf32, #tpu.memory_space<hbm>> -> memref<600064xf32, #tpu.memory_space<hbm>>
          tpu.enqueue_indirect_dma source(%dma_start3A_565 : memref<600064xf32, #tpu.memory_space<hbm>>) target(%dma_start3A_560 : memref<128xf32, #tpu.memory_space<vmem>>) offsets(%dma_start3A_563 : memref<128xi32, #tpu.memory_space<vmem>>) semaphore(%arg19 : memref<!tpu.dma_semaphore, #tpu.memory_space<semaphore_mem>>)
          %dma_start3A_566 = arith.constant 0 : i32
          %dma_start3A_567 = tpu.memref_slice %arg16[%while3A_548, %dma_start3A_566] : memref<32x128xf32, #tpu.memory_space<vmem>> -> memref<1x128xf32, #tpu.memory_space<vmem>>
          %dma_start3A_568 = tpu.memref_squeeze %dma_start3A_567 : memref<1x128xf32, #tpu.memory_space<vmem>> -> memref<128xf32, #tpu.memory_space<vmem>>
          %dma_start3A_569 = arith.constant 0 : i32
          %dma_start3A_570 = tpu.memref_slice %arg13[%while3A_548, %dma_start3A_569] : memref<32x128xi32, #tpu.memory_space<vmem>> -> memref<1x128xi32, #tpu.memory_space<vmem>>
          %dma_start3A_571 = tpu.memref_squeeze %dma_start3A_570 : memref<1x128xi32, #tpu.memory_space<vmem>> -> memref<128xi32, #tpu.memory_space<vmem>>
          %dma_start3A_572 = arith.constant 0 : i32
          %dma_start3A_573 = tpu.memref_slice %arg4[%dma_start3A_572] : memref<600064xf32, #tpu.memory_space<hbm>> -> memref<600064xf32, #tpu.memory_space<hbm>>
          tpu.enqueue_indirect_dma source(%dma_start3A_573 : memref<600064xf32, #tpu.memory_space<hbm>>) target(%dma_start3A_568 : memref<128xf32, #tpu.memory_space<vmem>>) offsets(%dma_start3A_571 : memref<128xi32, #tpu.memory_space<vmem>>) semaphore(%arg19 : memref<!tpu.dma_semaphore, #tpu.memory_space<semaphore_mem>>)
          %while3A_574 = arith.constant 0 : i32
          scf.yield %while3A_574 : i32
        }
        %while3A_466 = arith.constant 1 : i32
        %while3A_467 = scf.for %while3A_548 = %while3A_463 to %while3A_459 step %while3A_466 iter_args(%while3A_549 = %while3A_465) -> (i32)  : i32 {
          %dma_start3A_550 = arith.constant 0 : i32
          %dma_start3A_551 = tpu.memref_slice %arg14[%while3A_548, %dma_start3A_550] : memref<32x128xi32, #tpu.memory_space<vmem>> -> memref<1x128xi32, #tpu.memory_space<vmem>>
          %dma_start3A_552 = tpu.memref_squeeze %dma_start3A_551 : memref<1x128xi32, #tpu.memory_space<vmem>> -> memref<128xi32, #tpu.memory_space<vmem>>
          %dma_start3A_553 = arith.constant 0 : i32
          %dma_start3A_554 = tpu.memref_slice %arg13[%while3A_548, %dma_start3A_553] : memref<32x128xi32, #tpu.memory_space<vmem>> -> memref<1x128xi32, #tpu.memory_space<vmem>>
          %dma_start3A_555 = tpu.memref_squeeze %dma_start3A_554 : memref<1x128xi32, #tpu.memory_space<vmem>> -> memref<128xi32, #tpu.memory_space<vmem>>
          %dma_start3A_556 = arith.constant 0 : i32
          %dma_start3A_557 = tpu.memref_slice %arg2[%dma_start3A_556] : memref<600064xi32, #tpu.memory_space<hbm>> -> memref<600064xi32, #tpu.memory_space<hbm>>
          tpu.enqueue_indirect_dma source(%dma_start3A_557 : memref<600064xi32, #tpu.memory_space<hbm>>) target(%dma_start3A_552 : memref<128xi32, #tpu.memory_space<vmem>>) offsets(%dma_start3A_555 : memref<128xi32, #tpu.memory_space<vmem>>) semaphore(%arg19 : memref<!tpu.dma_semaphore, #tpu.memory_space<semaphore_mem>>)
          %dma_start3A_558 = arith.constant 0 : i32
          %dma_start3A_559 = tpu.memref_slice %arg15[%while3A_548, %dma_start3A_558] : memref<32x128xf32, #tpu.memory_space<vmem>> -> memref<1x128xf32, #tpu.memory_space<vmem>>
          %dma_start3A_560 = tpu.memref_squeeze %dma_start3A_559 : memref<1x128xf32, #tpu.memory_space<vmem>> -> memref<128xf32, #tpu.memory_space<vmem>>
          %dma_start3A_561 = arith.constant 0 : i32
          %dma_start3A_562 = tpu.memref_slice %arg13[%while3A_548, %dma_start3A_561] : memref<32x128xi32, #tpu.memory_space<vmem>> -> memref<1x128xi32, #tpu.memory_space<vmem>>
          %dma_start3A_563 = tpu.memref_squeeze %dma_start3A_562 : memref<1x128xi32, #tpu.memory_space<vmem>> -> memref<128xi32, #tpu.memory_space<vmem>>
          %dma_start3A_564 = arith.constant 0 : i32
          %dma_start3A_565 = tpu.memref_slice %arg3[%dma_start3A_564] : memref<600064xf32, #tpu.memory_space<hbm>> -> memref<600064xf32, #tpu.memory_space<hbm>>
          tpu.enqueue_indirect_dma source(%dma_start3A_565 : memref<600064xf32, #tpu.memory_space<hbm>>) target(%dma_start3A_560 : memref<128xf32, #tpu.memory_space<vmem>>) offsets(%dma_start3A_563 : memref<128xi32, #tpu.memory_space<vmem>>) semaphore(%arg19 : memref<!tpu.dma_semaphore, #tpu.memory_space<semaphore_mem>>)
          %dma_start3A_566 = arith.constant 0 : i32
          %dma_start3A_567 = tpu.memref_slice %arg16[%while3A_548, %dma_start3A_566] : memref<32x128xf32, #tpu.memory_space<vmem>> -> memref<1x128xf32, #tpu.memory_space<vmem>>
          %dma_start3A_568 = tpu.memref_squeeze %dma_start3A_567 : memref<1x128xf32, #tpu.memory_space<vmem>> -> memref<128xf32, #tpu.memory_space<vmem>>
          %dma_start3A_569 = arith.constant 0 : i32
          %dma_start3A_570 = tpu.memref_slice %arg13[%while3A_548, %dma_start3A_569] : memref<32x128xi32, #tpu.memory_space<vmem>> -> memref<1x128xi32, #tpu.memory_space<vmem>>
          %dma_start3A_571 = tpu.memref_squeeze %dma_start3A_570 : memref<1x128xi32, #tpu.memory_space<vmem>> -> memref<128xi32, #tpu.memory_space<vmem>>
          %dma_start3A_572 = arith.constant 0 : i32
          %dma_start3A_573 = tpu.memref_slice %arg4[%dma_start3A_572] : memref<600064xf32, #tpu.memory_space<hbm>> -> memref<600064xf32, #tpu.memory_space<hbm>>
          tpu.enqueue_indirect_dma source(%dma_start3A_573 : memref<600064xf32, #tpu.memory_space<hbm>>) target(%dma_start3A_568 : memref<128xf32, #tpu.memory_space<vmem>>) offsets(%dma_start3A_571 : memref<128xi32, #tpu.memory_space<vmem>>) semaphore(%arg19 : memref<!tpu.dma_semaphore, #tpu.memory_space<semaphore_mem>>)
          %while3A_574 = arith.constant 0 : i32
          scf.yield %while3A_574 : i32
        }
        %add3A_468 = arith.constant 128 : i32
        %add3A_469 = arith.addi %min3A_406, %add3A_468 : i32
        %sub3A_470 = arith.constant 1 : i32
        %sub3A_471 = arith.subi %add3A_469, %sub3A_470 : i32
        %jit3A_472 = arith.constant 128 : i32
        %div3A_473 = arith.divsi %sub3A_471, %jit3A_472 : i32
        %sign3A_474 = arith.constant 0 : i32
        %sign3A_475 = arith.cmpi sgt, %sub3A_471, %sign3A_474 : i32
        %sign3A_476 = arith.extui %sign3A_475 : i1 to i32
        %sign3A_477 = arith.constant 0 : i32
        %sign3A_478 = arith.cmpi slt, %sub3A_471, %sign3A_477 : i32
        %sign3A_479 = arith.extui %sign3A_478 : i1 to i32
        %sign3A_480 = arith.subi %sign3A_476, %sign3A_479 : i32
        %sign3A_481 = arith.constant 0 : i32
        %sign3A_482 = arith.cmpi sgt, %jit3A_472, %sign3A_481 : i32
        %sign3A_483 = arith.extui %sign3A_482 : i1 to i32
        %sign3A_484 = arith.constant 0 : i32
        %sign3A_485 = arith.cmpi slt, %jit3A_472, %sign3A_484 : i32
        %sign3A_486 = arith.extui %sign3A_485 : i1 to i32
        %sign3A_487 = arith.subi %sign3A_483, %sign3A_486 : i32
        %ne3A_488 = arith.cmpi ne, %sign3A_480, %sign3A_487 : i32
        %rem3A_489 = arith.remsi %sub3A_471, %jit3A_472 : i32
        %ne3A_490 = arith.constant 0 : i32
        %ne3A_491 = arith.cmpi ne, %rem3A_489, %ne3A_490 : i32
        %and3A_492 = arith.andi %ne3A_488, %ne3A_491 : i1
        %sub3A_493 = arith.constant 1 : i32
        %sub3A_494 = arith.subi %div3A_473, %sub3A_493 : i32
        %select_n3A_495 = arith.select %and3A_492, %sub3A_494, %div3A_473 : i32
        %while3A_496 = arith.constant 0 : i32
        %while3A_497 = arith.constant 0 : i32
        %while3A_498 = arith.subi %select_n3A_495, %while3A_496 : i32
        %while3A_499 = arith.addi %while3A_496, %while3A_498 : i32
        %while3A_500 = arith.constant 1 : i32
        %while3A_501 = arith.divsi %while3A_498, %while3A_500 : i32
        %while3A_502 = arith.muli %while3A_501, %while3A_500 : i32
        %while3A_503 = arith.addi %while3A_496, %while3A_502 : i32
        %while3A_504 = arith.constant 1 : i32
        %while3A_505 = scf.for %while3A_548 = %while3A_496 to %while3A_503 step %while3A_504 iter_args(%while3A_549 = %while3A_497) -> (i32)  : i32 {
          %dma_wait3A_550 = arith.constant 0 : i32
          %dma_wait3A_551 = tpu.memref_slice %arg14[%while3A_548, %dma_wait3A_550] : memref<32x128xi32, #tpu.memory_space<vmem>> -> memref<1x128xi32, #tpu.memory_space<vmem>>
          %dma_wait3A_552 = tpu.memref_squeeze %dma_wait3A_551 : memref<1x128xi32, #tpu.memory_space<vmem>> -> memref<128xi32, #tpu.memory_space<vmem>>
          %dma_wait3A_553 = arith.constant 0 : i32
          %dma_wait3A_554 = tpu.memref_slice %arg13[%while3A_548, %dma_wait3A_553] : memref<32x128xi32, #tpu.memory_space<vmem>> -> memref<1x128xi32, #tpu.memory_space<vmem>>
          %dma_wait3A_555 = tpu.memref_squeeze %dma_wait3A_554 : memref<1x128xi32, #tpu.memory_space<vmem>> -> memref<128xi32, #tpu.memory_space<vmem>>
          %dma_wait3A_556 = arith.constant 0 : i32
          %dma_wait3A_557 = tpu.memref_slice %arg2[%dma_wait3A_556] : memref<600064xi32, #tpu.memory_space<hbm>> -> memref<600064xi32, #tpu.memory_space<hbm>>
          tpu.wait_indirect_dma semaphore(%arg19 : memref<!tpu.dma_semaphore, #tpu.memory_space<semaphore_mem>>) src(%dma_wait3A_557 : memref<600064xi32, #tpu.memory_space<hbm>>) dst(%dma_wait3A_552 : memref<128xi32, #tpu.memory_space<vmem>>)
          %dma_wait3A_558 = arith.constant 0 : i32
          %dma_wait3A_559 = tpu.memref_slice %arg15[%while3A_548, %dma_wait3A_558] : memref<32x128xf32, #tpu.memory_space<vmem>> -> memref<1x128xf32, #tpu.memory_space<vmem>>
          %dma_wait3A_560 = tpu.memref_squeeze %dma_wait3A_559 : memref<1x128xf32, #tpu.memory_space<vmem>> -> memref<128xf32, #tpu.memory_space<vmem>>
          %dma_wait3A_561 = arith.constant 0 : i32
          %dma_wait3A_562 = tpu.memref_slice %arg13[%while3A_548, %dma_wait3A_561] : memref<32x128xi32, #tpu.memory_space<vmem>> -> memref<1x128xi32, #tpu.memory_space<vmem>>
          %dma_wait3A_563 = tpu.memref_squeeze %dma_wait3A_562 : memref<1x128xi32, #tpu.memory_space<vmem>> -> memref<128xi32, #tpu.memory_space<vmem>>
          %dma_wait3A_564 = arith.constant 0 : i32
          %dma_wait3A_565 = tpu.memref_slice %arg3[%dma_wait3A_564] : memref<600064xf32, #tpu.memory_space<hbm>> -> memref<600064xf32, #tpu.memory_space<hbm>>
          tpu.wait_indirect_dma semaphore(%arg19 : memref<!tpu.dma_semaphore, #tpu.memory_space<semaphore_mem>>) src(%dma_wait3A_565 : memref<600064xf32, #tpu.memory_space<hbm>>) dst(%dma_wait3A_560 : memref<128xf32, #tpu.memory_space<vmem>>)
          %dma_wait3A_566 = arith.constant 0 : i32
          %dma_wait3A_567 = tpu.memref_slice %arg16[%while3A_548, %dma_wait3A_566] : memref<32x128xf32, #tpu.memory_space<vmem>> -> memref<1x128xf32, #tpu.memory_space<vmem>>
          %dma_wait3A_568 = tpu.memref_squeeze %dma_wait3A_567 : memref<1x128xf32, #tpu.memory_space<vmem>> -> memref<128xf32, #tpu.memory_space<vmem>>
          %dma_wait3A_569 = arith.constant 0 : i32
          %dma_wait3A_570 = tpu.memref_slice %arg13[%while3A_548, %dma_wait3A_569] : memref<32x128xi32, #tpu.memory_space<vmem>> -> memref<1x128xi32, #tpu.memory_space<vmem>>
          %dma_wait3A_571 = tpu.memref_squeeze %dma_wait3A_570 : memref<1x128xi32, #tpu.memory_space<vmem>> -> memref<128xi32, #tpu.memory_space<vmem>>
          %dma_wait3A_572 = arith.constant 0 : i32
          %dma_wait3A_573 = tpu.memref_slice %arg4[%dma_wait3A_572] : memref<600064xf32, #tpu.memory_space<hbm>> -> memref<600064xf32, #tpu.memory_space<hbm>>
          tpu.wait_indirect_dma semaphore(%arg19 : memref<!tpu.dma_semaphore, #tpu.memory_space<semaphore_mem>>) src(%dma_wait3A_573 : memref<600064xf32, #tpu.memory_space<hbm>>) dst(%dma_wait3A_568 : memref<128xf32, #tpu.memory_space<vmem>>)
          %while3A_574 = arith.constant 0 : i32
          scf.yield %while3A_574 : i32
        }
        %while3A_506 = arith.constant 1 : i32
        %while3A_507 = scf.for %while3A_548 = %while3A_503 to %while3A_499 step %while3A_506 iter_args(%while3A_549 = %while3A_505) -> (i32)  : i32 {
          %dma_wait3A_550 = arith.constant 0 : i32
          %dma_wait3A_551 = tpu.memref_slice %arg14[%while3A_548, %dma_wait3A_550] : memref<32x128xi32, #tpu.memory_space<vmem>> -> memref<1x128xi32, #tpu.memory_space<vmem>>
          %dma_wait3A_552 = tpu.memref_squeeze %dma_wait3A_551 : memref<1x128xi32, #tpu.memory_space<vmem>> -> memref<128xi32, #tpu.memory_space<vmem>>
          %dma_wait3A_553 = arith.constant 0 : i32
          %dma_wait3A_554 = tpu.memref_slice %arg13[%while3A_548, %dma_wait3A_553] : memref<32x128xi32, #tpu.memory_space<vmem>> -> memref<1x128xi32, #tpu.memory_space<vmem>>
          %dma_wait3A_555 = tpu.memref_squeeze %dma_wait3A_554 : memref<1x128xi32, #tpu.memory_space<vmem>> -> memref<128xi32, #tpu.memory_space<vmem>>
          %dma_wait3A_556 = arith.constant 0 : i32
          %dma_wait3A_557 = tpu.memref_slice %arg2[%dma_wait3A_556] : memref<600064xi32, #tpu.memory_space<hbm>> -> memref<600064xi32, #tpu.memory_space<hbm>>
          tpu.wait_indirect_dma semaphore(%arg19 : memref<!tpu.dma_semaphore, #tpu.memory_space<semaphore_mem>>) src(%dma_wait3A_557 : memref<600064xi32, #tpu.memory_space<hbm>>) dst(%dma_wait3A_552 : memref<128xi32, #tpu.memory_space<vmem>>)
          %dma_wait3A_558 = arith.constant 0 : i32
          %dma_wait3A_559 = tpu.memref_slice %arg15[%while3A_548, %dma_wait3A_558] : memref<32x128xf32, #tpu.memory_space<vmem>> -> memref<1x128xf32, #tpu.memory_space<vmem>>
          %dma_wait3A_560 = tpu.memref_squeeze %dma_wait3A_559 : memref<1x128xf32, #tpu.memory_space<vmem>> -> memref<128xf32, #tpu.memory_space<vmem>>
          %dma_wait3A_561 = arith.constant 0 : i32
          %dma_wait3A_562 = tpu.memref_slice %arg13[%while3A_548, %dma_wait3A_561] : memref<32x128xi32, #tpu.memory_space<vmem>> -> memref<1x128xi32, #tpu.memory_space<vmem>>
          %dma_wait3A_563 = tpu.memref_squeeze %dma_wait3A_562 : memref<1x128xi32, #tpu.memory_space<vmem>> -> memref<128xi32, #tpu.memory_space<vmem>>
          %dma_wait3A_564 = arith.constant 0 : i32
          %dma_wait3A_565 = tpu.memref_slice %arg3[%dma_wait3A_564] : memref<600064xf32, #tpu.memory_space<hbm>> -> memref<600064xf32, #tpu.memory_space<hbm>>
          tpu.wait_indirect_dma semaphore(%arg19 : memref<!tpu.dma_semaphore, #tpu.memory_space<semaphore_mem>>) src(%dma_wait3A_565 : memref<600064xf32, #tpu.memory_space<hbm>>) dst(%dma_wait3A_560 : memref<128xf32, #tpu.memory_space<vmem>>)
          %dma_wait3A_566 = arith.constant 0 : i32
          %dma_wait3A_567 = tpu.memref_slice %arg16[%while3A_548, %dma_wait3A_566] : memref<32x128xf32, #tpu.memory_space<vmem>> -> memref<1x128xf32, #tpu.memory_space<vmem>>
          %dma_wait3A_568 = tpu.memref_squeeze %dma_wait3A_567 : memref<1x128xf32, #tpu.memory_space<vmem>> -> memref<128xf32, #tpu.memory_space<vmem>>
          %dma_wait3A_569 = arith.constant 0 : i32
          %dma_wait3A_570 = tpu.memref_slice %arg13[%while3A_548, %dma_wait3A_569] : memref<32x128xi32, #tpu.memory_space<vmem>> -> memref<1x128xi32, #tpu.memory_space<vmem>>
          %dma_wait3A_571 = tpu.memref_squeeze %dma_wait3A_570 : memref<1x128xi32, #tpu.memory_space<vmem>> -> memref<128xi32, #tpu.memory_space<vmem>>
          %dma_wait3A_572 = arith.constant 0 : i32
          %dma_wait3A_573 = tpu.memref_slice %arg4[%dma_wait3A_572] : memref<600064xf32, #tpu.memory_space<hbm>> -> memref<600064xf32, #tpu.memory_space<hbm>>
          tpu.wait_indirect_dma semaphore(%arg19 : memref<!tpu.dma_semaphore, #tpu.memory_space<semaphore_mem>>) src(%dma_wait3A_573 : memref<600064xf32, #tpu.memory_space<hbm>>) dst(%dma_wait3A_568 : memref<128xf32, #tpu.memory_space<vmem>>)
          %while3A_574 = arith.constant 0 : i32
          scf.yield %while3A_574 : i32
        }
        %add3A_508 = arith.constant 15 : i32
        %add3A_509 = arith.addi %min3A_406, %add3A_508 : i32
        %jit3A_510 = arith.constant 16 : i32
        %div3A_511 = arith.divsi %add3A_509, %jit3A_510 : i32
        %sign3A_512 = arith.constant 0 : i32
        %sign3A_513 = arith.cmpi sgt, %add3A_509, %sign3A_512 : i32
        %sign3A_514 = arith.extui %sign3A_513 : i1 to i32
        %sign3A_515 = arith.constant 0 : i32
        %sign3A_516 = arith.cmpi slt, %add3A_509, %sign3A_515 : i32
        %sign3A_517 = arith.extui %sign3A_516 : i1 to i32
        %sign3A_518 = arith.subi %sign3A_514, %sign3A_517 : i32
        %sign3A_519 = arith.constant 0 : i32
        %sign3A_520 = arith.cmpi sgt, %jit3A_510, %sign3A_519 : i32
        %sign3A_521 = arith.extui %sign3A_520 : i1 to i32
        %sign3A_522 = arith.constant 0 : i32
        %sign3A_523 = arith.cmpi slt, %jit3A_510, %sign3A_522 : i32
        %sign3A_524 = arith.extui %sign3A_523 : i1 to i32
        %sign3A_525 = arith.subi %sign3A_521, %sign3A_524 : i32
        %ne3A_526 = arith.cmpi ne, %sign3A_518, %sign3A_525 : i32
        %rem3A_527 = arith.remsi %add3A_509, %jit3A_510 : i32
        %ne3A_528 = arith.constant 0 : i32
        %ne3A_529 = arith.cmpi ne, %rem3A_527, %ne3A_528 : i32
        %and3A_530 = arith.andi %ne3A_526, %ne3A_529 : i1
        %sub3A_531 = arith.constant 1 : i32
        %sub3A_532 = arith.subi %div3A_511, %sub3A_531 : i32
        %select_n3A_533 = arith.select %and3A_530, %sub3A_532, %div3A_511 : i32
        %while3A_534 = arith.constant 0 : i32
        %while3A_535 = arith.constant 0 : i32
        %while3A_536 = arith.subi %select_n3A_533, %while3A_534 : i32
        %while3A_537 = arith.addi %while3A_534, %while3A_536 : i32
        %while3A_538 = arith.constant 1 : i32
        %while3A_539 = arith.divsi %while3A_536, %while3A_538 : i32
        %while3A_540 = arith.muli %while3A_539, %while3A_538 : i32
        %while3A_541 = arith.addi %while3A_534, %while3A_540 : i32
        %while3A_542 = arith.constant 1 : i32
        %while3A_543 = scf.for %while3A_548 = %while3A_534 to %while3A_541 step %while3A_542 iter_args(%while3A_549 = %while3A_535) -> (i32)  : i32 {
          %mul3A_550 = arith.constant 16 : i32
          %mul3A_551 = arith.muli %while3A_548, %mul3A_550 : i32
          %shift_right_logical3A_552 = arith.constant 7 : i32
          %shift_right_logical3A_553 = arith.shrui %mul3A_551, %shift_right_logical3A_552 : i32
          %and3A_554 = arith.constant 127 : i32
          %and3A_555 = arith.andi %mul3A_551, %and3A_554 : i32
          %add3A_556 = vector.broadcast %mul3A_551 : i32 to vector<16xi32>
          %add3A_557 = arith.addi %add3A_556, %iota3A : vector<16xi32>
          %lt3A = vector.broadcast %min3A_406 : i32 to vector<16xi32>
          %lt3A_558 = arith.cmpi slt, %add3A_557, %lt3A : vector<16xi32>
          %get3A = arith.index_cast %shift_right_logical3A_553 : i32 to index
          %get3A_559 = arith.index_cast %and3A_555 : i32 to index
          %get3A_560 = tpu.vector_load %arg14[%get3A, %get3A_559] {strides = array<i32>} : memref<32x128xi32, #tpu.memory_space<vmem>>, vector<16xi32>,
          %get3A_561 = arith.index_cast %shift_right_logical3A_553 : i32 to index
          %get3A_562 = arith.index_cast %and3A_555 : i32 to index
          %get3A_563 = tpu.vector_load %arg15[%get3A_561, %get3A_562] {strides = array<i32>} : memref<32x128xf32, #tpu.memory_space<vmem>>, vector<16xf32>,
          %get3A_564 = arith.index_cast %shift_right_logical3A_553 : i32 to index
          %get3A_565 = arith.index_cast %and3A_555 : i32 to index
          %get3A_566 = tpu.vector_load %arg16[%get3A_564, %get3A_565] {strides = array<i32>} : memref<32x128xf32, #tpu.memory_space<vmem>>, vector<16xf32>,
          %jit3A_567 = arith.constant 16383 : i32
          %broadcast_in_dim3A_568 = vector.broadcast %jit3A_567 : i32 to vector<16xi32>
          %select_n3A_569 = arith.select %lt3A_558, %get3A_560, %broadcast_in_dim3A_568 : vector<16xi1>, vector<16xi32>
          %select_n3A_570 = arith.select %lt3A_558, %get3A_563, %broadcast_in_dim3A_1 : vector<16xi1>, vector<16xf32>
          %neg3A = arith.constant 0.000000e+00 : f32
          %neg3A_571 = vector.broadcast %neg3A : f32 to vector<16xf32>
          %neg3A_572 = arith.subf %neg3A_571, %broadcast_in_dim3A_1 : vector<16xf32>
          %select_n3A_573 = arith.select %lt3A_558, %get3A_566, %neg3A_572 : vector<16xi1>, vector<16xf32>
          %jit3A_574 = arith.constant 1.000000e+00 : f32
          %jit3A_575 = arith.constant 0.000000e+00 : f32
          %broadcast_in_dim3A_576 = vector.broadcast %jit3A_574 : f32 to vector<16xf32>
          %broadcast_in_dim3A_577 = vector.broadcast %jit3A_575 : f32 to vector<16xf32>
          %select_n3A_578 = arith.select %lt3A_558, %broadcast_in_dim3A_576, %broadcast_in_dim3A_577 : vector<16xi1>, vector<16xf32>
          tpu.vector_store_idx %arg9[%select_n3A_569], %select_n3A_578 {add = true} : memref<16384xf32, #tpu.memory_space<vmem>>[vector<16xi32>], vector<16xf32>,
          %jit3A_579 = arith.constant 0.000000e+00 : f32
          %broadcast_in_dim3A_580 = vector.broadcast %jit3A_579 : f32 to vector<16xf32>
          %select_n3A_581 = arith.select %lt3A_558, %select_n3A_570, %broadcast_in_dim3A_580 : vector<16xi1>, vector<16xf32>
          tpu.vector_store_idx %arg10[%select_n3A_569], %select_n3A_581 {add = true} : memref<16384xf32, #tpu.memory_space<vmem>>[vector<16xi32>], vector<16xf32>,
          %masked_sort3A = arith.constant dense<true> : vector<16xi1>
          %masked_sort3A_582 = arith.constant -2147483648 : i32
          %masked_sort3A_583 = vector.broadcast %masked_sort3A_582 : i32 to vector<16xi32>
          %masked_sort3A_584 = arith.xori %select_n3A_569, %masked_sort3A_583 : vector<16xi32>
          %masked_sort3A_585, %masked_sort3A_586, %masked_sort3A_587 = tpu.sort %masked_sort3A_584, %iota3A masked %masked_sort3A : (vector<16xi32>, vector<16xi32>, vector<16xi1>) -> (vector<16xi1>, vector<16xi32>, vector<16xi32>)
          %masked_sort3A_588 = arith.xori %masked_sort3A_586, %masked_sort3A_583 : vector<16xi32>
          %reshape3A = vector.shape_cast %masked_sort3A_587 : vector<16xi32> to vector<16x1xi32>
          %gather3A_589 = vector.shape_cast %reshape3A : vector<16x1xi32> to vector<16xi32>
          %gather3A_590 = tpu.dynamic_gather %select_n3A_570[%gather3A_589] in [0] : vector<16xf32>, vector<16xi32> -> vector<16xf32>
          %reshape3A_591 = vector.shape_cast %masked_sort3A_587 : vector<16xi32> to vector<16x1xi32>
          %gather3A_592 = vector.shape_cast %reshape3A_591 : vector<16x1xi32> to vector<16xi32>
          %gather3A_593 = tpu.dynamic_gather %select_n3A_573[%gather3A_592] in [0] : vector<16xf32>, vector<16xi32> -> vector<16xf32>
          %sub3A_594 = arith.constant 1 : i32
          %sub3A_595 = vector.broadcast %sub3A_594 : i32 to vector<16xi32>
          %sub3A_596 = arith.subi %iota3A, %sub3A_595 : vector<16xi32>
          %max3A = arith.constant 0 : i32
          %max3A_597 = vector.broadcast %max3A : i32 to vector<16xi32>
          %max3A_598 = arith.maxsi %sub3A_596, %max3A_597 : vector<16xi32>
          %reshape3A_599 = vector.shape_cast %max3A_598 : vector<16xi32> to vector<16x1xi32>
          %gather3A_600 = vector.shape_cast %reshape3A_599 : vector<16x1xi32> to vector<16xi32>
          %gather3A_601 = tpu.dynamic_gather %masked_sort3A_588[%gather3A_600] in [0] : vector<16xi32>, vector<16xi32> -> vector<16xi32>
          %eq3A = arith.cmpi eq, %masked_sort3A_588, %gather3A_601 : vector<16xi32>
          %ge3A = arith.constant 1 : i32
          %ge3A_602 = vector.broadcast %ge3A : i32 to vector<16xi32>
          %ge3A_603 = arith.cmpi sge, %iota3A, %ge3A_602 : vector<16xi32>
          %and3A_604 = arith.andi %eq3A, %ge3A_603 : vector<16xi1>
          %reshape3A_605 = vector.shape_cast %max3A_598 : vector<16xi32> to vector<16x1xi32>
          %gather3A_606 = vector.shape_cast %reshape3A_605 : vector<16x1xi32> to vector<16xi32>
          %gather3A_607 = tpu.dynamic_gather %gather3A_590[%gather3A_606] in [0] : vector<16xf32>, vector<16xi32> -> vector<16xf32>
          %min3A_608 = arith.minimumf %gather3A_590, %gather3A_607 : vector<16xf32>
          %select_n3A_609 = arith.select %and3A_604, %min3A_608, %gather3A_590 : vector<16xi1>, vector<16xf32>
          %reshape3A_610 = vector.shape_cast %max3A_598 : vector<16xi32> to vector<16x1xi32>
          %gather3A_611 = vector.shape_cast %reshape3A_610 : vector<16x1xi32> to vector<16xi32>
          %gather3A_612 = tpu.dynamic_gather %gather3A_593[%gather3A_611] in [0] : vector<16xf32>, vector<16xi32> -> vector<16xf32>
          %max3A_613 = arith.maximumf %gather3A_593, %gather3A_612 : vector<16xf32>
          %select_n3A_614 = arith.select %and3A_604, %max3A_613, %gather3A_593 : vector<16xi1>, vector<16xf32>
          %sub3A_615 = arith.constant 2 : i32
          %sub3A_616 = vector.broadcast %sub3A_615 : i32 to vector<16xi32>
          %sub3A_617 = arith.subi %iota3A, %sub3A_616 : vector<16xi32>
          %max3A_618 = arith.constant 0 : i32
          %max3A_619 = vector.broadcast %max3A_618 : i32 to vector<16xi32>
          %max3A_620 = arith.maxsi %sub3A_617, %max3A_619 : vector<16xi32>
          %reshape3A_621 = vector.shape_cast %max3A_620 : vector<16xi32> to vector<16x1xi32>
          %gather3A_622 = vector.shape_cast %reshape3A_621 : vector<16x1xi32> to vector<16xi32>
          %gather3A_623 = tpu.dynamic_gather %masked_sort3A_588[%gather3A_622] in [0] : vector<16xi32>, vector<16xi32> -> vector<16xi32>
          %eq3A_624 = arith.cmpi eq, %masked_sort3A_588, %gather3A_623 : vector<16xi32>
          %ge3A_625 = arith.constant 2 : i32
          %ge3A_626 = vector.broadcast %ge3A_625 : i32 to vector<16xi32>
          %ge3A_627 = arith.cmpi sge, %iota3A, %ge3A_626 : vector<16xi32>
          %and3A_628 = arith.andi %eq3A_624, %ge3A_627 : vector<16xi1>
          %reshape3A_629 = vector.shape_cast %max3A_620 : vector<16xi32> to vector<16x1xi32>
          %gather3A_630 = vector.shape_cast %reshape3A_629 : vector<16x1xi32> to vector<16xi32>
          %gather3A_631 = tpu.dynamic_gather %select_n3A_609[%gather3A_630] in [0] : vector<16xf32>, vector<16xi32> -> vector<16xf32>
          %min3A_632 = arith.minimumf %select_n3A_609, %gather3A_631 : vector<16xf32>
          %select_n3A_633 = arith.select %and3A_628, %min3A_632, %select_n3A_609 : vector<16xi1>, vector<16xf32>
          %reshape3A_634 = vector.shape_cast %max3A_620 : vector<16xi32> to vector<16x1xi32>
          %gather3A_635 = vector.shape_cast %reshape3A_634 : vector<16x1xi32> to vector<16xi32>
          %gather3A_636 = tpu.dynamic_gather %select_n3A_614[%gather3A_635] in [0] : vector<16xf32>, vector<16xi32> -> vector<16xf32>
          %max3A_637 = arith.maximumf %select_n3A_614, %gather3A_636 : vector<16xf32>
          %select_n3A_638 = arith.select %and3A_628, %max3A_637, %select_n3A_614 : vector<16xi1>, vector<16xf32>
          %sub3A_639 = arith.constant 4 : i32
          %sub3A_640 = vector.broadcast %sub3A_639 : i32 to vector<16xi32>
          %sub3A_641 = arith.subi %iota3A, %sub3A_640 : vector<16xi32>
          %max3A_642 = arith.constant 0 : i32
          %max3A_643 = vector.broadcast %max3A_642 : i32 to vector<16xi32>
          %max3A_644 = arith.maxsi %sub3A_641, %max3A_643 : vector<16xi32>
          %reshape3A_645 = vector.shape_cast %max3A_644 : vector<16xi32> to vector<16x1xi32>
          %gather3A_646 = vector.shape_cast %reshape3A_645 : vector<16x1xi32> to vector<16xi32>
          %gather3A_647 = tpu.dynamic_gather %masked_sort3A_588[%gather3A_646] in [0] : vector<16xi32>, vector<16xi32> -> vector<16xi32>
          %eq3A_648 = arith.cmpi eq, %masked_sort3A_588, %gather3A_647 : vector<16xi32>
          %ge3A_649 = arith.constant 4 : i32
          %ge3A_650 = vector.broadcast %ge3A_649 : i32 to vector<16xi32>
          %ge3A_651 = arith.cmpi sge, %iota3A, %ge3A_650 : vector<16xi32>
          %and3A_652 = arith.andi %eq3A_648, %ge3A_651 : vector<16xi1>
          %reshape3A_653 = vector.shape_cast %max3A_644 : vector<16xi32> to vector<16x1xi32>
          %gather3A_654 = vector.shape_cast %reshape3A_653 : vector<16x1xi32> to vector<16xi32>
          %gather3A_655 = tpu.dynamic_gather %select_n3A_633[%gather3A_654] in [0] : vector<16xf32>, vector<16xi32> -> vector<16xf32>
          %min3A_656 = arith.minimumf %select_n3A_633, %gather3A_655 : vector<16xf32>
          %select_n3A_657 = arith.select %and3A_652, %min3A_656, %select_n3A_633 : vector<16xi1>, vector<16xf32>
          %reshape3A_658 = vector.shape_cast %max3A_644 : vector<16xi32> to vector<16x1xi32>
          %gather3A_659 = vector.shape_cast %reshape3A_658 : vector<16x1xi32> to vector<16xi32>
          %gather3A_660 = tpu.dynamic_gather %select_n3A_638[%gather3A_659] in [0] : vector<16xf32>, vector<16xi32> -> vector<16xf32>
          %max3A_661 = arith.maximumf %select_n3A_638, %gather3A_660 : vector<16xf32>
          %select_n3A_662 = arith.select %and3A_652, %max3A_661, %select_n3A_638 : vector<16xi1>, vector<16xf32>
          %sub3A_663 = arith.constant 8 : i32
          %sub3A_664 = vector.broadcast %sub3A_663 : i32 to vector<16xi32>
          %sub3A_665 = arith.subi %iota3A, %sub3A_664 : vector<16xi32>
          %max3A_666 = arith.constant 0 : i32
          %max3A_667 = vector.broadcast %max3A_666 : i32 to vector<16xi32>
          %max3A_668 = arith.maxsi %sub3A_665, %max3A_667 : vector<16xi32>
          %reshape3A_669 = vector.shape_cast %max3A_668 : vector<16xi32> to vector<16x1xi32>
          %gather3A_670 = vector.shape_cast %reshape3A_669 : vector<16x1xi32> to vector<16xi32>
          %gather3A_671 = tpu.dynamic_gather %masked_sort3A_588[%gather3A_670] in [0] : vector<16xi32>, vector<16xi32> -> vector<16xi32>
          %eq3A_672 = arith.cmpi eq, %masked_sort3A_588, %gather3A_671 : vector<16xi32>
          %ge3A_673 = arith.constant 8 : i32
          %ge3A_674 = vector.broadcast %ge3A_673 : i32 to vector<16xi32>
          %ge3A_675 = arith.cmpi sge, %iota3A, %ge3A_674 : vector<16xi32>
          %and3A_676 = arith.andi %eq3A_672, %ge3A_675 : vector<16xi1>
          %reshape3A_677 = vector.shape_cast %max3A_668 : vector<16xi32> to vector<16x1xi32>
          %gather3A_678 = vector.shape_cast %reshape3A_677 : vector<16x1xi32> to vector<16xi32>
          %gather3A_679 = tpu.dynamic_gather %select_n3A_657[%gather3A_678] in [0] : vector<16xf32>, vector<16xi32> -> vector<16xf32>
          %min3A_680 = arith.minimumf %select_n3A_657, %gather3A_679 : vector<16xf32>
          %select_n3A_681 = arith.select %and3A_676, %min3A_680, %select_n3A_657 : vector<16xi1>, vector<16xf32>
          %reshape3A_682 = vector.shape_cast %max3A_668 : vector<16xi32> to vector<16x1xi32>
          %gather3A_683 = vector.shape_cast %reshape3A_682 : vector<16x1xi32> to vector<16xi32>
          %gather3A_684 = tpu.dynamic_gather %select_n3A_662[%gather3A_683] in [0] : vector<16xf32>, vector<16xi32> -> vector<16xf32>
          %max3A_685 = arith.maximumf %select_n3A_662, %gather3A_684 : vector<16xf32>
          %select_n3A_686 = arith.select %and3A_676, %max3A_685, %select_n3A_662 : vector<16xi1>, vector<16xf32>
          %add3A_687 = arith.constant 1 : i32
          %add3A_688 = vector.broadcast %add3A_687 : i32 to vector<16xi32>
          %add3A_689 = arith.addi %iota3A, %add3A_688 : vector<16xi32>
          %min3A_690 = arith.constant 15 : i32
          %min3A_691 = vector.broadcast %min3A_690 : i32 to vector<16xi32>
          %min3A_692 = arith.minsi %add3A_689, %min3A_691 : vector<16xi32>
          %reshape3A_693 = vector.shape_cast %min3A_692 : vector<16xi32> to vector<16x1xi32>
          %gather3A_694 = vector.shape_cast %reshape3A_693 : vector<16x1xi32> to vector<16xi32>
          %gather3A_695 = tpu.dynamic_gather %masked_sort3A_588[%gather3A_694] in [0] : vector<16xi32>, vector<16xi32> -> vector<16xi32>
          %eq3A_696 = arith.constant 15 : i32
          %eq3A_697 = vector.broadcast %eq3A_696 : i32 to vector<16xi32>
          %eq3A_698 = arith.cmpi eq, %iota3A, %eq3A_697 : vector<16xi32>
          %ne3A_699 = arith.cmpi ne, %masked_sort3A_588, %gather3A_695 : vector<16xi32>
          %or3A = arith.ori %eq3A_698, %ne3A_699 : vector<16xi1>
          %gather3A_700 = tpu.vector_load_idx %arg11[%masked_sort3A_588] : memref<16384xf32, #tpu.memory_space<vmem>>[vector<16xi32>], vector<16xf32>,
          %gather3A_701 = tpu.vector_load_idx %arg12[%masked_sort3A_588] : memref<16384xf32, #tpu.memory_space<vmem>>[vector<16xi32>], vector<16xf32>,
          %max3A_702 = arith.maximumf %gather3A_700, %select_n3A_686 : vector<16xf32>
          tpu.vector_store_idx %arg11[%masked_sort3A_588], %max3A_702 masked %or3A : memref<16384xf32, #tpu.memory_space<vmem>>[vector<16xi32>], vector<16xf32>, vector<16xi1>
          %min3A_703 = arith.minimumf %gather3A_701, %select_n3A_681 : vector<16xf32>
          tpu.vector_store_idx %arg12[%masked_sort3A_588], %min3A_703 masked %or3A : memref<16384xf32, #tpu.memory_space<vmem>>[vector<16xi32>], vector<16xf32>, vector<16xi1>
          %while3A_704 = arith.constant 0 : i32
          scf.yield %while3A_704 : i32
        }
        %while3A_544 = arith.constant 1 : i32
        %while3A_545 = scf.for %while3A_548 = %while3A_541 to %while3A_537 step %while3A_544 iter_args(%while3A_549 = %while3A_543) -> (i32)  : i32 {
          %mul3A_550 = arith.constant 16 : i32
          %mul3A_551 = arith.muli %while3A_548, %mul3A_550 : i32
          %shift_right_logical3A_552 = arith.constant 7 : i32
          %shift_right_logical3A_553 = arith.shrui %mul3A_551, %shift_right_logical3A_552 : i32
          %and3A_554 = arith.constant 127 : i32
          %and3A_555 = arith.andi %mul3A_551, %and3A_554 : i32
          %add3A_556 = vector.broadcast %mul3A_551 : i32 to vector<16xi32>
          %add3A_557 = arith.addi %add3A_556, %iota3A : vector<16xi32>
          %lt3A = vector.broadcast %min3A_406 : i32 to vector<16xi32>
          %lt3A_558 = arith.cmpi slt, %add3A_557, %lt3A : vector<16xi32>
          %get3A = arith.index_cast %shift_right_logical3A_553 : i32 to index
          %get3A_559 = arith.index_cast %and3A_555 : i32 to index
          %get3A_560 = tpu.vector_load %arg14[%get3A, %get3A_559] {strides = array<i32>} : memref<32x128xi32, #tpu.memory_space<vmem>>, vector<16xi32>,
          %get3A_561 = arith.index_cast %shift_right_logical3A_553 : i32 to index
          %get3A_562 = arith.index_cast %and3A_555 : i32 to index
          %get3A_563 = tpu.vector_load %arg15[%get3A_561, %get3A_562] {strides = array<i32>} : memref<32x128xf32, #tpu.memory_space<vmem>>, vector<16xf32>,
          %get3A_564 = arith.index_cast %shift_right_logical3A_553 : i32 to index
          %get3A_565 = arith.index_cast %and3A_555 : i32 to index
          %get3A_566 = tpu.vector_load %arg16[%get3A_564, %get3A_565] {strides = array<i32>} : memref<32x128xf32, #tpu.memory_space<vmem>>, vector<16xf32>,
          %jit3A_567 = arith.constant 16383 : i32
          %broadcast_in_dim3A_568 = vector.broadcast %jit3A_567 : i32 to vector<16xi32>
          %select_n3A_569 = arith.select %lt3A_558, %get3A_560, %broadcast_in_dim3A_568 : vector<16xi1>, vector<16xi32>
          %select_n3A_570 = arith.select %lt3A_558, %get3A_563, %broadcast_in_dim3A_1 : vector<16xi1>, vector<16xf32>
          %neg3A = arith.constant 0.000000e+00 : f32
          %neg3A_571 = vector.broadcast %neg3A : f32 to vector<16xf32>
          %neg3A_572 = arith.subf %neg3A_571, %broadcast_in_dim3A_1 : vector<16xf32>
          %select_n3A_573 = arith.select %lt3A_558, %get3A_566, %neg3A_572 : vector<16xi1>, vector<16xf32>
          %jit3A_574 = arith.constant 1.000000e+00 : f32
          %jit3A_575 = arith.constant 0.000000e+00 : f32
          %broadcast_in_dim3A_576 = vector.broadcast %jit3A_574 : f32 to vector<16xf32>
          %broadcast_in_dim3A_577 = vector.broadcast %jit3A_575 : f32 to vector<16xf32>
          %select_n3A_578 = arith.select %lt3A_558, %broadcast_in_dim3A_576, %broadcast_in_dim3A_577 : vector<16xi1>, vector<16xf32>
          tpu.vector_store_idx %arg9[%select_n3A_569], %select_n3A_578 {add = true} : memref<16384xf32, #tpu.memory_space<vmem>>[vector<16xi32>], vector<16xf32>,
          %jit3A_579 = arith.constant 0.000000e+00 : f32
          %broadcast_in_dim3A_580 = vector.broadcast %jit3A_579 : f32 to vector<16xf32>
          %select_n3A_581 = arith.select %lt3A_558, %select_n3A_570, %broadcast_in_dim3A_580 : vector<16xi1>, vector<16xf32>
          tpu.vector_store_idx %arg10[%select_n3A_569], %select_n3A_581 {add = true} : memref<16384xf32, #tpu.memory_space<vmem>>[vector<16xi32>], vector<16xf32>,
          %masked_sort3A = arith.constant dense<true> : vector<16xi1>
          %masked_sort3A_582 = arith.constant -2147483648 : i32
          %masked_sort3A_583 = vector.broadcast %masked_sort3A_582 : i32 to vector<16xi32>
          %masked_sort3A_584 = arith.xori %select_n3A_569, %masked_sort3A_583 : vector<16xi32>
          %masked_sort3A_585, %masked_sort3A_586, %masked_sort3A_587 = tpu.sort %masked_sort3A_584, %iota3A masked %masked_sort3A : (vector<16xi32>, vector<16xi32>, vector<16xi1>) -> (vector<16xi1>, vector<16xi32>, vector<16xi32>)
          %masked_sort3A_588 = arith.xori %masked_sort3A_586, %masked_sort3A_583 : vector<16xi32>
          %reshape3A = vector.shape_cast %masked_sort3A_587 : vector<16xi32> to vector<16x1xi32>
          %gather3A_589 = vector.shape_cast %reshape3A : vector<16x1xi32> to vector<16xi32>
          %gather3A_590 = tpu.dynamic_gather %select_n3A_570[%gather3A_589] in [0] : vector<16xf32>, vector<16xi32> -> vector<16xf32>
          %reshape3A_591 = vector.shape_cast %masked_sort3A_587 : vector<16xi32> to vector<16x1xi32>
          %gather3A_592 = vector.shape_cast %reshape3A_591 : vector<16x1xi32> to vector<16xi32>
          %gather3A_593 = tpu.dynamic_gather %select_n3A_573[%gather3A_592] in [0] : vector<16xf32>, vector<16xi32> -> vector<16xf32>
          %sub3A_594 = arith.constant 1 : i32
          %sub3A_595 = vector.broadcast %sub3A_594 : i32 to vector<16xi32>
          %sub3A_596 = arith.subi %iota3A, %sub3A_595 : vector<16xi32>
          %max3A = arith.constant 0 : i32
          %max3A_597 = vector.broadcast %max3A : i32 to vector<16xi32>
          %max3A_598 = arith.maxsi %sub3A_596, %max3A_597 : vector<16xi32>
          %reshape3A_599 = vector.shape_cast %max3A_598 : vector<16xi32> to vector<16x1xi32>
          %gather3A_600 = vector.shape_cast %reshape3A_599 : vector<16x1xi32> to vector<16xi32>
          %gather3A_601 = tpu.dynamic_gather %masked_sort3A_588[%gather3A_600] in [0] : vector<16xi32>, vector<16xi32> -> vector<16xi32>
          %eq3A = arith.cmpi eq, %masked_sort3A_588, %gather3A_601 : vector<16xi32>
          %ge3A = arith.constant 1 : i32
          %ge3A_602 = vector.broadcast %ge3A : i32 to vector<16xi32>
          %ge3A_603 = arith.cmpi sge, %iota3A, %ge3A_602 : vector<16xi32>
          %and3A_604 = arith.andi %eq3A, %ge3A_603 : vector<16xi1>
          %reshape3A_605 = vector.shape_cast %max3A_598 : vector<16xi32> to vector<16x1xi32>
          %gather3A_606 = vector.shape_cast %reshape3A_605 : vector<16x1xi32> to vector<16xi32>
          %gather3A_607 = tpu.dynamic_gather %gather3A_590[%gather3A_606] in [0] : vector<16xf32>, vector<16xi32> -> vector<16xf32>
          %min3A_608 = arith.minimumf %gather3A_590, %gather3A_607 : vector<16xf32>
          %select_n3A_609 = arith.select %and3A_604, %min3A_608, %gather3A_590 : vector<16xi1>, vector<16xf32>
          %reshape3A_610 = vector.shape_cast %max3A_598 : vector<16xi32> to vector<16x1xi32>
          %gather3A_611 = vector.shape_cast %reshape3A_610 : vector<16x1xi32> to vector<16xi32>
          %gather3A_612 = tpu.dynamic_gather %gather3A_593[%gather3A_611] in [0] : vector<16xf32>, vector<16xi32> -> vector<16xf32>
          %max3A_613 = arith.maximumf %gather3A_593, %gather3A_612 : vector<16xf32>
          %select_n3A_614 = arith.select %and3A_604, %max3A_613, %gather3A_593 : vector<16xi1>, vector<16xf32>
          %sub3A_615 = arith.constant 2 : i32
          %sub3A_616 = vector.broadcast %sub3A_615 : i32 to vector<16xi32>
          %sub3A_617 = arith.subi %iota3A, %sub3A_616 : vector<16xi32>
          %max3A_618 = arith.constant 0 : i32
          %max3A_619 = vector.broadcast %max3A_618 : i32 to vector<16xi32>
          %max3A_620 = arith.maxsi %sub3A_617, %max3A_619 : vector<16xi32>
          %reshape3A_621 = vector.shape_cast %max3A_620 : vector<16xi32> to vector<16x1xi32>
          %gather3A_622 = vector.shape_cast %reshape3A_621 : vector<16x1xi32> to vector<16xi32>
          %gather3A_623 = tpu.dynamic_gather %masked_sort3A_588[%gather3A_622] in [0] : vector<16xi32>, vector<16xi32> -> vector<16xi32>
          %eq3A_624 = arith.cmpi eq, %masked_sort3A_588, %gather3A_623 : vector<16xi32>
          %ge3A_625 = arith.constant 2 : i32
          %ge3A_626 = vector.broadcast %ge3A_625 : i32 to vector<16xi32>
          %ge3A_627 = arith.cmpi sge, %iota3A, %ge3A_626 : vector<16xi32>
          %and3A_628 = arith.andi %eq3A_624, %ge3A_627 : vector<16xi1>
          %reshape3A_629 = vector.shape_cast %max3A_620 : vector<16xi32> to vector<16x1xi32>
          %gather3A_630 = vector.shape_cast %reshape3A_629 : vector<16x1xi32> to vector<16xi32>
          %gather3A_631 = tpu.dynamic_gather %select_n3A_609[%gather3A_630] in [0] : vector<16xf32>, vector<16xi32> -> vector<16xf32>
          %min3A_632 = arith.minimumf %select_n3A_609, %gather3A_631 : vector<16xf32>
          %select_n3A_633 = arith.select %and3A_628, %min3A_632, %select_n3A_609 : vector<16xi1>, vector<16xf32>
          %reshape3A_634 = vector.shape_cast %max3A_620 : vector<16xi32> to vector<16x1xi32>
          %gather3A_635 = vector.shape_cast %reshape3A_634 : vector<16x1xi32> to vector<16xi32>
          %gather3A_636 = tpu.dynamic_gather %select_n3A_614[%gather3A_635] in [0] : vector<16xf32>, vector<16xi32> -> vector<16xf32>
          %max3A_637 = arith.maximumf %select_n3A_614, %gather3A_636 : vector<16xf32>
          %select_n3A_638 = arith.select %and3A_628, %max3A_637, %select_n3A_614 : vector<16xi1>, vector<16xf32>
          %sub3A_639 = arith.constant 4 : i32
          %sub3A_640 = vector.broadcast %sub3A_639 : i32 to vector<16xi32>
          %sub3A_641 = arith.subi %iota3A, %sub3A_640 : vector<16xi32>
          %max3A_642 = arith.constant 0 : i32
          %max3A_643 = vector.broadcast %max3A_642 : i32 to vector<16xi32>
          %max3A_644 = arith.maxsi %sub3A_641, %max3A_643 : vector<16xi32>
          %reshape3A_645 = vector.shape_cast %max3A_644 : vector<16xi32> to vector<16x1xi32>
          %gather3A_646 = vector.shape_cast %reshape3A_645 : vector<16x1xi32> to vector<16xi32>
          %gather3A_647 = tpu.dynamic_gather %masked_sort3A_588[%gather3A_646] in [0] : vector<16xi32>, vector<16xi32> -> vector<16xi32>
          %eq3A_648 = arith.cmpi eq, %masked_sort3A_588, %gather3A_647 : vector<16xi32>
          %ge3A_649 = arith.constant 4 : i32
          %ge3A_650 = vector.broadcast %ge3A_649 : i32 to vector<16xi32>
          %ge3A_651 = arith.cmpi sge, %iota3A, %ge3A_650 : vector<16xi32>
          %and3A_652 = arith.andi %eq3A_648, %ge3A_651 : vector<16xi1>
          %reshape3A_653 = vector.shape_cast %max3A_644 : vector<16xi32> to vector<16x1xi32>
          %gather3A_654 = vector.shape_cast %reshape3A_653 : vector<16x1xi32> to vector<16xi32>
          %gather3A_655 = tpu.dynamic_gather %select_n3A_633[%gather3A_654] in [0] : vector<16xf32>, vector<16xi32> -> vector<16xf32>
          %min3A_656 = arith.minimumf %select_n3A_633, %gather3A_655 : vector<16xf32>
          %select_n3A_657 = arith.select %and3A_652, %min3A_656, %select_n3A_633 : vector<16xi1>, vector<16xf32>
          %reshape3A_658 = vector.shape_cast %max3A_644 : vector<16xi32> to vector<16x1xi32>
          %gather3A_659 = vector.shape_cast %reshape3A_658 : vector<16x1xi32> to vector<16xi32>
          %gather3A_660 = tpu.dynamic_gather %select_n3A_638[%gather3A_659] in [0] : vector<16xf32>, vector<16xi32> -> vector<16xf32>
          %max3A_661 = arith.maximumf %select_n3A_638, %gather3A_660 : vector<16xf32>
          %select_n3A_662 = arith.select %and3A_652, %max3A_661, %select_n3A_638 : vector<16xi1>, vector<16xf32>
          %sub3A_663 = arith.constant 8 : i32
          %sub3A_664 = vector.broadcast %sub3A_663 : i32 to vector<16xi32>
          %sub3A_665 = arith.subi %iota3A, %sub3A_664 : vector<16xi32>
          %max3A_666 = arith.constant 0 : i32
          %max3A_667 = vector.broadcast %max3A_666 : i32 to vector<16xi32>
          %max3A_668 = arith.maxsi %sub3A_665, %max3A_667 : vector<16xi32>
          %reshape3A_669 = vector.shape_cast %max3A_668 : vector<16xi32> to vector<16x1xi32>
          %gather3A_670 = vector.shape_cast %reshape3A_669 : vector<16x1xi32> to vector<16xi32>
          %gather3A_671 = tpu.dynamic_gather %masked_sort3A_588[%gather3A_670] in [0] : vector<16xi32>, vector<16xi32> -> vector<16xi32>
          %eq3A_672 = arith.cmpi eq, %masked_sort3A_588, %gather3A_671 : vector<16xi32>
          %ge3A_673 = arith.constant 8 : i32
          %ge3A_674 = vector.broadcast %ge3A_673 : i32 to vector<16xi32>
          %ge3A_675 = arith.cmpi sge, %iota3A, %ge3A_674 : vector<16xi32>
          %and3A_676 = arith.andi %eq3A_672, %ge3A_675 : vector<16xi1>
          %reshape3A_677 = vector.shape_cast %max3A_668 : vector<16xi32> to vector<16x1xi32>
          %gather3A_678 = vector.shape_cast %reshape3A_677 : vector<16x1xi32> to vector<16xi32>
          %gather3A_679 = tpu.dynamic_gather %select_n3A_657[%gather3A_678] in [0] : vector<16xf32>, vector<16xi32> -> vector<16xf32>
          %min3A_680 = arith.minimumf %select_n3A_657, %gather3A_679 : vector<16xf32>
          %select_n3A_681 = arith.select %and3A_676, %min3A_680, %select_n3A_657 : vector<16xi1>, vector<16xf32>
          %reshape3A_682 = vector.shape_cast %max3A_668 : vector<16xi32> to vector<16x1xi32>
          %gather3A_683 = vector.shape_cast %reshape3A_682 : vector<16x1xi32> to vector<16xi32>
          %gather3A_684 = tpu.dynamic_gather %select_n3A_662[%gather3A_683] in [0] : vector<16xf32>, vector<16xi32> -> vector<16xf32>
          %max3A_685 = arith.maximumf %select_n3A_662, %gather3A_684 : vector<16xf32>
          %select_n3A_686 = arith.select %and3A_676, %max3A_685, %select_n3A_662 : vector<16xi1>, vector<16xf32>
          %add3A_687 = arith.constant 1 : i32
          %add3A_688 = vector.broadcast %add3A_687 : i32 to vector<16xi32>
          %add3A_689 = arith.addi %iota3A, %add3A_688 : vector<16xi32>
          %min3A_690 = arith.constant 15 : i32
          %min3A_691 = vector.broadcast %min3A_690 : i32 to vector<16xi32>
          %min3A_692 = arith.minsi %add3A_689, %min3A_691 : vector<16xi32>
          %reshape3A_693 = vector.shape_cast %min3A_692 : vector<16xi32> to vector<16x1xi32>
          %gather3A_694 = vector.shape_cast %reshape3A_693 : vector<16x1xi32> to vector<16xi32>
          %gather3A_695 = tpu.dynamic_gather %masked_sort3A_588[%gather3A_694] in [0] : vector<16xi32>, vector<16xi32> -> vector<16xi32>
          %eq3A_696 = arith.constant 15 : i32
          %eq3A_697 = vector.broadcast %eq3A_696 : i32 to vector<16xi32>
          %eq3A_698 = arith.cmpi eq, %iota3A, %eq3A_697 : vector<16xi32>
          %ne3A_699 = arith.cmpi ne, %masked_sort3A_588, %gather3A_695 : vector<16xi32>
          %or3A = arith.ori %eq3A_698, %ne3A_699 : vector<16xi1>
          %gather3A_700 = tpu.vector_load_idx %arg11[%masked_sort3A_588] : memref<16384xf32, #tpu.memory_space<vmem>>[vector<16xi32>], vector<16xf32>,
          %gather3A_701 = tpu.vector_load_idx %arg12[%masked_sort3A_588] : memref<16384xf32, #tpu.memory_space<vmem>>[vector<16xi32>], vector<16xf32>,
          %max3A_702 = arith.maximumf %gather3A_700, %select_n3A_686 : vector<16xf32>
          tpu.vector_store_idx %arg11[%masked_sort3A_588], %max3A_702 masked %or3A : memref<16384xf32, #tpu.memory_space<vmem>>[vector<16xi32>], vector<16xf32>, vector<16xi1>
          %min3A_703 = arith.minimumf %gather3A_701, %select_n3A_681 : vector<16xf32>
          tpu.vector_store_idx %arg12[%masked_sort3A_588], %min3A_703 masked %or3A : memref<16384xf32, #tpu.memory_space<vmem>>[vector<16xi32>], vector<16xf32>, vector<16xi1>
          %while3A_704 = arith.constant 0 : i32
          scf.yield %while3A_704 : i32
        }
        %add3A_546 = arith.constant 4096 : i32
        %add3A_547 = arith.addi %while3A_403, %add3A_546 : i32
        scf.yield %add3A_547 : i32
      }
      %scan3A_299 = arith.constant 0 : i32
      %scan3A_300 = arith.constant 0 : i32
      %scan3A_301 = arith.constant 64 : i32
      %scan3A_302 = arith.addi %scan3A_300, %scan3A_301 : i32
      %scan3A_303 = arith.constant 1 : i32
      %scan3A_304 = scf.for %scan3A_403 = %scan3A_300 to %scan3A_302 step %scan3A_303 iter_args(%scan3A_404 = %scan3A_299) -> (i32)  : i32 {
        %mul3A_405 = arith.constant 16 : i32
        %mul3A_406 = arith.muli %scan3A_403, %mul3A_405 : i32
        %add3A_407 = arith.constant 0 : i32
        %add3A_408 = arith.addi %add3A_407, %mul3A_406 : i32
        %get3A = arith.index_cast %add3A_408 : i32 to index
        %get3A_409 = tpu.vector_load %arg9[%get3A] {strides = array<i32>} : memref<16384xf32, #tpu.memory_space<vmem>>, vector<16xf32>,
        %get3A_410 = arith.index_cast %add3A_408 : i32 to index
        %get3A_411 = tpu.vector_load %arg10[%get3A_410] {strides = array<i32>} : memref<16384xf32, #tpu.memory_space<vmem>>, vector<16xf32>,
        %get3A_412 = arith.index_cast %add3A_408 : i32 to index
        %get3A_413 = tpu.vector_load %arg11[%get3A_412] {strides = array<i32>} : memref<16384xf32, #tpu.memory_space<vmem>>, vector<16xf32>,
        %get3A_414 = arith.index_cast %add3A_408 : i32 to index
        %get3A_415 = tpu.vector_load %arg12[%get3A_414] {strides = array<i32>} : memref<16384xf32, #tpu.memory_space<vmem>>, vector<16xf32>,
        %eq3A = arith.constant 0.000000e+00 : f32
        %eq3A_416 = vector.broadcast %eq3A : f32 to vector<16xf32>
        %eq3A_417 = arith.cmpf oeq, %get3A_409, %eq3A_416 : vector<16xf32>
        %jit3A_418 = arith.constant 1.000000e+00 : f32
        %broadcast_in_dim3A_419 = vector.broadcast %jit3A_418 : f32 to vector<16xf32>
        %select_n3A_420 = arith.select %eq3A_417, %broadcast_in_dim3A_419, %get3A_409 : vector<16xi1>, vector<16xf32>
        %div3A_421 = arith.constant 5.000000e+01 : f32
        %div3A_422 = vector.broadcast %div3A_421 : f32 to vector<16xf32>
        %div3A_423 = arith.divf %select_n3A_420, %div3A_422 : vector<16xf32>
        %div3A_424 = arith.divf %get3A_411, %select_n3A_420 : vector<16xf32>
        %swap3A = arith.index_cast %add3A_408 : i32 to index
        %swap3A_425 = tpu.vector_load %arg9[%swap3A] {strides = array<i32>} : memref<16384xf32, #tpu.memory_space<vmem>>, vector<16xf32>,
        tpu.vector_store %arg9[%swap3A], %div3A_423 {strides = array<i32>} : memref<16384xf32, #tpu.memory_space<vmem>>, vector<16xf32>,
        %swap3A_426 = arith.index_cast %add3A_408 : i32 to index
        %swap3A_427 = tpu.vector_load %arg10[%swap3A_426] {strides = array<i32>} : memref<16384xf32, #tpu.memory_space<vmem>>, vector<16xf32>,
        tpu.vector_store %arg10[%swap3A_426], %div3A_424 {strides = array<i32>} : memref<16384xf32, #tpu.memory_space<vmem>>, vector<16xf32>,
        %add3A_428 = arith.constant 1024 : i32
        %add3A_429 = arith.addi %add3A_428, %mul3A_406 : i32
        %get3A_430 = arith.index_cast %add3A_429 : i32 to index
        %get3A_431 = tpu.vector_load %arg9[%get3A_430] {strides = array<i32>} : memref<16384xf32, #tpu.memory_space<vmem>>, vector<16xf32>,
        %get3A_432 = arith.index_cast %add3A_429 : i32 to index
        %get3A_433 = tpu.vector_load %arg10[%get3A_432] {strides = array<i32>} : memref<16384xf32, #tpu.memory_space<vmem>>, vector<16xf32>,
        %get3A_434 = arith.index_cast %add3A_429 : i32 to index
        %get3A_435 = tpu.vector_load %arg11[%get3A_434] {strides = array<i32>} : memref<16384xf32, #tpu.memory_space<vmem>>, vector<16xf32>,
        %get3A_436 = arith.index_cast %add3A_429 : i32 to index
        %get3A_437 = tpu.vector_load %arg12[%get3A_436] {strides = array<i32>} : memref<16384xf32, #tpu.memory_space<vmem>>, vector<16xf32>,
        %eq3A_438 = arith.constant 0.000000e+00 : f32
        %eq3A_439 = vector.broadcast %eq3A_438 : f32 to vector<16xf32>
        %eq3A_440 = arith.cmpf oeq, %get3A_431, %eq3A_439 : vector<16xf32>
        %jit3A_441 = arith.constant 1.000000e+00 : f32
        %broadcast_in_dim3A_442 = vector.broadcast %jit3A_441 : f32 to vector<16xf32>
        %select_n3A_443 = arith.select %eq3A_440, %broadcast_in_dim3A_442, %get3A_431 : vector<16xi1>, vector<16xf32>
        %div3A_444 = arith.constant 5.000000e+01 : f32
        %div3A_445 = vector.broadcast %div3A_444 : f32 to vector<16xf32>
        %div3A_446 = arith.divf %select_n3A_443, %div3A_445 : vector<16xf32>
        %div3A_447 = arith.divf %get3A_433, %select_n3A_443 : vector<16xf32>
        %swap3A_448 = arith.index_cast %add3A_429 : i32 to index
        %swap3A_449 = tpu.vector_load %arg9[%swap3A_448] {strides = array<i32>} : memref<16384xf32, #tpu.memory_space<vmem>>, vector<16xf32>,
        tpu.vector_store %arg9[%swap3A_448], %div3A_446 {strides = array<i32>} : memref<16384xf32, #tpu.memory_space<vmem>>, vector<16xf32>,
        %swap3A_450 = arith.index_cast %add3A_429 : i32 to index
        %swap3A_451 = tpu.vector_load %arg10[%swap3A_450] {strides = array<i32>} : memref<16384xf32, #tpu.memory_space<vmem>>, vector<16xf32>,
        tpu.vector_store %arg10[%swap3A_450], %div3A_447 {strides = array<i32>} : memref<16384xf32, #tpu.memory_space<vmem>>, vector<16xf32>,
        %max3A = arith.maximumf %div3A_423, %div3A_446 : vector<16xf32>
        %max3A_452 = arith.maximumf %get3A_413, %get3A_435 : vector<16xf32>
        %max3A_453 = arith.maximumf %div3A_424, %div3A_447 : vector<16xf32>
        %max3A_454 = arith.maximumf %get3A_415, %get3A_437 : vector<16xf32>
        %add3A_455 = arith.constant 2048 : i32
        %add3A_456 = arith.addi %add3A_455, %mul3A_406 : i32
        %get3A_457 = arith.index_cast %add3A_456 : i32 to index
        %get3A_458 = tpu.vector_load %arg9[%get3A_457] {strides = array<i32>} : memref<16384xf32, #tpu.memory_space<vmem>>, vector<16xf32>,
        %get3A_459 = arith.index_cast %add3A_456 : i32 to index
        %get3A_460 = tpu.vector_load %arg10[%get3A_459] {strides = array<i32>} : memref<16384xf32, #tpu.memory_space<vmem>>, vector<16xf32>,
        %get3A_461 = arith.index_cast %add3A_456 : i32 to index
        %get3A_462 = tpu.vector_load %arg11[%get3A_461] {strides = array<i32>} : memref<16384xf32, #tpu.memory_space<vmem>>, vector<16xf32>,
        %get3A_463 = arith.index_cast %add3A_456 : i32 to index
        %get3A_464 = tpu.vector_load %arg12[%get3A_463] {strides = array<i32>} : memref<16384xf32, #tpu.memory_space<vmem>>, vector<16xf32>,
        %eq3A_465 = arith.constant 0.000000e+00 : f32
        %eq3A_466 = vector.broadcast %eq3A_465 : f32 to vector<16xf32>
        %eq3A_467 = arith.cmpf oeq, %get3A_458, %eq3A_466 : vector<16xf32>
        %jit3A_468 = arith.constant 1.000000e+00 : f32
        %broadcast_in_dim3A_469 = vector.broadcast %jit3A_468 : f32 to vector<16xf32>
        %select_n3A_470 = arith.select %eq3A_467, %broadcast_in_dim3A_469, %get3A_458 : vector<16xi1>, vector<16xf32>
        %div3A_471 = arith.constant 5.000000e+01 : f32
        %div3A_472 = vector.broadcast %div3A_471 : f32 to vector<16xf32>
        %div3A_473 = arith.divf %select_n3A_470, %div3A_472 : vector<16xf32>
        %div3A_474 = arith.divf %get3A_460, %select_n3A_470 : vector<16xf32>
        %swap3A_475 = arith.index_cast %add3A_456 : i32 to index
        %swap3A_476 = tpu.vector_load %arg9[%swap3A_475] {strides = array<i32>} : memref<16384xf32, #tpu.memory_space<vmem>>, vector<16xf32>,
        tpu.vector_store %arg9[%swap3A_475], %div3A_473 {strides = array<i32>} : memref<16384xf32, #tpu.memory_space<vmem>>, vector<16xf32>,
        %swap3A_477 = arith.index_cast %add3A_456 : i32 to index
        %swap3A_478 = tpu.vector_load %arg10[%swap3A_477] {strides = array<i32>} : memref<16384xf32, #tpu.memory_space<vmem>>, vector<16xf32>,
        tpu.vector_store %arg10[%swap3A_477], %div3A_474 {strides = array<i32>} : memref<16384xf32, #tpu.memory_space<vmem>>, vector<16xf32>,
        %max3A_479 = arith.maximumf %max3A, %div3A_473 : vector<16xf32>
        %max3A_480 = arith.maximumf %max3A_452, %get3A_462 : vector<16xf32>
        %max3A_481 = arith.maximumf %max3A_453, %div3A_474 : vector<16xf32>
        %max3A_482 = arith.maximumf %max3A_454, %get3A_464 : vector<16xf32>
        %add3A_483 = arith.constant 3072 : i32
        %add3A_484 = arith.addi %add3A_483, %mul3A_406 : i32
        %get3A_485 = arith.index_cast %add3A_484 : i32 to index
        %get3A_486 = tpu.vector_load %arg9[%get3A_485] {strides = array<i32>} : memref<16384xf32, #tpu.memory_space<vmem>>, vector<16xf32>,
        %get3A_487 = arith.index_cast %add3A_484 : i32 to index
        %get3A_488 = tpu.vector_load %arg10[%get3A_487] {strides = array<i32>} : memref<16384xf32, #tpu.memory_space<vmem>>, vector<16xf32>,
        %get3A_489 = arith.index_cast %add3A_484 : i32 to index
        %get3A_490 = tpu.vector_load %arg11[%get3A_489] {strides = array<i32>} : memref<16384xf32, #tpu.memory_space<vmem>>, vector<16xf32>,
        %get3A_491 = arith.index_cast %add3A_484 : i32 to index
        %get3A_492 = tpu.vector_load %arg12[%get3A_491] {strides = array<i32>} : memref<16384xf32, #tpu.memory_space<vmem>>, vector<16xf32>,
        %eq3A_493 = arith.constant 0.000000e+00 : f32
        %eq3A_494 = vector.broadcast %eq3A_493 : f32 to vector<16xf32>
        %eq3A_495 = arith.cmpf oeq, %get3A_486, %eq3A_494 : vector<16xf32>
        %jit3A_496 = arith.constant 1.000000e+00 : f32
        %broadcast_in_dim3A_497 = vector.broadcast %jit3A_496 : f32 to vector<16xf32>
        %select_n3A_498 = arith.select %eq3A_495, %broadcast_in_dim3A_497, %get3A_486 : vector<16xi1>, vector<16xf32>
        %div3A_499 = arith.constant 5.000000e+01 : f32
        %div3A_500 = vector.broadcast %div3A_499 : f32 to vector<16xf32>
        %div3A_501 = arith.divf %select_n3A_498, %div3A_500 : vector<16xf32>
        %div3A_502 = arith.divf %get3A_488, %select_n3A_498 : vector<16xf32>
        %swap3A_503 = arith.index_cast %add3A_484 : i32 to index
        %swap3A_504 = tpu.vector_load %arg9[%swap3A_503] {strides = array<i32>} : memref<16384xf32, #tpu.memory_space<vmem>>, vector<16xf32>,
        tpu.vector_store %arg9[%swap3A_503], %div3A_501 {strides = array<i32>} : memref<16384xf32, #tpu.memory_space<vmem>>, vector<16xf32>,
        %swap3A_505 = arith.index_cast %add3A_484 : i32 to index
        %swap3A_506 = tpu.vector_load %arg10[%swap3A_505] {strides = array<i32>} : memref<16384xf32, #tpu.memory_space<vmem>>, vector<16xf32>,
        tpu.vector_store %arg10[%swap3A_505], %div3A_502 {strides = array<i32>} : memref<16384xf32, #tpu.memory_space<vmem>>, vector<16xf32>,
        %max3A_507 = arith.maximumf %max3A_479, %div3A_501 : vector<16xf32>
        %max3A_508 = arith.maximumf %max3A_480, %get3A_490 : vector<16xf32>
        %max3A_509 = arith.maximumf %max3A_481, %div3A_502 : vector<16xf32>
        %max3A_510 = arith.maximumf %max3A_482, %get3A_492 : vector<16xf32>
        %add3A_511 = arith.constant 4096 : i32
        %add3A_512 = arith.addi %add3A_511, %mul3A_406 : i32
        %get3A_513 = arith.index_cast %add3A_512 : i32 to index
        %get3A_514 = tpu.vector_load %arg9[%get3A_513] {strides = array<i32>} : memref<16384xf32, #tpu.memory_space<vmem>>, vector<16xf32>,
        %get3A_515 = arith.index_cast %add3A_512 : i32 to index
        %get3A_516 = tpu.vector_load %arg10[%get3A_515] {strides = array<i32>} : memref<16384xf32, #tpu.memory_space<vmem>>, vector<16xf32>,
        %get3A_517 = arith.index_cast %add3A_512 : i32 to index
        %get3A_518 = tpu.vector_load %arg11[%get3A_517] {strides = array<i32>} : memref<16384xf32, #tpu.memory_space<vmem>>, vector<16xf32>,
        %get3A_519 = arith.index_cast %add3A_512 : i32 to index
        %get3A_520 = tpu.vector_load %arg12[%get3A_519] {strides = array<i32>} : memref<16384xf32, #tpu.memory_space<vmem>>, vector<16xf32>,
        %eq3A_521 = arith.constant 0.000000e+00 : f32
        %eq3A_522 = vector.broadcast %eq3A_521 : f32 to vector<16xf32>
        %eq3A_523 = arith.cmpf oeq, %get3A_514, %eq3A_522 : vector<16xf32>
        %jit3A_524 = arith.constant 1.000000e+00 : f32
        %broadcast_in_dim3A_525 = vector.broadcast %jit3A_524 : f32 to vector<16xf32>
        %select_n3A_526 = arith.select %eq3A_523, %broadcast_in_dim3A_525, %get3A_514 : vector<16xi1>, vector<16xf32>
        %div3A_527 = arith.constant 5.000000e+01 : f32
        %div3A_528 = vector.broadcast %div3A_527 : f32 to vector<16xf32>
        %div3A_529 = arith.divf %select_n3A_526, %div3A_528 : vector<16xf32>
        %div3A_530 = arith.divf %get3A_516, %select_n3A_526 : vector<16xf32>
        %swap3A_531 = arith.index_cast %add3A_512 : i32 to index
        %swap3A_532 = tpu.vector_load %arg9[%swap3A_531] {strides = array<i32>} : memref<16384xf32, #tpu.memory_space<vmem>>, vector<16xf32>,
        tpu.vector_store %arg9[%swap3A_531], %div3A_529 {strides = array<i32>} : memref<16384xf32, #tpu.memory_space<vmem>>, vector<16xf32>,
        %swap3A_533 = arith.index_cast %add3A_512 : i32 to index
        %swap3A_534 = tpu.vector_load %arg10[%swap3A_533] {strides = array<i32>} : memref<16384xf32, #tpu.memory_space<vmem>>, vector<16xf32>,
        tpu.vector_store %arg10[%swap3A_533], %div3A_530 {strides = array<i32>} : memref<16384xf32, #tpu.memory_space<vmem>>, vector<16xf32>,
        %max3A_535 = arith.maximumf %max3A_507, %div3A_529 : vector<16xf32>
        %max3A_536 = arith.maximumf %max3A_508, %get3A_518 : vector<16xf32>
        %max3A_537 = arith.maximumf %max3A_509, %div3A_530 : vector<16xf32>
        %max3A_538 = arith.maximumf %max3A_510, %get3A_520 : vector<16xf32>
        %add3A_539 = arith.constant 5120 : i32
        %add3A_540 = arith.addi %add3A_539, %mul3A_406 : i32
        %get3A_541 = arith.index_cast %add3A_540 : i32 to index
        %get3A_542 = tpu.vector_load %arg9[%get3A_541] {strides = array<i32>} : memref<16384xf32, #tpu.memory_space<vmem>>, vector<16xf32>,
        %get3A_543 = arith.index_cast %add3A_540 : i32 to index
        %get3A_544 = tpu.vector_load %arg10[%get3A_543] {strides = array<i32>} : memref<16384xf32, #tpu.memory_space<vmem>>, vector<16xf32>,
        %get3A_545 = arith.index_cast %add3A_540 : i32 to index
        %get3A_546 = tpu.vector_load %arg11[%get3A_545] {strides = array<i32>} : memref<16384xf32, #tpu.memory_space<vmem>>, vector<16xf32>,
        %get3A_547 = arith.index_cast %add3A_540 : i32 to index
        %get3A_548 = tpu.vector_load %arg12[%get3A_547] {strides = array<i32>} : memref<16384xf32, #tpu.memory_space<vmem>>, vector<16xf32>,
        %eq3A_549 = arith.constant 0.000000e+00 : f32
        %eq3A_550 = vector.broadcast %eq3A_549 : f32 to vector<16xf32>
        %eq3A_551 = arith.cmpf oeq, %get3A_542, %eq3A_550 : vector<16xf32>
        %jit3A_552 = arith.constant 1.000000e+00 : f32
        %broadcast_in_dim3A_553 = vector.broadcast %jit3A_552 : f32 to vector<16xf32>
        %select_n3A_554 = arith.select %eq3A_551, %broadcast_in_dim3A_553, %get3A_542 : vector<16xi1>, vector<16xf32>
        %div3A_555 = arith.constant 5.000000e+01 : f32
        %div3A_556 = vector.broadcast %div3A_555 : f32 to vector<16xf32>
        %div3A_557 = arith.divf %select_n3A_554, %div3A_556 : vector<16xf32>
        %div3A_558 = arith.divf %get3A_544, %select_n3A_554 : vector<16xf32>
        %swap3A_559 = arith.index_cast %add3A_540 : i32 to index
        %swap3A_560 = tpu.vector_load %arg9[%swap3A_559] {strides = array<i32>} : memref<16384xf32, #tpu.memory_space<vmem>>, vector<16xf32>,
        tpu.vector_store %arg9[%swap3A_559], %div3A_557 {strides = array<i32>} : memref<16384xf32, #tpu.memory_space<vmem>>, vector<16xf32>,
        %swap3A_561 = arith.index_cast %add3A_540 : i32 to index
        %swap3A_562 = tpu.vector_load %arg10[%swap3A_561] {strides = array<i32>} : memref<16384xf32, #tpu.memory_space<vmem>>, vector<16xf32>,
        tpu.vector_store %arg10[%swap3A_561], %div3A_558 {strides = array<i32>} : memref<16384xf32, #tpu.memory_space<vmem>>, vector<16xf32>,
        %max3A_563 = arith.maximumf %max3A_535, %div3A_557 : vector<16xf32>
        %max3A_564 = arith.maximumf %max3A_536, %get3A_546 : vector<16xf32>
        %max3A_565 = arith.maximumf %max3A_537, %div3A_558 : vector<16xf32>
        %max3A_566 = arith.maximumf %max3A_538, %get3A_548 : vector<16xf32>
        %add3A_567 = arith.constant 6144 : i32
        %add3A_568 = arith.addi %add3A_567, %mul3A_406 : i32
        %get3A_569 = arith.index_cast %add3A_568 : i32 to index
        %get3A_570 = tpu.vector_load %arg9[%get3A_569] {strides = array<i32>} : memref<16384xf32, #tpu.memory_space<vmem>>, vector<16xf32>,
        %get3A_571 = arith.index_cast %add3A_568 : i32 to index
        %get3A_572 = tpu.vector_load %arg10[%get3A_571] {strides = array<i32>} : memref<16384xf32, #tpu.memory_space<vmem>>, vector<16xf32>,
        %get3A_573 = arith.index_cast %add3A_568 : i32 to index
        %get3A_574 = tpu.vector_load %arg11[%get3A_573] {strides = array<i32>} : memref<16384xf32, #tpu.memory_space<vmem>>, vector<16xf32>,
        %get3A_575 = arith.index_cast %add3A_568 : i32 to index
        %get3A_576 = tpu.vector_load %arg12[%get3A_575] {strides = array<i32>} : memref<16384xf32, #tpu.memory_space<vmem>>, vector<16xf32>,
        %eq3A_577 = arith.constant 0.000000e+00 : f32
        %eq3A_578 = vector.broadcast %eq3A_577 : f32 to vector<16xf32>
        %eq3A_579 = arith.cmpf oeq, %get3A_570, %eq3A_578 : vector<16xf32>
        %jit3A_580 = arith.constant 1.000000e+00 : f32
        %broadcast_in_dim3A_581 = vector.broadcast %jit3A_580 : f32 to vector<16xf32>
        %select_n3A_582 = arith.select %eq3A_579, %broadcast_in_dim3A_581, %get3A_570 : vector<16xi1>, vector<16xf32>
        %div3A_583 = arith.constant 5.000000e+01 : f32
        %div3A_584 = vector.broadcast %div3A_583 : f32 to vector<16xf32>
        %div3A_585 = arith.divf %select_n3A_582, %div3A_584 : vector<16xf32>
        %div3A_586 = arith.divf %get3A_572, %select_n3A_582 : vector<16xf32>
        %swap3A_587 = arith.index_cast %add3A_568 : i32 to index
        %swap3A_588 = tpu.vector_load %arg9[%swap3A_587] {strides = array<i32>} : memref<16384xf32, #tpu.memory_space<vmem>>, vector<16xf32>,
        tpu.vector_store %arg9[%swap3A_587], %div3A_585 {strides = array<i32>} : memref<16384xf32, #tpu.memory_space<vmem>>, vector<16xf32>,
        %swap3A_589 = arith.index_cast %add3A_568 : i32 to index
        %swap3A_590 = tpu.vector_load %arg10[%swap3A_589] {strides = array<i32>} : memref<16384xf32, #tpu.memory_space<vmem>>, vector<16xf32>,
        tpu.vector_store %arg10[%swap3A_589], %div3A_586 {strides = array<i32>} : memref<16384xf32, #tpu.memory_space<vmem>>, vector<16xf32>,
        %max3A_591 = arith.maximumf %max3A_563, %div3A_585 : vector<16xf32>
        %max3A_592 = arith.maximumf %max3A_564, %get3A_574 : vector<16xf32>
        %max3A_593 = arith.maximumf %max3A_565, %div3A_586 : vector<16xf32>
        %max3A_594 = arith.maximumf %max3A_566, %get3A_576 : vector<16xf32>
        %add3A_595 = arith.constant 7168 : i32
        %add3A_596 = arith.addi %add3A_595, %mul3A_406 : i32
        %get3A_597 = arith.index_cast %add3A_596 : i32 to index
        %get3A_598 = tpu.vector_load %arg9[%get3A_597] {strides = array<i32>} : memref<16384xf32, #tpu.memory_space<vmem>>, vector<16xf32>,
        %get3A_599 = arith.index_cast %add3A_596 : i32 to index
        %get3A_600 = tpu.vector_load %arg10[%get3A_599] {strides = array<i32>} : memref<16384xf32, #tpu.memory_space<vmem>>, vector<16xf32>,
        %get3A_601 = arith.index_cast %add3A_596 : i32 to index
        %get3A_602 = tpu.vector_load %arg11[%get3A_601] {strides = array<i32>} : memref<16384xf32, #tpu.memory_space<vmem>>, vector<16xf32>,
        %get3A_603 = arith.index_cast %add3A_596 : i32 to index
        %get3A_604 = tpu.vector_load %arg12[%get3A_603] {strides = array<i32>} : memref<16384xf32, #tpu.memory_space<vmem>>, vector<16xf32>,
        %eq3A_605 = arith.constant 0.000000e+00 : f32
        %eq3A_606 = vector.broadcast %eq3A_605 : f32 to vector<16xf32>
        %eq3A_607 = arith.cmpf oeq, %get3A_598, %eq3A_606 : vector<16xf32>
        %jit3A_608 = arith.constant 1.000000e+00 : f32
        %broadcast_in_dim3A_609 = vector.broadcast %jit3A_608 : f32 to vector<16xf32>
        %select_n3A_610 = arith.select %eq3A_607, %broadcast_in_dim3A_609, %get3A_598 : vector<16xi1>, vector<16xf32>
        %div3A_611 = arith.constant 5.000000e+01 : f32
        %div3A_612 = vector.broadcast %div3A_611 : f32 to vector<16xf32>
        %div3A_613 = arith.divf %select_n3A_610, %div3A_612 : vector<16xf32>
        %div3A_614 = arith.divf %get3A_600, %select_n3A_610 : vector<16xf32>
        %swap3A_615 = arith.index_cast %add3A_596 : i32 to index
        %swap3A_616 = tpu.vector_load %arg9[%swap3A_615] {strides = array<i32>} : memref<16384xf32, #tpu.memory_space<vmem>>, vector<16xf32>,
        tpu.vector_store %arg9[%swap3A_615], %div3A_613 {strides = array<i32>} : memref<16384xf32, #tpu.memory_space<vmem>>, vector<16xf32>,
        %swap3A_617 = arith.index_cast %add3A_596 : i32 to index
        %swap3A_618 = tpu.vector_load %arg10[%swap3A_617] {strides = array<i32>} : memref<16384xf32, #tpu.memory_space<vmem>>, vector<16xf32>,
        tpu.vector_store %arg10[%swap3A_617], %div3A_614 {strides = array<i32>} : memref<16384xf32, #tpu.memory_space<vmem>>, vector<16xf32>,
        %max3A_619 = arith.maximumf %max3A_591, %div3A_613 : vector<16xf32>
        %max3A_620 = arith.maximumf %max3A_592, %get3A_602 : vector<16xf32>
        %max3A_621 = arith.maximumf %max3A_593, %div3A_614 : vector<16xf32>
        %max3A_622 = arith.maximumf %max3A_594, %get3A_604 : vector<16xf32>
        %add3A_623 = arith.constant 0 : i32
        %add3A_624 = arith.addi %add3A_623, %mul3A_406 : i32
        %swap3A_625 = arith.index_cast %add3A_624 : i32 to index
        %swap3A_626 = tpu.vector_load %arg17[%swap3A_625] {strides = array<i32>} : memref<8192xf32, #tpu.memory_space<vmem>>, vector<16xf32>,
        tpu.vector_store %arg17[%swap3A_625], %max3A_619 {strides = array<i32>} : memref<8192xf32, #tpu.memory_space<vmem>>, vector<16xf32>,
        %add3A_627 = arith.constant 2048 : i32
        %add3A_628 = arith.addi %add3A_627, %mul3A_406 : i32
        %swap3A_629 = arith.index_cast %add3A_628 : i32 to index
        %swap3A_630 = tpu.vector_load %arg17[%swap3A_629] {strides = array<i32>} : memref<8192xf32, #tpu.memory_space<vmem>>, vector<16xf32>,
        tpu.vector_store %arg17[%swap3A_629], %max3A_620 {strides = array<i32>} : memref<8192xf32, #tpu.memory_space<vmem>>, vector<16xf32>,
        %add3A_631 = arith.constant 4096 : i32
        %add3A_632 = arith.addi %add3A_631, %mul3A_406 : i32
        %swap3A_633 = arith.index_cast %add3A_632 : i32 to index
        %swap3A_634 = tpu.vector_load %arg17[%swap3A_633] {strides = array<i32>} : memref<8192xf32, #tpu.memory_space<vmem>>, vector<16xf32>,
        tpu.vector_store %arg17[%swap3A_633], %max3A_621 {strides = array<i32>} : memref<8192xf32, #tpu.memory_space<vmem>>, vector<16xf32>,
        %add3A_635 = arith.constant 6144 : i32
        %add3A_636 = arith.addi %add3A_635, %mul3A_406 : i32
        %swap3A_637 = arith.index_cast %add3A_636 : i32 to index
        %swap3A_638 = tpu.vector_load %arg17[%swap3A_637] {strides = array<i32>} : memref<8192xf32, #tpu.memory_space<vmem>>, vector<16xf32>,
        tpu.vector_store %arg17[%swap3A_637], %max3A_622 {strides = array<i32>} : memref<8192xf32, #tpu.memory_space<vmem>>, vector<16xf32>,
        %add3A_639 = arith.constant 8192 : i32
        %add3A_640 = arith.addi %add3A_639, %mul3A_406 : i32
        %get3A_641 = arith.index_cast %add3A_640 : i32 to index
        %get3A_642 = tpu.vector_load %arg9[%get3A_641] {strides = array<i32>} : memref<16384xf32, #tpu.memory_space<vmem>>, vector<16xf32>,
        %get3A_643 = arith.index_cast %add3A_640 : i32 to index
        %get3A_644 = tpu.vector_load %arg10[%get3A_643] {strides = array<i32>} : memref<16384xf32, #tpu.memory_space<vmem>>, vector<16xf32>,
        %get3A_645 = arith.index_cast %add3A_640 : i32 to index
        %get3A_646 = tpu.vector_load %arg11[%get3A_645] {strides = array<i32>} : memref<16384xf32, #tpu.memory_space<vmem>>, vector<16xf32>,
        %get3A_647 = arith.index_cast %add3A_640 : i32 to index
        %get3A_648 = tpu.vector_load %arg12[%get3A_647] {strides = array<i32>} : memref<16384xf32, #tpu.memory_space<vmem>>, vector<16xf32>,
        %eq3A_649 = arith.constant 0.000000e+00 : f32
        %eq3A_650 = vector.broadcast %eq3A_649 : f32 to vector<16xf32>
        %eq3A_651 = arith.cmpf oeq, %get3A_642, %eq3A_650 : vector<16xf32>
        %jit3A_652 = arith.constant 1.000000e+00 : f32
        %broadcast_in_dim3A_653 = vector.broadcast %jit3A_652 : f32 to vector<16xf32>
        %select_n3A_654 = arith.select %eq3A_651, %broadcast_in_dim3A_653, %get3A_642 : vector<16xi1>, vector<16xf32>
        %div3A_655 = arith.constant 5.000000e+01 : f32
        %div3A_656 = vector.broadcast %div3A_655 : f32 to vector<16xf32>
        %div3A_657 = arith.divf %select_n3A_654, %div3A_656 : vector<16xf32>
        %div3A_658 = arith.divf %get3A_644, %select_n3A_654 : vector<16xf32>
        %swap3A_659 = arith.index_cast %add3A_640 : i32 to index
        %swap3A_660 = tpu.vector_load %arg9[%swap3A_659] {strides = array<i32>} : memref<16384xf32, #tpu.memory_space<vmem>>, vector<16xf32>,
        tpu.vector_store %arg9[%swap3A_659], %div3A_657 {strides = array<i32>} : memref<16384xf32, #tpu.memory_space<vmem>>, vector<16xf32>,
        %swap3A_661 = arith.index_cast %add3A_640 : i32 to index
        %swap3A_662 = tpu.vector_load %arg10[%swap3A_661] {strides = array<i32>} : memref<16384xf32, #tpu.memory_space<vmem>>, vector<16xf32>,
        tpu.vector_store %arg10[%swap3A_661], %div3A_658 {strides = array<i32>} : memref<16384xf32, #tpu.memory_space<vmem>>, vector<16xf32>,
        %add3A_663 = arith.constant 9216 : i32
        %add3A_664 = arith.addi %add3A_663, %mul3A_406 : i32
        %get3A_665 = arith.index_cast %add3A_664 : i32 to index
        %get3A_666 = tpu.vector_load %arg9[%get3A_665] {strides = array<i32>} : memref<16384xf32, #tpu.memory_space<vmem>>, vector<16xf32>,
        %get3A_667 = arith.index_cast %add3A_664 : i32 to index
        %get3A_668 = tpu.vector_load %arg10[%get3A_667] {strides = array<i32>} : memref<16384xf32, #tpu.memory_space<vmem>>, vector<16xf32>,
        %get3A_669 = arith.index_cast %add3A_664 : i32 to index
        %get3A_670 = tpu.vector_load %arg11[%get3A_669] {strides = array<i32>} : memref<16384xf32, #tpu.memory_space<vmem>>, vector<16xf32>,
        %get3A_671 = arith.index_cast %add3A_664 : i32 to index
        %get3A_672 = tpu.vector_load %arg12[%get3A_671] {strides = array<i32>} : memref<16384xf32, #tpu.memory_space<vmem>>, vector<16xf32>,
        %eq3A_673 = arith.constant 0.000000e+00 : f32
        %eq3A_674 = vector.broadcast %eq3A_673 : f32 to vector<16xf32>
        %eq3A_675 = arith.cmpf oeq, %get3A_666, %eq3A_674 : vector<16xf32>
        %jit3A_676 = arith.constant 1.000000e+00 : f32
        %broadcast_in_dim3A_677 = vector.broadcast %jit3A_676 : f32 to vector<16xf32>
        %select_n3A_678 = arith.select %eq3A_675, %broadcast_in_dim3A_677, %get3A_666 : vector<16xi1>, vector<16xf32>
        %div3A_679 = arith.constant 5.000000e+01 : f32
        %div3A_680 = vector.broadcast %div3A_679 : f32 to vector<16xf32>
        %div3A_681 = arith.divf %select_n3A_678, %div3A_680 : vector<16xf32>
        %div3A_682 = arith.divf %get3A_668, %select_n3A_678 : vector<16xf32>
        %swap3A_683 = arith.index_cast %add3A_664 : i32 to index
        %swap3A_684 = tpu.vector_load %arg9[%swap3A_683] {strides = array<i32>} : memref<16384xf32, #tpu.memory_space<vmem>>, vector<16xf32>,
        tpu.vector_store %arg9[%swap3A_683], %div3A_681 {strides = array<i32>} : memref<16384xf32, #tpu.memory_space<vmem>>, vector<16xf32>,
        %swap3A_685 = arith.index_cast %add3A_664 : i32 to index
        %swap3A_686 = tpu.vector_load %arg10[%swap3A_685] {strides = array<i32>} : memref<16384xf32, #tpu.memory_space<vmem>>, vector<16xf32>,
        tpu.vector_store %arg10[%swap3A_685], %div3A_682 {strides = array<i32>} : memref<16384xf32, #tpu.memory_space<vmem>>, vector<16xf32>,
        %max3A_687 = arith.maximumf %div3A_657, %div3A_681 : vector<16xf32>
        %max3A_688 = arith.maximumf %get3A_646, %get3A_670 : vector<16xf32>
        %max3A_689 = arith.maximumf %div3A_658, %div3A_682 : vector<16xf32>
        %max3A_690 = arith.maximumf %get3A_648, %get3A_672 : vector<16xf32>
        %add3A_691 = arith.constant 10240 : i32
        %add3A_692 = arith.addi %add3A_691, %mul3A_406 : i32
        %get3A_693 = arith.index_cast %add3A_692 : i32 to index
        %get3A_694 = tpu.vector_load %arg9[%get3A_693] {strides = array<i32>} : memref<16384xf32, #tpu.memory_space<vmem>>, vector<16xf32>,
        %get3A_695 = arith.index_cast %add3A_692 : i32 to index
        %get3A_696 = tpu.vector_load %arg10[%get3A_695] {strides = array<i32>} : memref<16384xf32, #tpu.memory_space<vmem>>, vector<16xf32>,
        %get3A_697 = arith.index_cast %add3A_692 : i32 to index
        %get3A_698 = tpu.vector_load %arg11[%get3A_697] {strides = array<i32>} : memref<16384xf32, #tpu.memory_space<vmem>>, vector<16xf32>,
        %get3A_699 = arith.index_cast %add3A_692 : i32 to index
        %get3A_700 = tpu.vector_load %arg12[%get3A_699] {strides = array<i32>} : memref<16384xf32, #tpu.memory_space<vmem>>, vector<16xf32>,
        %eq3A_701 = arith.constant 0.000000e+00 : f32
        %eq3A_702 = vector.broadcast %eq3A_701 : f32 to vector<16xf32>
        %eq3A_703 = arith.cmpf oeq, %get3A_694, %eq3A_702 : vector<16xf32>
        %jit3A_704 = arith.constant 1.000000e+00 : f32
        %broadcast_in_dim3A_705 = vector.broadcast %jit3A_704 : f32 to vector<16xf32>
        %select_n3A_706 = arith.select %eq3A_703, %broadcast_in_dim3A_705, %get3A_694 : vector<16xi1>, vector<16xf32>
        %div3A_707 = arith.constant 5.000000e+01 : f32
        %div3A_708 = vector.broadcast %div3A_707 : f32 to vector<16xf32>
        %div3A_709 = arith.divf %select_n3A_706, %div3A_708 : vector<16xf32>
        %div3A_710 = arith.divf %get3A_696, %select_n3A_706 : vector<16xf32>
        %swap3A_711 = arith.index_cast %add3A_692 : i32 to index
        %swap3A_712 = tpu.vector_load %arg9[%swap3A_711] {strides = array<i32>} : memref<16384xf32, #tpu.memory_space<vmem>>, vector<16xf32>,
        tpu.vector_store %arg9[%swap3A_711], %div3A_709 {strides = array<i32>} : memref<16384xf32, #tpu.memory_space<vmem>>, vector<16xf32>,
        %swap3A_713 = arith.index_cast %add3A_692 : i32 to index
        %swap3A_714 = tpu.vector_load %arg10[%swap3A_713] {strides = array<i32>} : memref<16384xf32, #tpu.memory_space<vmem>>, vector<16xf32>,
        tpu.vector_store %arg10[%swap3A_713], %div3A_710 {strides = array<i32>} : memref<16384xf32, #tpu.memory_space<vmem>>, vector<16xf32>,
        %max3A_715 = arith.maximumf %max3A_687, %div3A_709 : vector<16xf32>
        %max3A_716 = arith.maximumf %max3A_688, %get3A_698 : vector<16xf32>
        %max3A_717 = arith.maximumf %max3A_689, %div3A_710 : vector<16xf32>
        %max3A_718 = arith.maximumf %max3A_690, %get3A_700 : vector<16xf32>
        %add3A_719 = arith.constant 11264 : i32
        %add3A_720 = arith.addi %add3A_719, %mul3A_406 : i32
        %get3A_721 = arith.index_cast %add3A_720 : i32 to index
        %get3A_722 = tpu.vector_load %arg9[%get3A_721] {strides = array<i32>} : memref<16384xf32, #tpu.memory_space<vmem>>, vector<16xf32>,
        %get3A_723 = arith.index_cast %add3A_720 : i32 to index
        %get3A_724 = tpu.vector_load %arg10[%get3A_723] {strides = array<i32>} : memref<16384xf32, #tpu.memory_space<vmem>>, vector<16xf32>,
        %get3A_725 = arith.index_cast %add3A_720 : i32 to index
        %get3A_726 = tpu.vector_load %arg11[%get3A_725] {strides = array<i32>} : memref<16384xf32, #tpu.memory_space<vmem>>, vector<16xf32>,
        %get3A_727 = arith.index_cast %add3A_720 : i32 to index
        %get3A_728 = tpu.vector_load %arg12[%get3A_727] {strides = array<i32>} : memref<16384xf32, #tpu.memory_space<vmem>>, vector<16xf32>,
        %eq3A_729 = arith.constant 0.000000e+00 : f32
        %eq3A_730 = vector.broadcast %eq3A_729 : f32 to vector<16xf32>
        %eq3A_731 = arith.cmpf oeq, %get3A_722, %eq3A_730 : vector<16xf32>
        %jit3A_732 = arith.constant 1.000000e+00 : f32
        %broadcast_in_dim3A_733 = vector.broadcast %jit3A_732 : f32 to vector<16xf32>
        %select_n3A_734 = arith.select %eq3A_731, %broadcast_in_dim3A_733, %get3A_722 : vector<16xi1>, vector<16xf32>
        %div3A_735 = arith.constant 5.000000e+01 : f32
        %div3A_736 = vector.broadcast %div3A_735 : f32 to vector<16xf32>
        %div3A_737 = arith.divf %select_n3A_734, %div3A_736 : vector<16xf32>
        %div3A_738 = arith.divf %get3A_724, %select_n3A_734 : vector<16xf32>
        %swap3A_739 = arith.index_cast %add3A_720 : i32 to index
        %swap3A_740 = tpu.vector_load %arg9[%swap3A_739] {strides = array<i32>} : memref<16384xf32, #tpu.memory_space<vmem>>, vector<16xf32>,
        tpu.vector_store %arg9[%swap3A_739], %div3A_737 {strides = array<i32>} : memref<16384xf32, #tpu.memory_space<vmem>>, vector<16xf32>,
        %swap3A_741 = arith.index_cast %add3A_720 : i32 to index
        %swap3A_742 = tpu.vector_load %arg10[%swap3A_741] {strides = array<i32>} : memref<16384xf32, #tpu.memory_space<vmem>>, vector<16xf32>,
        tpu.vector_store %arg10[%swap3A_741], %div3A_738 {strides = array<i32>} : memref<16384xf32, #tpu.memory_space<vmem>>, vector<16xf32>,
        %max3A_743 = arith.maximumf %max3A_715, %div3A_737 : vector<16xf32>
        %max3A_744 = arith.maximumf %max3A_716, %get3A_726 : vector<16xf32>
        %max3A_745 = arith.maximumf %max3A_717, %div3A_738 : vector<16xf32>
        %max3A_746 = arith.maximumf %max3A_718, %get3A_728 : vector<16xf32>
        %add3A_747 = arith.constant 12288 : i32
        %add3A_748 = arith.addi %add3A_747, %mul3A_406 : i32
        %get3A_749 = arith.index_cast %add3A_748 : i32 to index
        %get3A_750 = tpu.vector_load %arg9[%get3A_749] {strides = array<i32>} : memref<16384xf32, #tpu.memory_space<vmem>>, vector<16xf32>,
        %get3A_751 = arith.index_cast %add3A_748 : i32 to index
        %get3A_752 = tpu.vector_load %arg10[%get3A_751] {strides = array<i32>} : memref<16384xf32, #tpu.memory_space<vmem>>, vector<16xf32>,
        %get3A_753 = arith.index_cast %add3A_748 : i32 to index
        %get3A_754 = tpu.vector_load %arg11[%get3A_753] {strides = array<i32>} : memref<16384xf32, #tpu.memory_space<vmem>>, vector<16xf32>,
        %get3A_755 = arith.index_cast %add3A_748 : i32 to index
        %get3A_756 = tpu.vector_load %arg12[%get3A_755] {strides = array<i32>} : memref<16384xf32, #tpu.memory_space<vmem>>, vector<16xf32>,
        %eq3A_757 = arith.constant 0.000000e+00 : f32
        %eq3A_758 = vector.broadcast %eq3A_757 : f32 to vector<16xf32>
        %eq3A_759 = arith.cmpf oeq, %get3A_750, %eq3A_758 : vector<16xf32>
        %jit3A_760 = arith.constant 1.000000e+00 : f32
        %broadcast_in_dim3A_761 = vector.broadcast %jit3A_760 : f32 to vector<16xf32>
        %select_n3A_762 = arith.select %eq3A_759, %broadcast_in_dim3A_761, %get3A_750 : vector<16xi1>, vector<16xf32>
        %div3A_763 = arith.constant 5.000000e+01 : f32
        %div3A_764 = vector.broadcast %div3A_763 : f32 to vector<16xf32>
        %div3A_765 = arith.divf %select_n3A_762, %div3A_764 : vector<16xf32>
        %div3A_766 = arith.divf %get3A_752, %select_n3A_762 : vector<16xf32>
        %swap3A_767 = arith.index_cast %add3A_748 : i32 to index
        %swap3A_768 = tpu.vector_load %arg9[%swap3A_767] {strides = array<i32>} : memref<16384xf32, #tpu.memory_space<vmem>>, vector<16xf32>,
        tpu.vector_store %arg9[%swap3A_767], %div3A_765 {strides = array<i32>} : memref<16384xf32, #tpu.memory_space<vmem>>, vector<16xf32>,
        %swap3A_769 = arith.index_cast %add3A_748 : i32 to index
        %swap3A_770 = tpu.vector_load %arg10[%swap3A_769] {strides = array<i32>} : memref<16384xf32, #tpu.memory_space<vmem>>, vector<16xf32>,
        tpu.vector_store %arg10[%swap3A_769], %div3A_766 {strides = array<i32>} : memref<16384xf32, #tpu.memory_space<vmem>>, vector<16xf32>,
        %max3A_771 = arith.maximumf %max3A_743, %div3A_765 : vector<16xf32>
        %max3A_772 = arith.maximumf %max3A_744, %get3A_754 : vector<16xf32>
        %max3A_773 = arith.maximumf %max3A_745, %div3A_766 : vector<16xf32>
        %max3A_774 = arith.maximumf %max3A_746, %get3A_756 : vector<16xf32>
        %add3A_775 = arith.constant 13312 : i32
        %add3A_776 = arith.addi %add3A_775, %mul3A_406 : i32
        %get3A_777 = arith.index_cast %add3A_776 : i32 to index
        %get3A_778 = tpu.vector_load %arg9[%get3A_777] {strides = array<i32>} : memref<16384xf32, #tpu.memory_space<vmem>>, vector<16xf32>,
        %get3A_779 = arith.index_cast %add3A_776 : i32 to index
        %get3A_780 = tpu.vector_load %arg10[%get3A_779] {strides = array<i32>} : memref<16384xf32, #tpu.memory_space<vmem>>, vector<16xf32>,
        %get3A_781 = arith.index_cast %add3A_776 : i32 to index
        %get3A_782 = tpu.vector_load %arg11[%get3A_781] {strides = array<i32>} : memref<16384xf32, #tpu.memory_space<vmem>>, vector<16xf32>,
        %get3A_783 = arith.index_cast %add3A_776 : i32 to index
        %get3A_784 = tpu.vector_load %arg12[%get3A_783] {strides = array<i32>} : memref<16384xf32, #tpu.memory_space<vmem>>, vector<16xf32>,
        %eq3A_785 = arith.constant 0.000000e+00 : f32
        %eq3A_786 = vector.broadcast %eq3A_785 : f32 to vector<16xf32>
        %eq3A_787 = arith.cmpf oeq, %get3A_778, %eq3A_786 : vector<16xf32>
        %jit3A_788 = arith.constant 1.000000e+00 : f32
        %broadcast_in_dim3A_789 = vector.broadcast %jit3A_788 : f32 to vector<16xf32>
        %select_n3A_790 = arith.select %eq3A_787, %broadcast_in_dim3A_789, %get3A_778 : vector<16xi1>, vector<16xf32>
        %div3A_791 = arith.constant 5.000000e+01 : f32
        %div3A_792 = vector.broadcast %div3A_791 : f32 to vector<16xf32>
        %div3A_793 = arith.divf %select_n3A_790, %div3A_792 : vector<16xf32>
        %div3A_794 = arith.divf %get3A_780, %select_n3A_790 : vector<16xf32>
        %swap3A_795 = arith.index_cast %add3A_776 : i32 to index
        %swap3A_796 = tpu.vector_load %arg9[%swap3A_795] {strides = array<i32>} : memref<16384xf32, #tpu.memory_space<vmem>>, vector<16xf32>,
        tpu.vector_store %arg9[%swap3A_795], %div3A_793 {strides = array<i32>} : memref<16384xf32, #tpu.memory_space<vmem>>, vector<16xf32>,
        %swap3A_797 = arith.index_cast %add3A_776 : i32 to index
        %swap3A_798 = tpu.vector_load %arg10[%swap3A_797] {strides = array<i32>} : memref<16384xf32, #tpu.memory_space<vmem>>, vector<16xf32>,
        tpu.vector_store %arg10[%swap3A_797], %div3A_794 {strides = array<i32>} : memref<16384xf32, #tpu.memory_space<vmem>>, vector<16xf32>,
        %max3A_799 = arith.maximumf %max3A_771, %div3A_793 : vector<16xf32>
        %max3A_800 = arith.maximumf %max3A_772, %get3A_782 : vector<16xf32>
        %max3A_801 = arith.maximumf %max3A_773, %div3A_794 : vector<16xf32>
        %max3A_802 = arith.maximumf %max3A_774, %get3A_784 : vector<16xf32>
        %add3A_803 = arith.constant 14336 : i32
        %add3A_804 = arith.addi %add3A_803, %mul3A_406 : i32
        %get3A_805 = arith.index_cast %add3A_804 : i32 to index
        %get3A_806 = tpu.vector_load %arg9[%get3A_805] {strides = array<i32>} : memref<16384xf32, #tpu.memory_space<vmem>>, vector<16xf32>,
        %get3A_807 = arith.index_cast %add3A_804 : i32 to index
        %get3A_808 = tpu.vector_load %arg10[%get3A_807] {strides = array<i32>} : memref<16384xf32, #tpu.memory_space<vmem>>, vector<16xf32>,
        %get3A_809 = arith.index_cast %add3A_804 : i32 to index
        %get3A_810 = tpu.vector_load %arg11[%get3A_809] {strides = array<i32>} : memref<16384xf32, #tpu.memory_space<vmem>>, vector<16xf32>,
        %get3A_811 = arith.index_cast %add3A_804 : i32 to index
        %get3A_812 = tpu.vector_load %arg12[%get3A_811] {strides = array<i32>} : memref<16384xf32, #tpu.memory_space<vmem>>, vector<16xf32>,
        %eq3A_813 = arith.constant 0.000000e+00 : f32
        %eq3A_814 = vector.broadcast %eq3A_813 : f32 to vector<16xf32>
        %eq3A_815 = arith.cmpf oeq, %get3A_806, %eq3A_814 : vector<16xf32>
        %jit3A_816 = arith.constant 1.000000e+00 : f32
        %broadcast_in_dim3A_817 = vector.broadcast %jit3A_816 : f32 to vector<16xf32>
        %select_n3A_818 = arith.select %eq3A_815, %broadcast_in_dim3A_817, %get3A_806 : vector<16xi1>, vector<16xf32>
        %div3A_819 = arith.constant 5.000000e+01 : f32
        %div3A_820 = vector.broadcast %div3A_819 : f32 to vector<16xf32>
        %div3A_821 = arith.divf %select_n3A_818, %div3A_820 : vector<16xf32>
        %div3A_822 = arith.divf %get3A_808, %select_n3A_818 : vector<16xf32>
        %swap3A_823 = arith.index_cast %add3A_804 : i32 to index
        %swap3A_824 = tpu.vector_load %arg9[%swap3A_823] {strides = array<i32>} : memref<16384xf32, #tpu.memory_space<vmem>>, vector<16xf32>,
        tpu.vector_store %arg9[%swap3A_823], %div3A_821 {strides = array<i32>} : memref<16384xf32, #tpu.memory_space<vmem>>, vector<16xf32>,
        %swap3A_825 = arith.index_cast %add3A_804 : i32 to index
        %swap3A_826 = tpu.vector_load %arg10[%swap3A_825] {strides = array<i32>} : memref<16384xf32, #tpu.memory_space<vmem>>, vector<16xf32>,
        tpu.vector_store %arg10[%swap3A_825], %div3A_822 {strides = array<i32>} : memref<16384xf32, #tpu.memory_space<vmem>>, vector<16xf32>,
        %max3A_827 = arith.maximumf %max3A_799, %div3A_821 : vector<16xf32>
        %max3A_828 = arith.maximumf %max3A_800, %get3A_810 : vector<16xf32>
        %max3A_829 = arith.maximumf %max3A_801, %div3A_822 : vector<16xf32>
        %max3A_830 = arith.maximumf %max3A_802, %get3A_812 : vector<16xf32>
        %add3A_831 = arith.constant 15360 : i32
        %add3A_832 = arith.addi %add3A_831, %mul3A_406 : i32
        %get3A_833 = arith.index_cast %add3A_832 : i32 to index
        %get3A_834 = tpu.vector_load %arg9[%get3A_833] {strides = array<i32>} : memref<16384xf32, #tpu.memory_space<vmem>>, vector<16xf32>,
        %get3A_835 = arith.index_cast %add3A_832 : i32 to index
        %get3A_836 = tpu.vector_load %arg10[%get3A_835] {strides = array<i32>} : memref<16384xf32, #tpu.memory_space<vmem>>, vector<16xf32>,
        %get3A_837 = arith.index_cast %add3A_832 : i32 to index
        %get3A_838 = tpu.vector_load %arg11[%get3A_837] {strides = array<i32>} : memref<16384xf32, #tpu.memory_space<vmem>>, vector<16xf32>,
        %get3A_839 = arith.index_cast %add3A_832 : i32 to index
        %get3A_840 = tpu.vector_load %arg12[%get3A_839] {strides = array<i32>} : memref<16384xf32, #tpu.memory_space<vmem>>, vector<16xf32>,
        %eq3A_841 = arith.constant 0.000000e+00 : f32
        %eq3A_842 = vector.broadcast %eq3A_841 : f32 to vector<16xf32>
        %eq3A_843 = arith.cmpf oeq, %get3A_834, %eq3A_842 : vector<16xf32>
        %jit3A_844 = arith.constant 1.000000e+00 : f32
        %broadcast_in_dim3A_845 = vector.broadcast %jit3A_844 : f32 to vector<16xf32>
        %select_n3A_846 = arith.select %eq3A_843, %broadcast_in_dim3A_845, %get3A_834 : vector<16xi1>, vector<16xf32>
        %div3A_847 = arith.constant 5.000000e+01 : f32
        %div3A_848 = vector.broadcast %div3A_847 : f32 to vector<16xf32>
        %div3A_849 = arith.divf %select_n3A_846, %div3A_848 : vector<16xf32>
        %div3A_850 = arith.divf %get3A_836, %select_n3A_846 : vector<16xf32>
        %swap3A_851 = arith.index_cast %add3A_832 : i32 to index
        %swap3A_852 = tpu.vector_load %arg9[%swap3A_851] {strides = array<i32>} : memref<16384xf32, #tpu.memory_space<vmem>>, vector<16xf32>,
        tpu.vector_store %arg9[%swap3A_851], %div3A_849 {strides = array<i32>} : memref<16384xf32, #tpu.memory_space<vmem>>, vector<16xf32>,
        %swap3A_853 = arith.index_cast %add3A_832 : i32 to index
        %swap3A_854 = tpu.vector_load %arg10[%swap3A_853] {strides = array<i32>} : memref<16384xf32, #tpu.memory_space<vmem>>, vector<16xf32>,
        tpu.vector_store %arg10[%swap3A_853], %div3A_850 {strides = array<i32>} : memref<16384xf32, #tpu.memory_space<vmem>>, vector<16xf32>,
        %max3A_855 = arith.maximumf %max3A_827, %div3A_849 : vector<16xf32>
        %max3A_856 = arith.maximumf %max3A_828, %get3A_838 : vector<16xf32>
        %max3A_857 = arith.maximumf %max3A_829, %div3A_850 : vector<16xf32>
        %max3A_858 = arith.maximumf %max3A_830, %get3A_840 : vector<16xf32>
        %add3A_859 = arith.constant 1024 : i32
        %add3A_860 = arith.addi %add3A_859, %mul3A_406 : i32
        %swap3A_861 = arith.index_cast %add3A_860 : i32 to index
        %swap3A_862 = tpu.vector_load %arg17[%swap3A_861] {strides = array<i32>} : memref<8192xf32, #tpu.memory_space<vmem>>, vector<16xf32>,
        tpu.vector_store %arg17[%swap3A_861], %max3A_855 {strides = array<i32>} : memref<8192xf32, #tpu.memory_space<vmem>>, vector<16xf32>,
        %add3A_863 = arith.constant 3072 : i32
        %add3A_864 = arith.addi %add3A_863, %mul3A_406 : i32
        %swap3A_865 = arith.index_cast %add3A_864 : i32 to index
        %swap3A_866 = tpu.vector_load %arg17[%swap3A_865] {strides = array<i32>} : memref<8192xf32, #tpu.memory_space<vmem>>, vector<16xf32>,
        tpu.vector_store %arg17[%swap3A_865], %max3A_856 {strides = array<i32>} : memref<8192xf32, #tpu.memory_space<vmem>>, vector<16xf32>,
        %add3A_867 = arith.constant 5120 : i32
        %add3A_868 = arith.addi %add3A_867, %mul3A_406 : i32
        %swap3A_869 = arith.index_cast %add3A_868 : i32 to index
        %swap3A_870 = tpu.vector_load %arg17[%swap3A_869] {strides = array<i32>} : memref<8192xf32, #tpu.memory_space<vmem>>, vector<16xf32>,
        tpu.vector_store %arg17[%swap3A_869], %max3A_857 {strides = array<i32>} : memref<8192xf32, #tpu.memory_space<vmem>>, vector<16xf32>,
        %add3A_871 = arith.constant 7168 : i32
        %add3A_872 = arith.addi %add3A_871, %mul3A_406 : i32
        %swap3A_873 = arith.index_cast %add3A_872 : i32 to index
        %swap3A_874 = tpu.vector_load %arg17[%swap3A_873] {strides = array<i32>} : memref<8192xf32, #tpu.memory_space<vmem>>, vector<16xf32>,
        tpu.vector_store %arg17[%swap3A_873], %max3A_858 {strides = array<i32>} : memref<8192xf32, #tpu.memory_space<vmem>>, vector<16xf32>,
        %scan3A_875 = arith.constant 0 : i32
        scf.yield %scan3A_875 : i32
      }
      %scan3A_305 = arith.constant 64 : i32
      %scan3A_306 = arith.constant 0 : i32
      %scan3A_307 = arith.constant 0 : i32
      %scan3A_308 = arith.constant 8 : i32
      %scan3A_309 = arith.addi %scan3A_307, %scan3A_308 : i32
      %scan3A_310 = arith.constant 1 : i32
      %scan3A_311 = scf.for %scan3A_403 = %scan3A_307 to %scan3A_309 step %scan3A_310 iter_args(%scan3A_404 = %scan3A_306) -> (i32)  : i32 {
        %mul3A_405 = arith.constant 16 : i32
        %mul3A_406 = arith.muli %scan3A_403, %mul3A_405 : i32
        %add3A_407 = vector.broadcast %mul3A_406 : i32 to vector<16xi32>
        %add3A_408 = arith.addi %add3A_407, %iota3A : vector<16xi32>
        %mul3A_409 = arith.constant 8 : i32
        %mul3A_410 = vector.broadcast %mul3A_409 : i32 to vector<16xi32>
        %mul3A_411 = arith.muli %add3A_408, %mul3A_410 : vector<16xi32>
        %add3A_412 = arith.constant 0 : i32
        %add3A_413 = vector.broadcast %add3A_412 : i32 to vector<16xi32>
        %add3A_414 = arith.addi %add3A_413, %mul3A_411 : vector<16xi32>
        %gather3A_415 = tpu.vector_load_idx %arg17[%add3A_414] : memref<8192xf32, #tpu.memory_space<vmem>>[vector<16xi32>], vector<16xf32>,
        %add3A_416 = arith.constant 1 : i32
        %add3A_417 = vector.broadcast %add3A_416 : i32 to vector<16xi32>
        %add3A_418 = arith.addi %add3A_414, %add3A_417 : vector<16xi32>
        %gather3A_419 = tpu.vector_load_idx %arg17[%add3A_418] : memref<8192xf32, #tpu.memory_space<vmem>>[vector<16xi32>], vector<16xf32>,
        %max3A = arith.maximumf %gather3A_415, %gather3A_419 : vector<16xf32>
        %add3A_420 = arith.constant 2 : i32
        %add3A_421 = vector.broadcast %add3A_420 : i32 to vector<16xi32>
        %add3A_422 = arith.addi %add3A_414, %add3A_421 : vector<16xi32>
        %gather3A_423 = tpu.vector_load_idx %arg17[%add3A_422] : memref<8192xf32, #tpu.memory_space<vmem>>[vector<16xi32>], vector<16xf32>,
        %max3A_424 = arith.maximumf %max3A, %gather3A_423 : vector<16xf32>
        %add3A_425 = arith.constant 3 : i32
        %add3A_426 = vector.broadcast %add3A_425 : i32 to vector<16xi32>
        %add3A_427 = arith.addi %add3A_414, %add3A_426 : vector<16xi32>
        %gather3A_428 = tpu.vector_load_idx %arg17[%add3A_427] : memref<8192xf32, #tpu.memory_space<vmem>>[vector<16xi32>], vector<16xf32>,
        %max3A_429 = arith.maximumf %max3A_424, %gather3A_428 : vector<16xf32>
        %add3A_430 = arith.constant 4 : i32
        %add3A_431 = vector.broadcast %add3A_430 : i32 to vector<16xi32>
        %add3A_432 = arith.addi %add3A_414, %add3A_431 : vector<16xi32>
        %gather3A_433 = tpu.vector_load_idx %arg17[%add3A_432] : memref<8192xf32, #tpu.memory_space<vmem>>[vector<16xi32>], vector<16xf32>,
        %max3A_434 = arith.maximumf %max3A_429, %gather3A_433 : vector<16xf32>
        %add3A_435 = arith.constant 5 : i32
        %add3A_436 = vector.broadcast %add3A_435 : i32 to vector<16xi32>
        %add3A_437 = arith.addi %add3A_414, %add3A_436 : vector<16xi32>
        %gather3A_438 = tpu.vector_load_idx %arg17[%add3A_437] : memref<8192xf32, #tpu.memory_space<vmem>>[vector<16xi32>], vector<16xf32>,
        %max3A_439 = arith.maximumf %max3A_434, %gather3A_438 : vector<16xf32>
        %add3A_440 = arith.constant 6 : i32
        %add3A_441 = vector.broadcast %add3A_440 : i32 to vector<16xi32>
        %add3A_442 = arith.addi %add3A_414, %add3A_441 : vector<16xi32>
        %gather3A_443 = tpu.vector_load_idx %arg17[%add3A_442] : memref<8192xf32, #tpu.memory_space<vmem>>[vector<16xi32>], vector<16xf32>,
        %max3A_444 = arith.maximumf %max3A_439, %gather3A_443 : vector<16xf32>
        %add3A_445 = arith.constant 7 : i32
        %add3A_446 = vector.broadcast %add3A_445 : i32 to vector<16xi32>
        %add3A_447 = arith.addi %add3A_414, %add3A_446 : vector<16xi32>
        %gather3A_448 = tpu.vector_load_idx %arg17[%add3A_447] : memref<8192xf32, #tpu.memory_space<vmem>>[vector<16xi32>], vector<16xf32>,
        %max3A_449 = arith.maximumf %max3A_444, %gather3A_448 : vector<16xf32>
        %mul3A_450 = arith.constant 16 : i32
        %mul3A_451 = arith.muli %scan3A_403, %mul3A_450 : i32
        %add3A_452 = arith.constant 0 : i32
        %add3A_453 = arith.addi %add3A_452, %mul3A_451 : i32
        %swap3A = arith.index_cast %add3A_453 : i32 to index
        %swap3A_454 = tpu.vector_load %arg18[%swap3A] {strides = array<i32>} : memref<1024xf32, #tpu.memory_space<vmem>>, vector<16xf32>,
        tpu.vector_store %arg18[%swap3A], %max3A_449 {strides = array<i32>} : memref<1024xf32, #tpu.memory_space<vmem>>, vector<16xf32>,
        %add3A_455 = arith.constant 1024 : i32
        %add3A_456 = vector.broadcast %add3A_455 : i32 to vector<16xi32>
        %add3A_457 = arith.addi %add3A_456, %mul3A_411 : vector<16xi32>
        %gather3A_458 = tpu.vector_load_idx %arg17[%add3A_457] : memref<8192xf32, #tpu.memory_space<vmem>>[vector<16xi32>], vector<16xf32>,
        %add3A_459 = arith.constant 1 : i32
        %add3A_460 = vector.broadcast %add3A_459 : i32 to vector<16xi32>
        %add3A_461 = arith.addi %add3A_457, %add3A_460 : vector<16xi32>
        %gather3A_462 = tpu.vector_load_idx %arg17[%add3A_461] : memref<8192xf32, #tpu.memory_space<vmem>>[vector<16xi32>], vector<16xf32>,
        %max3A_463 = arith.maximumf %gather3A_458, %gather3A_462 : vector<16xf32>
        %add3A_464 = arith.constant 2 : i32
        %add3A_465 = vector.broadcast %add3A_464 : i32 to vector<16xi32>
        %add3A_466 = arith.addi %add3A_457, %add3A_465 : vector<16xi32>
        %gather3A_467 = tpu.vector_load_idx %arg17[%add3A_466] : memref<8192xf32, #tpu.memory_space<vmem>>[vector<16xi32>], vector<16xf32>,
        %max3A_468 = arith.maximumf %max3A_463, %gather3A_467 : vector<16xf32>
        %add3A_469 = arith.constant 3 : i32
        %add3A_470 = vector.broadcast %add3A_469 : i32 to vector<16xi32>
        %add3A_471 = arith.addi %add3A_457, %add3A_470 : vector<16xi32>
        %gather3A_472 = tpu.vector_load_idx %arg17[%add3A_471] : memref<8192xf32, #tpu.memory_space<vmem>>[vector<16xi32>], vector<16xf32>,
        %max3A_473 = arith.maximumf %max3A_468, %gather3A_472 : vector<16xf32>
        %add3A_474 = arith.constant 4 : i32
        %add3A_475 = vector.broadcast %add3A_474 : i32 to vector<16xi32>
        %add3A_476 = arith.addi %add3A_457, %add3A_475 : vector<16xi32>
        %gather3A_477 = tpu.vector_load_idx %arg17[%add3A_476] : memref<8192xf32, #tpu.memory_space<vmem>>[vector<16xi32>], vector<16xf32>,
        %max3A_478 = arith.maximumf %max3A_473, %gather3A_477 : vector<16xf32>
        %add3A_479 = arith.constant 5 : i32
        %add3A_480 = vector.broadcast %add3A_479 : i32 to vector<16xi32>
        %add3A_481 = arith.addi %add3A_457, %add3A_480 : vector<16xi32>
        %gather3A_482 = tpu.vector_load_idx %arg17[%add3A_481] : memref<8192xf32, #tpu.memory_space<vmem>>[vector<16xi32>], vector<16xf32>,
        %max3A_483 = arith.maximumf %max3A_478, %gather3A_482 : vector<16xf32>
        %add3A_484 = arith.constant 6 : i32
        %add3A_485 = vector.broadcast %add3A_484 : i32 to vector<16xi32>
        %add3A_486 = arith.addi %add3A_457, %add3A_485 : vector<16xi32>
        %gather3A_487 = tpu.vector_load_idx %arg17[%add3A_486] : memref<8192xf32, #tpu.memory_space<vmem>>[vector<16xi32>], vector<16xf32>,
        %max3A_488 = arith.maximumf %max3A_483, %gather3A_487 : vector<16xf32>
        %add3A_489 = arith.constant 7 : i32
        %add3A_490 = vector.broadcast %add3A_489 : i32 to vector<16xi32>
        %add3A_491 = arith.addi %add3A_457, %add3A_490 : vector<16xi32>
        %gather3A_492 = tpu.vector_load_idx %arg17[%add3A_491] : memref<8192xf32, #tpu.memory_space<vmem>>[vector<16xi32>], vector<16xf32>,
        %max3A_493 = arith.maximumf %max3A_488, %gather3A_492 : vector<16xf32>
        %mul3A_494 = arith.constant 16 : i32
        %mul3A_495 = arith.muli %scan3A_403, %mul3A_494 : i32
        %add3A_496 = arith.constant 128 : i32
        %add3A_497 = arith.addi %add3A_496, %mul3A_495 : i32
        %swap3A_498 = arith.index_cast %add3A_497 : i32 to index
        %swap3A_499 = tpu.vector_load %arg18[%swap3A_498] {strides = array<i32>} : memref<1024xf32, #tpu.memory_space<vmem>>, vector<16xf32>,
        tpu.vector_store %arg18[%swap3A_498], %max3A_493 {strides = array<i32>} : memref<1024xf32, #tpu.memory_space<vmem>>, vector<16xf32>,
        %add3A_500 = arith.constant 2048 : i32
        %add3A_501 = vector.broadcast %add3A_500 : i32 to vector<16xi32>
        %add3A_502 = arith.addi %add3A_501, %mul3A_411 : vector<16xi32>
        %gather3A_503 = tpu.vector_load_idx %arg17[%add3A_502] : memref<8192xf32, #tpu.memory_space<vmem>>[vector<16xi32>], vector<16xf32>,
        %add3A_504 = arith.constant 1 : i32
        %add3A_505 = vector.broadcast %add3A_504 : i32 to vector<16xi32>
        %add3A_506 = arith.addi %add3A_502, %add3A_505 : vector<16xi32>
        %gather3A_507 = tpu.vector_load_idx %arg17[%add3A_506] : memref<8192xf32, #tpu.memory_space<vmem>>[vector<16xi32>], vector<16xf32>,
        %max3A_508 = arith.maximumf %gather3A_503, %gather3A_507 : vector<16xf32>
        %add3A_509 = arith.constant 2 : i32
        %add3A_510 = vector.broadcast %add3A_509 : i32 to vector<16xi32>
        %add3A_511 = arith.addi %add3A_502, %add3A_510 : vector<16xi32>
        %gather3A_512 = tpu.vector_load_idx %arg17[%add3A_511] : memref<8192xf32, #tpu.memory_space<vmem>>[vector<16xi32>], vector<16xf32>,
        %max3A_513 = arith.maximumf %max3A_508, %gather3A_512 : vector<16xf32>
        %add3A_514 = arith.constant 3 : i32
        %add3A_515 = vector.broadcast %add3A_514 : i32 to vector<16xi32>
        %add3A_516 = arith.addi %add3A_502, %add3A_515 : vector<16xi32>
        %gather3A_517 = tpu.vector_load_idx %arg17[%add3A_516] : memref<8192xf32, #tpu.memory_space<vmem>>[vector<16xi32>], vector<16xf32>,
        %max3A_518 = arith.maximumf %max3A_513, %gather3A_517 : vector<16xf32>
        %add3A_519 = arith.constant 4 : i32
        %add3A_520 = vector.broadcast %add3A_519 : i32 to vector<16xi32>
        %add3A_521 = arith.addi %add3A_502, %add3A_520 : vector<16xi32>
        %gather3A_522 = tpu.vector_load_idx %arg17[%add3A_521] : memref<8192xf32, #tpu.memory_space<vmem>>[vector<16xi32>], vector<16xf32>,
        %max3A_523 = arith.maximumf %max3A_518, %gather3A_522 : vector<16xf32>
        %add3A_524 = arith.constant 5 : i32
        %add3A_525 = vector.broadcast %add3A_524 : i32 to vector<16xi32>
        %add3A_526 = arith.addi %add3A_502, %add3A_525 : vector<16xi32>
        %gather3A_527 = tpu.vector_load_idx %arg17[%add3A_526] : memref<8192xf32, #tpu.memory_space<vmem>>[vector<16xi32>], vector<16xf32>,
        %max3A_528 = arith.maximumf %max3A_523, %gather3A_527 : vector<16xf32>
        %add3A_529 = arith.constant 6 : i32
        %add3A_530 = vector.broadcast %add3A_529 : i32 to vector<16xi32>
        %add3A_531 = arith.addi %add3A_502, %add3A_530 : vector<16xi32>
        %gather3A_532 = tpu.vector_load_idx %arg17[%add3A_531] : memref<8192xf32, #tpu.memory_space<vmem>>[vector<16xi32>], vector<16xf32>,
        %max3A_533 = arith.maximumf %max3A_528, %gather3A_532 : vector<16xf32>
        %add3A_534 = arith.constant 7 : i32
        %add3A_535 = vector.broadcast %add3A_534 : i32 to vector<16xi32>
        %add3A_536 = arith.addi %add3A_502, %add3A_535 : vector<16xi32>
        %gather3A_537 = tpu.vector_load_idx %arg17[%add3A_536] : memref<8192xf32, #tpu.memory_space<vmem>>[vector<16xi32>], vector<16xf32>,
        %max3A_538 = arith.maximumf %max3A_533, %gather3A_537 : vector<16xf32>
        %mul3A_539 = arith.constant 16 : i32
        %mul3A_540 = arith.muli %scan3A_403, %mul3A_539 : i32
        %add3A_541 = arith.constant 256 : i32
        %add3A_542 = arith.addi %add3A_541, %mul3A_540 : i32
        %swap3A_543 = arith.index_cast %add3A_542 : i32 to index
        %swap3A_544 = tpu.vector_load %arg18[%swap3A_543] {strides = array<i32>} : memref<1024xf32, #tpu.memory_space<vmem>>, vector<16xf32>,
        tpu.vector_store %arg18[%swap3A_543], %max3A_538 {strides = array<i32>} : memref<1024xf32, #tpu.memory_space<vmem>>, vector<16xf32>,
        %add3A_545 = arith.constant 3072 : i32
        %add3A_546 = vector.broadcast %add3A_545 : i32 to vector<16xi32>
        %add3A_547 = arith.addi %add3A_546, %mul3A_411 : vector<16xi32>
        %gather3A_548 = tpu.vector_load_idx %arg17[%add3A_547] : memref<8192xf32, #tpu.memory_space<vmem>>[vector<16xi32>], vector<16xf32>,
        %add3A_549 = arith.constant 1 : i32
        %add3A_550 = vector.broadcast %add3A_549 : i32 to vector<16xi32>
        %add3A_551 = arith.addi %add3A_547, %add3A_550 : vector<16xi32>
        %gather3A_552 = tpu.vector_load_idx %arg17[%add3A_551] : memref<8192xf32, #tpu.memory_space<vmem>>[vector<16xi32>], vector<16xf32>,
        %max3A_553 = arith.maximumf %gather3A_548, %gather3A_552 : vector<16xf32>
        %add3A_554 = arith.constant 2 : i32
        %add3A_555 = vector.broadcast %add3A_554 : i32 to vector<16xi32>
        %add3A_556 = arith.addi %add3A_547, %add3A_555 : vector<16xi32>
        %gather3A_557 = tpu.vector_load_idx %arg17[%add3A_556] : memref<8192xf32, #tpu.memory_space<vmem>>[vector<16xi32>], vector<16xf32>,
        %max3A_558 = arith.maximumf %max3A_553, %gather3A_557 : vector<16xf32>
        %add3A_559 = arith.constant 3 : i32
        %add3A_560 = vector.broadcast %add3A_559 : i32 to vector<16xi32>
        %add3A_561 = arith.addi %add3A_547, %add3A_560 : vector<16xi32>
        %gather3A_562 = tpu.vector_load_idx %arg17[%add3A_561] : memref<8192xf32, #tpu.memory_space<vmem>>[vector<16xi32>], vector<16xf32>,
        %max3A_563 = arith.maximumf %max3A_558, %gather3A_562 : vector<16xf32>
        %add3A_564 = arith.constant 4 : i32
        %add3A_565 = vector.broadcast %add3A_564 : i32 to vector<16xi32>
        %add3A_566 = arith.addi %add3A_547, %add3A_565 : vector<16xi32>
        %gather3A_567 = tpu.vector_load_idx %arg17[%add3A_566] : memref<8192xf32, #tpu.memory_space<vmem>>[vector<16xi32>], vector<16xf32>,
        %max3A_568 = arith.maximumf %max3A_563, %gather3A_567 : vector<16xf32>
        %add3A_569 = arith.constant 5 : i32
        %add3A_570 = vector.broadcast %add3A_569 : i32 to vector<16xi32>
        %add3A_571 = arith.addi %add3A_547, %add3A_570 : vector<16xi32>
        %gather3A_572 = tpu.vector_load_idx %arg17[%add3A_571] : memref<8192xf32, #tpu.memory_space<vmem>>[vector<16xi32>], vector<16xf32>,
        %max3A_573 = arith.maximumf %max3A_568, %gather3A_572 : vector<16xf32>
        %add3A_574 = arith.constant 6 : i32
        %add3A_575 = vector.broadcast %add3A_574 : i32 to vector<16xi32>
        %add3A_576 = arith.addi %add3A_547, %add3A_575 : vector<16xi32>
        %gather3A_577 = tpu.vector_load_idx %arg17[%add3A_576] : memref<8192xf32, #tpu.memory_space<vmem>>[vector<16xi32>], vector<16xf32>,
        %max3A_578 = arith.maximumf %max3A_573, %gather3A_577 : vector<16xf32>
        %add3A_579 = arith.constant 7 : i32
        %add3A_580 = vector.broadcast %add3A_579 : i32 to vector<16xi32>
        %add3A_581 = arith.addi %add3A_547, %add3A_580 : vector<16xi32>
        %gather3A_582 = tpu.vector_load_idx %arg17[%add3A_581] : memref<8192xf32, #tpu.memory_space<vmem>>[vector<16xi32>], vector<16xf32>,
        %max3A_583 = arith.maximumf %max3A_578, %gather3A_582 : vector<16xf32>
        %mul3A_584 = arith.constant 16 : i32
        %mul3A_585 = arith.muli %scan3A_403, %mul3A_584 : i32
        %add3A_586 = arith.constant 384 : i32
        %add3A_587 = arith.addi %add3A_586, %mul3A_585 : i32
        %swap3A_588 = arith.index_cast %add3A_587 : i32 to index
        %swap3A_589 = tpu.vector_load %arg18[%swap3A_588] {strides = array<i32>} : memref<1024xf32, #tpu.memory_space<vmem>>, vector<16xf32>,
        tpu.vector_store %arg18[%swap3A_588], %max3A_583 {strides = array<i32>} : memref<1024xf32, #tpu.memory_space<vmem>>, vector<16xf32>,
        %add3A_590 = arith.constant 4096 : i32
        %add3A_591 = vector.broadcast %add3A_590 : i32 to vector<16xi32>
        %add3A_592 = arith.addi %add3A_591, %mul3A_411 : vector<16xi32>
        %gather3A_593 = tpu.vector_load_idx %arg17[%add3A_592] : memref<8192xf32, #tpu.memory_space<vmem>>[vector<16xi32>], vector<16xf32>,
        %add3A_594 = arith.constant 1 : i32
        %add3A_595 = vector.broadcast %add3A_594 : i32 to vector<16xi32>
        %add3A_596 = arith.addi %add3A_592, %add3A_595 : vector<16xi32>
        %gather3A_597 = tpu.vector_load_idx %arg17[%add3A_596] : memref<8192xf32, #tpu.memory_space<vmem>>[vector<16xi32>], vector<16xf32>,
        %max3A_598 = arith.maximumf %gather3A_593, %gather3A_597 : vector<16xf32>
        %add3A_599 = arith.constant 2 : i32
        %add3A_600 = vector.broadcast %add3A_599 : i32 to vector<16xi32>
        %add3A_601 = arith.addi %add3A_592, %add3A_600 : vector<16xi32>
        %gather3A_602 = tpu.vector_load_idx %arg17[%add3A_601] : memref<8192xf32, #tpu.memory_space<vmem>>[vector<16xi32>], vector<16xf32>,
        %max3A_603 = arith.maximumf %max3A_598, %gather3A_602 : vector<16xf32>
        %add3A_604 = arith.constant 3 : i32
        %add3A_605 = vector.broadcast %add3A_604 : i32 to vector<16xi32>
        %add3A_606 = arith.addi %add3A_592, %add3A_605 : vector<16xi32>
        %gather3A_607 = tpu.vector_load_idx %arg17[%add3A_606] : memref<8192xf32, #tpu.memory_space<vmem>>[vector<16xi32>], vector<16xf32>,
        %max3A_608 = arith.maximumf %max3A_603, %gather3A_607 : vector<16xf32>
        %add3A_609 = arith.constant 4 : i32
        %add3A_610 = vector.broadcast %add3A_609 : i32 to vector<16xi32>
        %add3A_611 = arith.addi %add3A_592, %add3A_610 : vector<16xi32>
        %gather3A_612 = tpu.vector_load_idx %arg17[%add3A_611] : memref<8192xf32, #tpu.memory_space<vmem>>[vector<16xi32>], vector<16xf32>,
        %max3A_613 = arith.maximumf %max3A_608, %gather3A_612 : vector<16xf32>
        %add3A_614 = arith.constant 5 : i32
        %add3A_615 = vector.broadcast %add3A_614 : i32 to vector<16xi32>
        %add3A_616 = arith.addi %add3A_592, %add3A_615 : vector<16xi32>
        %gather3A_617 = tpu.vector_load_idx %arg17[%add3A_616] : memref<8192xf32, #tpu.memory_space<vmem>>[vector<16xi32>], vector<16xf32>,
        %max3A_618 = arith.maximumf %max3A_613, %gather3A_617 : vector<16xf32>
        %add3A_619 = arith.constant 6 : i32
        %add3A_620 = vector.broadcast %add3A_619 : i32 to vector<16xi32>
        %add3A_621 = arith.addi %add3A_592, %add3A_620 : vector<16xi32>
        %gather3A_622 = tpu.vector_load_idx %arg17[%add3A_621] : memref<8192xf32, #tpu.memory_space<vmem>>[vector<16xi32>], vector<16xf32>,
        %max3A_623 = arith.maximumf %max3A_618, %gather3A_622 : vector<16xf32>
        %add3A_624 = arith.constant 7 : i32
        %add3A_625 = vector.broadcast %add3A_624 : i32 to vector<16xi32>
        %add3A_626 = arith.addi %add3A_592, %add3A_625 : vector<16xi32>
        %gather3A_627 = tpu.vector_load_idx %arg17[%add3A_626] : memref<8192xf32, #tpu.memory_space<vmem>>[vector<16xi32>], vector<16xf32>,
        %max3A_628 = arith.maximumf %max3A_623, %gather3A_627 : vector<16xf32>
        %mul3A_629 = arith.constant 16 : i32
        %mul3A_630 = arith.muli %scan3A_403, %mul3A_629 : i32
        %add3A_631 = arith.constant 512 : i32
        %add3A_632 = arith.addi %add3A_631, %mul3A_630 : i32
        %swap3A_633 = arith.index_cast %add3A_632 : i32 to index
        %swap3A_634 = tpu.vector_load %arg18[%swap3A_633] {strides = array<i32>} : memref<1024xf32, #tpu.memory_space<vmem>>, vector<16xf32>,
        tpu.vector_store %arg18[%swap3A_633], %max3A_628 {strides = array<i32>} : memref<1024xf32, #tpu.memory_space<vmem>>, vector<16xf32>,
        %add3A_635 = arith.constant 5120 : i32
        %add3A_636 = vector.broadcast %add3A_635 : i32 to vector<16xi32>
        %add3A_637 = arith.addi %add3A_636, %mul3A_411 : vector<16xi32>
        %gather3A_638 = tpu.vector_load_idx %arg17[%add3A_637] : memref<8192xf32, #tpu.memory_space<vmem>>[vector<16xi32>], vector<16xf32>,
        %add3A_639 = arith.constant 1 : i32
        %add3A_640 = vector.broadcast %add3A_639 : i32 to vector<16xi32>
        %add3A_641 = arith.addi %add3A_637, %add3A_640 : vector<16xi32>
        %gather3A_642 = tpu.vector_load_idx %arg17[%add3A_641] : memref<8192xf32, #tpu.memory_space<vmem>>[vector<16xi32>], vector<16xf32>,
        %max3A_643 = arith.maximumf %gather3A_638, %gather3A_642 : vector<16xf32>
        %add3A_644 = arith.constant 2 : i32
        %add3A_645 = vector.broadcast %add3A_644 : i32 to vector<16xi32>
        %add3A_646 = arith.addi %add3A_637, %add3A_645 : vector<16xi32>
        %gather3A_647 = tpu.vector_load_idx %arg17[%add3A_646] : memref<8192xf32, #tpu.memory_space<vmem>>[vector<16xi32>], vector<16xf32>,
        %max3A_648 = arith.maximumf %max3A_643, %gather3A_647 : vector<16xf32>
        %add3A_649 = arith.constant 3 : i32
        %add3A_650 = vector.broadcast %add3A_649 : i32 to vector<16xi32>
        %add3A_651 = arith.addi %add3A_637, %add3A_650 : vector<16xi32>
        %gather3A_652 = tpu.vector_load_idx %arg17[%add3A_651] : memref<8192xf32, #tpu.memory_space<vmem>>[vector<16xi32>], vector<16xf32>,
        %max3A_653 = arith.maximumf %max3A_648, %gather3A_652 : vector<16xf32>
        %add3A_654 = arith.constant 4 : i32
        %add3A_655 = vector.broadcast %add3A_654 : i32 to vector<16xi32>
        %add3A_656 = arith.addi %add3A_637, %add3A_655 : vector<16xi32>
        %gather3A_657 = tpu.vector_load_idx %arg17[%add3A_656] : memref<8192xf32, #tpu.memory_space<vmem>>[vector<16xi32>], vector<16xf32>,
        %max3A_658 = arith.maximumf %max3A_653, %gather3A_657 : vector<16xf32>
        %add3A_659 = arith.constant 5 : i32
        %add3A_660 = vector.broadcast %add3A_659 : i32 to vector<16xi32>
        %add3A_661 = arith.addi %add3A_637, %add3A_660 : vector<16xi32>
        %gather3A_662 = tpu.vector_load_idx %arg17[%add3A_661] : memref<8192xf32, #tpu.memory_space<vmem>>[vector<16xi32>], vector<16xf32>,
        %max3A_663 = arith.maximumf %max3A_658, %gather3A_662 : vector<16xf32>
        %add3A_664 = arith.constant 6 : i32
        %add3A_665 = vector.broadcast %add3A_664 : i32 to vector<16xi32>
        %add3A_666 = arith.addi %add3A_637, %add3A_665 : vector<16xi32>
        %gather3A_667 = tpu.vector_load_idx %arg17[%add3A_666] : memref<8192xf32, #tpu.memory_space<vmem>>[vector<16xi32>], vector<16xf32>,
        %max3A_668 = arith.maximumf %max3A_663, %gather3A_667 : vector<16xf32>
        %add3A_669 = arith.constant 7 : i32
        %add3A_670 = vector.broadcast %add3A_669 : i32 to vector<16xi32>
        %add3A_671 = arith.addi %add3A_637, %add3A_670 : vector<16xi32>
        %gather3A_672 = tpu.vector_load_idx %arg17[%add3A_671] : memref<8192xf32, #tpu.memory_space<vmem>>[vector<16xi32>], vector<16xf32>,
        %max3A_673 = arith.maximumf %max3A_668, %gather3A_672 : vector<16xf32>
        %mul3A_674 = arith.constant 16 : i32
        %mul3A_675 = arith.muli %scan3A_403, %mul3A_674 : i32
        %add3A_676 = arith.constant 640 : i32
        %add3A_677 = arith.addi %add3A_676, %mul3A_675 : i32
        %swap3A_678 = arith.index_cast %add3A_677 : i32 to index
        %swap3A_679 = tpu.vector_load %arg18[%swap3A_678] {strides = array<i32>} : memref<1024xf32, #tpu.memory_space<vmem>>, vector<16xf32>,
        tpu.vector_store %arg18[%swap3A_678], %max3A_673 {strides = array<i32>} : memref<1024xf32, #tpu.memory_space<vmem>>, vector<16xf32>,
        %add3A_680 = arith.constant 6144 : i32
        %add3A_681 = vector.broadcast %add3A_680 : i32 to vector<16xi32>
        %add3A_682 = arith.addi %add3A_681, %mul3A_411 : vector<16xi32>
        %gather3A_683 = tpu.vector_load_idx %arg17[%add3A_682] : memref<8192xf32, #tpu.memory_space<vmem>>[vector<16xi32>], vector<16xf32>,
        %add3A_684 = arith.constant 1 : i32
        %add3A_685 = vector.broadcast %add3A_684 : i32 to vector<16xi32>
        %add3A_686 = arith.addi %add3A_682, %add3A_685 : vector<16xi32>
        %gather3A_687 = tpu.vector_load_idx %arg17[%add3A_686] : memref<8192xf32, #tpu.memory_space<vmem>>[vector<16xi32>], vector<16xf32>,
        %max3A_688 = arith.maximumf %gather3A_683, %gather3A_687 : vector<16xf32>
        %add3A_689 = arith.constant 2 : i32
        %add3A_690 = vector.broadcast %add3A_689 : i32 to vector<16xi32>
        %add3A_691 = arith.addi %add3A_682, %add3A_690 : vector<16xi32>
        %gather3A_692 = tpu.vector_load_idx %arg17[%add3A_691] : memref<8192xf32, #tpu.memory_space<vmem>>[vector<16xi32>], vector<16xf32>,
        %max3A_693 = arith.maximumf %max3A_688, %gather3A_692 : vector<16xf32>
        %add3A_694 = arith.constant 3 : i32
        %add3A_695 = vector.broadcast %add3A_694 : i32 to vector<16xi32>
        %add3A_696 = arith.addi %add3A_682, %add3A_695 : vector<16xi32>
        %gather3A_697 = tpu.vector_load_idx %arg17[%add3A_696] : memref<8192xf32, #tpu.memory_space<vmem>>[vector<16xi32>], vector<16xf32>,
        %max3A_698 = arith.maximumf %max3A_693, %gather3A_697 : vector<16xf32>
        %add3A_699 = arith.constant 4 : i32
        %add3A_700 = vector.broadcast %add3A_699 : i32 to vector<16xi32>
        %add3A_701 = arith.addi %add3A_682, %add3A_700 : vector<16xi32>
        %gather3A_702 = tpu.vector_load_idx %arg17[%add3A_701] : memref<8192xf32, #tpu.memory_space<vmem>>[vector<16xi32>], vector<16xf32>,
        %max3A_703 = arith.maximumf %max3A_698, %gather3A_702 : vector<16xf32>
        %add3A_704 = arith.constant 5 : i32
        %add3A_705 = vector.broadcast %add3A_704 : i32 to vector<16xi32>
        %add3A_706 = arith.addi %add3A_682, %add3A_705 : vector<16xi32>
        %gather3A_707 = tpu.vector_load_idx %arg17[%add3A_706] : memref<8192xf32, #tpu.memory_space<vmem>>[vector<16xi32>], vector<16xf32>,
        %max3A_708 = arith.maximumf %max3A_703, %gather3A_707 : vector<16xf32>
        %add3A_709 = arith.constant 6 : i32
        %add3A_710 = vector.broadcast %add3A_709 : i32 to vector<16xi32>
        %add3A_711 = arith.addi %add3A_682, %add3A_710 : vector<16xi32>
        %gather3A_712 = tpu.vector_load_idx %arg17[%add3A_711] : memref<8192xf32, #tpu.memory_space<vmem>>[vector<16xi32>], vector<16xf32>,
        %max3A_713 = arith.maximumf %max3A_708, %gather3A_712 : vector<16xf32>
        %add3A_714 = arith.constant 7 : i32
        %add3A_715 = vector.broadcast %add3A_714 : i32 to vector<16xi32>
        %add3A_716 = arith.addi %add3A_682, %add3A_715 : vector<16xi32>
        %gather3A_717 = tpu.vector_load_idx %arg17[%add3A_716] : memref<8192xf32, #tpu.memory_space<vmem>>[vector<16xi32>], vector<16xf32>,
        %max3A_718 = arith.maximumf %max3A_713, %gather3A_717 : vector<16xf32>
        %mul3A_719 = arith.constant 16 : i32
        %mul3A_720 = arith.muli %scan3A_403, %mul3A_719 : i32
        %add3A_721 = arith.constant 768 : i32
        %add3A_722 = arith.addi %add3A_721, %mul3A_720 : i32
        %swap3A_723 = arith.index_cast %add3A_722 : i32 to index
        %swap3A_724 = tpu.vector_load %arg18[%swap3A_723] {strides = array<i32>} : memref<1024xf32, #tpu.memory_space<vmem>>, vector<16xf32>,
        tpu.vector_store %arg18[%swap3A_723], %max3A_718 {strides = array<i32>} : memref<1024xf32, #tpu.memory_space<vmem>>, vector<16xf32>,
        %add3A_725 = arith.constant 7168 : i32
        %add3A_726 = vector.broadcast %add3A_725 : i32 to vector<16xi32>
        %add3A_727 = arith.addi %add3A_726, %mul3A_411 : vector<16xi32>
        %gather3A_728 = tpu.vector_load_idx %arg17[%add3A_727] : memref<8192xf32, #tpu.memory_space<vmem>>[vector<16xi32>], vector<16xf32>,
        %add3A_729 = arith.constant 1 : i32
        %add3A_730 = vector.broadcast %add3A_729 : i32 to vector<16xi32>
        %add3A_731 = arith.addi %add3A_727, %add3A_730 : vector<16xi32>
        %gather3A_732 = tpu.vector_load_idx %arg17[%add3A_731] : memref<8192xf32, #tpu.memory_space<vmem>>[vector<16xi32>], vector<16xf32>,
        %max3A_733 = arith.maximumf %gather3A_728, %gather3A_732 : vector<16xf32>
        %add3A_734 = arith.constant 2 : i32
        %add3A_735 = vector.broadcast %add3A_734 : i32 to vector<16xi32>
        %add3A_736 = arith.addi %add3A_727, %add3A_735 : vector<16xi32>
        %gather3A_737 = tpu.vector_load_idx %arg17[%add3A_736] : memref<8192xf32, #tpu.memory_space<vmem>>[vector<16xi32>], vector<16xf32>,
        %max3A_738 = arith.maximumf %max3A_733, %gather3A_737 : vector<16xf32>
        %add3A_739 = arith.constant 3 : i32
        %add3A_740 = vector.broadcast %add3A_739 : i32 to vector<16xi32>
        %add3A_741 = arith.addi %add3A_727, %add3A_740 : vector<16xi32>
        %gather3A_742 = tpu.vector_load_idx %arg17[%add3A_741] : memref<8192xf32, #tpu.memory_space<vmem>>[vector<16xi32>], vector<16xf32>,
        %max3A_743 = arith.maximumf %max3A_738, %gather3A_742 : vector<16xf32>
        %add3A_744 = arith.constant 4 : i32
        %add3A_745 = vector.broadcast %add3A_744 : i32 to vector<16xi32>
        %add3A_746 = arith.addi %add3A_727, %add3A_745 : vector<16xi32>
        %gather3A_747 = tpu.vector_load_idx %arg17[%add3A_746] : memref<8192xf32, #tpu.memory_space<vmem>>[vector<16xi32>], vector<16xf32>,
        %max3A_748 = arith.maximumf %max3A_743, %gather3A_747 : vector<16xf32>
        %add3A_749 = arith.constant 5 : i32
        %add3A_750 = vector.broadcast %add3A_749 : i32 to vector<16xi32>
        %add3A_751 = arith.addi %add3A_727, %add3A_750 : vector<16xi32>
        %gather3A_752 = tpu.vector_load_idx %arg17[%add3A_751] : memref<8192xf32, #tpu.memory_space<vmem>>[vector<16xi32>], vector<16xf32>,
        %max3A_753 = arith.maximumf %max3A_748, %gather3A_752 : vector<16xf32>
        %add3A_754 = arith.constant 6 : i32
        %add3A_755 = vector.broadcast %add3A_754 : i32 to vector<16xi32>
        %add3A_756 = arith.addi %add3A_727, %add3A_755 : vector<16xi32>
        %gather3A_757 = tpu.vector_load_idx %arg17[%add3A_756] : memref<8192xf32, #tpu.memory_space<vmem>>[vector<16xi32>], vector<16xf32>,
        %max3A_758 = arith.maximumf %max3A_753, %gather3A_757 : vector<16xf32>
        %add3A_759 = arith.constant 7 : i32
        %add3A_760 = vector.broadcast %add3A_759 : i32 to vector<16xi32>
        %add3A_761 = arith.addi %add3A_727, %add3A_760 : vector<16xi32>
        %gather3A_762 = tpu.vector_load_idx %arg17[%add3A_761] : memref<8192xf32, #tpu.memory_space<vmem>>[vector<16xi32>], vector<16xf32>,
        %max3A_763 = arith.maximumf %max3A_758, %gather3A_762 : vector<16xf32>
        %mul3A_764 = arith.constant 16 : i32
        %mul3A_765 = arith.muli %scan3A_403, %mul3A_764 : i32
        %add3A_766 = arith.constant 896 : i32
        %add3A_767 = arith.addi %add3A_766, %mul3A_765 : i32
        %swap3A_768 = arith.index_cast %add3A_767 : i32 to index
        %swap3A_769 = tpu.vector_load %arg18[%swap3A_768] {strides = array<i32>} : memref<1024xf32, #tpu.memory_space<vmem>>, vector<16xf32>,
        tpu.vector_store %arg18[%swap3A_768], %max3A_763 {strides = array<i32>} : memref<1024xf32, #tpu.memory_space<vmem>>, vector<16xf32>,
        %scan3A_770 = arith.constant 0 : i32
        scf.yield %scan3A_770 : i32
      }
      %scan3A_312 = arith.constant 8 : i32
      %mul3A_313 = arith.constant 8 : i32
      %mul3A_314 = arith.muli %add3A, %mul3A_313 : i32
      %add3A_315 = arith.addi %mul3A_314, %scan3A_96 : i32
      %shift_right_logical3A_316 = arith.constant 6 : i32
      %shift_right_logical3A_317 = arith.shrui %add3A_315, %shift_right_logical3A_316 : i32
      %and3A_318 = arith.constant 63 : i32
      %and3A_319 = arith.andi %add3A_315, %and3A_318 : i32
      %mul3A_320 = arith.constant 4 : i32
      %mul3A_321 = arith.muli %shift_right_logical3A_317, %mul3A_320 : i32
      %mul3A_322 = arith.constant 1024 : i32
      %mul3A_323 = arith.muli %mul3A_321, %mul3A_322 : i32
      %mul3A_324 = arith.constant 1024 : i32
      %mul3A_325 = arith.muli %mul3A_323, %mul3A_324 : i32
      %mul3A_326 = arith.constant 16384 : i32
      %mul3A_327 = arith.muli %and3A_319, %mul3A_326 : i32
      %add3A_328 = arith.addi %mul3A_325, %mul3A_327 : i32
      %add3A_329 = arith.constant 1048576 : i32
      %add3A_330 = arith.addi %add3A_328, %add3A_329 : i32
      %add3A_331 = arith.constant 2097152 : i32
      %add3A_332 = arith.addi %add3A_328, %add3A_331 : i32
      %add3A_333 = arith.constant 3145728 : i32
      %add3A_334 = arith.addi %add3A_328, %add3A_333 : i32
      %mul3A_335 = arith.constant 4 : i32
      %mul3A_336 = arith.muli %shift_right_logical3A_317, %mul3A_335 : i32
      %add3A_337 = arith.constant 0 : i32
      %add3A_338 = arith.addi %mul3A_336, %add3A_337 : i32
      %mul3A_339 = arith.constant 16384 : i32
      %mul3A_340 = arith.muli %add3A_338, %mul3A_339 : i32
      %mul3A_341 = arith.constant 256 : i32
      %mul3A_342 = arith.muli %and3A_319, %mul3A_341 : i32
      %add3A_343 = arith.addi %mul3A_340, %mul3A_342 : i32
      %mul3A_344 = arith.constant 4 : i32
      %mul3A_345 = arith.muli %shift_right_logical3A_317, %mul3A_344 : i32
      %add3A_346 = arith.constant 1 : i32
      %add3A_347 = arith.addi %mul3A_345, %add3A_346 : i32
      %mul3A_348 = arith.constant 16384 : i32
      %mul3A_349 = arith.muli %add3A_347, %mul3A_348 : i32
      %mul3A_350 = arith.constant 256 : i32
      %mul3A_351 = arith.muli %and3A_319, %mul3A_350 : i32
      %add3A_352 = arith.addi %mul3A_349, %mul3A_351 : i32
      %mul3A_353 = arith.constant 4 : i32
      %mul3A_354 = arith.muli %shift_right_logical3A_317, %mul3A_353 : i32
      %add3A_355 = arith.constant 2 : i32
      %add3A_356 = arith.addi %mul3A_354, %add3A_355 : i32
      %mul3A_357 = arith.constant 16384 : i32
      %mul3A_358 = arith.muli %add3A_356, %mul3A_357 : i32
      %mul3A_359 = arith.constant 256 : i32
      %mul3A_360 = arith.muli %and3A_319, %mul3A_359 : i32
      %add3A_361 = arith.addi %mul3A_358, %mul3A_360 : i32
      %mul3A_362 = arith.constant 4 : i32
      %mul3A_363 = arith.muli %shift_right_logical3A_317, %mul3A_362 : i32
      %add3A_364 = arith.constant 3 : i32
      %add3A_365 = arith.addi %mul3A_363, %add3A_364 : i32
      %mul3A_366 = arith.constant 16384 : i32
      %mul3A_367 = arith.muli %add3A_365, %mul3A_366 : i32
      %mul3A_368 = arith.constant 256 : i32
      %mul3A_369 = arith.muli %and3A_319, %mul3A_368 : i32
      %add3A_370 = arith.addi %mul3A_367, %mul3A_369 : i32
      %dma_start3A = tpu.memref_slice %arg6[%add3A_328] : memref<16777216xf32, #tpu.memory_space<hbm>> -> memref<16384xf32, #tpu.memory_space<hbm>>
      %dma_start3A_371 = tpu.memref_slice %arg6[%add3A_328] : memref<16777216xf32, #tpu.memory_space<hbm>> -> memref<16384xf32, #tpu.memory_space<hbm>>
      tpu.enqueue_dma source(%arg9 : memref<16384xf32, #tpu.memory_space<vmem>>) target(%dma_start3A_371 : memref<16384xf32, #tpu.memory_space<hbm>>) target_semaphore(%arg20 : memref<!tpu.dma_semaphore, #tpu.memory_space<semaphore_mem>>)
      %dma_start3A_372 = tpu.memref_slice %arg6[%add3A_330] : memref<16777216xf32, #tpu.memory_space<hbm>> -> memref<16384xf32, #tpu.memory_space<hbm>>
      %dma_start3A_373 = tpu.memref_slice %arg6[%add3A_330] : memref<16777216xf32, #tpu.memory_space<hbm>> -> memref<16384xf32, #tpu.memory_space<hbm>>
      tpu.enqueue_dma source(%arg11 : memref<16384xf32, #tpu.memory_space<vmem>>) target(%dma_start3A_373 : memref<16384xf32, #tpu.memory_space<hbm>>) target_semaphore(%arg20 : memref<!tpu.dma_semaphore, #tpu.memory_space<semaphore_mem>>)
      %dma_start3A_374 = tpu.memref_slice %arg6[%add3A_332] : memref<16777216xf32, #tpu.memory_space<hbm>> -> memref<16384xf32, #tpu.memory_space<hbm>>
      %dma_start3A_375 = tpu.memref_slice %arg6[%add3A_332] : memref<16777216xf32, #tpu.memory_space<hbm>> -> memref<16384xf32, #tpu.memory_space<hbm>>
      tpu.enqueue_dma source(%arg10 : memref<16384xf32, #tpu.memory_space<vmem>>) target(%dma_start3A_375 : memref<16384xf32, #tpu.memory_space<hbm>>) target_semaphore(%arg20 : memref<!tpu.dma_semaphore, #tpu.memory_space<semaphore_mem>>)
      %dma_start3A_376 = tpu.memref_slice %arg6[%add3A_334] : memref<16777216xf32, #tpu.memory_space<hbm>> -> memref<16384xf32, #tpu.memory_space<hbm>>
      %dma_start3A_377 = tpu.memref_slice %arg6[%add3A_334] : memref<16777216xf32, #tpu.memory_space<hbm>> -> memref<16384xf32, #tpu.memory_space<hbm>>
      tpu.enqueue_dma source(%arg12 : memref<16384xf32, #tpu.memory_space<vmem>>) target(%dma_start3A_377 : memref<16384xf32, #tpu.memory_space<hbm>>) target_semaphore(%arg20 : memref<!tpu.dma_semaphore, #tpu.memory_space<semaphore_mem>>)
      %dma_start3A_378 = arith.constant 0 : i32
      %dma_start3A_379 = tpu.memref_slice %arg18[%dma_start3A_378] : memref<1024xf32, #tpu.memory_space<vmem>> -> memref<256xf32, #tpu.memory_space<vmem>>
      %dma_start3A_380 = tpu.memref_slice %arg7[%add3A_343] : memref<262144xf32, #tpu.memory_space<hbm>> -> memref<256xf32, #tpu.memory_space<hbm>>
      %dma_start3A_381 = tpu.memref_slice %arg7[%add3A_343] : memref<262144xf32, #tpu.memory_space<hbm>> -> memref<256xf32, #tpu.memory_space<hbm>>
      %dma_start3A_382 = arith.constant 0 : i32
      %dma_start3A_383 = tpu.memref_slice %arg18[%dma_start3A_382] : memref<1024xf32, #tpu.memory_space<vmem>> -> memref<256xf32, #tpu.memory_space<vmem>>
      tpu.enqueue_dma source(%dma_start3A_383 : memref<256xf32, #tpu.memory_space<vmem>>) target(%dma_start3A_381 : memref<256xf32, #tpu.memory_space<hbm>>) target_semaphore(%arg20 : memref<!tpu.dma_semaphore, #tpu.memory_space<semaphore_mem>>)
      %dma_start3A_384 = arith.constant 256 : i32
      %dma_start3A_385 = tpu.memref_slice %arg18[%dma_start3A_384] : memref<1024xf32, #tpu.memory_space<vmem>> -> memref<256xf32, #tpu.memory_space<vmem>>
      %dma_start3A_386 = tpu.memref_slice %arg7[%add3A_352] : memref<262144xf32, #tpu.memory_space<hbm>> -> memref<256xf32, #tpu.memory_space<hbm>>
      %dma_start3A_387 = tpu.memref_slice %arg7[%add3A_352] : memref<262144xf32, #tpu.memory_space<hbm>> -> memref<256xf32, #tpu.memory_space<hbm>>
      %dma_start3A_388 = arith.constant 256 : i32
      %dma_start3A_389 = tpu.memref_slice %arg18[%dma_start3A_388] : memref<1024xf32, #tpu.memory_space<vmem>> -> memref<256xf32, #tpu.memory_space<vmem>>
      tpu.enqueue_dma source(%dma_start3A_389 : memref<256xf32, #tpu.memory_space<vmem>>) target(%dma_start3A_387 : memref<256xf32, #tpu.memory_space<hbm>>) target_semaphore(%arg20 : memref<!tpu.dma_semaphore, #tpu.memory_space<semaphore_mem>>)
      %dma_start3A_390 = arith.constant 512 : i32
      %dma_start3A_391 = tpu.memref_slice %arg18[%dma_start3A_390] : memref<1024xf32, #tpu.memory_space<vmem>> -> memref<256xf32, #tpu.memory_space<vmem>>
      %dma_start3A_392 = tpu.memref_slice %arg7[%add3A_361] : memref<262144xf32, #tpu.memory_space<hbm>> -> memref<256xf32, #tpu.memory_space<hbm>>
      %dma_start3A_393 = tpu.memref_slice %arg7[%add3A_361] : memref<262144xf32, #tpu.memory_space<hbm>> -> memref<256xf32, #tpu.memory_space<hbm>>
      %dma_start3A_394 = arith.constant 512 : i32
      %dma_start3A_395 = tpu.memref_slice %arg18[%dma_start3A_394] : memref<1024xf32, #tpu.memory_space<vmem>> -> memref<256xf32, #tpu.memory_space<vmem>>
      tpu.enqueue_dma source(%dma_start3A_395 : memref<256xf32, #tpu.memory_space<vmem>>) target(%dma_start3A_393 : memref<256xf32, #tpu.memory_space<hbm>>) target_semaphore(%arg20 : memref<!tpu.dma_semaphore, #tpu.memory_space<semaphore_mem>>)
      %dma_start3A_396 = arith.constant 768 : i32
      %dma_start3A_397 = tpu.memref_slice %arg18[%dma_start3A_396] : memref<1024xf32, #tpu.memory_space<vmem>> -> memref<256xf32, #tpu.memory_space<vmem>>
      %dma_start3A_398 = tpu.memref_slice %arg7[%add3A_370] : memref<262144xf32, #tpu.memory_space<hbm>> -> memref<256xf32, #tpu.memory_space<hbm>>
      %dma_start3A_399 = tpu.memref_slice %arg7[%add3A_370] : memref<262144xf32, #tpu.memory_space<hbm>> -> memref<256xf32, #tpu.memory_space<hbm>>
      %dma_start3A_400 = arith.constant 768 : i32
      %dma_start3A_401 = tpu.memref_slice %arg18[%dma_start3A_400] : memref<1024xf32, #tpu.memory_space<vmem>> -> memref<256xf32, #tpu.memory_space<vmem>>
      tpu.enqueue_dma source(%dma_start3A_401 : memref<256xf32, #tpu.memory_space<vmem>>) target(%dma_start3A_399 : memref<256xf32, #tpu.memory_space<hbm>>) target_semaphore(%arg20 : memref<!tpu.dma_semaphore, #tpu.memory_space<semaphore_mem>>)
      %scan3A_402 = arith.constant 0 : i32
      scf.yield %scan3A_402 : i32
    }
    %scan3A_7 = arith.constant 8 : i32
    %mul3A_8 = arith.constant 8 : i32
    %mul3A_9 = arith.muli %add3A, %mul3A_8 : i32
    %add3A_10 = arith.constant 7 : i32
    %add3A_11 = arith.addi %mul3A_9, %add3A_10 : i32
    %shift_right_logical3A = arith.constant 6 : i32
    %shift_right_logical3A_12 = arith.shrui %add3A_11, %shift_right_logical3A : i32
    %and3A = arith.constant 63 : i32
    %and3A_13 = arith.andi %add3A_11, %and3A : i32
    %mul3A_14 = arith.constant 4 : i32
    %mul3A_15 = arith.muli %shift_right_logical3A_12, %mul3A_14 : i32
    %mul3A_16 = arith.constant 1024 : i32
    %mul3A_17 = arith.muli %mul3A_15, %mul3A_16 : i32
    %mul3A_18 = arith.constant 1024 : i32
    %mul3A_19 = arith.muli %mul3A_17, %mul3A_18 : i32
    %mul3A_20 = arith.constant 16384 : i32
    %mul3A_21 = arith.muli %and3A_13, %mul3A_20 : i32
    %add3A_22 = arith.addi %mul3A_19, %mul3A_21 : i32
    %add3A_23 = arith.constant 1048576 : i32
    %add3A_24 = arith.addi %add3A_22, %add3A_23 : i32
    %add3A_25 = arith.constant 2097152 : i32
    %add3A_26 = arith.addi %add3A_22, %add3A_25 : i32
    %add3A_27 = arith.constant 3145728 : i32
    %add3A_28 = arith.addi %add3A_22, %add3A_27 : i32
    %mul3A_29 = arith.constant 4 : i32
    %mul3A_30 = arith.muli %shift_right_logical3A_12, %mul3A_29 : i32
    %add3A_31 = arith.constant 0 : i32
    %add3A_32 = arith.addi %mul3A_30, %add3A_31 : i32
    %mul3A_33 = arith.constant 16384 : i32
    %mul3A_34 = arith.muli %add3A_32, %mul3A_33 : i32
    %mul3A_35 = arith.constant 256 : i32
    %mul3A_36 = arith.muli %and3A_13, %mul3A_35 : i32
    %add3A_37 = arith.addi %mul3A_34, %mul3A_36 : i32
    %mul3A_38 = arith.constant 4 : i32
    %mul3A_39 = arith.muli %shift_right_logical3A_12, %mul3A_38 : i32
    %add3A_40 = arith.constant 1 : i32
    %add3A_41 = arith.addi %mul3A_39, %add3A_40 : i32
    %mul3A_42 = arith.constant 16384 : i32
    %mul3A_43 = arith.muli %add3A_41, %mul3A_42 : i32
    %mul3A_44 = arith.constant 256 : i32
    %mul3A_45 = arith.muli %and3A_13, %mul3A_44 : i32
    %add3A_46 = arith.addi %mul3A_43, %mul3A_45 : i32
    %mul3A_47 = arith.constant 4 : i32
    %mul3A_48 = arith.muli %shift_right_logical3A_12, %mul3A_47 : i32
    %add3A_49 = arith.constant 2 : i32
    %add3A_50 = arith.addi %mul3A_48, %add3A_49 : i32
    %mul3A_51 = arith.constant 16384 : i32
    %mul3A_52 = arith.muli %add3A_50, %mul3A_51 : i32
    %mul3A_53 = arith.constant 256 : i32
    %mul3A_54 = arith.muli %and3A_13, %mul3A_53 : i32
    %add3A_55 = arith.addi %mul3A_52, %mul3A_54 : i32
    %mul3A_56 = arith.constant 4 : i32
    %mul3A_57 = arith.muli %shift_right_logical3A_12, %mul3A_56 : i32
    %add3A_58 = arith.constant 3 : i32
    %add3A_59 = arith.addi %mul3A_57, %add3A_58 : i32
    %mul3A_60 = arith.constant 16384 : i32
    %mul3A_61 = arith.muli %add3A_59, %mul3A_60 : i32
    %mul3A_62 = arith.constant 256 : i32
    %mul3A_63 = arith.muli %and3A_13, %mul3A_62 : i32
    %add3A_64 = arith.addi %mul3A_61, %mul3A_63 : i32
    %dma_wait3A = tpu.memref_slice %arg6[%add3A_22] : memref<16777216xf32, #tpu.memory_space<hbm>> -> memref<16384xf32, #tpu.memory_space<hbm>>
    %dma_wait3A_65 = tpu.memref_slice %arg6[%add3A_22] : memref<16777216xf32, #tpu.memory_space<hbm>> -> memref<16384xf32, #tpu.memory_space<hbm>>
    tpu.wait_dma2 semaphore(%arg20 : memref<!tpu.dma_semaphore, #tpu.memory_space<semaphore_mem>>) src(%arg9 : memref<16384xf32, #tpu.memory_space<vmem>>) dst(%dma_wait3A_65 : memref<16384xf32, #tpu.memory_space<hbm>>)
    %dma_wait3A_66 = tpu.memref_slice %arg6[%add3A_24] : memref<16777216xf32, #tpu.memory_space<hbm>> -> memref<16384xf32, #tpu.memory_space<hbm>>
    %dma_wait3A_67 = tpu.memref_slice %arg6[%add3A_24] : memref<16777216xf32, #tpu.memory_space<hbm>> -> memref<16384xf32, #tpu.memory_space<hbm>>
    tpu.wait_dma2 semaphore(%arg20 : memref<!tpu.dma_semaphore, #tpu.memory_space<semaphore_mem>>) src(%arg11 : memref<16384xf32, #tpu.memory_space<vmem>>) dst(%dma_wait3A_67 : memref<16384xf32, #tpu.memory_space<hbm>>)
    %dma_wait3A_68 = tpu.memref_slice %arg6[%add3A_26] : memref<16777216xf32, #tpu.memory_space<hbm>> -> memref<16384xf32, #tpu.memory_space<hbm>>
    %dma_wait3A_69 = tpu.memref_slice %arg6[%add3A_26] : memref<16777216xf32, #tpu.memory_space<hbm>> -> memref<16384xf32, #tpu.memory_space<hbm>>
    tpu.wait_dma2 semaphore(%arg20 : memref<!tpu.dma_semaphore, #tpu.memory_space<semaphore_mem>>) src(%arg10 : memref<16384xf32, #tpu.memory_space<vmem>>) dst(%dma_wait3A_69 : memref<16384xf32, #tpu.memory_space<hbm>>)
    %dma_wait3A_70 = tpu.memref_slice %arg6[%add3A_28] : memref<16777216xf32, #tpu.memory_space<hbm>> -> memref<16384xf32, #tpu.memory_space<hbm>>
    %dma_wait3A_71 = tpu.memref_slice %arg6[%add3A_28] : memref<16777216xf32, #tpu.memory_space<hbm>> -> memref<16384xf32, #tpu.memory_space<hbm>>
    tpu.wait_dma2 semaphore(%arg20 : memref<!tpu.dma_semaphore, #tpu.memory_space<semaphore_mem>>) src(%arg12 : memref<16384xf32, #tpu.memory_space<vmem>>) dst(%dma_wait3A_71 : memref<16384xf32, #tpu.memory_space<hbm>>)
    %dma_wait3A_72 = arith.constant 0 : i32
    %dma_wait3A_73 = tpu.memref_slice %arg18[%dma_wait3A_72] : memref<1024xf32, #tpu.memory_space<vmem>> -> memref<256xf32, #tpu.memory_space<vmem>>
    %dma_wait3A_74 = tpu.memref_slice %arg7[%add3A_37] : memref<262144xf32, #tpu.memory_space<hbm>> -> memref<256xf32, #tpu.memory_space<hbm>>
    %dma_wait3A_75 = tpu.memref_slice %arg7[%add3A_37] : memref<262144xf32, #tpu.memory_space<hbm>> -> memref<256xf32, #tpu.memory_space<hbm>>
    %dma_wait3A_76 = arith.constant 0 : i32
    %dma_wait3A_77 = tpu.memref_slice %arg18[%dma_wait3A_76] : memref<1024xf32, #tpu.memory_space<vmem>> -> memref<256xf32, #tpu.memory_space<vmem>>
    tpu.wait_dma2 semaphore(%arg20 : memref<!tpu.dma_semaphore, #tpu.memory_space<semaphore_mem>>) src(%dma_wait3A_77 : memref<256xf32, #tpu.memory_space<vmem>>) dst(%dma_wait3A_75 : memref<256xf32, #tpu.memory_space<hbm>>)
    %dma_wait3A_78 = arith.constant 256 : i32
    %dma_wait3A_79 = tpu.memref_slice %arg18[%dma_wait3A_78] : memref<1024xf32, #tpu.memory_space<vmem>> -> memref<256xf32, #tpu.memory_space<vmem>>
    %dma_wait3A_80 = tpu.memref_slice %arg7[%add3A_46] : memref<262144xf32, #tpu.memory_space<hbm>> -> memref<256xf32, #tpu.memory_space<hbm>>
    %dma_wait3A_81 = tpu.memref_slice %arg7[%add3A_46] : memref<262144xf32, #tpu.memory_space<hbm>> -> memref<256xf32, #tpu.memory_space<hbm>>
    %dma_wait3A_82 = arith.constant 256 : i32
    %dma_wait3A_83 = tpu.memref_slice %arg18[%dma_wait3A_82] : memref<1024xf32, #tpu.memory_space<vmem>> -> memref<256xf32, #tpu.memory_space<vmem>>
    tpu.wait_dma2 semaphore(%arg20 : memref<!tpu.dma_semaphore, #tpu.memory_space<semaphore_mem>>) src(%dma_wait3A_83 : memref<256xf32, #tpu.memory_space<vmem>>) dst(%dma_wait3A_81 : memref<256xf32, #tpu.memory_space<hbm>>)
    %dma_wait3A_84 = arith.constant 512 : i32
    %dma_wait3A_85 = tpu.memref_slice %arg18[%dma_wait3A_84] : memref<1024xf32, #tpu.memory_space<vmem>> -> memref<256xf32, #tpu.memory_space<vmem>>
    %dma_wait3A_86 = tpu.memref_slice %arg7[%add3A_55] : memref<262144xf32, #tpu.memory_space<hbm>> -> memref<256xf32, #tpu.memory_space<hbm>>
    %dma_wait3A_87 = tpu.memref_slice %arg7[%add3A_55] : memref<262144xf32, #tpu.memory_space<hbm>> -> memref<256xf32, #tpu.memory_space<hbm>>
    %dma_wait3A_88 = arith.constant 512 : i32
    %dma_wait3A_89 = tpu.memref_slice %arg18[%dma_wait3A_88] : memref<1024xf32, #tpu.memory_space<vmem>> -> memref<256xf32, #tpu.memory_space<vmem>>
    tpu.wait_dma2 semaphore(%arg20 : memref<!tpu.dma_semaphore, #tpu.memory_space<semaphore_mem>>) src(%dma_wait3A_89 : memref<256xf32, #tpu.memory_space<vmem>>) dst(%dma_wait3A_87 : memref<256xf32, #tpu.memory_space<hbm>>)
    %dma_wait3A_90 = arith.constant 768 : i32
    %dma_wait3A_91 = tpu.memref_slice %arg18[%dma_wait3A_90] : memref<1024xf32, #tpu.memory_space<vmem>> -> memref<256xf32, #tpu.memory_space<vmem>>
    %dma_wait3A_92 = tpu.memref_slice %arg7[%add3A_64] : memref<262144xf32, #tpu.memory_space<hbm>> -> memref<256xf32, #tpu.memory_space<hbm>>
    %dma_wait3A_93 = tpu.memref_slice %arg7[%add3A_64] : memref<262144xf32, #tpu.memory_space<hbm>> -> memref<256xf32, #tpu.memory_space<hbm>>
    %dma_wait3A_94 = arith.constant 768 : i32
    %dma_wait3A_95 = tpu.memref_slice %arg18[%dma_wait3A_94] : memref<1024xf32, #tpu.memory_space<vmem>> -> memref<256xf32, #tpu.memory_space<vmem>>
    tpu.wait_dma2 semaphore(%arg20 : memref<!tpu.dma_semaphore, #tpu.memory_space<semaphore_mem>>) src(%dma_wait3A_95 : memref<256xf32, #tpu.memory_space<vmem>>) dst(%dma_wait3A_93 : memref<256xf32, #tpu.memory_space<hbm>>)
    return
  }
}

#map = affine_map<(d0, d1) -> (0)>
module attributes {stable_mosaic.version = 14 : i64} {
  func.func @_k1_body(%arg0: i32, %arg1: i32, %arg2: memref<600064xf32, #tpu.memory_space<hbm>>, %arg3: memref<600064xf32, #tpu.memory_space<hbm>>, %arg4: memref<600064xf32, #tpu.memory_space<hbm>>, %arg5: memref<600064xf32, #tpu.memory_space<hbm>>, %arg6: memref<600064xf32, #tpu.memory_space<hbm>>, %arg7: memref<600064xi32, #tpu.memory_space<hbm>>, %arg8: memref<600064xf32, #tpu.memory_space<hbm>>, %arg9: memref<600064xf32, #tpu.memory_space<hbm>>, %arg10: memref<8704xi32, #tpu.memory_space<hbm>>, %arg11: memref<4688xf32, #tpu.memory_space<vmem>>, %arg12: memref<4688xf32, #tpu.memory_space<vmem>>, %arg13: memref<4688xf32, #tpu.memory_space<vmem>>, %arg14: memref<4688xf32, #tpu.memory_space<vmem>>, %arg15: memref<4688xf32, #tpu.memory_space<vmem>>, %arg16: memref<4688xf32, #tpu.memory_space<vmem>>, %arg17: memref<18752xi32, #tpu.memory_space<vmem>>, %arg18: memref<18752xi32, #tpu.memory_space<vmem>>, %arg19: memref<18752xf32, #tpu.memory_space<vmem>>, %arg20: memref<18752xf32, #tpu.memory_space<vmem>>, %arg21: memref<272xi32, #tpu.memory_space<vmem>>, %arg22: memref<272xi32, #tpu.memory_space<vmem>>, %arg23: memref<272xi32, #tpu.memory_space<vmem>>, %arg24: memref<!tpu.dma_semaphore, #tpu.memory_space<semaphore_mem>>, %arg25: memref<!tpu.dma_semaphore, #tpu.memory_space<semaphore_mem>>) attributes {dimension_semantics = [#tpu.dimension_semantics<core_parallel>, #tpu.dimension_semantics<subcore_parallel>], iteration_bounds = array<i64: 2, 16>, scalar_prefetch = 0 : i64, scratch_operands = 15 : i64, tpu.core_type = #tpu.core_type<sc_vector_subcore>, window_params = [{transform_indices = #map}, {transform_indices = #map}, {transform_indices = #map}, {transform_indices = #map}, {transform_indices = #map}, {transform_indices = #map}, {transform_indices = #map}, {transform_indices = #map}, {transform_indices = #map}]} {
    %mul3A = arith.constant 2 : i32
    %mul3A_0 = arith.muli %arg1, %mul3A : i32
    %add3A = arith.addi %mul3A_0, %arg0 : i32
    %iota3A = tpu.iota {dimensions = array<i32: 0>} : vector<16xi32>
    %scan3A = arith.constant 0 : i32
    %scan3A_1 = arith.constant 0 : i32
    %scan3A_2 = arith.constant 17 : i32
    %scan3A_3 = arith.addi %scan3A_1, %scan3A_2 : i32
    %scan3A_4 = arith.constant 1 : i32
    %scan3A_5 = scf.for %scan3A_328 = %scan3A_1 to %scan3A_3 step %scan3A_4 iter_args(%scan3A_329 = %scan3A) -> (i32)  : i32 {
      %broadcast_in_dim3A = arith.constant 0 : i32
      %broadcast_in_dim3A_330 = vector.broadcast %broadcast_in_dim3A : i32 to vector<16xi32>
      %mul3A_331 = arith.constant 16 : i32
      %mul3A_332 = arith.muli %scan3A_328, %mul3A_331 : i32
      %swap3A = arith.index_cast %mul3A_332 : i32 to index
      %swap3A_333 = tpu.vector_load %arg21[%swap3A] {strides = array<i32>} : memref<272xi32, #tpu.memory_space<vmem>>, vector<16xi32>,
      tpu.vector_store %arg21[%swap3A], %broadcast_in_dim3A_330 {strides = array<i32>} : memref<272xi32, #tpu.memory_space<vmem>>, vector<16xi32>,
      %scan3A_334 = arith.constant 0 : i32
      scf.yield %scan3A_334 : i32
    }
    %scan3A_6 = arith.constant 17 : i32
    %mul3A_7 = arith.constant 18752 : i32
    %mul3A_8 = arith.muli %add3A, %mul3A_7 : i32
    %add3A_9 = arith.constant 0 : i32
    %add3A_10 = arith.addi %mul3A_8, %add3A_9 : i32
    %mul3A_11 = arith.constant 18752 : i32
    %mul3A_12 = arith.muli %add3A, %mul3A_11 : i32
    %add3A_13 = arith.constant 0 : i32
    %add3A_14 = arith.addi %mul3A_12, %add3A_13 : i32
    %mul3A_15 = arith.constant 18752 : i32
    %mul3A_16 = arith.muli %add3A, %mul3A_15 : i32
    %add3A_17 = arith.constant 0 : i32
    %add3A_18 = arith.addi %mul3A_16, %add3A_17 : i32
    %dma_start3A = tpu.memref_slice %arg2[%add3A_10] : memref<600064xf32, #tpu.memory_space<hbm>> -> memref<4688xf32, #tpu.memory_space<hbm>>
    %dma_start3A_19 = tpu.memref_slice %arg2[%add3A_10] : memref<600064xf32, #tpu.memory_space<hbm>> -> memref<4688xf32, #tpu.memory_space<hbm>>
    tpu.enqueue_dma source(%dma_start3A_19 : memref<4688xf32, #tpu.memory_space<hbm>>) target(%arg11 : memref<4688xf32, #tpu.memory_space<vmem>>) target_semaphore(%arg24 : memref<!tpu.dma_semaphore, #tpu.memory_space<semaphore_mem>>)
    %dma_start3A_20 = tpu.memref_slice %arg3[%add3A_14] : memref<600064xf32, #tpu.memory_space<hbm>> -> memref<4688xf32, #tpu.memory_space<hbm>>
    %dma_start3A_21 = tpu.memref_slice %arg3[%add3A_14] : memref<600064xf32, #tpu.memory_space<hbm>> -> memref<4688xf32, #tpu.memory_space<hbm>>
    tpu.enqueue_dma source(%dma_start3A_21 : memref<4688xf32, #tpu.memory_space<hbm>>) target(%arg12 : memref<4688xf32, #tpu.memory_space<vmem>>) target_semaphore(%arg24 : memref<!tpu.dma_semaphore, #tpu.memory_space<semaphore_mem>>)
    %dma_start3A_22 = tpu.memref_slice %arg4[%add3A_18] : memref<600064xf32, #tpu.memory_space<hbm>> -> memref<4688xf32, #tpu.memory_space<hbm>>
    %dma_start3A_23 = tpu.memref_slice %arg4[%add3A_18] : memref<600064xf32, #tpu.memory_space<hbm>> -> memref<4688xf32, #tpu.memory_space<hbm>>
    tpu.enqueue_dma source(%dma_start3A_23 : memref<4688xf32, #tpu.memory_space<hbm>>) target(%arg13 : memref<4688xf32, #tpu.memory_space<vmem>>) target_semaphore(%arg24 : memref<!tpu.dma_semaphore, #tpu.memory_space<semaphore_mem>>)
    %mul3A_24 = arith.constant 18752 : i32
    %mul3A_25 = arith.muli %add3A, %mul3A_24 : i32
    %add3A_26 = arith.constant 4688 : i32
    %add3A_27 = arith.addi %mul3A_25, %add3A_26 : i32
    %mul3A_28 = arith.constant 18752 : i32
    %mul3A_29 = arith.muli %add3A, %mul3A_28 : i32
    %add3A_30 = arith.constant 4688 : i32
    %add3A_31 = arith.addi %mul3A_29, %add3A_30 : i32
    %mul3A_32 = arith.constant 18752 : i32
    %mul3A_33 = arith.muli %add3A, %mul3A_32 : i32
    %add3A_34 = arith.constant 4688 : i32
    %add3A_35 = arith.addi %mul3A_33, %add3A_34 : i32
    %dma_start3A_36 = tpu.memref_slice %arg2[%add3A_27] : memref<600064xf32, #tpu.memory_space<hbm>> -> memref<4688xf32, #tpu.memory_space<hbm>>
    %dma_start3A_37 = tpu.memref_slice %arg2[%add3A_27] : memref<600064xf32, #tpu.memory_space<hbm>> -> memref<4688xf32, #tpu.memory_space<hbm>>
    tpu.enqueue_dma source(%dma_start3A_37 : memref<4688xf32, #tpu.memory_space<hbm>>) target(%arg14 : memref<4688xf32, #tpu.memory_space<vmem>>) target_semaphore(%arg25 : memref<!tpu.dma_semaphore, #tpu.memory_space<semaphore_mem>>)
    %dma_start3A_38 = tpu.memref_slice %arg3[%add3A_31] : memref<600064xf32, #tpu.memory_space<hbm>> -> memref<4688xf32, #tpu.memory_space<hbm>>
    %dma_start3A_39 = tpu.memref_slice %arg3[%add3A_31] : memref<600064xf32, #tpu.memory_space<hbm>> -> memref<4688xf32, #tpu.memory_space<hbm>>
    tpu.enqueue_dma source(%dma_start3A_39 : memref<4688xf32, #tpu.memory_space<hbm>>) target(%arg15 : memref<4688xf32, #tpu.memory_space<vmem>>) target_semaphore(%arg25 : memref<!tpu.dma_semaphore, #tpu.memory_space<semaphore_mem>>)
    %dma_start3A_40 = tpu.memref_slice %arg4[%add3A_35] : memref<600064xf32, #tpu.memory_space<hbm>> -> memref<4688xf32, #tpu.memory_space<hbm>>
    %dma_start3A_41 = tpu.memref_slice %arg4[%add3A_35] : memref<600064xf32, #tpu.memory_space<hbm>> -> memref<4688xf32, #tpu.memory_space<hbm>>
    tpu.enqueue_dma source(%dma_start3A_41 : memref<4688xf32, #tpu.memory_space<hbm>>) target(%arg16 : memref<4688xf32, #tpu.memory_space<vmem>>) target_semaphore(%arg25 : memref<!tpu.dma_semaphore, #tpu.memory_space<semaphore_mem>>)
    %mul3A_42 = arith.constant 18752 : i32
    %mul3A_43 = arith.muli %add3A, %mul3A_42 : i32
    %add3A_44 = arith.constant 0 : i32
    %add3A_45 = arith.addi %mul3A_43, %add3A_44 : i32
    %mul3A_46 = arith.constant 18752 : i32
    %mul3A_47 = arith.muli %add3A, %mul3A_46 : i32
    %add3A_48 = arith.constant 0 : i32
    %add3A_49 = arith.addi %mul3A_47, %add3A_48 : i32
    %mul3A_50 = arith.constant 18752 : i32
    %mul3A_51 = arith.muli %add3A, %mul3A_50 : i32
    %add3A_52 = arith.constant 0 : i32
    %add3A_53 = arith.addi %mul3A_51, %add3A_52 : i32
    %dma_wait3A = tpu.memref_slice %arg2[%add3A_45] : memref<600064xf32, #tpu.memory_space<hbm>> -> memref<4688xf32, #tpu.memory_space<hbm>>
    %dma_wait3A_54 = tpu.memref_slice %arg2[%add3A_45] : memref<600064xf32, #tpu.memory_space<hbm>> -> memref<4688xf32, #tpu.memory_space<hbm>>
    tpu.wait_dma2 semaphore(%arg24 : memref<!tpu.dma_semaphore, #tpu.memory_space<semaphore_mem>>) src(%dma_wait3A_54 : memref<4688xf32, #tpu.memory_space<hbm>>) dst(%arg11 : memref<4688xf32, #tpu.memory_space<vmem>>)
    %dma_wait3A_55 = tpu.memref_slice %arg3[%add3A_49] : memref<600064xf32, #tpu.memory_space<hbm>> -> memref<4688xf32, #tpu.memory_space<hbm>>
    %dma_wait3A_56 = tpu.memref_slice %arg3[%add3A_49] : memref<600064xf32, #tpu.memory_space<hbm>> -> memref<4688xf32, #tpu.memory_space<hbm>>
    tpu.wait_dma2 semaphore(%arg24 : memref<!tpu.dma_semaphore, #tpu.memory_space<semaphore_mem>>) src(%dma_wait3A_56 : memref<4688xf32, #tpu.memory_space<hbm>>) dst(%arg12 : memref<4688xf32, #tpu.memory_space<vmem>>)
    %dma_wait3A_57 = tpu.memref_slice %arg4[%add3A_53] : memref<600064xf32, #tpu.memory_space<hbm>> -> memref<4688xf32, #tpu.memory_space<hbm>>
    %dma_wait3A_58 = tpu.memref_slice %arg4[%add3A_53] : memref<600064xf32, #tpu.memory_space<hbm>> -> memref<4688xf32, #tpu.memory_space<hbm>>
    tpu.wait_dma2 semaphore(%arg24 : memref<!tpu.dma_semaphore, #tpu.memory_space<semaphore_mem>>) src(%dma_wait3A_58 : memref<4688xf32, #tpu.memory_space<hbm>>) dst(%arg13 : memref<4688xf32, #tpu.memory_space<vmem>>)
    %scan3A_59 = arith.constant 0 : i32
    %scan3A_60 = arith.constant 0 : i32
    %scan3A_61 = arith.constant 293 : i32
    %scan3A_62 = arith.addi %scan3A_60, %scan3A_61 : i32
    %scan3A_63 = arith.constant 1 : i32
    %scan3A_64 = scf.for %scan3A_328 = %scan3A_60 to %scan3A_62 step %scan3A_63 iter_args(%scan3A_329 = %scan3A_59) -> (i32)  : i32 {
      %mul3A_330 = arith.constant 16 : i32
      %mul3A_331 = arith.muli %scan3A_328, %mul3A_330 : i32
      %get3A = arith.index_cast %mul3A_331 : i32 to index
      %get3A_332 = tpu.vector_load %arg11[%get3A] {strides = array<i32>} : memref<4688xf32, #tpu.memory_space<vmem>>, vector<16xf32>,
      %get3A_333 = arith.index_cast %mul3A_331 : i32 to index
      %get3A_334 = tpu.vector_load %arg12[%get3A_333] {strides = array<i32>} : memref<4688xf32, #tpu.memory_space<vmem>>, vector<16xf32>,
      %get3A_335 = arith.index_cast %mul3A_331 : i32 to index
      %get3A_336 = tpu.vector_load %arg13[%get3A_335] {strides = array<i32>} : memref<4688xf32, #tpu.memory_space<vmem>>, vector<16xf32>,
      %mul3A_337 = arith.constant 1.000000e+01 : f32
      %mul3A_338 = vector.broadcast %mul3A_337 : f32 to vector<16xf32>
      %mul3A_339 = arith.mulf %get3A_334, %mul3A_338 : vector<16xf32>
      %convert_element_type3A = arith.fptosi %mul3A_339 : vector<16xf32> to vector<16xi32>
      %add3A_340 = arith.constant 5.120000e+01 : f32
      %add3A_341 = vector.broadcast %add3A_340 : f32 to vector<16xf32>
      %add3A_342 = arith.addf %get3A_336, %add3A_341 : vector<16xf32>
      %mul3A_343 = arith.constant 1.000000e+01 : f32
      %mul3A_344 = vector.broadcast %mul3A_343 : f32 to vector<16xf32>
      %mul3A_345 = arith.mulf %add3A_342, %mul3A_344 : vector<16xf32>
      %convert_element_type3A_346 = arith.fptosi %mul3A_345 : vector<16xf32> to vector<16xi32>
      %lt3A = arith.constant 1024 : i32
      %lt3A_347 = vector.broadcast %lt3A : i32 to vector<16xi32>
      %lt3A_348 = arith.cmpi slt, %convert_element_type3A, %lt3A_347 : vector<16xi32>
      %ge3A = arith.constant 0 : i32
      %ge3A_349 = vector.broadcast %ge3A : i32 to vector<16xi32>
      %ge3A_350 = arith.cmpi sge, %convert_element_type3A, %ge3A_349 : vector<16xi32>
      %and3A = arith.andi %lt3A_348, %ge3A_350 : vector<16xi1>
      %lt3A_351 = arith.constant 1024 : i32
      %lt3A_352 = vector.broadcast %lt3A_351 : i32 to vector<16xi32>
      %lt3A_353 = arith.cmpi slt, %convert_element_type3A_346, %lt3A_352 : vector<16xi32>
      %and3A_354 = arith.andi %and3A, %lt3A_353 : vector<16xi1>
      %ge3A_355 = arith.constant 0 : i32
      %ge3A_356 = vector.broadcast %ge3A_355 : i32 to vector<16xi32>
      %ge3A_357 = arith.cmpi sge, %convert_element_type3A_346, %ge3A_356 : vector<16xi32>
      %and3A_358 = arith.andi %and3A_354, %ge3A_357 : vector<16xi1>
      %convert_element_type3A_359 = arith.fptosi %get3A_332 : vector<16xf32> to vector<16xi32>
      %jit3A = arith.constant 0 : i32
      %jit3A_360 = arith.constant 3 : i32
      %max3A = vector.broadcast %jit3A : i32 to vector<16xi32>
      %max3A_361 = arith.maxsi %max3A, %convert_element_type3A_359 : vector<16xi32>
      %min3A = vector.broadcast %jit3A_360 : i32 to vector<16xi32>
      %min3A_362 = arith.minsi %min3A, %max3A_361 : vector<16xi32>
      %mul3A_363 = arith.constant 1048576 : i32
      %mul3A_364 = vector.broadcast %mul3A_363 : i32 to vector<16xi32>
      %mul3A_365 = arith.muli %min3A_362, %mul3A_364 : vector<16xi32>
      %mul3A_366 = arith.constant 1024 : i32
      %mul3A_367 = vector.broadcast %mul3A_366 : i32 to vector<16xi32>
      %mul3A_368 = arith.muli %convert_element_type3A_346, %mul3A_367 : vector<16xi32>
      %add3A_369 = arith.addi %mul3A_365, %mul3A_368 : vector<16xi32>
      %add3A_370 = arith.addi %add3A_369, %convert_element_type3A : vector<16xi32>
      %shift_right_arithmetic3A = arith.constant 14 : i32
      %shift_right_arithmetic3A_371 = vector.broadcast %shift_right_arithmetic3A : i32 to vector<16xi32>
      %shift_right_arithmetic3A_372 = arith.shrsi %add3A_370, %shift_right_arithmetic3A_371 : vector<16xi32>
      %jit3A_373 = arith.constant 256 : i32
      %broadcast_in_dim3A = vector.broadcast %jit3A_373 : i32 to vector<16xi32>
      %select_n3A = arith.select %and3A_358, %shift_right_arithmetic3A_372, %broadcast_in_dim3A : vector<16xi1>, vector<16xi32>
      %jit3A_374 = arith.constant -1 : i32
      %broadcast_in_dim3A_375 = vector.broadcast %jit3A_374 : i32 to vector<16xi32>
      %select_n3A_376 = arith.select %and3A_358, %add3A_370, %broadcast_in_dim3A_375 : vector<16xi1>, vector<16xi32>
      %mul3A_377 = arith.constant 16 : i32
      %mul3A_378 = arith.muli %scan3A_328, %mul3A_377 : i32
      %add3A_379 = arith.constant 0 : i32
      %add3A_380 = arith.addi %add3A_379, %mul3A_378 : i32
      %swap3A = arith.index_cast %add3A_380 : i32 to index
      %swap3A_381 = tpu.vector_load %arg17[%swap3A] {strides = array<i32>} : memref<18752xi32, #tpu.memory_space<vmem>>, vector<16xi32>,
      tpu.vector_store %arg17[%swap3A], %select_n3A_376 {strides = array<i32>} : memref<18752xi32, #tpu.memory_space<vmem>>, vector<16xi32>,
      %broadcast_in_dim3A_382 = arith.constant 1 : i32
      %broadcast_in_dim3A_383 = vector.broadcast %broadcast_in_dim3A_382 : i32 to vector<16xi32>
      tpu.vector_store_idx %arg21[%select_n3A], %broadcast_in_dim3A_383 {add = true} : memref<272xi32, #tpu.memory_space<vmem>>[vector<16xi32>], vector<16xi32>,
      %scan3A_384 = arith.constant 0 : i32
      scf.yield %scan3A_384 : i32
    }
    %scan3A_65 = arith.constant 293 : i32
    %mul3A_66 = arith.constant 18752 : i32
    %mul3A_67 = arith.muli %add3A, %mul3A_66 : i32
    %add3A_68 = arith.constant 9376 : i32
    %add3A_69 = arith.addi %mul3A_67, %add3A_68 : i32
    %mul3A_70 = arith.constant 18752 : i32
    %mul3A_71 = arith.muli %add3A, %mul3A_70 : i32
    %add3A_72 = arith.constant 9376 : i32
    %add3A_73 = arith.addi %mul3A_71, %add3A_72 : i32
    %mul3A_74 = arith.constant 18752 : i32
    %mul3A_75 = arith.muli %add3A, %mul3A_74 : i32
    %add3A_76 = arith.constant 9376 : i32
    %add3A_77 = arith.addi %mul3A_75, %add3A_76 : i32
    %dma_start3A_78 = tpu.memref_slice %arg2[%add3A_69] : memref<600064xf32, #tpu.memory_space<hbm>> -> memref<4688xf32, #tpu.memory_space<hbm>>
    %dma_start3A_79 = tpu.memref_slice %arg2[%add3A_69] : memref<600064xf32, #tpu.memory_space<hbm>> -> memref<4688xf32, #tpu.memory_space<hbm>>
    tpu.enqueue_dma source(%dma_start3A_79 : memref<4688xf32, #tpu.memory_space<hbm>>) target(%arg11 : memref<4688xf32, #tpu.memory_space<vmem>>) target_semaphore(%arg24 : memref<!tpu.dma_semaphore, #tpu.memory_space<semaphore_mem>>)
    %dma_start3A_80 = tpu.memref_slice %arg3[%add3A_73] : memref<600064xf32, #tpu.memory_space<hbm>> -> memref<4688xf32, #tpu.memory_space<hbm>>
    %dma_start3A_81 = tpu.memref_slice %arg3[%add3A_73] : memref<600064xf32, #tpu.memory_space<hbm>> -> memref<4688xf32, #tpu.memory_space<hbm>>
    tpu.enqueue_dma source(%dma_start3A_81 : memref<4688xf32, #tpu.memory_space<hbm>>) target(%arg12 : memref<4688xf32, #tpu.memory_space<vmem>>) target_semaphore(%arg24 : memref<!tpu.dma_semaphore, #tpu.memory_space<semaphore_mem>>)
    %dma_start3A_82 = tpu.memref_slice %arg4[%add3A_77] : memref<600064xf32, #tpu.memory_space<hbm>> -> memref<4688xf32, #tpu.memory_space<hbm>>
    %dma_start3A_83 = tpu.memref_slice %arg4[%add3A_77] : memref<600064xf32, #tpu.memory_space<hbm>> -> memref<4688xf32, #tpu.memory_space<hbm>>
    tpu.enqueue_dma source(%dma_start3A_83 : memref<4688xf32, #tpu.memory_space<hbm>>) target(%arg13 : memref<4688xf32, #tpu.memory_space<vmem>>) target_semaphore(%arg24 : memref<!tpu.dma_semaphore, #tpu.memory_space<semaphore_mem>>)
    %mul3A_84 = arith.constant 18752 : i32
    %mul3A_85 = arith.muli %add3A, %mul3A_84 : i32
    %add3A_86 = arith.constant 4688 : i32
    %add3A_87 = arith.addi %mul3A_85, %add3A_86 : i32
    %mul3A_88 = arith.constant 18752 : i32
    %mul3A_89 = arith.muli %add3A, %mul3A_88 : i32
    %add3A_90 = arith.constant 4688 : i32
    %add3A_91 = arith.addi %mul3A_89, %add3A_90 : i32
    %mul3A_92 = arith.constant 18752 : i32
    %mul3A_93 = arith.muli %add3A, %mul3A_92 : i32
    %add3A_94 = arith.constant 4688 : i32
    %add3A_95 = arith.addi %mul3A_93, %add3A_94 : i32
    %dma_wait3A_96 = tpu.memref_slice %arg2[%add3A_87] : memref<600064xf32, #tpu.memory_space<hbm>> -> memref<4688xf32, #tpu.memory_space<hbm>>
    %dma_wait3A_97 = tpu.memref_slice %arg2[%add3A_87] : memref<600064xf32, #tpu.memory_space<hbm>> -> memref<4688xf32, #tpu.memory_space<hbm>>
    tpu.wait_dma2 semaphore(%arg25 : memref<!tpu.dma_semaphore, #tpu.memory_space<semaphore_mem>>) src(%dma_wait3A_97 : memref<4688xf32, #tpu.memory_space<hbm>>) dst(%arg14 : memref<4688xf32, #tpu.memory_space<vmem>>)
    %dma_wait3A_98 = tpu.memref_slice %arg3[%add3A_91] : memref<600064xf32, #tpu.memory_space<hbm>> -> memref<4688xf32, #tpu.memory_space<hbm>>
    %dma_wait3A_99 = tpu.memref_slice %arg3[%add3A_91] : memref<600064xf32, #tpu.memory_space<hbm>> -> memref<4688xf32, #tpu.memory_space<hbm>>
    tpu.wait_dma2 semaphore(%arg25 : memref<!tpu.dma_semaphore, #tpu.memory_space<semaphore_mem>>) src(%dma_wait3A_99 : memref<4688xf32, #tpu.memory_space<hbm>>) dst(%arg15 : memref<4688xf32, #tpu.memory_space<vmem>>)
    %dma_wait3A_100 = tpu.memref_slice %arg4[%add3A_95] : memref<600064xf32, #tpu.memory_space<hbm>> -> memref<4688xf32, #tpu.memory_space<hbm>>
    %dma_wait3A_101 = tpu.memref_slice %arg4[%add3A_95] : memref<600064xf32, #tpu.memory_space<hbm>> -> memref<4688xf32, #tpu.memory_space<hbm>>
    tpu.wait_dma2 semaphore(%arg25 : memref<!tpu.dma_semaphore, #tpu.memory_space<semaphore_mem>>) src(%dma_wait3A_101 : memref<4688xf32, #tpu.memory_space<hbm>>) dst(%arg16 : memref<4688xf32, #tpu.memory_space<vmem>>)
    %scan3A_102 = arith.constant 0 : i32
    %scan3A_103 = arith.constant 0 : i32
    %scan3A_104 = arith.constant 293 : i32
    %scan3A_105 = arith.addi %scan3A_103, %scan3A_104 : i32
    %scan3A_106 = arith.constant 1 : i32
    %scan3A_107 = scf.for %scan3A_328 = %scan3A_103 to %scan3A_105 step %scan3A_106 iter_args(%scan3A_329 = %scan3A_102) -> (i32)  : i32 {
      %mul3A_330 = arith.constant 16 : i32
      %mul3A_331 = arith.muli %scan3A_328, %mul3A_330 : i32
      %get3A = arith.index_cast %mul3A_331 : i32 to index
      %get3A_332 = tpu.vector_load %arg14[%get3A] {strides = array<i32>} : memref<4688xf32, #tpu.memory_space<vmem>>, vector<16xf32>,
      %get3A_333 = arith.index_cast %mul3A_331 : i32 to index
      %get3A_334 = tpu.vector_load %arg15[%get3A_333] {strides = array<i32>} : memref<4688xf32, #tpu.memory_space<vmem>>, vector<16xf32>,
      %get3A_335 = arith.index_cast %mul3A_331 : i32 to index
      %get3A_336 = tpu.vector_load %arg16[%get3A_335] {strides = array<i32>} : memref<4688xf32, #tpu.memory_space<vmem>>, vector<16xf32>,
      %mul3A_337 = arith.constant 1.000000e+01 : f32
      %mul3A_338 = vector.broadcast %mul3A_337 : f32 to vector<16xf32>
      %mul3A_339 = arith.mulf %get3A_334, %mul3A_338 : vector<16xf32>
      %convert_element_type3A = arith.fptosi %mul3A_339 : vector<16xf32> to vector<16xi32>
      %add3A_340 = arith.constant 5.120000e+01 : f32
      %add3A_341 = vector.broadcast %add3A_340 : f32 to vector<16xf32>
      %add3A_342 = arith.addf %get3A_336, %add3A_341 : vector<16xf32>
      %mul3A_343 = arith.constant 1.000000e+01 : f32
      %mul3A_344 = vector.broadcast %mul3A_343 : f32 to vector<16xf32>
      %mul3A_345 = arith.mulf %add3A_342, %mul3A_344 : vector<16xf32>
      %convert_element_type3A_346 = arith.fptosi %mul3A_345 : vector<16xf32> to vector<16xi32>
      %lt3A = arith.constant 1024 : i32
      %lt3A_347 = vector.broadcast %lt3A : i32 to vector<16xi32>
      %lt3A_348 = arith.cmpi slt, %convert_element_type3A, %lt3A_347 : vector<16xi32>
      %ge3A = arith.constant 0 : i32
      %ge3A_349 = vector.broadcast %ge3A : i32 to vector<16xi32>
      %ge3A_350 = arith.cmpi sge, %convert_element_type3A, %ge3A_349 : vector<16xi32>
      %and3A = arith.andi %lt3A_348, %ge3A_350 : vector<16xi1>
      %lt3A_351 = arith.constant 1024 : i32
      %lt3A_352 = vector.broadcast %lt3A_351 : i32 to vector<16xi32>
      %lt3A_353 = arith.cmpi slt, %convert_element_type3A_346, %lt3A_352 : vector<16xi32>
      %and3A_354 = arith.andi %and3A, %lt3A_353 : vector<16xi1>
      %ge3A_355 = arith.constant 0 : i32
      %ge3A_356 = vector.broadcast %ge3A_355 : i32 to vector<16xi32>
      %ge3A_357 = arith.cmpi sge, %convert_element_type3A_346, %ge3A_356 : vector<16xi32>
      %and3A_358 = arith.andi %and3A_354, %ge3A_357 : vector<16xi1>
      %convert_element_type3A_359 = arith.fptosi %get3A_332 : vector<16xf32> to vector<16xi32>
      %jit3A = arith.constant 0 : i32
      %jit3A_360 = arith.constant 3 : i32
      %max3A = vector.broadcast %jit3A : i32 to vector<16xi32>
      %max3A_361 = arith.maxsi %max3A, %convert_element_type3A_359 : vector<16xi32>
      %min3A = vector.broadcast %jit3A_360 : i32 to vector<16xi32>
      %min3A_362 = arith.minsi %min3A, %max3A_361 : vector<16xi32>
      %mul3A_363 = arith.constant 1048576 : i32
      %mul3A_364 = vector.broadcast %mul3A_363 : i32 to vector<16xi32>
      %mul3A_365 = arith.muli %min3A_362, %mul3A_364 : vector<16xi32>
      %mul3A_366 = arith.constant 1024 : i32
      %mul3A_367 = vector.broadcast %mul3A_366 : i32 to vector<16xi32>
      %mul3A_368 = arith.muli %convert_element_type3A_346, %mul3A_367 : vector<16xi32>
      %add3A_369 = arith.addi %mul3A_365, %mul3A_368 : vector<16xi32>
      %add3A_370 = arith.addi %add3A_369, %convert_element_type3A : vector<16xi32>
      %shift_right_arithmetic3A = arith.constant 14 : i32
      %shift_right_arithmetic3A_371 = vector.broadcast %shift_right_arithmetic3A : i32 to vector<16xi32>
      %shift_right_arithmetic3A_372 = arith.shrsi %add3A_370, %shift_right_arithmetic3A_371 : vector<16xi32>
      %jit3A_373 = arith.constant 256 : i32
      %broadcast_in_dim3A = vector.broadcast %jit3A_373 : i32 to vector<16xi32>
      %select_n3A = arith.select %and3A_358, %shift_right_arithmetic3A_372, %broadcast_in_dim3A : vector<16xi1>, vector<16xi32>
      %jit3A_374 = arith.constant -1 : i32
      %broadcast_in_dim3A_375 = vector.broadcast %jit3A_374 : i32 to vector<16xi32>
      %select_n3A_376 = arith.select %and3A_358, %add3A_370, %broadcast_in_dim3A_375 : vector<16xi1>, vector<16xi32>
      %mul3A_377 = arith.constant 16 : i32
      %mul3A_378 = arith.muli %scan3A_328, %mul3A_377 : i32
      %add3A_379 = arith.constant 4688 : i32
      %add3A_380 = arith.addi %add3A_379, %mul3A_378 : i32
      %swap3A = arith.index_cast %add3A_380 : i32 to index
      %swap3A_381 = tpu.vector_load %arg17[%swap3A] {strides = array<i32>} : memref<18752xi32, #tpu.memory_space<vmem>>, vector<16xi32>,
      tpu.vector_store %arg17[%swap3A], %select_n3A_376 {strides = array<i32>} : memref<18752xi32, #tpu.memory_space<vmem>>, vector<16xi32>,
      %broadcast_in_dim3A_382 = arith.constant 1 : i32
      %broadcast_in_dim3A_383 = vector.broadcast %broadcast_in_dim3A_382 : i32 to vector<16xi32>
      tpu.vector_store_idx %arg21[%select_n3A], %broadcast_in_dim3A_383 {add = true} : memref<272xi32, #tpu.memory_space<vmem>>[vector<16xi32>], vector<16xi32>,
      %scan3A_384 = arith.constant 0 : i32
      scf.yield %scan3A_384 : i32
    }
    %scan3A_108 = arith.constant 293 : i32
    %mul3A_109 = arith.constant 18752 : i32
    %mul3A_110 = arith.muli %add3A, %mul3A_109 : i32
    %add3A_111 = arith.constant 14064 : i32
    %add3A_112 = arith.addi %mul3A_110, %add3A_111 : i32
    %mul3A_113 = arith.constant 18752 : i32
    %mul3A_114 = arith.muli %add3A, %mul3A_113 : i32
    %add3A_115 = arith.constant 14064 : i32
    %add3A_116 = arith.addi %mul3A_114, %add3A_115 : i32
    %mul3A_117 = arith.constant 18752 : i32
    %mul3A_118 = arith.muli %add3A, %mul3A_117 : i32
    %add3A_119 = arith.constant 14064 : i32
    %add3A_120 = arith.addi %mul3A_118, %add3A_119 : i32
    %dma_start3A_121 = tpu.memref_slice %arg2[%add3A_112] : memref<600064xf32, #tpu.memory_space<hbm>> -> memref<4688xf32, #tpu.memory_space<hbm>>
    %dma_start3A_122 = tpu.memref_slice %arg2[%add3A_112] : memref<600064xf32, #tpu.memory_space<hbm>> -> memref<4688xf32, #tpu.memory_space<hbm>>
    tpu.enqueue_dma source(%dma_start3A_122 : memref<4688xf32, #tpu.memory_space<hbm>>) target(%arg14 : memref<4688xf32, #tpu.memory_space<vmem>>) target_semaphore(%arg25 : memref<!tpu.dma_semaphore, #tpu.memory_space<semaphore_mem>>)
    %dma_start3A_123 = tpu.memref_slice %arg3[%add3A_116] : memref<600064xf32, #tpu.memory_space<hbm>> -> memref<4688xf32, #tpu.memory_space<hbm>>
    %dma_start3A_124 = tpu.memref_slice %arg3[%add3A_116] : memref<600064xf32, #tpu.memory_space<hbm>> -> memref<4688xf32, #tpu.memory_space<hbm>>
    tpu.enqueue_dma source(%dma_start3A_124 : memref<4688xf32, #tpu.memory_space<hbm>>) target(%arg15 : memref<4688xf32, #tpu.memory_space<vmem>>) target_semaphore(%arg25 : memref<!tpu.dma_semaphore, #tpu.memory_space<semaphore_mem>>)
    %dma_start3A_125 = tpu.memref_slice %arg4[%add3A_120] : memref<600064xf32, #tpu.memory_space<hbm>> -> memref<4688xf32, #tpu.memory_space<hbm>>
    %dma_start3A_126 = tpu.memref_slice %arg4[%add3A_120] : memref<600064xf32, #tpu.memory_space<hbm>> -> memref<4688xf32, #tpu.memory_space<hbm>>
    tpu.enqueue_dma source(%dma_start3A_126 : memref<4688xf32, #tpu.memory_space<hbm>>) target(%arg16 : memref<4688xf32, #tpu.memory_space<vmem>>) target_semaphore(%arg25 : memref<!tpu.dma_semaphore, #tpu.memory_space<semaphore_mem>>)
    %mul3A_127 = arith.constant 18752 : i32
    %mul3A_128 = arith.muli %add3A, %mul3A_127 : i32
    %add3A_129 = arith.constant 9376 : i32
    %add3A_130 = arith.addi %mul3A_128, %add3A_129 : i32
    %mul3A_131 = arith.constant 18752 : i32
    %mul3A_132 = arith.muli %add3A, %mul3A_131 : i32
    %add3A_133 = arith.constant 9376 : i32
    %add3A_134 = arith.addi %mul3A_132, %add3A_133 : i32
    %mul3A_135 = arith.constant 18752 : i32
    %mul3A_136 = arith.muli %add3A, %mul3A_135 : i32
    %add3A_137 = arith.constant 9376 : i32
    %add3A_138 = arith.addi %mul3A_136, %add3A_137 : i32
    %dma_wait3A_139 = tpu.memref_slice %arg2[%add3A_130] : memref<600064xf32, #tpu.memory_space<hbm>> -> memref<4688xf32, #tpu.memory_space<hbm>>
    %dma_wait3A_140 = tpu.memref_slice %arg2[%add3A_130] : memref<600064xf32, #tpu.memory_space<hbm>> -> memref<4688xf32, #tpu.memory_space<hbm>>
    tpu.wait_dma2 semaphore(%arg24 : memref<!tpu.dma_semaphore, #tpu.memory_space<semaphore_mem>>) src(%dma_wait3A_140 : memref<4688xf32, #tpu.memory_space<hbm>>) dst(%arg11 : memref<4688xf32, #tpu.memory_space<vmem>>)
    %dma_wait3A_141 = tpu.memref_slice %arg3[%add3A_134] : memref<600064xf32, #tpu.memory_space<hbm>> -> memref<4688xf32, #tpu.memory_space<hbm>>
    %dma_wait3A_142 = tpu.memref_slice %arg3[%add3A_134] : memref<600064xf32, #tpu.memory_space<hbm>> -> memref<4688xf32, #tpu.memory_space<hbm>>
    tpu.wait_dma2 semaphore(%arg24 : memref<!tpu.dma_semaphore, #tpu.memory_space<semaphore_mem>>) src(%dma_wait3A_142 : memref<4688xf32, #tpu.memory_space<hbm>>) dst(%arg12 : memref<4688xf32, #tpu.memory_space<vmem>>)
    %dma_wait3A_143 = tpu.memref_slice %arg4[%add3A_138] : memref<600064xf32, #tpu.memory_space<hbm>> -> memref<4688xf32, #tpu.memory_space<hbm>>
    %dma_wait3A_144 = tpu.memref_slice %arg4[%add3A_138] : memref<600064xf32, #tpu.memory_space<hbm>> -> memref<4688xf32, #tpu.memory_space<hbm>>
    tpu.wait_dma2 semaphore(%arg24 : memref<!tpu.dma_semaphore, #tpu.memory_space<semaphore_mem>>) src(%dma_wait3A_144 : memref<4688xf32, #tpu.memory_space<hbm>>) dst(%arg13 : memref<4688xf32, #tpu.memory_space<vmem>>)
    %scan3A_145 = arith.constant 0 : i32
    %scan3A_146 = arith.constant 0 : i32
    %scan3A_147 = arith.constant 293 : i32
    %scan3A_148 = arith.addi %scan3A_146, %scan3A_147 : i32
    %scan3A_149 = arith.constant 1 : i32
    %scan3A_150 = scf.for %scan3A_328 = %scan3A_146 to %scan3A_148 step %scan3A_149 iter_args(%scan3A_329 = %scan3A_145) -> (i32)  : i32 {
      %mul3A_330 = arith.constant 16 : i32
      %mul3A_331 = arith.muli %scan3A_328, %mul3A_330 : i32
      %get3A = arith.index_cast %mul3A_331 : i32 to index
      %get3A_332 = tpu.vector_load %arg11[%get3A] {strides = array<i32>} : memref<4688xf32, #tpu.memory_space<vmem>>, vector<16xf32>,
      %get3A_333 = arith.index_cast %mul3A_331 : i32 to index
      %get3A_334 = tpu.vector_load %arg12[%get3A_333] {strides = array<i32>} : memref<4688xf32, #tpu.memory_space<vmem>>, vector<16xf32>,
      %get3A_335 = arith.index_cast %mul3A_331 : i32 to index
      %get3A_336 = tpu.vector_load %arg13[%get3A_335] {strides = array<i32>} : memref<4688xf32, #tpu.memory_space<vmem>>, vector<16xf32>,
      %mul3A_337 = arith.constant 1.000000e+01 : f32
      %mul3A_338 = vector.broadcast %mul3A_337 : f32 to vector<16xf32>
      %mul3A_339 = arith.mulf %get3A_334, %mul3A_338 : vector<16xf32>
      %convert_element_type3A = arith.fptosi %mul3A_339 : vector<16xf32> to vector<16xi32>
      %add3A_340 = arith.constant 5.120000e+01 : f32
      %add3A_341 = vector.broadcast %add3A_340 : f32 to vector<16xf32>
      %add3A_342 = arith.addf %get3A_336, %add3A_341 : vector<16xf32>
      %mul3A_343 = arith.constant 1.000000e+01 : f32
      %mul3A_344 = vector.broadcast %mul3A_343 : f32 to vector<16xf32>
      %mul3A_345 = arith.mulf %add3A_342, %mul3A_344 : vector<16xf32>
      %convert_element_type3A_346 = arith.fptosi %mul3A_345 : vector<16xf32> to vector<16xi32>
      %lt3A = arith.constant 1024 : i32
      %lt3A_347 = vector.broadcast %lt3A : i32 to vector<16xi32>
      %lt3A_348 = arith.cmpi slt, %convert_element_type3A, %lt3A_347 : vector<16xi32>
      %ge3A = arith.constant 0 : i32
      %ge3A_349 = vector.broadcast %ge3A : i32 to vector<16xi32>
      %ge3A_350 = arith.cmpi sge, %convert_element_type3A, %ge3A_349 : vector<16xi32>
      %and3A = arith.andi %lt3A_348, %ge3A_350 : vector<16xi1>
      %lt3A_351 = arith.constant 1024 : i32
      %lt3A_352 = vector.broadcast %lt3A_351 : i32 to vector<16xi32>
      %lt3A_353 = arith.cmpi slt, %convert_element_type3A_346, %lt3A_352 : vector<16xi32>
      %and3A_354 = arith.andi %and3A, %lt3A_353 : vector<16xi1>
      %ge3A_355 = arith.constant 0 : i32
      %ge3A_356 = vector.broadcast %ge3A_355 : i32 to vector<16xi32>
      %ge3A_357 = arith.cmpi sge, %convert_element_type3A_346, %ge3A_356 : vector<16xi32>
      %and3A_358 = arith.andi %and3A_354, %ge3A_357 : vector<16xi1>
      %convert_element_type3A_359 = arith.fptosi %get3A_332 : vector<16xf32> to vector<16xi32>
      %jit3A = arith.constant 0 : i32
      %jit3A_360 = arith.constant 3 : i32
      %max3A = vector.broadcast %jit3A : i32 to vector<16xi32>
      %max3A_361 = arith.maxsi %max3A, %convert_element_type3A_359 : vector<16xi32>
      %min3A = vector.broadcast %jit3A_360 : i32 to vector<16xi32>
      %min3A_362 = arith.minsi %min3A, %max3A_361 : vector<16xi32>
      %mul3A_363 = arith.constant 1048576 : i32
      %mul3A_364 = vector.broadcast %mul3A_363 : i32 to vector<16xi32>
      %mul3A_365 = arith.muli %min3A_362, %mul3A_364 : vector<16xi32>
      %mul3A_366 = arith.constant 1024 : i32
      %mul3A_367 = vector.broadcast %mul3A_366 : i32 to vector<16xi32>
      %mul3A_368 = arith.muli %convert_element_type3A_346, %mul3A_367 : vector<16xi32>
      %add3A_369 = arith.addi %mul3A_365, %mul3A_368 : vector<16xi32>
      %add3A_370 = arith.addi %add3A_369, %convert_element_type3A : vector<16xi32>
      %shift_right_arithmetic3A = arith.constant 14 : i32
      %shift_right_arithmetic3A_371 = vector.broadcast %shift_right_arithmetic3A : i32 to vector<16xi32>
      %shift_right_arithmetic3A_372 = arith.shrsi %add3A_370, %shift_right_arithmetic3A_371 : vector<16xi32>
      %jit3A_373 = arith.constant 256 : i32
      %broadcast_in_dim3A = vector.broadcast %jit3A_373 : i32 to vector<16xi32>
      %select_n3A = arith.select %and3A_358, %shift_right_arithmetic3A_372, %broadcast_in_dim3A : vector<16xi1>, vector<16xi32>
      %jit3A_374 = arith.constant -1 : i32
      %broadcast_in_dim3A_375 = vector.broadcast %jit3A_374 : i32 to vector<16xi32>
      %select_n3A_376 = arith.select %and3A_358, %add3A_370, %broadcast_in_dim3A_375 : vector<16xi1>, vector<16xi32>
      %mul3A_377 = arith.constant 16 : i32
      %mul3A_378 = arith.muli %scan3A_328, %mul3A_377 : i32
      %add3A_379 = arith.constant 9376 : i32
      %add3A_380 = arith.addi %add3A_379, %mul3A_378 : i32
      %swap3A = arith.index_cast %add3A_380 : i32 to index
      %swap3A_381 = tpu.vector_load %arg17[%swap3A] {strides = array<i32>} : memref<18752xi32, #tpu.memory_space<vmem>>, vector<16xi32>,
      tpu.vector_store %arg17[%swap3A], %select_n3A_376 {strides = array<i32>} : memref<18752xi32, #tpu.memory_space<vmem>>, vector<16xi32>,
      %broadcast_in_dim3A_382 = arith.constant 1 : i32
      %broadcast_in_dim3A_383 = vector.broadcast %broadcast_in_dim3A_382 : i32 to vector<16xi32>
      tpu.vector_store_idx %arg21[%select_n3A], %broadcast_in_dim3A_383 {add = true} : memref<272xi32, #tpu.memory_space<vmem>>[vector<16xi32>], vector<16xi32>,
      %scan3A_384 = arith.constant 0 : i32
      scf.yield %scan3A_384 : i32
    }
    %scan3A_151 = arith.constant 293 : i32
    %mul3A_152 = arith.constant 18752 : i32
    %mul3A_153 = arith.muli %add3A, %mul3A_152 : i32
    %add3A_154 = arith.constant 14064 : i32
    %add3A_155 = arith.addi %mul3A_153, %add3A_154 : i32
    %mul3A_156 = arith.constant 18752 : i32
    %mul3A_157 = arith.muli %add3A, %mul3A_156 : i32
    %add3A_158 = arith.constant 14064 : i32
    %add3A_159 = arith.addi %mul3A_157, %add3A_158 : i32
    %mul3A_160 = arith.constant 18752 : i32
    %mul3A_161 = arith.muli %add3A, %mul3A_160 : i32
    %add3A_162 = arith.constant 14064 : i32
    %add3A_163 = arith.addi %mul3A_161, %add3A_162 : i32
    %dma_wait3A_164 = tpu.memref_slice %arg2[%add3A_155] : memref<600064xf32, #tpu.memory_space<hbm>> -> memref<4688xf32, #tpu.memory_space<hbm>>
    %dma_wait3A_165 = tpu.memref_slice %arg2[%add3A_155] : memref<600064xf32, #tpu.memory_space<hbm>> -> memref<4688xf32, #tpu.memory_space<hbm>>
    tpu.wait_dma2 semaphore(%arg25 : memref<!tpu.dma_semaphore, #tpu.memory_space<semaphore_mem>>) src(%dma_wait3A_165 : memref<4688xf32, #tpu.memory_space<hbm>>) dst(%arg14 : memref<4688xf32, #tpu.memory_space<vmem>>)
    %dma_wait3A_166 = tpu.memref_slice %arg3[%add3A_159] : memref<600064xf32, #tpu.memory_space<hbm>> -> memref<4688xf32, #tpu.memory_space<hbm>>
    %dma_wait3A_167 = tpu.memref_slice %arg3[%add3A_159] : memref<600064xf32, #tpu.memory_space<hbm>> -> memref<4688xf32, #tpu.memory_space<hbm>>
    tpu.wait_dma2 semaphore(%arg25 : memref<!tpu.dma_semaphore, #tpu.memory_space<semaphore_mem>>) src(%dma_wait3A_167 : memref<4688xf32, #tpu.memory_space<hbm>>) dst(%arg15 : memref<4688xf32, #tpu.memory_space<vmem>>)
    %dma_wait3A_168 = tpu.memref_slice %arg4[%add3A_163] : memref<600064xf32, #tpu.memory_space<hbm>> -> memref<4688xf32, #tpu.memory_space<hbm>>
    %dma_wait3A_169 = tpu.memref_slice %arg4[%add3A_163] : memref<600064xf32, #tpu.memory_space<hbm>> -> memref<4688xf32, #tpu.memory_space<hbm>>
    tpu.wait_dma2 semaphore(%arg25 : memref<!tpu.dma_semaphore, #tpu.memory_space<semaphore_mem>>) src(%dma_wait3A_169 : memref<4688xf32, #tpu.memory_space<hbm>>) dst(%arg16 : memref<4688xf32, #tpu.memory_space<vmem>>)
    %scan3A_170 = arith.constant 0 : i32
    %scan3A_171 = arith.constant 0 : i32
    %scan3A_172 = arith.constant 293 : i32
    %scan3A_173 = arith.addi %scan3A_171, %scan3A_172 : i32
    %scan3A_174 = arith.constant 1 : i32
    %scan3A_175 = scf.for %scan3A_328 = %scan3A_171 to %scan3A_173 step %scan3A_174 iter_args(%scan3A_329 = %scan3A_170) -> (i32)  : i32 {
      %mul3A_330 = arith.constant 16 : i32
      %mul3A_331 = arith.muli %scan3A_328, %mul3A_330 : i32
      %get3A = arith.index_cast %mul3A_331 : i32 to index
      %get3A_332 = tpu.vector_load %arg14[%get3A] {strides = array<i32>} : memref<4688xf32, #tpu.memory_space<vmem>>, vector<16xf32>,
      %get3A_333 = arith.index_cast %mul3A_331 : i32 to index
      %get3A_334 = tpu.vector_load %arg15[%get3A_333] {strides = array<i32>} : memref<4688xf32, #tpu.memory_space<vmem>>, vector<16xf32>,
      %get3A_335 = arith.index_cast %mul3A_331 : i32 to index
      %get3A_336 = tpu.vector_load %arg16[%get3A_335] {strides = array<i32>} : memref<4688xf32, #tpu.memory_space<vmem>>, vector<16xf32>,
      %mul3A_337 = arith.constant 1.000000e+01 : f32
      %mul3A_338 = vector.broadcast %mul3A_337 : f32 to vector<16xf32>
      %mul3A_339 = arith.mulf %get3A_334, %mul3A_338 : vector<16xf32>
      %convert_element_type3A = arith.fptosi %mul3A_339 : vector<16xf32> to vector<16xi32>
      %add3A_340 = arith.constant 5.120000e+01 : f32
      %add3A_341 = vector.broadcast %add3A_340 : f32 to vector<16xf32>
      %add3A_342 = arith.addf %get3A_336, %add3A_341 : vector<16xf32>
      %mul3A_343 = arith.constant 1.000000e+01 : f32
      %mul3A_344 = vector.broadcast %mul3A_343 : f32 to vector<16xf32>
      %mul3A_345 = arith.mulf %add3A_342, %mul3A_344 : vector<16xf32>
      %convert_element_type3A_346 = arith.fptosi %mul3A_345 : vector<16xf32> to vector<16xi32>
      %lt3A = arith.constant 1024 : i32
      %lt3A_347 = vector.broadcast %lt3A : i32 to vector<16xi32>
      %lt3A_348 = arith.cmpi slt, %convert_element_type3A, %lt3A_347 : vector<16xi32>
      %ge3A = arith.constant 0 : i32
      %ge3A_349 = vector.broadcast %ge3A : i32 to vector<16xi32>
      %ge3A_350 = arith.cmpi sge, %convert_element_type3A, %ge3A_349 : vector<16xi32>
      %and3A = arith.andi %lt3A_348, %ge3A_350 : vector<16xi1>
      %lt3A_351 = arith.constant 1024 : i32
      %lt3A_352 = vector.broadcast %lt3A_351 : i32 to vector<16xi32>
      %lt3A_353 = arith.cmpi slt, %convert_element_type3A_346, %lt3A_352 : vector<16xi32>
      %and3A_354 = arith.andi %and3A, %lt3A_353 : vector<16xi1>
      %ge3A_355 = arith.constant 0 : i32
      %ge3A_356 = vector.broadcast %ge3A_355 : i32 to vector<16xi32>
      %ge3A_357 = arith.cmpi sge, %convert_element_type3A_346, %ge3A_356 : vector<16xi32>
      %and3A_358 = arith.andi %and3A_354, %ge3A_357 : vector<16xi1>
      %convert_element_type3A_359 = arith.fptosi %get3A_332 : vector<16xf32> to vector<16xi32>
      %jit3A = arith.constant 0 : i32
      %jit3A_360 = arith.constant 3 : i32
      %max3A = vector.broadcast %jit3A : i32 to vector<16xi32>
      %max3A_361 = arith.maxsi %max3A, %convert_element_type3A_359 : vector<16xi32>
      %min3A = vector.broadcast %jit3A_360 : i32 to vector<16xi32>
      %min3A_362 = arith.minsi %min3A, %max3A_361 : vector<16xi32>
      %mul3A_363 = arith.constant 1048576 : i32
      %mul3A_364 = vector.broadcast %mul3A_363 : i32 to vector<16xi32>
      %mul3A_365 = arith.muli %min3A_362, %mul3A_364 : vector<16xi32>
      %mul3A_366 = arith.constant 1024 : i32
      %mul3A_367 = vector.broadcast %mul3A_366 : i32 to vector<16xi32>
      %mul3A_368 = arith.muli %convert_element_type3A_346, %mul3A_367 : vector<16xi32>
      %add3A_369 = arith.addi %mul3A_365, %mul3A_368 : vector<16xi32>
      %add3A_370 = arith.addi %add3A_369, %convert_element_type3A : vector<16xi32>
      %shift_right_arithmetic3A = arith.constant 14 : i32
      %shift_right_arithmetic3A_371 = vector.broadcast %shift_right_arithmetic3A : i32 to vector<16xi32>
      %shift_right_arithmetic3A_372 = arith.shrsi %add3A_370, %shift_right_arithmetic3A_371 : vector<16xi32>
      %jit3A_373 = arith.constant 256 : i32
      %broadcast_in_dim3A = vector.broadcast %jit3A_373 : i32 to vector<16xi32>
      %select_n3A = arith.select %and3A_358, %shift_right_arithmetic3A_372, %broadcast_in_dim3A : vector<16xi1>, vector<16xi32>
      %jit3A_374 = arith.constant -1 : i32
      %broadcast_in_dim3A_375 = vector.broadcast %jit3A_374 : i32 to vector<16xi32>
      %select_n3A_376 = arith.select %and3A_358, %add3A_370, %broadcast_in_dim3A_375 : vector<16xi1>, vector<16xi32>
      %mul3A_377 = arith.constant 16 : i32
      %mul3A_378 = arith.muli %scan3A_328, %mul3A_377 : i32
      %add3A_379 = arith.constant 14064 : i32
      %add3A_380 = arith.addi %add3A_379, %mul3A_378 : i32
      %swap3A = arith.index_cast %add3A_380 : i32 to index
      %swap3A_381 = tpu.vector_load %arg17[%swap3A] {strides = array<i32>} : memref<18752xi32, #tpu.memory_space<vmem>>, vector<16xi32>,
      tpu.vector_store %arg17[%swap3A], %select_n3A_376 {strides = array<i32>} : memref<18752xi32, #tpu.memory_space<vmem>>, vector<16xi32>,
      %broadcast_in_dim3A_382 = arith.constant 1 : i32
      %broadcast_in_dim3A_383 = vector.broadcast %broadcast_in_dim3A_382 : i32 to vector<16xi32>
      tpu.vector_store_idx %arg21[%select_n3A], %broadcast_in_dim3A_383 {add = true} : memref<272xi32, #tpu.memory_space<vmem>>[vector<16xi32>], vector<16xi32>,
      %scan3A_384 = arith.constant 0 : i32
      scf.yield %scan3A_384 : i32
    }
    %scan3A_176 = arith.constant 293 : i32
    %scan3A_177 = arith.constant 0 : i32
    %scan3A_178 = arith.constant 0 : i32
    %scan3A_179 = arith.constant 17 : i32
    %scan3A_180 = arith.addi %scan3A_178, %scan3A_179 : i32
    %scan3A_181 = arith.constant 1 : i32
    %scan3A_182 = scf.for %scan3A_328 = %scan3A_178 to %scan3A_180 step %scan3A_181 iter_args(%scan3A_329 = %scan3A_177) -> (i32)  : i32 {
      %mul3A_330 = arith.constant 16 : i32
      %mul3A_331 = arith.muli %scan3A_328, %mul3A_330 : i32
      %get3A = arith.index_cast %mul3A_331 : i32 to index
      %get3A_332 = tpu.vector_load %arg21[%get3A] {strides = array<i32>} : memref<272xi32, #tpu.memory_space<vmem>>, vector<16xi32>,
      %broadcast_in_dim3A = arith.constant true
      %broadcast_in_dim3A_333 = vector.broadcast %broadcast_in_dim3A : i1 to vector<16xi1>
      %masked_cumsum3A = tpu.scan <sum>, %get3A_332 masked %broadcast_in_dim3A_333 : vector<16xi32>, vector<16xi1> -> vector<16xi32>
      %sub3A = arith.subi %masked_cumsum3A, %get3A_332 : vector<16xi32>
      %add3A_334 = vector.broadcast %scan3A_329 : i32 to vector<16xi32>
      %add3A_335 = arith.addi %sub3A, %add3A_334 : vector<16xi32>
      %mul3A_336 = arith.constant 16 : i32
      %mul3A_337 = arith.muli %scan3A_328, %mul3A_336 : i32
      %swap3A = arith.index_cast %mul3A_337 : i32 to index
      %swap3A_338 = tpu.vector_load %arg22[%swap3A] {strides = array<i32>} : memref<272xi32, #tpu.memory_space<vmem>>, vector<16xi32>,
      tpu.vector_store %arg22[%swap3A], %add3A_335 {strides = array<i32>} : memref<272xi32, #tpu.memory_space<vmem>>, vector<16xi32>,
      %mul3A_339 = arith.constant 16 : i32
      %mul3A_340 = arith.muli %scan3A_328, %mul3A_339 : i32
      %swap3A_341 = arith.index_cast %mul3A_340 : i32 to index
      %swap3A_342 = tpu.vector_load %arg23[%swap3A_341] {strides = array<i32>} : memref<272xi32, #tpu.memory_space<vmem>>, vector<16xi32>,
      tpu.vector_store %arg23[%swap3A_341], %add3A_335 {strides = array<i32>} : memref<272xi32, #tpu.memory_space<vmem>>, vector<16xi32>,
      %reduce_sum3A = arith.constant true
      %reduce_sum3A_343 = vector.broadcast %reduce_sum3A : i1 to vector<16xi1>
      %reduce_sum3A_344 = tpu.scan <sum>, %get3A_332 masked %reduce_sum3A_343 : vector<16xi32>, vector<16xi1> -> vector<16xi32>
      %reduce_sum3A_345 = vector.extract %reduce_sum3A_344[15] : i32 from vector<16xi32>
      %add3A_346 = arith.addi %scan3A_329, %reduce_sum3A_345 : i32
      scf.yield %add3A_346 : i32
    }
    %scan3A_183 = arith.constant 17 : i32
    %mul3A_184 = arith.constant 18752 : i32
    %mul3A_185 = arith.muli %add3A, %mul3A_184 : i32
    %add3A_186 = arith.constant 0 : i32
    %add3A_187 = arith.addi %mul3A_185, %add3A_186 : i32
    %mul3A_188 = arith.constant 18752 : i32
    %mul3A_189 = arith.muli %add3A, %mul3A_188 : i32
    %add3A_190 = arith.constant 0 : i32
    %add3A_191 = arith.addi %mul3A_189, %add3A_190 : i32
    %dma_start3A_192 = tpu.memref_slice %arg5[%add3A_187] : memref<600064xf32, #tpu.memory_space<hbm>> -> memref<4688xf32, #tpu.memory_space<hbm>>
    %dma_start3A_193 = tpu.memref_slice %arg5[%add3A_187] : memref<600064xf32, #tpu.memory_space<hbm>> -> memref<4688xf32, #tpu.memory_space<hbm>>
    tpu.enqueue_dma source(%dma_start3A_193 : memref<4688xf32, #tpu.memory_space<hbm>>) target(%arg11 : memref<4688xf32, #tpu.memory_space<vmem>>) target_semaphore(%arg24 : memref<!tpu.dma_semaphore, #tpu.memory_space<semaphore_mem>>)
    %dma_start3A_194 = tpu.memref_slice %arg6[%add3A_191] : memref<600064xf32, #tpu.memory_space<hbm>> -> memref<4688xf32, #tpu.memory_space<hbm>>
    %dma_start3A_195 = tpu.memref_slice %arg6[%add3A_191] : memref<600064xf32, #tpu.memory_space<hbm>> -> memref<4688xf32, #tpu.memory_space<hbm>>
    tpu.enqueue_dma source(%dma_start3A_195 : memref<4688xf32, #tpu.memory_space<hbm>>) target(%arg12 : memref<4688xf32, #tpu.memory_space<vmem>>) target_semaphore(%arg24 : memref<!tpu.dma_semaphore, #tpu.memory_space<semaphore_mem>>)
    %mul3A_196 = arith.constant 18752 : i32
    %mul3A_197 = arith.muli %add3A, %mul3A_196 : i32
    %add3A_198 = arith.constant 4688 : i32
    %add3A_199 = arith.addi %mul3A_197, %add3A_198 : i32
    %mul3A_200 = arith.constant 18752 : i32
    %mul3A_201 = arith.muli %add3A, %mul3A_200 : i32
    %add3A_202 = arith.constant 4688 : i32
    %add3A_203 = arith.addi %mul3A_201, %add3A_202 : i32
    %dma_start3A_204 = tpu.memref_slice %arg5[%add3A_199] : memref<600064xf32, #tpu.memory_space<hbm>> -> memref<4688xf32, #tpu.memory_space<hbm>>
    %dma_start3A_205 = tpu.memref_slice %arg5[%add3A_199] : memref<600064xf32, #tpu.memory_space<hbm>> -> memref<4688xf32, #tpu.memory_space<hbm>>
    tpu.enqueue_dma source(%dma_start3A_205 : memref<4688xf32, #tpu.memory_space<hbm>>) target(%arg14 : memref<4688xf32, #tpu.memory_space<vmem>>) target_semaphore(%arg25 : memref<!tpu.dma_semaphore, #tpu.memory_space<semaphore_mem>>)
    %dma_start3A_206 = tpu.memref_slice %arg6[%add3A_203] : memref<600064xf32, #tpu.memory_space<hbm>> -> memref<4688xf32, #tpu.memory_space<hbm>>
    %dma_start3A_207 = tpu.memref_slice %arg6[%add3A_203] : memref<600064xf32, #tpu.memory_space<hbm>> -> memref<4688xf32, #tpu.memory_space<hbm>>
    tpu.enqueue_dma source(%dma_start3A_207 : memref<4688xf32, #tpu.memory_space<hbm>>) target(%arg15 : memref<4688xf32, #tpu.memory_space<vmem>>) target_semaphore(%arg25 : memref<!tpu.dma_semaphore, #tpu.memory_space<semaphore_mem>>)
    %mul3A_208 = arith.constant 18752 : i32
    %mul3A_209 = arith.muli %add3A, %mul3A_208 : i32
    %add3A_210 = arith.constant 0 : i32
    %add3A_211 = arith.addi %mul3A_209, %add3A_210 : i32
    %mul3A_212 = arith.constant 18752 : i32
    %mul3A_213 = arith.muli %add3A, %mul3A_212 : i32
    %add3A_214 = arith.constant 0 : i32
    %add3A_215 = arith.addi %mul3A_213, %add3A_214 : i32
    %dma_wait3A_216 = tpu.memref_slice %arg5[%add3A_211] : memref<600064xf32, #tpu.memory_space<hbm>> -> memref<4688xf32, #tpu.memory_space<hbm>>
    %dma_wait3A_217 = tpu.memref_slice %arg5[%add3A_211] : memref<600064xf32, #tpu.memory_space<hbm>> -> memref<4688xf32, #tpu.memory_space<hbm>>
    tpu.wait_dma2 semaphore(%arg24 : memref<!tpu.dma_semaphore, #tpu.memory_space<semaphore_mem>>) src(%dma_wait3A_217 : memref<4688xf32, #tpu.memory_space<hbm>>) dst(%arg11 : memref<4688xf32, #tpu.memory_space<vmem>>)
    %dma_wait3A_218 = tpu.memref_slice %arg6[%add3A_215] : memref<600064xf32, #tpu.memory_space<hbm>> -> memref<4688xf32, #tpu.memory_space<hbm>>
    %dma_wait3A_219 = tpu.memref_slice %arg6[%add3A_215] : memref<600064xf32, #tpu.memory_space<hbm>> -> memref<4688xf32, #tpu.memory_space<hbm>>
    tpu.wait_dma2 semaphore(%arg24 : memref<!tpu.dma_semaphore, #tpu.memory_space<semaphore_mem>>) src(%dma_wait3A_219 : memref<4688xf32, #tpu.memory_space<hbm>>) dst(%arg12 : memref<4688xf32, #tpu.memory_space<vmem>>)
    %scan3A_220 = arith.constant 0 : i32
    %scan3A_221 = arith.constant 0 : i32
    %scan3A_222 = arith.constant 293 : i32
    %scan3A_223 = arith.addi %scan3A_221, %scan3A_222 : i32
    %scan3A_224 = arith.constant 1 : i32
    %scan3A_225 = scf.for %scan3A_328 = %scan3A_221 to %scan3A_223 step %scan3A_224 iter_args(%scan3A_329 = %scan3A_220) -> (i32)  : i32 {
      %mul3A_330 = arith.constant 16 : i32
      %mul3A_331 = arith.muli %scan3A_328, %mul3A_330 : i32
      %mul3A_332 = arith.constant 16 : i32
      %mul3A_333 = arith.muli %scan3A_328, %mul3A_332 : i32
      %add3A_334 = arith.constant 0 : i32
      %add3A_335 = arith.addi %add3A_334, %mul3A_333 : i32
      %get3A = arith.index_cast %add3A_335 : i32 to index
      %get3A_336 = tpu.vector_load %arg17[%get3A] {strides = array<i32>} : memref<18752xi32, #tpu.memory_space<vmem>>, vector<16xi32>,
      %ge3A = arith.constant 0 : i32
      %ge3A_337 = vector.broadcast %ge3A : i32 to vector<16xi32>
      %ge3A_338 = arith.cmpi sge, %get3A_336, %ge3A_337 : vector<16xi32>
      %shift_right_arithmetic3A = arith.constant 14 : i32
      %shift_right_arithmetic3A_339 = vector.broadcast %shift_right_arithmetic3A : i32 to vector<16xi32>
      %shift_right_arithmetic3A_340 = arith.shrsi %get3A_336, %shift_right_arithmetic3A_339 : vector<16xi32>
      %jit3A = arith.constant 256 : i32
      %broadcast_in_dim3A = vector.broadcast %jit3A : i32 to vector<16xi32>
      %select_n3A = arith.select %ge3A_338, %shift_right_arithmetic3A_340, %broadcast_in_dim3A : vector<16xi1>, vector<16xi32>
      %get3A_341 = arith.index_cast %mul3A_331 : i32 to index
      %get3A_342 = tpu.vector_load %arg11[%get3A_341] {strides = array<i32>} : memref<4688xf32, #tpu.memory_space<vmem>>, vector<16xf32>,
      %get3A_343 = arith.index_cast %mul3A_331 : i32 to index
      %get3A_344 = tpu.vector_load %arg12[%get3A_343] {strides = array<i32>} : memref<4688xf32, #tpu.memory_space<vmem>>, vector<16xf32>,
      %masked_sort3A = arith.constant dense<true> : vector<16xi1>
      %masked_sort3A_345 = arith.constant -2147483648 : i32
      %masked_sort3A_346 = vector.broadcast %masked_sort3A_345 : i32 to vector<16xi32>
      %masked_sort3A_347 = arith.xori %select_n3A, %masked_sort3A_346 : vector<16xi32>
      %masked_sort3A_348, %masked_sort3A_349, %masked_sort3A_350 = tpu.sort %masked_sort3A_347, %iota3A masked %masked_sort3A : (vector<16xi32>, vector<16xi32>, vector<16xi1>) -> (vector<16xi1>, vector<16xi32>, vector<16xi32>)
      %masked_sort3A_351 = arith.xori %masked_sort3A_349, %masked_sort3A_346 : vector<16xi32>
      %sub3A = arith.constant 1 : i32
      %sub3A_352 = vector.broadcast %sub3A : i32 to vector<16xi32>
      %sub3A_353 = arith.subi %iota3A, %sub3A_352 : vector<16xi32>
      %max3A = arith.constant 0 : i32
      %max3A_354 = vector.broadcast %max3A : i32 to vector<16xi32>
      %max3A_355 = arith.maxsi %sub3A_353, %max3A_354 : vector<16xi32>
      %reshape3A = vector.shape_cast %max3A_355 : vector<16xi32> to vector<16x1xi32>
      %gather3A = vector.shape_cast %reshape3A : vector<16x1xi32> to vector<16xi32>
      %gather3A_356 = tpu.dynamic_gather %masked_sort3A_351[%gather3A] in [0] : vector<16xi32>, vector<16xi32> -> vector<16xi32>
      %eq3A = arith.constant 0 : i32
      %eq3A_357 = vector.broadcast %eq3A : i32 to vector<16xi32>
      %eq3A_358 = arith.cmpi eq, %iota3A, %eq3A_357 : vector<16xi32>
      %ne3A = arith.cmpi ne, %masked_sort3A_351, %gather3A_356 : vector<16xi32>
      %or3A = arith.ori %eq3A_358, %ne3A : vector<16xi1>
      %jit3A_359 = arith.constant 0 : i32
      %broadcast_in_dim3A_360 = vector.broadcast %jit3A_359 : i32 to vector<16xi32>
      %select_n3A_361 = arith.select %or3A, %iota3A, %broadcast_in_dim3A_360 : vector<16xi1>, vector<16xi32>
      %broadcast_in_dim3A_362 = arith.constant true
      %broadcast_in_dim3A_363 = vector.broadcast %broadcast_in_dim3A_362 : i1 to vector<16xi1>
      %masked_cummax3A = arith.constant -2147483648 : i32
      %masked_cummax3A_364 = vector.broadcast %masked_cummax3A : i32 to vector<16xi32>
      %masked_cummax3A_365 = arith.xori %select_n3A_361, %masked_cummax3A_364 : vector<16xi32>
      %masked_cummax3A_366 = tpu.scan <max>, %masked_cummax3A_365 masked %broadcast_in_dim3A_363 : vector<16xi32>, vector<16xi1> -> vector<16xi32>
      %masked_cummax3A_367 = arith.xori %masked_cummax3A_366, %masked_cummax3A_364 : vector<16xi32>
      %sub3A_368 = arith.subi %iota3A, %masked_cummax3A_367 : vector<16xi32>
      %gather3A_369 = tpu.vector_load_idx %arg23[%masked_sort3A_351] : memref<272xi32, #tpu.memory_space<vmem>>[vector<16xi32>], vector<16xi32>,
      %add3A_370 = arith.addi %gather3A_369, %sub3A_368 : vector<16xi32>
      %add3A_371 = arith.constant 1 : i32
      %add3A_372 = vector.broadcast %add3A_371 : i32 to vector<16xi32>
      %add3A_373 = arith.addi %iota3A, %add3A_372 : vector<16xi32>
      %min3A = arith.constant 15 : i32
      %min3A_374 = vector.broadcast %min3A : i32 to vector<16xi32>
      %min3A_375 = arith.minsi %add3A_373, %min3A_374 : vector<16xi32>
      %reshape3A_376 = vector.shape_cast %min3A_375 : vector<16xi32> to vector<16x1xi32>
      %gather3A_377 = vector.shape_cast %reshape3A_376 : vector<16x1xi32> to vector<16xi32>
      %gather3A_378 = tpu.dynamic_gather %masked_sort3A_351[%gather3A_377] in [0] : vector<16xi32>, vector<16xi32> -> vector<16xi32>
      %eq3A_379 = arith.constant 15 : i32
      %eq3A_380 = vector.broadcast %eq3A_379 : i32 to vector<16xi32>
      %eq3A_381 = arith.cmpi eq, %iota3A, %eq3A_380 : vector<16xi32>
      %ne3A_382 = arith.cmpi ne, %masked_sort3A_351, %gather3A_378 : vector<16xi32>
      %or3A_383 = arith.ori %eq3A_381, %ne3A_382 : vector<16xi1>
      %add3A_384 = arith.constant 1 : i32
      %add3A_385 = vector.broadcast %add3A_384 : i32 to vector<16xi32>
      %add3A_386 = arith.addi %add3A_370, %add3A_385 : vector<16xi32>
      tpu.vector_store_idx %arg23[%masked_sort3A_351], %add3A_386 masked %or3A_383 : memref<272xi32, #tpu.memory_space<vmem>>[vector<16xi32>], vector<16xi32>, vector<16xi1>
      %reshape3A_387 = vector.shape_cast %masked_sort3A_350 : vector<16xi32> to vector<16x1xi32>
      %gather3A_388 = vector.shape_cast %reshape3A_387 : vector<16x1xi32> to vector<16xi32>
      %gather3A_389 = tpu.dynamic_gather %get3A_336[%gather3A_388] in [0] : vector<16xi32>, vector<16xi32> -> vector<16xi32>
      %and3A = arith.constant 16383 : i32
      %and3A_390 = vector.broadcast %and3A : i32 to vector<16xi32>
      %and3A_391 = arith.andi %gather3A_389, %and3A_390 : vector<16xi32>
      tpu.vector_store_idx %arg18[%add3A_370], %and3A_391 : memref<18752xi32, #tpu.memory_space<vmem>>[vector<16xi32>], vector<16xi32>,
      %reshape3A_392 = vector.shape_cast %masked_sort3A_350 : vector<16xi32> to vector<16x1xi32>
      %gather3A_393 = vector.shape_cast %reshape3A_392 : vector<16x1xi32> to vector<16xi32>
      %gather3A_394 = tpu.dynamic_gather %get3A_342[%gather3A_393] in [0] : vector<16xf32>, vector<16xi32> -> vector<16xf32>
      tpu.vector_store_idx %arg19[%add3A_370], %gather3A_394 : memref<18752xf32, #tpu.memory_space<vmem>>[vector<16xi32>], vector<16xf32>,
      %reshape3A_395 = vector.shape_cast %masked_sort3A_350 : vector<16xi32> to vector<16x1xi32>
      %gather3A_396 = vector.shape_cast %reshape3A_395 : vector<16x1xi32> to vector<16xi32>
      %gather3A_397 = tpu.dynamic_gather %get3A_344[%gather3A_396] in [0] : vector<16xf32>, vector<16xi32> -> vector<16xf32>
      tpu.vector_store_idx %arg20[%add3A_370], %gather3A_397 : memref<18752xf32, #tpu.memory_space<vmem>>[vector<16xi32>], vector<16xf32>,
      %scan3A_398 = arith.constant 0 : i32
      scf.yield %scan3A_398 : i32
    }
    %scan3A_226 = arith.constant 293 : i32
    %mul3A_227 = arith.constant 18752 : i32
    %mul3A_228 = arith.muli %add3A, %mul3A_227 : i32
    %add3A_229 = arith.constant 9376 : i32
    %add3A_230 = arith.addi %mul3A_228, %add3A_229 : i32
    %mul3A_231 = arith.constant 18752 : i32
    %mul3A_232 = arith.muli %add3A, %mul3A_231 : i32
    %add3A_233 = arith.constant 9376 : i32
    %add3A_234 = arith.addi %mul3A_232, %add3A_233 : i32
    %dma_start3A_235 = tpu.memref_slice %arg5[%add3A_230] : memref<600064xf32, #tpu.memory_space<hbm>> -> memref<4688xf32, #tpu.memory_space<hbm>>
    %dma_start3A_236 = tpu.memref_slice %arg5[%add3A_230] : memref<600064xf32, #tpu.memory_space<hbm>> -> memref<4688xf32, #tpu.memory_space<hbm>>
    tpu.enqueue_dma source(%dma_start3A_236 : memref<4688xf32, #tpu.memory_space<hbm>>) target(%arg11 : memref<4688xf32, #tpu.memory_space<vmem>>) target_semaphore(%arg24 : memref<!tpu.dma_semaphore, #tpu.memory_space<semaphore_mem>>)
    %dma_start3A_237 = tpu.memref_slice %arg6[%add3A_234] : memref<600064xf32, #tpu.memory_space<hbm>> -> memref<4688xf32, #tpu.memory_space<hbm>>
    %dma_start3A_238 = tpu.memref_slice %arg6[%add3A_234] : memref<600064xf32, #tpu.memory_space<hbm>> -> memref<4688xf32, #tpu.memory_space<hbm>>
    tpu.enqueue_dma source(%dma_start3A_238 : memref<4688xf32, #tpu.memory_space<hbm>>) target(%arg12 : memref<4688xf32, #tpu.memory_space<vmem>>) target_semaphore(%arg24 : memref<!tpu.dma_semaphore, #tpu.memory_space<semaphore_mem>>)
    %mul3A_239 = arith.constant 18752 : i32
    %mul3A_240 = arith.muli %add3A, %mul3A_239 : i32
    %add3A_241 = arith.constant 4688 : i32
    %add3A_242 = arith.addi %mul3A_240, %add3A_241 : i32
    %mul3A_243 = arith.constant 18752 : i32
    %mul3A_244 = arith.muli %add3A, %mul3A_243 : i32
    %add3A_245 = arith.constant 4688 : i32
    %add3A_246 = arith.addi %mul3A_244, %add3A_245 : i32
    %dma_wait3A_247 = tpu.memref_slice %arg5[%add3A_242] : memref<600064xf32, #tpu.memory_space<hbm>> -> memref<4688xf32, #tpu.memory_space<hbm>>
    %dma_wait3A_248 = tpu.memref_slice %arg5[%add3A_242] : memref<600064xf32, #tpu.memory_space<hbm>> -> memref<4688xf32, #tpu.memory_space<hbm>>
    tpu.wait_dma2 semaphore(%arg25 : memref<!tpu.dma_semaphore, #tpu.memory_space<semaphore_mem>>) src(%dma_wait3A_248 : memref<4688xf32, #tpu.memory_space<hbm>>) dst(%arg14 : memref<4688xf32, #tpu.memory_space<vmem>>)
    %dma_wait3A_249 = tpu.memref_slice %arg6[%add3A_246] : memref<600064xf32, #tpu.memory_space<hbm>> -> memref<4688xf32, #tpu.memory_space<hbm>>
    %dma_wait3A_250 = tpu.memref_slice %arg6[%add3A_246] : memref<600064xf32, #tpu.memory_space<hbm>> -> memref<4688xf32, #tpu.memory_space<hbm>>
    tpu.wait_dma2 semaphore(%arg25 : memref<!tpu.dma_semaphore, #tpu.memory_space<semaphore_mem>>) src(%dma_wait3A_250 : memref<4688xf32, #tpu.memory_space<hbm>>) dst(%arg15 : memref<4688xf32, #tpu.memory_space<vmem>>)
    %scan3A_251 = arith.constant 0 : i32
    %scan3A_252 = arith.constant 0 : i32
    %scan3A_253 = arith.constant 293 : i32
    %scan3A_254 = arith.addi %scan3A_252, %scan3A_253 : i32
    %scan3A_255 = arith.constant 1 : i32
    %scan3A_256 = scf.for %scan3A_328 = %scan3A_252 to %scan3A_254 step %scan3A_255 iter_args(%scan3A_329 = %scan3A_251) -> (i32)  : i32 {
      %mul3A_330 = arith.constant 16 : i32
      %mul3A_331 = arith.muli %scan3A_328, %mul3A_330 : i32
      %mul3A_332 = arith.constant 16 : i32
      %mul3A_333 = arith.muli %scan3A_328, %mul3A_332 : i32
      %add3A_334 = arith.constant 4688 : i32
      %add3A_335 = arith.addi %add3A_334, %mul3A_333 : i32
      %get3A = arith.index_cast %add3A_335 : i32 to index
      %get3A_336 = tpu.vector_load %arg17[%get3A] {strides = array<i32>} : memref<18752xi32, #tpu.memory_space<vmem>>, vector<16xi32>,
      %ge3A = arith.constant 0 : i32
      %ge3A_337 = vector.broadcast %ge3A : i32 to vector<16xi32>
      %ge3A_338 = arith.cmpi sge, %get3A_336, %ge3A_337 : vector<16xi32>
      %shift_right_arithmetic3A = arith.constant 14 : i32
      %shift_right_arithmetic3A_339 = vector.broadcast %shift_right_arithmetic3A : i32 to vector<16xi32>
      %shift_right_arithmetic3A_340 = arith.shrsi %get3A_336, %shift_right_arithmetic3A_339 : vector<16xi32>
      %jit3A = arith.constant 256 : i32
      %broadcast_in_dim3A = vector.broadcast %jit3A : i32 to vector<16xi32>
      %select_n3A = arith.select %ge3A_338, %shift_right_arithmetic3A_340, %broadcast_in_dim3A : vector<16xi1>, vector<16xi32>
      %get3A_341 = arith.index_cast %mul3A_331 : i32 to index
      %get3A_342 = tpu.vector_load %arg14[%get3A_341] {strides = array<i32>} : memref<4688xf32, #tpu.memory_space<vmem>>, vector<16xf32>,
      %get3A_343 = arith.index_cast %mul3A_331 : i32 to index
      %get3A_344 = tpu.vector_load %arg15[%get3A_343] {strides = array<i32>} : memref<4688xf32, #tpu.memory_space<vmem>>, vector<16xf32>,
      %masked_sort3A = arith.constant dense<true> : vector<16xi1>
      %masked_sort3A_345 = arith.constant -2147483648 : i32
      %masked_sort3A_346 = vector.broadcast %masked_sort3A_345 : i32 to vector<16xi32>
      %masked_sort3A_347 = arith.xori %select_n3A, %masked_sort3A_346 : vector<16xi32>
      %masked_sort3A_348, %masked_sort3A_349, %masked_sort3A_350 = tpu.sort %masked_sort3A_347, %iota3A masked %masked_sort3A : (vector<16xi32>, vector<16xi32>, vector<16xi1>) -> (vector<16xi1>, vector<16xi32>, vector<16xi32>)
      %masked_sort3A_351 = arith.xori %masked_sort3A_349, %masked_sort3A_346 : vector<16xi32>
      %sub3A = arith.constant 1 : i32
      %sub3A_352 = vector.broadcast %sub3A : i32 to vector<16xi32>
      %sub3A_353 = arith.subi %iota3A, %sub3A_352 : vector<16xi32>
      %max3A = arith.constant 0 : i32
      %max3A_354 = vector.broadcast %max3A : i32 to vector<16xi32>
      %max3A_355 = arith.maxsi %sub3A_353, %max3A_354 : vector<16xi32>
      %reshape3A = vector.shape_cast %max3A_355 : vector<16xi32> to vector<16x1xi32>
      %gather3A = vector.shape_cast %reshape3A : vector<16x1xi32> to vector<16xi32>
      %gather3A_356 = tpu.dynamic_gather %masked_sort3A_351[%gather3A] in [0] : vector<16xi32>, vector<16xi32> -> vector<16xi32>
      %eq3A = arith.constant 0 : i32
      %eq3A_357 = vector.broadcast %eq3A : i32 to vector<16xi32>
      %eq3A_358 = arith.cmpi eq, %iota3A, %eq3A_357 : vector<16xi32>
      %ne3A = arith.cmpi ne, %masked_sort3A_351, %gather3A_356 : vector<16xi32>
      %or3A = arith.ori %eq3A_358, %ne3A : vector<16xi1>
      %jit3A_359 = arith.constant 0 : i32
      %broadcast_in_dim3A_360 = vector.broadcast %jit3A_359 : i32 to vector<16xi32>
      %select_n3A_361 = arith.select %or3A, %iota3A, %broadcast_in_dim3A_360 : vector<16xi1>, vector<16xi32>
      %broadcast_in_dim3A_362 = arith.constant true
      %broadcast_in_dim3A_363 = vector.broadcast %broadcast_in_dim3A_362 : i1 to vector<16xi1>
      %masked_cummax3A = arith.constant -2147483648 : i32
      %masked_cummax3A_364 = vector.broadcast %masked_cummax3A : i32 to vector<16xi32>
      %masked_cummax3A_365 = arith.xori %select_n3A_361, %masked_cummax3A_364 : vector<16xi32>
      %masked_cummax3A_366 = tpu.scan <max>, %masked_cummax3A_365 masked %broadcast_in_dim3A_363 : vector<16xi32>, vector<16xi1> -> vector<16xi32>
      %masked_cummax3A_367 = arith.xori %masked_cummax3A_366, %masked_cummax3A_364 : vector<16xi32>
      %sub3A_368 = arith.subi %iota3A, %masked_cummax3A_367 : vector<16xi32>
      %gather3A_369 = tpu.vector_load_idx %arg23[%masked_sort3A_351] : memref<272xi32, #tpu.memory_space<vmem>>[vector<16xi32>], vector<16xi32>,
      %add3A_370 = arith.addi %gather3A_369, %sub3A_368 : vector<16xi32>
      %add3A_371 = arith.constant 1 : i32
      %add3A_372 = vector.broadcast %add3A_371 : i32 to vector<16xi32>
      %add3A_373 = arith.addi %iota3A, %add3A_372 : vector<16xi32>
      %min3A = arith.constant 15 : i32
      %min3A_374 = vector.broadcast %min3A : i32 to vector<16xi32>
      %min3A_375 = arith.minsi %add3A_373, %min3A_374 : vector<16xi32>
      %reshape3A_376 = vector.shape_cast %min3A_375 : vector<16xi32> to vector<16x1xi32>
      %gather3A_377 = vector.shape_cast %reshape3A_376 : vector<16x1xi32> to vector<16xi32>
      %gather3A_378 = tpu.dynamic_gather %masked_sort3A_351[%gather3A_377] in [0] : vector<16xi32>, vector<16xi32> -> vector<16xi32>
      %eq3A_379 = arith.constant 15 : i32
      %eq3A_380 = vector.broadcast %eq3A_379 : i32 to vector<16xi32>
      %eq3A_381 = arith.cmpi eq, %iota3A, %eq3A_380 : vector<16xi32>
      %ne3A_382 = arith.cmpi ne, %masked_sort3A_351, %gather3A_378 : vector<16xi32>
      %or3A_383 = arith.ori %eq3A_381, %ne3A_382 : vector<16xi1>
      %add3A_384 = arith.constant 1 : i32
      %add3A_385 = vector.broadcast %add3A_384 : i32 to vector<16xi32>
      %add3A_386 = arith.addi %add3A_370, %add3A_385 : vector<16xi32>
      tpu.vector_store_idx %arg23[%masked_sort3A_351], %add3A_386 masked %or3A_383 : memref<272xi32, #tpu.memory_space<vmem>>[vector<16xi32>], vector<16xi32>, vector<16xi1>
      %reshape3A_387 = vector.shape_cast %masked_sort3A_350 : vector<16xi32> to vector<16x1xi32>
      %gather3A_388 = vector.shape_cast %reshape3A_387 : vector<16x1xi32> to vector<16xi32>
      %gather3A_389 = tpu.dynamic_gather %get3A_336[%gather3A_388] in [0] : vector<16xi32>, vector<16xi32> -> vector<16xi32>
      %and3A = arith.constant 16383 : i32
      %and3A_390 = vector.broadcast %and3A : i32 to vector<16xi32>
      %and3A_391 = arith.andi %gather3A_389, %and3A_390 : vector<16xi32>
      tpu.vector_store_idx %arg18[%add3A_370], %and3A_391 : memref<18752xi32, #tpu.memory_space<vmem>>[vector<16xi32>], vector<16xi32>,
      %reshape3A_392 = vector.shape_cast %masked_sort3A_350 : vector<16xi32> to vector<16x1xi32>
      %gather3A_393 = vector.shape_cast %reshape3A_392 : vector<16x1xi32> to vector<16xi32>
      %gather3A_394 = tpu.dynamic_gather %get3A_342[%gather3A_393] in [0] : vector<16xf32>, vector<16xi32> -> vector<16xf32>
      tpu.vector_store_idx %arg19[%add3A_370], %gather3A_394 : memref<18752xf32, #tpu.memory_space<vmem>>[vector<16xi32>], vector<16xf32>,
      %reshape3A_395 = vector.shape_cast %masked_sort3A_350 : vector<16xi32> to vector<16x1xi32>
      %gather3A_396 = vector.shape_cast %reshape3A_395 : vector<16x1xi32> to vector<16xi32>
      %gather3A_397 = tpu.dynamic_gather %get3A_344[%gather3A_396] in [0] : vector<16xf32>, vector<16xi32> -> vector<16xf32>
      tpu.vector_store_idx %arg20[%add3A_370], %gather3A_397 : memref<18752xf32, #tpu.memory_space<vmem>>[vector<16xi32>], vector<16xf32>,
      %scan3A_398 = arith.constant 0 : i32
      scf.yield %scan3A_398 : i32
    }
    %scan3A_257 = arith.constant 293 : i32
    %mul3A_258 = arith.constant 18752 : i32
    %mul3A_259 = arith.muli %add3A, %mul3A_258 : i32
    %add3A_260 = arith.constant 14064 : i32
    %add3A_261 = arith.addi %mul3A_259, %add3A_260 : i32
    %mul3A_262 = arith.constant 18752 : i32
    %mul3A_263 = arith.muli %add3A, %mul3A_262 : i32
    %add3A_264 = arith.constant 14064 : i32
    %add3A_265 = arith.addi %mul3A_263, %add3A_264 : i32
    %dma_start3A_266 = tpu.memref_slice %arg5[%add3A_261] : memref<600064xf32, #tpu.memory_space<hbm>> -> memref<4688xf32, #tpu.memory_space<hbm>>
    %dma_start3A_267 = tpu.memref_slice %arg5[%add3A_261] : memref<600064xf32, #tpu.memory_space<hbm>> -> memref<4688xf32, #tpu.memory_space<hbm>>
    tpu.enqueue_dma source(%dma_start3A_267 : memref<4688xf32, #tpu.memory_space<hbm>>) target(%arg14 : memref<4688xf32, #tpu.memory_space<vmem>>) target_semaphore(%arg25 : memref<!tpu.dma_semaphore, #tpu.memory_space<semaphore_mem>>)
    %dma_start3A_268 = tpu.memref_slice %arg6[%add3A_265] : memref<600064xf32, #tpu.memory_space<hbm>> -> memref<4688xf32, #tpu.memory_space<hbm>>
    %dma_start3A_269 = tpu.memref_slice %arg6[%add3A_265] : memref<600064xf32, #tpu.memory_space<hbm>> -> memref<4688xf32, #tpu.memory_space<hbm>>
    tpu.enqueue_dma source(%dma_start3A_269 : memref<4688xf32, #tpu.memory_space<hbm>>) target(%arg15 : memref<4688xf32, #tpu.memory_space<vmem>>) target_semaphore(%arg25 : memref<!tpu.dma_semaphore, #tpu.memory_space<semaphore_mem>>)
    %mul3A_270 = arith.constant 18752 : i32
    %mul3A_271 = arith.muli %add3A, %mul3A_270 : i32
    %add3A_272 = arith.constant 9376 : i32
    %add3A_273 = arith.addi %mul3A_271, %add3A_272 : i32
    %mul3A_274 = arith.constant 18752 : i32
    %mul3A_275 = arith.muli %add3A, %mul3A_274 : i32
    %add3A_276 = arith.constant 9376 : i32
    %add3A_277 = arith.addi %mul3A_275, %add3A_276 : i32
    %dma_wait3A_278 = tpu.memref_slice %arg5[%add3A_273] : memref<600064xf32, #tpu.memory_space<hbm>> -> memref<4688xf32, #tpu.memory_space<hbm>>
    %dma_wait3A_279 = tpu.memref_slice %arg5[%add3A_273] : memref<600064xf32, #tpu.memory_space<hbm>> -> memref<4688xf32, #tpu.memory_space<hbm>>
    tpu.wait_dma2 semaphore(%arg24 : memref<!tpu.dma_semaphore, #tpu.memory_space<semaphore_mem>>) src(%dma_wait3A_279 : memref<4688xf32, #tpu.memory_space<hbm>>) dst(%arg11 : memref<4688xf32, #tpu.memory_space<vmem>>)
    %dma_wait3A_280 = tpu.memref_slice %arg6[%add3A_277] : memref<600064xf32, #tpu.memory_space<hbm>> -> memref<4688xf32, #tpu.memory_space<hbm>>
    %dma_wait3A_281 = tpu.memref_slice %arg6[%add3A_277] : memref<600064xf32, #tpu.memory_space<hbm>> -> memref<4688xf32, #tpu.memory_space<hbm>>
    tpu.wait_dma2 semaphore(%arg24 : memref<!tpu.dma_semaphore, #tpu.memory_space<semaphore_mem>>) src(%dma_wait3A_281 : memref<4688xf32, #tpu.memory_space<hbm>>) dst(%arg12 : memref<4688xf32, #tpu.memory_space<vmem>>)
    %scan3A_282 = arith.constant 0 : i32
    %scan3A_283 = arith.constant 0 : i32
    %scan3A_284 = arith.constant 293 : i32
    %scan3A_285 = arith.addi %scan3A_283, %scan3A_284 : i32
    %scan3A_286 = arith.constant 1 : i32
    %scan3A_287 = scf.for %scan3A_328 = %scan3A_283 to %scan3A_285 step %scan3A_286 iter_args(%scan3A_329 = %scan3A_282) -> (i32)  : i32 {
      %mul3A_330 = arith.constant 16 : i32
      %mul3A_331 = arith.muli %scan3A_328, %mul3A_330 : i32
      %mul3A_332 = arith.constant 16 : i32
      %mul3A_333 = arith.muli %scan3A_328, %mul3A_332 : i32
      %add3A_334 = arith.constant 9376 : i32
      %add3A_335 = arith.addi %add3A_334, %mul3A_333 : i32
      %get3A = arith.index_cast %add3A_335 : i32 to index
      %get3A_336 = tpu.vector_load %arg17[%get3A] {strides = array<i32>} : memref<18752xi32, #tpu.memory_space<vmem>>, vector<16xi32>,
      %ge3A = arith.constant 0 : i32
      %ge3A_337 = vector.broadcast %ge3A : i32 to vector<16xi32>
      %ge3A_338 = arith.cmpi sge, %get3A_336, %ge3A_337 : vector<16xi32>
      %shift_right_arithmetic3A = arith.constant 14 : i32
      %shift_right_arithmetic3A_339 = vector.broadcast %shift_right_arithmetic3A : i32 to vector<16xi32>
      %shift_right_arithmetic3A_340 = arith.shrsi %get3A_336, %shift_right_arithmetic3A_339 : vector<16xi32>
      %jit3A = arith.constant 256 : i32
      %broadcast_in_dim3A = vector.broadcast %jit3A : i32 to vector<16xi32>
      %select_n3A = arith.select %ge3A_338, %shift_right_arithmetic3A_340, %broadcast_in_dim3A : vector<16xi1>, vector<16xi32>
      %get3A_341 = arith.index_cast %mul3A_331 : i32 to index
      %get3A_342 = tpu.vector_load %arg11[%get3A_341] {strides = array<i32>} : memref<4688xf32, #tpu.memory_space<vmem>>, vector<16xf32>,
      %get3A_343 = arith.index_cast %mul3A_331 : i32 to index
      %get3A_344 = tpu.vector_load %arg12[%get3A_343] {strides = array<i32>} : memref<4688xf32, #tpu.memory_space<vmem>>, vector<16xf32>,
      %masked_sort3A = arith.constant dense<true> : vector<16xi1>
      %masked_sort3A_345 = arith.constant -2147483648 : i32
      %masked_sort3A_346 = vector.broadcast %masked_sort3A_345 : i32 to vector<16xi32>
      %masked_sort3A_347 = arith.xori %select_n3A, %masked_sort3A_346 : vector<16xi32>
      %masked_sort3A_348, %masked_sort3A_349, %masked_sort3A_350 = tpu.sort %masked_sort3A_347, %iota3A masked %masked_sort3A : (vector<16xi32>, vector<16xi32>, vector<16xi1>) -> (vector<16xi1>, vector<16xi32>, vector<16xi32>)
      %masked_sort3A_351 = arith.xori %masked_sort3A_349, %masked_sort3A_346 : vector<16xi32>
      %sub3A = arith.constant 1 : i32
      %sub3A_352 = vector.broadcast %sub3A : i32 to vector<16xi32>
      %sub3A_353 = arith.subi %iota3A, %sub3A_352 : vector<16xi32>
      %max3A = arith.constant 0 : i32
      %max3A_354 = vector.broadcast %max3A : i32 to vector<16xi32>
      %max3A_355 = arith.maxsi %sub3A_353, %max3A_354 : vector<16xi32>
      %reshape3A = vector.shape_cast %max3A_355 : vector<16xi32> to vector<16x1xi32>
      %gather3A = vector.shape_cast %reshape3A : vector<16x1xi32> to vector<16xi32>
      %gather3A_356 = tpu.dynamic_gather %masked_sort3A_351[%gather3A] in [0] : vector<16xi32>, vector<16xi32> -> vector<16xi32>
      %eq3A = arith.constant 0 : i32
      %eq3A_357 = vector.broadcast %eq3A : i32 to vector<16xi32>
      %eq3A_358 = arith.cmpi eq, %iota3A, %eq3A_357 : vector<16xi32>
      %ne3A = arith.cmpi ne, %masked_sort3A_351, %gather3A_356 : vector<16xi32>
      %or3A = arith.ori %eq3A_358, %ne3A : vector<16xi1>
      %jit3A_359 = arith.constant 0 : i32
      %broadcast_in_dim3A_360 = vector.broadcast %jit3A_359 : i32 to vector<16xi32>
      %select_n3A_361 = arith.select %or3A, %iota3A, %broadcast_in_dim3A_360 : vector<16xi1>, vector<16xi32>
      %broadcast_in_dim3A_362 = arith.constant true
      %broadcast_in_dim3A_363 = vector.broadcast %broadcast_in_dim3A_362 : i1 to vector<16xi1>
      %masked_cummax3A = arith.constant -2147483648 : i32
      %masked_cummax3A_364 = vector.broadcast %masked_cummax3A : i32 to vector<16xi32>
      %masked_cummax3A_365 = arith.xori %select_n3A_361, %masked_cummax3A_364 : vector<16xi32>
      %masked_cummax3A_366 = tpu.scan <max>, %masked_cummax3A_365 masked %broadcast_in_dim3A_363 : vector<16xi32>, vector<16xi1> -> vector<16xi32>
      %masked_cummax3A_367 = arith.xori %masked_cummax3A_366, %masked_cummax3A_364 : vector<16xi32>
      %sub3A_368 = arith.subi %iota3A, %masked_cummax3A_367 : vector<16xi32>
      %gather3A_369 = tpu.vector_load_idx %arg23[%masked_sort3A_351] : memref<272xi32, #tpu.memory_space<vmem>>[vector<16xi32>], vector<16xi32>,
      %add3A_370 = arith.addi %gather3A_369, %sub3A_368 : vector<16xi32>
      %add3A_371 = arith.constant 1 : i32
      %add3A_372 = vector.broadcast %add3A_371 : i32 to vector<16xi32>
      %add3A_373 = arith.addi %iota3A, %add3A_372 : vector<16xi32>
      %min3A = arith.constant 15 : i32
      %min3A_374 = vector.broadcast %min3A : i32 to vector<16xi32>
      %min3A_375 = arith.minsi %add3A_373, %min3A_374 : vector<16xi32>
      %reshape3A_376 = vector.shape_cast %min3A_375 : vector<16xi32> to vector<16x1xi32>
      %gather3A_377 = vector.shape_cast %reshape3A_376 : vector<16x1xi32> to vector<16xi32>
      %gather3A_378 = tpu.dynamic_gather %masked_sort3A_351[%gather3A_377] in [0] : vector<16xi32>, vector<16xi32> -> vector<16xi32>
      %eq3A_379 = arith.constant 15 : i32
      %eq3A_380 = vector.broadcast %eq3A_379 : i32 to vector<16xi32>
      %eq3A_381 = arith.cmpi eq, %iota3A, %eq3A_380 : vector<16xi32>
      %ne3A_382 = arith.cmpi ne, %masked_sort3A_351, %gather3A_378 : vector<16xi32>
      %or3A_383 = arith.ori %eq3A_381, %ne3A_382 : vector<16xi1>
      %add3A_384 = arith.constant 1 : i32
      %add3A_385 = vector.broadcast %add3A_384 : i32 to vector<16xi32>
      %add3A_386 = arith.addi %add3A_370, %add3A_385 : vector<16xi32>
      tpu.vector_store_idx %arg23[%masked_sort3A_351], %add3A_386 masked %or3A_383 : memref<272xi32, #tpu.memory_space<vmem>>[vector<16xi32>], vector<16xi32>, vector<16xi1>
      %reshape3A_387 = vector.shape_cast %masked_sort3A_350 : vector<16xi32> to vector<16x1xi32>
      %gather3A_388 = vector.shape_cast %reshape3A_387 : vector<16x1xi32> to vector<16xi32>
      %gather3A_389 = tpu.dynamic_gather %get3A_336[%gather3A_388] in [0] : vector<16xi32>, vector<16xi32> -> vector<16xi32>
      %and3A = arith.constant 16383 : i32
      %and3A_390 = vector.broadcast %and3A : i32 to vector<16xi32>
      %and3A_391 = arith.andi %gather3A_389, %and3A_390 : vector<16xi32>
      tpu.vector_store_idx %arg18[%add3A_370], %and3A_391 : memref<18752xi32, #tpu.memory_space<vmem>>[vector<16xi32>], vector<16xi32>,
      %reshape3A_392 = vector.shape_cast %masked_sort3A_350 : vector<16xi32> to vector<16x1xi32>
      %gather3A_393 = vector.shape_cast %reshape3A_392 : vector<16x1xi32> to vector<16xi32>
      %gather3A_394 = tpu.dynamic_gather %get3A_342[%gather3A_393] in [0] : vector<16xf32>, vector<16xi32> -> vector<16xf32>
      tpu.vector_store_idx %arg19[%add3A_370], %gather3A_394 : memref<18752xf32, #tpu.memory_space<vmem>>[vector<16xi32>], vector<16xf32>,
      %reshape3A_395 = vector.shape_cast %masked_sort3A_350 : vector<16xi32> to vector<16x1xi32>
      %gather3A_396 = vector.shape_cast %reshape3A_395 : vector<16x1xi32> to vector<16xi32>
      %gather3A_397 = tpu.dynamic_gather %get3A_344[%gather3A_396] in [0] : vector<16xf32>, vector<16xi32> -> vector<16xf32>
      tpu.vector_store_idx %arg20[%add3A_370], %gather3A_397 : memref<18752xf32, #tpu.memory_space<vmem>>[vector<16xi32>], vector<16xf32>,
      %scan3A_398 = arith.constant 0 : i32
      scf.yield %scan3A_398 : i32
    }
    %scan3A_288 = arith.constant 293 : i32
    %mul3A_289 = arith.constant 18752 : i32
    %mul3A_290 = arith.muli %add3A, %mul3A_289 : i32
    %add3A_291 = arith.constant 14064 : i32
    %add3A_292 = arith.addi %mul3A_290, %add3A_291 : i32
    %mul3A_293 = arith.constant 18752 : i32
    %mul3A_294 = arith.muli %add3A, %mul3A_293 : i32
    %add3A_295 = arith.constant 14064 : i32
    %add3A_296 = arith.addi %mul3A_294, %add3A_295 : i32
    %dma_wait3A_297 = tpu.memref_slice %arg5[%add3A_292] : memref<600064xf32, #tpu.memory_space<hbm>> -> memref<4688xf32, #tpu.memory_space<hbm>>
    %dma_wait3A_298 = tpu.memref_slice %arg5[%add3A_292] : memref<600064xf32, #tpu.memory_space<hbm>> -> memref<4688xf32, #tpu.memory_space<hbm>>
    tpu.wait_dma2 semaphore(%arg25 : memref<!tpu.dma_semaphore, #tpu.memory_space<semaphore_mem>>) src(%dma_wait3A_298 : memref<4688xf32, #tpu.memory_space<hbm>>) dst(%arg14 : memref<4688xf32, #tpu.memory_space<vmem>>)
    %dma_wait3A_299 = tpu.memref_slice %arg6[%add3A_296] : memref<600064xf32, #tpu.memory_space<hbm>> -> memref<4688xf32, #tpu.memory_space<hbm>>
    %dma_wait3A_300 = tpu.memref_slice %arg6[%add3A_296] : memref<600064xf32, #tpu.memory_space<hbm>> -> memref<4688xf32, #tpu.memory_space<hbm>>
    tpu.wait_dma2 semaphore(%arg25 : memref<!tpu.dma_semaphore, #tpu.memory_space<semaphore_mem>>) src(%dma_wait3A_300 : memref<4688xf32, #tpu.memory_space<hbm>>) dst(%arg15 : memref<4688xf32, #tpu.memory_space<vmem>>)
    %scan3A_301 = arith.constant 0 : i32
    %scan3A_302 = arith.constant 0 : i32
    %scan3A_303 = arith.constant 293 : i32
    %scan3A_304 = arith.addi %scan3A_302, %scan3A_303 : i32
    %scan3A_305 = arith.constant 1 : i32
    %scan3A_306 = scf.for %scan3A_328 = %scan3A_302 to %scan3A_304 step %scan3A_305 iter_args(%scan3A_329 = %scan3A_301) -> (i32)  : i32 {
      %mul3A_330 = arith.constant 16 : i32
      %mul3A_331 = arith.muli %scan3A_328, %mul3A_330 : i32
      %mul3A_332 = arith.constant 16 : i32
      %mul3A_333 = arith.muli %scan3A_328, %mul3A_332 : i32
      %add3A_334 = arith.constant 14064 : i32
      %add3A_335 = arith.addi %add3A_334, %mul3A_333 : i32
      %get3A = arith.index_cast %add3A_335 : i32 to index
      %get3A_336 = tpu.vector_load %arg17[%get3A] {strides = array<i32>} : memref<18752xi32, #tpu.memory_space<vmem>>, vector<16xi32>,
      %ge3A = arith.constant 0 : i32
      %ge3A_337 = vector.broadcast %ge3A : i32 to vector<16xi32>
      %ge3A_338 = arith.cmpi sge, %get3A_336, %ge3A_337 : vector<16xi32>
      %shift_right_arithmetic3A = arith.constant 14 : i32
      %shift_right_arithmetic3A_339 = vector.broadcast %shift_right_arithmetic3A : i32 to vector<16xi32>
      %shift_right_arithmetic3A_340 = arith.shrsi %get3A_336, %shift_right_arithmetic3A_339 : vector<16xi32>
      %jit3A = arith.constant 256 : i32
      %broadcast_in_dim3A = vector.broadcast %jit3A : i32 to vector<16xi32>
      %select_n3A = arith.select %ge3A_338, %shift_right_arithmetic3A_340, %broadcast_in_dim3A : vector<16xi1>, vector<16xi32>
      %get3A_341 = arith.index_cast %mul3A_331 : i32 to index
      %get3A_342 = tpu.vector_load %arg14[%get3A_341] {strides = array<i32>} : memref<4688xf32, #tpu.memory_space<vmem>>, vector<16xf32>,
      %get3A_343 = arith.index_cast %mul3A_331 : i32 to index
      %get3A_344 = tpu.vector_load %arg15[%get3A_343] {strides = array<i32>} : memref<4688xf32, #tpu.memory_space<vmem>>, vector<16xf32>,
      %masked_sort3A = arith.constant dense<true> : vector<16xi1>
      %masked_sort3A_345 = arith.constant -2147483648 : i32
      %masked_sort3A_346 = vector.broadcast %masked_sort3A_345 : i32 to vector<16xi32>
      %masked_sort3A_347 = arith.xori %select_n3A, %masked_sort3A_346 : vector<16xi32>
      %masked_sort3A_348, %masked_sort3A_349, %masked_sort3A_350 = tpu.sort %masked_sort3A_347, %iota3A masked %masked_sort3A : (vector<16xi32>, vector<16xi32>, vector<16xi1>) -> (vector<16xi1>, vector<16xi32>, vector<16xi32>)
      %masked_sort3A_351 = arith.xori %masked_sort3A_349, %masked_sort3A_346 : vector<16xi32>
      %sub3A = arith.constant 1 : i32
      %sub3A_352 = vector.broadcast %sub3A : i32 to vector<16xi32>
      %sub3A_353 = arith.subi %iota3A, %sub3A_352 : vector<16xi32>
      %max3A = arith.constant 0 : i32
      %max3A_354 = vector.broadcast %max3A : i32 to vector<16xi32>
      %max3A_355 = arith.maxsi %sub3A_353, %max3A_354 : vector<16xi32>
      %reshape3A = vector.shape_cast %max3A_355 : vector<16xi32> to vector<16x1xi32>
      %gather3A = vector.shape_cast %reshape3A : vector<16x1xi32> to vector<16xi32>
      %gather3A_356 = tpu.dynamic_gather %masked_sort3A_351[%gather3A] in [0] : vector<16xi32>, vector<16xi32> -> vector<16xi32>
      %eq3A = arith.constant 0 : i32
      %eq3A_357 = vector.broadcast %eq3A : i32 to vector<16xi32>
      %eq3A_358 = arith.cmpi eq, %iota3A, %eq3A_357 : vector<16xi32>
      %ne3A = arith.cmpi ne, %masked_sort3A_351, %gather3A_356 : vector<16xi32>
      %or3A = arith.ori %eq3A_358, %ne3A : vector<16xi1>
      %jit3A_359 = arith.constant 0 : i32
      %broadcast_in_dim3A_360 = vector.broadcast %jit3A_359 : i32 to vector<16xi32>
      %select_n3A_361 = arith.select %or3A, %iota3A, %broadcast_in_dim3A_360 : vector<16xi1>, vector<16xi32>
      %broadcast_in_dim3A_362 = arith.constant true
      %broadcast_in_dim3A_363 = vector.broadcast %broadcast_in_dim3A_362 : i1 to vector<16xi1>
      %masked_cummax3A = arith.constant -2147483648 : i32
      %masked_cummax3A_364 = vector.broadcast %masked_cummax3A : i32 to vector<16xi32>
      %masked_cummax3A_365 = arith.xori %select_n3A_361, %masked_cummax3A_364 : vector<16xi32>
      %masked_cummax3A_366 = tpu.scan <max>, %masked_cummax3A_365 masked %broadcast_in_dim3A_363 : vector<16xi32>, vector<16xi1> -> vector<16xi32>
      %masked_cummax3A_367 = arith.xori %masked_cummax3A_366, %masked_cummax3A_364 : vector<16xi32>
      %sub3A_368 = arith.subi %iota3A, %masked_cummax3A_367 : vector<16xi32>
      %gather3A_369 = tpu.vector_load_idx %arg23[%masked_sort3A_351] : memref<272xi32, #tpu.memory_space<vmem>>[vector<16xi32>], vector<16xi32>,
      %add3A_370 = arith.addi %gather3A_369, %sub3A_368 : vector<16xi32>
      %add3A_371 = arith.constant 1 : i32
      %add3A_372 = vector.broadcast %add3A_371 : i32 to vector<16xi32>
      %add3A_373 = arith.addi %iota3A, %add3A_372 : vector<16xi32>
      %min3A = arith.constant 15 : i32
      %min3A_374 = vector.broadcast %min3A : i32 to vector<16xi32>
      %min3A_375 = arith.minsi %add3A_373, %min3A_374 : vector<16xi32>
      %reshape3A_376 = vector.shape_cast %min3A_375 : vector<16xi32> to vector<16x1xi32>
      %gather3A_377 = vector.shape_cast %reshape3A_376 : vector<16x1xi32> to vector<16xi32>
      %gather3A_378 = tpu.dynamic_gather %masked_sort3A_351[%gather3A_377] in [0] : vector<16xi32>, vector<16xi32> -> vector<16xi32>
      %eq3A_379 = arith.constant 15 : i32
      %eq3A_380 = vector.broadcast %eq3A_379 : i32 to vector<16xi32>
      %eq3A_381 = arith.cmpi eq, %iota3A, %eq3A_380 : vector<16xi32>
      %ne3A_382 = arith.cmpi ne, %masked_sort3A_351, %gather3A_378 : vector<16xi32>
      %or3A_383 = arith.ori %eq3A_381, %ne3A_382 : vector<16xi1>
      %add3A_384 = arith.constant 1 : i32
      %add3A_385 = vector.broadcast %add3A_384 : i32 to vector<16xi32>
      %add3A_386 = arith.addi %add3A_370, %add3A_385 : vector<16xi32>
      tpu.vector_store_idx %arg23[%masked_sort3A_351], %add3A_386 masked %or3A_383 : memref<272xi32, #tpu.memory_space<vmem>>[vector<16xi32>], vector<16xi32>, vector<16xi1>
      %reshape3A_387 = vector.shape_cast %masked_sort3A_350 : vector<16xi32> to vector<16x1xi32>
      %gather3A_388 = vector.shape_cast %reshape3A_387 : vector<16x1xi32> to vector<16xi32>
      %gather3A_389 = tpu.dynamic_gather %get3A_336[%gather3A_388] in [0] : vector<16xi32>, vector<16xi32> -> vector<16xi32>
      %and3A = arith.constant 16383 : i32
      %and3A_390 = vector.broadcast %and3A : i32 to vector<16xi32>
      %and3A_391 = arith.andi %gather3A_389, %and3A_390 : vector<16xi32>
      tpu.vector_store_idx %arg18[%add3A_370], %and3A_391 : memref<18752xi32, #tpu.memory_space<vmem>>[vector<16xi32>], vector<16xi32>,
      %reshape3A_392 = vector.shape_cast %masked_sort3A_350 : vector<16xi32> to vector<16x1xi32>
      %gather3A_393 = vector.shape_cast %reshape3A_392 : vector<16x1xi32> to vector<16xi32>
      %gather3A_394 = tpu.dynamic_gather %get3A_342[%gather3A_393] in [0] : vector<16xf32>, vector<16xi32> -> vector<16xf32>
      tpu.vector_store_idx %arg19[%add3A_370], %gather3A_394 : memref<18752xf32, #tpu.memory_space<vmem>>[vector<16xi32>], vector<16xf32>,
      %reshape3A_395 = vector.shape_cast %masked_sort3A_350 : vector<16xi32> to vector<16x1xi32>
      %gather3A_396 = vector.shape_cast %reshape3A_395 : vector<16x1xi32> to vector<16xi32>
      %gather3A_397 = tpu.dynamic_gather %get3A_344[%gather3A_396] in [0] : vector<16xf32>, vector<16xi32> -> vector<16xf32>
      tpu.vector_store_idx %arg20[%add3A_370], %gather3A_397 : memref<18752xf32, #tpu.memory_space<vmem>>[vector<16xi32>], vector<16xf32>,
      %scan3A_398 = arith.constant 0 : i32
      scf.yield %scan3A_398 : i32
    }
    %scan3A_307 = arith.constant 293 : i32
    %mul3A_308 = arith.constant 18752 : i32
    %mul3A_309 = arith.muli %add3A, %mul3A_308 : i32
    %mul3A_310 = arith.constant 272 : i32
    %mul3A_311 = arith.muli %add3A, %mul3A_310 : i32
    %dma_start3A_312 = tpu.memref_slice %arg7[%mul3A_309] : memref<600064xi32, #tpu.memory_space<hbm>> -> memref<18752xi32, #tpu.memory_space<hbm>>
    %dma_start3A_313 = tpu.memref_slice %arg7[%mul3A_309] : memref<600064xi32, #tpu.memory_space<hbm>> -> memref<18752xi32, #tpu.memory_space<hbm>>
    tpu.enqueue_dma source(%arg18 : memref<18752xi32, #tpu.memory_space<vmem>>) target(%dma_start3A_313 : memref<18752xi32, #tpu.memory_space<hbm>>) target_semaphore(%arg24 : memref<!tpu.dma_semaphore, #tpu.memory_space<semaphore_mem>>)
    %dma_start3A_314 = tpu.memref_slice %arg8[%mul3A_309] : memref<600064xf32, #tpu.memory_space<hbm>> -> memref<18752xf32, #tpu.memory_space<hbm>>
    %dma_start3A_315 = tpu.memref_slice %arg8[%mul3A_309] : memref<600064xf32, #tpu.memory_space<hbm>> -> memref<18752xf32, #tpu.memory_space<hbm>>
    tpu.enqueue_dma source(%arg19 : memref<18752xf32, #tpu.memory_space<vmem>>) target(%dma_start3A_315 : memref<18752xf32, #tpu.memory_space<hbm>>) target_semaphore(%arg24 : memref<!tpu.dma_semaphore, #tpu.memory_space<semaphore_mem>>)
    %dma_start3A_316 = tpu.memref_slice %arg9[%mul3A_309] : memref<600064xf32, #tpu.memory_space<hbm>> -> memref<18752xf32, #tpu.memory_space<hbm>>
    %dma_start3A_317 = tpu.memref_slice %arg9[%mul3A_309] : memref<600064xf32, #tpu.memory_space<hbm>> -> memref<18752xf32, #tpu.memory_space<hbm>>
    tpu.enqueue_dma source(%arg20 : memref<18752xf32, #tpu.memory_space<vmem>>) target(%dma_start3A_317 : memref<18752xf32, #tpu.memory_space<hbm>>) target_semaphore(%arg24 : memref<!tpu.dma_semaphore, #tpu.memory_space<semaphore_mem>>)
    %dma_start3A_318 = tpu.memref_slice %arg10[%mul3A_311] : memref<8704xi32, #tpu.memory_space<hbm>> -> memref<272xi32, #tpu.memory_space<hbm>>
    %dma_start3A_319 = tpu.memref_slice %arg10[%mul3A_311] : memref<8704xi32, #tpu.memory_space<hbm>> -> memref<272xi32, #tpu.memory_space<hbm>>
    tpu.enqueue_dma source(%arg22 : memref<272xi32, #tpu.memory_space<vmem>>) target(%dma_start3A_319 : memref<272xi32, #tpu.memory_space<hbm>>) target_semaphore(%arg24 : memref<!tpu.dma_semaphore, #tpu.memory_space<semaphore_mem>>)
    %dma_wait3A_320 = tpu.memref_slice %arg7[%mul3A_309] : memref<600064xi32, #tpu.memory_space<hbm>> -> memref<18752xi32, #tpu.memory_space<hbm>>
    %dma_wait3A_321 = tpu.memref_slice %arg7[%mul3A_309] : memref<600064xi32, #tpu.memory_space<hbm>> -> memref<18752xi32, #tpu.memory_space<hbm>>
    tpu.wait_dma2 semaphore(%arg24 : memref<!tpu.dma_semaphore, #tpu.memory_space<semaphore_mem>>) src(%arg18 : memref<18752xi32, #tpu.memory_space<vmem>>) dst(%dma_wait3A_321 : memref<18752xi32, #tpu.memory_space<hbm>>)
    %dma_wait3A_322 = tpu.memref_slice %arg8[%mul3A_309] : memref<600064xf32, #tpu.memory_space<hbm>> -> memref<18752xf32, #tpu.memory_space<hbm>>
    %dma_wait3A_323 = tpu.memref_slice %arg8[%mul3A_309] : memref<600064xf32, #tpu.memory_space<hbm>> -> memref<18752xf32, #tpu.memory_space<hbm>>
    tpu.wait_dma2 semaphore(%arg24 : memref<!tpu.dma_semaphore, #tpu.memory_space<semaphore_mem>>) src(%arg19 : memref<18752xf32, #tpu.memory_space<vmem>>) dst(%dma_wait3A_323 : memref<18752xf32, #tpu.memory_space<hbm>>)
    %dma_wait3A_324 = tpu.memref_slice %arg9[%mul3A_309] : memref<600064xf32, #tpu.memory_space<hbm>> -> memref<18752xf32, #tpu.memory_space<hbm>>
    %dma_wait3A_325 = tpu.memref_slice %arg9[%mul3A_309] : memref<600064xf32, #tpu.memory_space<hbm>> -> memref<18752xf32, #tpu.memory_space<hbm>>
    tpu.wait_dma2 semaphore(%arg24 : memref<!tpu.dma_semaphore, #tpu.memory_space<semaphore_mem>>) src(%arg20 : memref<18752xf32, #tpu.memory_space<vmem>>) dst(%dma_wait3A_325 : memref<18752xf32, #tpu.memory_space<hbm>>)
    %dma_wait3A_326 = tpu.memref_slice %arg10[%mul3A_311] : memref<8704xi32, #tpu.memory_space<hbm>> -> memref<272xi32, #tpu.memory_space<hbm>>
    %dma_wait3A_327 = tpu.memref_slice %arg10[%mul3A_311] : memref<8704xi32, #tpu.memory_space<hbm>> -> memref<272xi32, #tpu.memory_space<hbm>>
    tpu.wait_dma2 semaphore(%arg24 : memref<!tpu.dma_semaphore, #tpu.memory_space<semaphore_mem>>) src(%arg22 : memref<272xi32, #tpu.memory_space<vmem>>) dst(%dma_wait3A_327 : memref<272xi32, #tpu.memory_space<hbm>>)
    return
  }
}

</mosaic_0001>

<sc_bundles>
// kernel: kernel.4.cloned.1.call-start
scs
__scs_entry_jumppad:
0x0: {  	(pc) =	sbr.rel $0x88, $3  }
0x1: {  	(tag) =	ssettag $0x0;
	lr =	simm.s32 $0x1  }
0x2: {  	[smem:$0x3FA0] =	sst lr;
	_ =	strace $0xD0000000  }
0x3: {  	_ = 	snop  }
0x4: {  	_ = 	snop  }
0x5: {  	_ = 	snop  }
0x6: {  	_ = 	snop  }
0x7: {  	_ = 	snop  }
__scs_overlays_trampoline_lowered:
0x8: {  	[smem:$0x3FAF] =	sst s0  }
0x9: {  	[smem:$0x3FB0] =	sst s1  }
0xa: {  	[smem:$0x3FB1] =	sst s2  }
0xb: {  	[smem:$0x3FB2] =	sst s3  }
0xc: {  	[smem:$0x3FB3] =	sst s4  }
0xd: {  	[smem:$0x3FB4] =	sst s5  }
0xe: {  	[smem:$0x3FB5] =	sst s6  }
0xf: {  	[smem:$0x3FB6] =	sst s7  }
0x10: {  	[smem:$0x3FB7] =	sst s8  }
0x11: {  	[smem:$0x3FB8] =	sst s9;
	s0 =	simm.s32 @!p0 $0x0  }
0x12: {  	s1 =	sld [smem:$0x3F9E];
	s0 =	simm.s32 @p0 $0x1  }
0x13: {  	[smem:$0x3FB9] =	sst s0;
	s0 =	simm.s32 @!p1 $0x0  }
0x14: {  	s2 =	sld [smem:$0x3F9D];
	s0 =	simm.s32 @p1 $0x1  }
0x15: {  	[smem:$0x3FBA] =	sst s0;
	s0 =	simm.s32 @!p2 $0x0  }
0x16: {  	s3 =	sld [smem:$0x3FDB];
	s0 =	simm.s32 @p2 $0x1  }
0x17: {  	s4 =	simm.s32 $0x1BF5;
	[smem:$0x3FBC] =	sst s0  }
0x18: {  	s0 =	sld [smem:$0x3F9F];
	_ =	swait.ge [sflag:s4], $0x0  }
0x19: {  	s7 =	sld [smem:$0x3FA0]  }
0x1a: {  	s8 =	sadd.s32 $0xFFFFE003, lr  }
0x1b: {  	s9 =	sadd.s32 $0xFFFFFEF7, lr;
	s5 =	simm.s32 $0xFFFFFFFF;
	p2 =	slt.u32 s8, $0xFFFFF086  }
0x1c: {  	p1 =	slt.u32 s9, $0xF7A;
	s5 =	simm.s32 @!p2 $0x0  }
0x1d: {  	s5 =	simm.s32 @p1 $0x1;
	p0 =	seq.s32 s7, s2  }
0x1e: {  	s7 =	smul.u32 @!p0 $0xF7A, s2;
	p2 =	seq.s32 @!p0 s5, $0x0  }
0x1f: {  	s9 =	smul.u32 $0xF7A, s1;
	s8 =	simm.s32 @!p0 $0x1BF5;
	p2 =	por !p2, p0  }
0x20: {  	[sflag:s8] =	ssyncset.s32 @!p0 $0xFFFFF086;
	s6 =	sadd.s32 @!p0 s3, s7;
	s7 =	simm.s32 @!p0 $0x108  }
0x21: {  	s3 =	sadd.s32 s3, s9;
	s6 =	sadd.s32 @!p0 $0x88, s6;
	s7 =	simm.s32 @p2 $0x1082  }
0x22: {  	[simem:s7], [sflag:s8] =	dma.local @!p0 [hbm:s6], $0xF7A  }
0x23: {  	s9 =	sor.u32 $0xD0000000, s2;
	s6 =	simm.s32 $0x108;
	_ =	swait.ge @!p0 [sflag:s8], $0x0  }
0x24: {  	s3 =	sadd.s32 $0x88, s3;
	s6 =	simm.s32 @!p1 $0x1082;
	[sflag:s4] =	ssyncset.s32 $0xFFFFF086  }
0x25: {  	[simem:s6], [sflag:s4] =	dma.local [hbm:s3], $0xF7A  }
0x26: {  	[smem:$0x3FA0] =	sst s1;
	(tag) =	ssettag s2;
	_ =	strace s9  }
0x27: {  	s1 =	sld [smem:$0x3FB0]  }
0x28: {  	s2 =	sld [smem:$0x3FB1]  }
0x29: {  	s4 =	sld [smem:$0x3FB3]  }
0x2a: {  	p0 =	seq.s32 s5, $0x0;
	s5 =	sld [smem:$0x3FB4]  }
0x2b: {  	s6 =	sld [smem:$0x3FB5]  }
0x2c: {  	s7 =	sld [smem:$0x3FB6]  }
0x2d: {  	s3 =	simm.s32 $0x108;
	s8 =	sld [smem:$0x3FB7]  }
0x2e: {  	s3 =	simm.s32 @!p0 $0x1082;
	s9 =	sld [smem:$0x3FB8]  }
0x2f: {  	lr =	sadd.s32 s0, s3;
	s0 =	sld [smem:$0x3FAF]  }
0x30: {  	s3 =	sld [smem:$0x3FB2]  }
0x31: {  	[smem:$0x3FBB] =	sst s10  }
0x32: {  	s10 =	sld [smem:$0x3FB9];
	_ =	sdelay $0x3  }
0x33: {  	p0 =	seq.s32 s10, $0x1;
	s10 =	sld [smem:$0x3FBB];
	_ =	sdelay $0x3  }
0x34: {  	[smem:$0x3FBB] =	sst s10  }
0x35: {  	s10 =	sld [smem:$0x3FBA];
	_ =	sdelay $0x3  }
0x36: {  	p1 =	seq.s32 s10, $0x1;
	s10 =	sld [smem:$0x3FBB];
	_ =	sdelay $0x3  }
0x37: {  	[smem:$0x3FBB] =	sst s10  }
0x38: {  	s10 =	sld [smem:$0x3FBC]  }
0x39: {  	_ = 	snop;
	(pc) =	sbr.ind lr, $3  }
0x3a: {  	_ = 	snop  }
0x3b: {  	_ = 	snop  }
0x3c: {  	p2 =	seq.s32 s10, $0x1;
	s10 =	sld [smem:$0x3FBB]  }
0x3d: {  	_ =	shalt  }
0x3e: {  	_ =	shalt  }
0x3f: {  	_ =	shalt  }
0x40: {  	_ =	shalt  }
0x41: {  	_ =	shalt  }
0x42: {  	_ =	shalt  }
0x43: {  	_ =	shalt  }
0x44: {  	_ =	shalt  }
0x45: {  	_ =	shalt  }
0x46: {  	_ =	shalt  }
0x47: {  	_ =	shalt  }
0x48: {  	_ =	shalt  }
0x49: {  	_ =	shalt  }
0x4a: {  	_ =	shalt  }
0x4b: {  	_ =	shalt  }
0x4c: {  	_ =	shalt  }
0x4d: {  	_ =	shalt  }
0x4e: {  	_ =	shalt  }
0x4f: {  	_ =	shalt  }
0x50: {  	_ =	shalt  }
0x51: {  	_ =	shalt  }
0x52: {  	_ =	shalt  }
0x53: {  	_ =	shalt  }
0x54: {  	_ =	shalt  }
0x55: {  	_ =	shalt  }
0x56: {  	_ =	shalt  }
0x57: {  	_ =	shalt  }
0x58: {  	_ =	shalt  }
0x59: {  	_ =	shalt  }
0x5a: {  	_ =	shalt  }
0x5b: {  	_ =	shalt  }
0x5c: {  	_ =	shalt  }
0x5d: {  	_ =	shalt  }
0x5e: {  	_ =	shalt  }
0x5f: {  	_ =	shalt  }
0x60: {  	_ =	shalt  }
0x61: {  	_ =	shalt  }
0x62: {  	_ =	shalt  }
0x63: {  	_ =	shalt  }
0x64: {  	_ =	shalt  }
0x65: {  	_ =	shalt  }
0x66: {  	_ =	shalt  }
0x67: {  	_ =	shalt  }
0x68: {  	_ =	shalt  }
0x69: {  	_ =	shalt  }
0x6a: {  	_ =	shalt  }
0x6b: {  	_ =	shalt  }
0x6c: {  	_ =	shalt  }
0x6d: {  	_ =	shalt  }
0x6e: {  	_ =	shalt  }
0x6f: {  	_ =	shalt  }
0x70: {  	_ =	shalt  }
0x71: {  	_ =	shalt  }
0x72: {  	_ =	shalt  }
0x73: {  	_ =	shalt  }
0x74: {  	_ =	shalt  }
0x75: {  	_ =	shalt  }
0x76: {  	_ =	shalt  }
0x77: {  	_ =	shalt  }
0x78: {  	_ =	shalt  }
0x79: {  	_ =	shalt  }
0x7a: {  	_ =	shalt  }
0x7b: {  	_ =	shalt  }
0x7c: {  	_ =	shalt  }
0x7d: {  	_ =	shalt  }
0x7e: {  	_ =	shalt  }
0x7f: {  	_ =	shalt  }
0x80: {  	_ =	shalt  }
0x81: {  	_ =	shalt  }
0x82: {  	_ =	shalt  }
0x83: {  	_ =	shalt  }
0x84: {  	_ =	shalt  }
0x85: {  	_ =	shalt  }
0x86: {  	_ =	shalt  }
0x87: {  	_ =	shalt  }
.Lfunc_end0:
.L_simem_size_0:
called_computation_lowered:
.L_overlay_start_0:
0x88: {  	s2 =	sld [smem:$0x3FD9]  }
0x89: {  	s3 =	sld [smem:$0x3FFE];
	_ =	sdelay $0x1  }
0x8a: {  	s1 =	srdreg.scid  }
0x8b: {  	s0 =	sand.u32 $0x1, s1  }
0x8c: {  	s14 =	sshll.u32 s0, $0xA;
	s2 =	sadd.s32 s3, s2  }
0x8d: {  	s2 =	sadd.s32 s2, s14  }
0x8e: {  	[smem:$0x3FC7] =	sst s2  }
0x8f: {  	_ = 	snop  }
0x90: {  	s2 =	sld [smem:$0x3FD0];
	_ =	sdelay $0x2  }
0x91: {  	s15 =	simm.s32 $0xA;
	s4 =	simm.s32 $0x10  }
0x92: {  	[smem:s4], [sflag:s15] =	dma.local [hbm:s2], $0x1  }
0x93: {  	_ =	swait.eq [sflag:s15], $0x1  }
0x94: {  	[sflag:s15] =	ssyncset.done $0x0  }
0x95: {  	[sflag:s15] =	ssyncadd.s32 $0xFFFFFFFF  }
0x96: {  	s16 =	sld [smem:$0x10];
	(tm) =	ssettm $0x1  }
0x97: {  	s17 =	sld [smem:$0x3FFB];
	_ =	sdelay $0x3  }
0x98: {  	_ =	strace s17  }
0x99: {  	s3 =	sld [smem:$0x3FFC];
	_ =	sdelay $0x3  }
0x9a: {  	_ =	strace s3  }
0x9b: {  	s3 =	sld [smem:$0x3FFD];
	_ =	sdelay $0x3  }
0x9c: {  	_ =	strace s3  }
0x9d: {  	_ =	strace $0x8FFFFFFF  }
0x9e: {  	s18 =	sld [smem:$0x3FDB];
	_ =	sdelay $0x1  }
0x9f: {  	s19 =	simm.s32 $_scs_section_size  }
0xa0: {  	s5 =	simm.s32 $_size__tile_overlayer_lowered;
	s6 =	simm.s32 $_tile_overlayer_lowered  }
0xa1: {  	s22 =	simm.s32 $0x1BFF;
	s21 =	sshll.u32 s6, $0x1;
	s3 =	sadd.s32 s19, s18  }
0xa2: {  	s7 =	simm.s32 $0x0;
	s20 =	sshll.u32 s5, $0x1;
	s5 =	sadd.s32 s21, s3  }
0xa3: {  	[timem:s7], [sflag:s22] =	dma.local [hbm:s5], s20  }
0xa4: {  	_ =	swait.ge [sflag:s22], s20  }
0xa5: {  	s4 =	ssub.s32 $0x0, s20;
	[sflag:s22] =	ssyncset.done $0x0  }
0xa6: {  	[sflag:s22] =	ssyncadd.s32 s4;
	_ =	sdelay $0x1  }
0xa7: {  	s23 =	simm.s32 $0x1B8B  }
0xa8: {  	_ =	swait.ge [sflag:s23], $0x1  }
0xa9: {  	[sflag:s23] =	ssyncset.done $0x0  }
0xaa: {  	s25 =	simm.s32 $0x1B8E;
	s24 =	sld [smem:$0x3FFE];
	[sflag:s23] =	ssyncadd.s32 $0xFFFFFFFF  }
0xab: {  	s26 =	simm.s32 $execute0_lowered;
	[smem:$0x3FD2] =	sst s25  }
0xac: {  	s5 =	sshll.u32 s26, $0x1;
	_ =	strace $0x80000046;
	[dreg:$0x1] =	wrdreg $0xFFFFFFFF  }
0xad: {  	s28 =	simm.s32 $_size_execute0_lowered;
	s3 =	sadd.s32 s3, s5;
	[dreg:$0x0] =	wrdreg $0x0  }
0xae: {  	s5 =	sshll.u32 s28, $0x1;
	[dreg:$0x2] =	wrdreg s3  }
0xaf: {  	[dreg:$0x3] =	wrdreg s5  }
0xb0: {  	[dreg:$0x4] =	wrdreg $0xC0  }
0xb1: {  	_ =	task [dreg:s7], $0x5FFFF  }
0xb2: {  	[dreg:$0x1] =	wrdreg $0xFFFFFFFF  }
0xb3: {  	[dreg:$0x0] =	wrdreg $0x60  }
0xb4: {  	[dreg:$0x2] =	wrdreg s16  }
0xb5: {  	[dreg:$0x3] =	wrdreg s24  }
0xb6: {  	[dreg:$0x4] =	wrdreg $0x9  }
0xb7: {  	_ =	task.clear_ibuf [dreg:s7], $0x5FFFF;
	_ =	strace $0x90000046  }
0xb8: {  	s29 =	simm.s32 $0x9;
	_ =	strace $0x80000048  }
0xb9: {  	_ =	swait.ge [sflag:s29], $0x1  }
0xba: {  	[sflag:s29] =	ssyncadd.s32 $0xFFFFFFFF  }
0xbb: {  	_ =	strace $0x90000048  }
0xbc: {  	_ =	sfence  }
0xbd: {  	s30 =	sld [smem:$0x0];
	_ =	sdelay $0x2  }
0xbe: {  	s31 =	sshll.u32 s1, $0xD;
	s1 =	sshrl.u32 s1, $0x2  }
0xbf: {  	s3 =	sand.u32 $0x4000, s31;
	s1 =	sadd.s32 s1, s30  }
0xc0: {  	s0 =	sor.u32 s3, s0;
	s1 =	sshll.u32 s1, $0x11  }
0xc1: {  	s0 =	sor.u32 s1, s0  }
0xc2: {  	s0 =	sadd.s32 $0x8F2B, s0  }
0xc3: {  	[sflag:s0] =	ssyncadd.remote.s32 $0x1  }
0xc4: {  	_ =	sfence.sel $0xFFFF  }
0xc5: {  	[dreg:$0x0] =	wrdreg $0xFFFFFFFF;
	(pc) =	sbr.abs _section_cstart, $3  }
0xc6: {  	[dreg:$0x1] =	wrdreg $0xFFFFFFFF  }
0xc7: {  	_ =	task.clear_ibuf [dreg:s7], $0x2FFFF;
	_ =	strace $0x9FFFFFFF  }
0xc8: {  	(tm) =	ssettm $0x7FFFFFFF  }
0xc9: {  	_ =	shalt  }
tec
execute0_lowered:
.L_overlay_start_1:
0x0: {  	(tag) =	ssettag $0x1  }
0x1: {  	s0 =	rddreg [dreg:$0x0]  }
0x2: {  	s1 =	rddreg [dreg:$0x1];
	s2 =	simm.s32 $0x0  }
0x3: {  	s3 =	srdreg.scid;
	s4 =	stileid.u32;
	s29 =	simm.s32 $0x1250  }
0x4: {  	s30 =	simm.s32 $0x24A0;
	s31 =	simm.s32 $0x36F0;
	[smem:$0x7FF] =	sst s2  }
0x5: {  	s3 =	sand.u32 $0x1, s3;
	s4 =	sshll.u32 s4, $0x1;
	s5 =	sadd.s32 $0x38400, s1  }
0x6: {  	s6 =	sadd.s32 $0x25E00, s1;
	s8 =	sadd.s32 $0x13800, s1;
	s4 =	sor.u32 s3, s4  }
0x7: {  	s9 =	sadd.s32 $0x1200, s1;
	s3 =	ssub.s32 $0x2, s3;
	s7 =	smul.u32 $0x4940, s4  }
0x8: {  	_ =	strace $0x80000047;
	s4 =	smul.u32 $0x22, s4;
	s10 =	sshrl.u32 s3, $0x1  }
0x9: {  	s3 =	ssub.s32 s3, s10;
	s10 =	simm.s32 $0x0;
	s7 =	sshrl.u32 s7, $0x3  }
0xa: {  	s28 =	smax.u32 s3, $0x1;
	s3 =	simm.s32 $0x1;
	s16 =	sadd.s32 s0, s7  }
0xb: {  	s11 =	sadd.s32 s7, s1;
	s17 =	sadd.s32 s5, s7;
	[dreg:$0x3] =	wrdreg s16  }
0xc: {  	s1 =	sadd.s32 s4, s1;
	s19 =	sadd.s32 s6, s7;
	[dreg:$0x4] =	wrdreg s17  }
0xd: {  	s18 =	sadd.s32 $0x24A, s7;
	s24 =	sadd.s32 s8, s7;
	[dreg:$0x5] =	wrdreg s19  }
0xe: {  	s21 =	sadd.s32 $0x494, s7;
	s25 =	sadd.s32 s9, s7;
	[dreg:$0xf] =	wrdreg s24  }
0xf: {  	s4 =	simm.s32 $0x192E0;
	s20 =	sadd.s32 s0, s18;
	[dreg:$0x10] =	wrdreg s25  }
0x10: {  	s12 =	sadd.s32 s5, s18;
	s13 =	sadd.s32 s6, s18;
	[dreg:$0x6] =	wrdreg s20  }
0x11: {  	s14 =	sadd.s32 s0, s21;
	s15 =	sadd.s32 s5, s21;
	[dreg:$0x7] =	wrdreg s12  }
0x12: {  	s16 =	sadd.s32 s6, s21;
	s17 =	sadd.s32 $0x6DE, s7;
	[dreg:$0x8] =	wrdreg s13  }
0x13: {  	s26 =	sadd.s32 s8, s18;
	s18 =	sadd.s32 s9, s18;
	[dreg:$0x9] =	wrdreg s14  }
0x14: {  	v0 =	vimm.s32 $0xEDCBA987;
	s19 =	sadd.s32 s8, s21;
	s25 =	sadd.s32 $0x6F600, s11;
	[dreg:$0xa] =	wrdreg s15  }
0x15: {  	v1 =	vimm.s32 $0x65432100;
	v0 =	vunpack.c.l.s4.s8 v0;
	s7 =	simm.s32 $0xB720;
	[dreg:$0xb] =	wrdreg s16;
	s0 =	sadd.s32 s0, s17  }
0x16: {  	v3 =	vimm.s32 $0x87654321;
	v2 =	vunpack.c.l.s4.s8 v1;
	v1 =	vimm.s32 $0xFFEDCBA9;
	s22 =	sadd.s32 s5, s17;
	s23 =	sadd.s32 s6, s17;
	[dreg:$0x11] =	wrdreg s26  }
0x17: {  	v3 =	vunpack.c.l.s4.s8 v3;
	v5 =	vunpack.c.l.s4.s8 v1;
	v4 =	vunpack.c.0.s8.s32 v0;
	s20 =	sadd.s32 s9, s21;
	s21 =	sadd.s32 s8, s17;
	s24 =	sadd.s32 s9, s17  }
0x18: {  	vm0 =	vcmask $0x3F3C;
	v1 =	vlaneseq.u32;
	v6 =	vunpack.c.0.s8.s32 v2;
	s26 =	sadd.s32 $0x81C00, s1;
	s1 =	simm.s32 $0x5B90;
	[dreg:$0xc] =	wrdreg s0  }
0x19: {  	v7 =	vunpack.c.0.s8.s32 v3;
	v5 =	vunpack.c.0.s8.s32 v5;
	v4 =	vand.u32 $0xF, v4;
	s5 =	simm.s32 $0x2;
	s6 =	simm.s32 $0x19500;
	[dreg:$0xd] =	wrdreg s22  }
0x1a: {  	v0 =	vimm.s32 $0x0;
	v2 =	vimm.s32 $0x1;
	v3 =	vcombine.low v6, v4;
	s8 =	simm.s32 $0x10060;
	s9 =	simm.s32 $0x149A0;
	[dreg:$0xe] =	wrdreg s23  }
0x1b: {  	v4 =	vor.u32 $0x80000000, v1;
	v5 =	vcombine.low v7, v5;
	v6 =	vadd.s32 $0x1, v1;
	s22 =	sadd.s32 $0x4AA00, s11;
	s23 =	sadd.s32 $0x5D000, s11;
	s0 =	simm.s32 $0x4940  }
.LBB2_1:
0x1c: {  	[tilespmem:$0x192E0] =	vst v0  }
0x1d: {  	[tilespmem:$0x192F0] =	vst v0  }
0x1e: {  	[tilespmem:$0x19300] =	vst v0  }
0x1f: {  	[tilespmem:$0x19310] =	vst v0  }
0x20: {  	[tilespmem:$0x19320] =	vst v0  }
0x21: {  	[tilespmem:$0x19330] =	vst v0  }
0x22: {  	[tilespmem:$0x19340] =	vst v0  }
0x23: {  	[tilespmem:$0x19350] =	vst v0  }
0x24: {  	[tilespmem:$0x19360] =	vst v0  }
0x25: {  	[tilespmem:$0x19370] =	vst v0  }
0x26: {  	[tilespmem:$0x19380] =	vst v0  }
0x27: {  	[tilespmem:$0x19390] =	vst v0  }
0x28: {  	[tilespmem:$0x193A0] =	vst v0  }
0x29: {  	[tilespmem:$0x193B0] =	vst v0  }
0x2a: {  	[tilespmem:$0x193C0] =	vst v0  }
0x2b: {  	[tilespmem:$0x193D0] =	vst v0  }
0x2c: {  	[tilespmem:$0x193E0] =	vst v0;
	s11 =	rddreg [dreg:$0x3]  }
0x2d: {  	[tilespmem:s2], [sflag:$0x1] =	stream.linear.gather [hbm4b:s11+s2], $0x1250, $0x38;
	[tilespmem:$0x19610] =	vst v63  }
0x2e: {  	s13 =	rddreg [dreg:$0x4]  }
0x2f: {  	[tilespmem:s29], [sflag:$0x1] =	stream.linear.gather [hbm4b:s13+s2], $0x1250, $0x38;
	[tilespmem:$0x19610] =	vst v63  }
0x30: {  	s14 =	rddreg [dreg:$0x5]  }
0x31: {  	[tilespmem:s30], [sflag:$0x1] =	stream.linear.gather [hbm4b:s14+s2], $0x1250, $0x38;
	[tilespmem:$0x19610] =	vst v63  }
0x32: {  	s15 =	rddreg [dreg:$0x6]  }
0x33: {  	[tilespmem:s31], [sflag:$0x2] =	stream.linear.gather [hbm4b:s15+s2], $0x1250, $0x38;
	[tilespmem:$0x19610] =	vst v63  }
0x34: {  	s16 =	rddreg [dreg:$0x7]  }
0x35: {  	[tilespmem:s0], [sflag:$0x2] =	stream.linear.gather [hbm4b:s16+s2], $0x1250, $0x38;
	[tilespmem:$0x19610] =	vst v63  }
0x36: {  	s17 =	rddreg [dreg:$0x8]  }
0x37: {  	[tilespmem:s1], [sflag:$0x2] =	stream.linear.gather [hbm4b:s17+s2], $0x1250, $0x38;
	[tilespmem:$0x19610] =	vst v63  }
0x38: {  	_ =	swait.ge [sflag:s3], $0x1250  }
0x39: {  	[sflag:s3] =	ssyncset.done $0x0  }
0x3a: {  	[sflag:s3] =	ssyncadd.s32 $0xFFFFEDB0  }
0x3b: {  	_ =	swait.ge [sflag:s3], $0x1250  }
0x3c: {  	[sflag:s3] =	ssyncset.done $0x0  }
0x3d: {  	[sflag:s3] =	ssyncadd.s32 $0xFFFFEDB0  }
0x3e: {  	_ =	swait.ge [sflag:s3], $0x1250  }
0x3f: {  	[sflag:s3] =	ssyncset.done $0x0  }
0x40: {  	s11 =	simm.s32 $0x0;
	[sflag:s3] =	ssyncadd.s32 $0xFFFFEDB0  }
0x41: {  	s12 =	simm.s32 $0x40;
	v7 =	vld [tilespmem:s11+$0x0]  }
.LBB2_2:
0x42: {  	p0 =	sne.s32 s12, $0x4900;
	v8 =	vld [tilespmem:s11+$0x24A0];
	_ =	sdelay $0x1  }
0x43: {  	v9 =	vld [tilespmem:s11+$0x1250];
	_ =	sdelay $0x2  }
0x44: {  	v7 =	vtrunc.f32 v7;
	v8 =	vadd.f32 $5.120000080e+01, v8  }
0x45: {  	v7 =	vcvt.f32.s32 v7  }
0x46: {  	v9 =	vmul.f32 $1.000000000e+01, v9;
	v8 =	vmul.f32 $1.000000000e+01, v8  }
0x47: {  	vm1 =	vgt.s32 v7, $0x0  }
0x48: {  	v7 =	vnsel vm1, $0x0, v7;
	v9 =	vtrunc.f32 v9;
	v8 =	vtrunc.f32 v8  }
0x49: {  	v7 =	vmin.u32 v7, $0x3;
	v9 =	vcvt.f32.s32 v9;
	v8 =	vcvt.f32.s32 v8  }
0x4a: {  	v7 =	vshll.u32 v7, $0x14  }
0x4b: {  	v10 =	vshll.u32 v8, $0xA;
	v7 =	vadd.s32 v9, v7  }
0x4c: {  	v8 =	vor.u32 v9, v8;
	v7 =	vadd.s32 v10, v7  }
0x4d: {  	vm1 =	vlt.u32 v8, $0x400;
	v8 =	vshra.s32 v7, $0xE  }
0x4e: {  	v8 =	vnsel vm1, $0x100, v8;
	_ =	sdelay $0x1  }
.Ltmp0:
0x4f: {  	(pc) =	sbr.rel @p0 .LBB2_2-.Ltmp0, $4  }
0x50: {  	v7 =	vnsel vm1, $0xFFFFFFFF, v7  }
0x51: {  	[tilespmem:s11+$0x6DE0] =	vst v7  }
0x52: {  	s11 =	sshra.s32 s12, $0x2;
	[tilespmem:v8+s4+$0x0] =	vst.idx.add.s32.msk $0xffff, v2  }
0x53: {  	s12 =	sadd.s32 $0x40, s12;
	v7 =	vld [tilespmem:s11+$0x0]  }
0x54: {  	v8 =	vld [tilespmem:s11+$0x24A0];
	_ =	sdelay $0x1  }
0x55: {  	v9 =	vld [tilespmem:s11+$0x1250];
	_ =	sdelay $0x2  }
0x56: {  	v7 =	vtrunc.f32 v7;
	v8 =	vadd.f32 $5.120000080e+01, v8  }
0x57: {  	v7 =	vcvt.f32.s32 v7  }
0x58: {  	v9 =	vmul.f32 $1.000000000e+01, v9;
	v8 =	vmul.f32 $1.000000000e+01, v8  }
0x59: {  	vm1 =	vgt.s32 v7, $0x0  }
0x5a: {  	v9 =	vtrunc.f32 v9;
	v7 =	vnsel vm1, $0x0, v7;
	v8 =	vtrunc.f32 v8  }
0x5b: {  	v9 =	vcvt.f32.s32 v9;
	v7 =	vmin.u32 v7, $0x3;
	v8 =	vcvt.f32.s32 v8  }
0x5c: {  	v7 =	vshll.u32 v7, $0x14  }
0x5d: {  	v7 =	vadd.s32 v9, v7;
	v10 =	vshll.u32 v8, $0xA  }
0x5e: {  	v8 =	vor.u32 v9, v8;
	v7 =	vadd.s32 v10, v7  }
0x5f: {  	vm1 =	vlt.u32 v8, $0x400;
	v8 =	vshra.s32 v7, $0xE  }
0x60: {  	v8 =	vnsel vm1, $0x100, v8;
	_ =	sdelay $0x2  }
0x61: {  	v7 =	vnsel vm1, $0xFFFFFFFF, v7  }
0x62: {  	[tilespmem:s11+$0x6DE0] =	vst v7  }
0x63: {  	s15 =	simm.s32 $0x0;
	s12 =	rddreg [dreg:$0x9];
	[tilespmem:v8+s4+$0x0] =	vst.idx.add.s32.msk $0xffff, v2  }
0x64: {  	[tilespmem:s15], [sflag:$0x1] =	stream.linear.gather [hbm4b:s12+s15], $0x1250, $0x38;
	[tilespmem:$0x19610] =	vst v63  }
0x65: {  	s16 =	rddreg [dreg:$0xa]  }
0x66: {  	[tilespmem:s29], [sflag:$0x1] =	stream.linear.gather [hbm4b:s16+s15], $0x1250, $0x38;
	[tilespmem:$0x19610] =	vst v63  }
0x67: {  	s17 =	rddreg [dreg:$0xb]  }
0x68: {  	[tilespmem:s30], [sflag:$0x1] =	stream.linear.gather [hbm4b:s17+s15], $0x1250, $0x38;
	[tilespmem:$0x19610] =	vst v63  }
0x69: {  	_ =	swait.ge [sflag:s5], $0x1250  }
0x6a: {  	[sflag:s5] =	ssyncset.done $0x0  }
0x6b: {  	[sflag:s5] =	ssyncadd.s32 $0xFFFFEDB0  }
0x6c: {  	_ =	swait.ge [sflag:s5], $0x1250  }
0x6d: {  	[sflag:s5] =	ssyncset.done $0x0  }
0x6e: {  	[sflag:s5] =	ssyncadd.s32 $0xFFFFEDB0  }
0x6f: {  	_ =	swait.ge [sflag:s5], $0x1250  }
0x70: {  	[sflag:s5] =	ssyncset.done $0x0  }
0x71: {  	s11 =	simm.s32 $0x0;
	[sflag:s5] =	ssyncadd.s32 $0xFFFFEDB0  }
0x72: {  	s12 =	simm.s32 $0x40;
	v7 =	vld [tilespmem:s11+$0x36F0]  }
.LBB2_4:
0x73: {  	p0 =	sne.s32 s12, $0x4900;
	v8 =	vld [tilespmem:s11+$0x5B90];
	_ =	sdelay $0x1  }
0x74: {  	v9 =	vld [tilespmem:s11+$0x4940];
	_ =	sdelay $0x2  }
0x75: {  	v7 =	vtrunc.f32 v7;
	v8 =	vadd.f32 $5.120000080e+01, v8  }
0x76: {  	v7 =	vcvt.f32.s32 v7  }
0x77: {  	v9 =	vmul.f32 $1.000000000e+01, v9;
	v8 =	vmul.f32 $1.000000000e+01, v8  }
0x78: {  	vm1 =	vgt.s32 v7, $0x0  }
0x79: {  	v7 =	vnsel vm1, $0x0, v7;
	v9 =	vtrunc.f32 v9;
	v8 =	vtrunc.f32 v8  }
0x7a: {  	v7 =	vmin.u32 v7, $0x3;
	v9 =	vcvt.f32.s32 v9;
	v8 =	vcvt.f32.s32 v8  }
0x7b: {  	v7 =	vshll.u32 v7, $0x14  }
0x7c: {  	v10 =	vshll.u32 v8, $0xA;
	v7 =	vadd.s32 v9, v7  }
0x7d: {  	v8 =	vor.u32 v9, v8;
	v7 =	vadd.s32 v10, v7  }
0x7e: {  	vm1 =	vlt.u32 v8, $0x400;
	v8 =	vshra.s32 v7, $0xE  }
0x7f: {  	v8 =	vnsel vm1, $0x100, v8;
	_ =	sdelay $0x1  }
.Ltmp1:
0x80: {  	(pc) =	sbr.rel @p0 .LBB2_4-.Ltmp1, $4  }
0x81: {  	v7 =	vnsel vm1, $0xFFFFFFFF, v7  }
0x82: {  	[tilespmem:s11+$0x8030] =	vst v7  }
0x83: {  	s11 =	sshra.s32 s12, $0x2;
	[tilespmem:v8+s4+$0x0] =	vst.idx.add.s32.msk $0xffff, v2  }
0x84: {  	s12 =	sadd.s32 $0x40, s12;
	v7 =	vld [tilespmem:s11+$0x36F0]  }
0x85: {  	v8 =	vld [tilespmem:s11+$0x5B90];
	_ =	sdelay $0x1  }
0x86: {  	v9 =	vld [tilespmem:s11+$0x4940];
	_ =	sdelay $0x2  }
0x87: {  	v7 =	vtrunc.f32 v7;
	v8 =	vadd.f32 $5.120000080e+01, v8  }
0x88: {  	v7 =	vcvt.f32.s32 v7  }
0x89: {  	v9 =	vmul.f32 $1.000000000e+01, v9;
	v8 =	vmul.f32 $1.000000000e+01, v8  }
0x8a: {  	vm1 =	vgt.s32 v7, $0x0  }
0x8b: {  	v9 =	vtrunc.f32 v9;
	v7 =	vnsel vm1, $0x0, v7;
	v8 =	vtrunc.f32 v8  }
0x8c: {  	v9 =	vcvt.f32.s32 v9;
	v7 =	vmin.u32 v7, $0x3;
	v8 =	vcvt.f32.s32 v8  }
0x8d: {  	v7 =	vshll.u32 v7, $0x14  }
0x8e: {  	v7 =	vadd.s32 v9, v7;
	v10 =	vshll.u32 v8, $0xA  }
0x8f: {  	v8 =	vor.u32 v9, v8;
	v7 =	vadd.s32 v10, v7  }
0x90: {  	vm1 =	vlt.u32 v8, $0x400;
	v8 =	vshra.s32 v7, $0xE  }
0x91: {  	v8 =	vnsel vm1, $0x100, v8;
	_ =	sdelay $0x2  }
0x92: {  	v7 =	vnsel vm1, $0xFFFFFFFF, v7  }
0x93: {  	[tilespmem:s11+$0x8030] =	vst v7  }
0x94: {  	s15 =	simm.s32 $0x0;
	s12 =	rddreg [dreg:$0xc];
	[tilespmem:v8+s4+$0x0] =	vst.idx.add.s32.msk $0xffff, v2  }
0x95: {  	[tilespmem:s31], [sflag:$0x2] =	stream.linear.gather [hbm4b:s12+s15], $0x1250, $0x38;
	[tilespmem:$0x19610] =	vst v63  }
0x96: {  	s16 =	rddreg [dreg:$0xd]  }
0x97: {  	[tilespmem:s0], [sflag:$0x2] =	stream.linear.gather [hbm4b:s16+s15], $0x1250, $0x38;
	[tilespmem:$0x19610] =	vst v63  }
0x98: {  	s17 =	rddreg [dreg:$0xe]  }
0x99: {  	[tilespmem:s1], [sflag:$0x2] =	stream.linear.gather [hbm4b:s17+s15], $0x1250, $0x38;
	[tilespmem:$0x19610] =	vst v63  }
0x9a: {  	_ =	swait.ge [sflag:s3], $0x1250  }
0x9b: {  	[sflag:s3] =	ssyncset.done $0x0  }
0x9c: {  	[sflag:s3] =	ssyncadd.s32 $0xFFFFEDB0  }
0x9d: {  	_ =	swait.ge [sflag:s3], $0x1250  }
0x9e: {  	[sflag:s3] =	ssyncset.done $0x0  }
0x9f: {  	[sflag:s3] =	ssyncadd.s32 $0xFFFFEDB0  }
0xa0: {  	_ =	swait.ge [sflag:s3], $0x1250  }
0xa1: {  	[sflag:s3] =	ssyncset.done $0x0  }
0xa2: {  	s11 =	simm.s32 $0x0;
	[sflag:s3] =	ssyncadd.s32 $0xFFFFEDB0  }
0xa3: {  	s12 =	simm.s32 $0x40;
	v7 =	vld [tilespmem:s11+$0x0]  }
.LBB2_6:
0xa4: {  	p0 =	sne.s32 s12, $0x4900;
	v8 =	vld [tilespmem:s11+$0x24A0];
	_ =	sdelay $0x1  }
0xa5: {  	v9 =	vld [tilespmem:s11+$0x1250];
	_ =	sdelay $0x2  }
0xa6: {  	v7 =	vtrunc.f32 v7;
	v8 =	vadd.f32 $5.120000080e+01, v8  }
0xa7: {  	v7 =	vcvt.f32.s32 v7  }
0xa8: {  	v9 =	vmul.f32 $1.000000000e+01, v9;
	v8 =	vmul.f32 $1.000000000e+01, v8  }
0xa9: {  	vm1 =	vgt.s32 v7, $0x0  }
0xaa: {  	v7 =	vnsel vm1, $0x0, v7;
	v9 =	vtrunc.f32 v9;
	v8 =	vtrunc.f32 v8  }
0xab: {  	v7 =	vmin.u32 v7, $0x3;
	v9 =	vcvt.f32.s32 v9;
	v8 =	vcvt.f32.s32 v8  }
0xac: {  	v7 =	vshll.u32 v7, $0x14  }
0xad: {  	v10 =	vshll.u32 v8, $0xA;
	v7 =	vadd.s32 v9, v7  }
0xae: {  	v8 =	vor.u32 v9, v8;
	v7 =	vadd.s32 v10, v7  }
0xaf: {  	vm1 =	vlt.u32 v8, $0x400;
	v8 =	vshra.s32 v7, $0xE  }
0xb0: {  	v8 =	vnsel vm1, $0x100, v8;
	_ =	sdelay $0x1  }
.Ltmp2:
0xb1: {  	(pc) =	sbr.rel @p0 .LBB2_6-.Ltmp2, $4  }
0xb2: {  	v7 =	vnsel vm1, $0xFFFFFFFF, v7  }
0xb3: {  	[tilespmem:s11+$0x9280] =	vst v7  }
0xb4: {  	s11 =	sshra.s32 s12, $0x2;
	[tilespmem:v8+s4+$0x0] =	vst.idx.add.s32.msk $0xffff, v2  }
0xb5: {  	s12 =	sadd.s32 $0x40, s12;
	v7 =	vld [tilespmem:s11+$0x0]  }
0xb6: {  	v8 =	vld [tilespmem:s11+$0x24A0];
	_ =	sdelay $0x1  }
0xb7: {  	v9 =	vld [tilespmem:s11+$0x1250];
	_ =	sdelay $0x2  }
0xb8: {  	v7 =	vtrunc.f32 v7;
	v8 =	vadd.f32 $5.120000080e+01, v8  }
0xb9: {  	v7 =	vcvt.f32.s32 v7  }
0xba: {  	v9 =	vmul.f32 $1.000000000e+01, v9;
	v8 =	vmul.f32 $1.000000000e+01, v8  }
0xbb: {  	vm1 =	vgt.s32 v7, $0x0  }
0xbc: {  	v9 =	vtrunc.f32 v9;
	v7 =	vnsel vm1, $0x0, v7;
	v8 =	vtrunc.f32 v8  }
0xbd: {  	v9 =	vcvt.f32.s32 v9;
	v7 =	vmin.u32 v7, $0x3;
	v8 =	vcvt.f32.s32 v8  }
0xbe: {  	v7 =	vshll.u32 v7, $0x14  }
0xbf: {  	v7 =	vadd.s32 v9, v7;
	v10 =	vshll.u32 v8, $0xA  }
0xc0: {  	v8 =	vor.u32 v9, v8;
	v7 =	vadd.s32 v10, v7  }
0xc1: {  	vm1 =	vlt.u32 v8, $0x400;
	v8 =	vshra.s32 v7, $0xE  }
0xc2: {  	v8 =	vnsel vm1, $0x100, v8;
	_ =	sdelay $0x2  }
0xc3: {  	v7 =	vnsel vm1, $0xFFFFFFFF, v7  }
0xc4: {  	[tilespmem:s11+$0x9280] =	vst v7  }
0xc5: {  	[tilespmem:v8+s4+$0x0] =	vst.idx.add.s32.msk $0xffff, v2  }
0xc6: {  	_ =	swait.ge [sflag:s5], $0x1250  }
0xc7: {  	[sflag:s5] =	ssyncset.done $0x0  }
0xc8: {  	[sflag:s5] =	ssyncadd.s32 $0xFFFFEDB0  }
0xc9: {  	_ =	swait.ge [sflag:s5], $0x1250  }
0xca: {  	[sflag:s5] =	ssyncset.done $0x0  }
0xcb: {  	[sflag:s5] =	ssyncadd.s32 $0xFFFFEDB0  }
0xcc: {  	_ =	swait.ge [sflag:s5], $0x1250  }
0xcd: {  	[sflag:s5] =	ssyncset.done $0x0  }
0xce: {  	s12 =	simm.s32 $0x0;
	[sflag:s5] =	ssyncadd.s32 $0xFFFFEDB0  }
0xcf: {  	s13 =	simm.s32 $0x40;
	s11 =	simm.s32 $0x0;
	v7 =	vld [tilespmem:s12+$0x36F0]  }
.LBB2_8:
0xd0: {  	p0 =	sne.s32 s13, $0x4900;
	v8 =	vld [tilespmem:s12+$0x5B90];
	_ =	sdelay $0x1  }
0xd1: {  	v9 =	vld [tilespmem:s12+$0x4940];
	_ =	sdelay $0x2  }
0xd2: {  	v7 =	vtrunc.f32 v7;
	v8 =	vadd.f32 $5.120000080e+01, v8  }
0xd3: {  	v7 =	vcvt.f32.s32 v7  }
0xd4: {  	v9 =	vmul.f32 $1.000000000e+01, v9;
	v8 =	vmul.f32 $1.000000000e+01, v8  }
0xd5: {  	vm1 =	vgt.s32 v7, $0x0  }
0xd6: {  	v7 =	vnsel vm1, $0x0, v7;
	v9 =	vtrunc.f32 v9;
	v8 =	vtrunc.f32 v8  }
0xd7: {  	v7 =	vmin.u32 v7, $0x3;
	v9 =	vcvt.f32.s32 v9;
	v8 =	vcvt.f32.s32 v8  }
0xd8: {  	v7 =	vshll.u32 v7, $0x14  }
0xd9: {  	v10 =	vshll.u32 v8, $0xA;
	v7 =	vadd.s32 v9, v7  }
0xda: {  	v8 =	vor.u32 v9, v8;
	v7 =	vadd.s32 v10, v7  }
0xdb: {  	vm1 =	vlt.u32 v8, $0x400;
	v8 =	vshra.s32 v7, $0xE  }
0xdc: {  	v8 =	vnsel vm1, $0x100, v8;
	_ =	sdelay $0x1  }
.Ltmp3:
0xdd: {  	(pc) =	sbr.rel @p0 .LBB2_8-.Ltmp3, $4  }
0xde: {  	v7 =	vnsel vm1, $0xFFFFFFFF, v7  }
0xdf: {  	[tilespmem:s12+$0xA4D0] =	vst v7  }
0xe0: {  	s12 =	sshra.s32 s13, $0x2;
	[tilespmem:v8+s4+$0x0] =	vst.idx.add.s32.msk $0xffff, v2  }
0xe1: {  	s13 =	sadd.s32 $0x40, s13;
	v7 =	vld [tilespmem:s12+$0x36F0]  }
0xe2: {  	v8 =	vld [tilespmem:s12+$0x5B90];
	_ =	sdelay $0x1  }
0xe3: {  	v9 =	vld [tilespmem:s12+$0x4940];
	_ =	sdelay $0x2  }
0xe4: {  	v7 =	vtrunc.f32 v7;
	v8 =	vadd.f32 $5.120000080e+01, v8  }
0xe5: {  	v7 =	vcvt.f32.s32 v7  }
0xe6: {  	v9 =	vmul.f32 $1.000000000e+01, v9;
	v8 =	vmul.f32 $1.000000000e+01, v8  }
0xe7: {  	vm1 =	vgt.s32 v7, $0x0  }
0xe8: {  	v9 =	vtrunc.f32 v9;
	v7 =	vnsel vm1, $0x0, v7;
	v8 =	vtrunc.f32 v8  }
0xe9: {  	v9 =	vcvt.f32.s32 v9;
	v7 =	vmin.u32 v7, $0x3;
	v8 =	vcvt.f32.s32 v8  }
0xea: {  	v7 =	vshll.u32 v7, $0x14  }
0xeb: {  	v7 =	vadd.s32 v9, v7;
	v10 =	vshll.u32 v8, $0xA  }
0xec: {  	v8 =	vor.u32 v9, v8;
	v7 =	vadd.s32 v10, v7  }
0xed: {  	vm1 =	vlt.u32 v8, $0x400;
	v8 =	vshra.s32 v7, $0xE  }
0xee: {  	v8 =	vnsel vm1, $0x100, v8;
	_ =	sdelay $0x2  }
0xef: {  	v7 =	vnsel vm1, $0xFFFFFFFF, v7  }
0xf0: {  	[tilespmem:s12+$0xA4D0] =	vst v7  }
0xf1: {  	s15 =	simm.s32 $0x0;
	[tilespmem:v8+s4+$0x0] =	vst.idx.add.s32.msk $0xffff, v2  }
0xf2: {  	s13 =	simm.s32 $0x10;
	v8 =	vld [tilespmem:s15+$0x192E0]  }
0xf3: {  	v10 =	vld [tilespmem:s13+$0x192E0];
	_ =	sdelay $0x3  }
0xf4: {  	(xrf0) =	vadd.scan.msk.s32 $0xffff, v8  }
0xf5: {  	(xrf0) =	vadd.scan.msk.s32 $0xffff, v10;
	_ =	sdelay $0x4  }
0xf6: {  	s12 =	simm.s32 $0x20;
	v9, _, _ =	vpop (xrf0)  }
0xf7: {  	v7 =	vld [tilespmem:s12+$0x192E0];
	(v2sf) =	vpush v9, $0xF;
	v11, _, _ =	vpop (xrf0)  }
0xf8: {  	(v2sf) =	vpush v11, $0xF;
	_ =	sdelay $0x3  }
0xf9: {  	s14 =	simm.s32 $0x30;
	(xrf0) =	vadd.scan.msk.s32 $0xffff, v7  }
0xfa: {  	v9 =	vsub.s32 v9, v8;
	v8 =	vld [tilespmem:s14+$0x192E0];
	_ =	sdelay $0x3  }
0xfb: {  	s16 =	simm.s32 $0x100;
	v10 =	vsub.s32 v11, v10  }
.LBB2_10:
0xfc: {  	s17 =	sshra.s32 s16, $0x2;
	p0 =	sne.s32 s16, $0x400;
	s16 =	sadd.s32 $0x40, s16;
	(xrf0) =	vadd.scan.msk.s32 $0xffff, v8;
	v11, _, _ =	vpop (xrf0);
	v12 =	vadd.s32 s11, v9;
	v9 =	vmov v10  }
.Ltmp4:
0xfd: {  	v10 =	vsub.s32 v11, v7;
	(v2sf) =	vpush v11, $0xF;
	[tilespmem:s15+$0x193F0] =	vst v12;
	v7 =	vmov v8;
	v8 =	vld [tilespmem:s17+$0x192E0];
	(pc) =	sbr.rel @p0 .LBB2_10-.Ltmp4, $4  }
0xfe: {  	[tilespmem:s15+$0x19500] =	vst v12;
	s15 =	smov.u32 s13;
	s13 =	smov.u32 s12;
	s12 =	smov.u32 s14  }
0xff: {  	s14 =	smov.u32 s17  }
0x100: {  	s17 =	spop (v2sf)  }
0x101: {  	s11 =	sadd.s32 s11, s17  }
0x102: {  	v11, _, _ =	vpop (xrf0)  }
0x103: {  	(v2sf) =	vpush v11, $0xF;
	_ =	sdelay $0x2  }
0x104: {  	(xrf0) =	vadd.scan.msk.s32 $0xffff, v8;
	_ =	sdelay $0x5  }
0x105: {  	v12, _, _ =	vpop (xrf0)  }
0x106: {  	(v2sf) =	vpush v12, $0xF  }
0x107: {  	s16 =	spop (v2sf);
	v9 =	vadd.s32 s11, v9  }
0x108: {  	s17 =	sadd.s32 s11, s16;
	[tilespmem:s15+$0x193F0] =	vst v9  }
0x109: {  	[tilespmem:s15+$0x19500] =	vst v9;
	v9 =	vadd.s32 s17, v10;
	s16 =	spop (v2sf)  }
0x10a: {  	v7 =	vsub.s32 v11, v7;
	[tilespmem:s13+$0x193F0] =	vst v9;
	s11 =	sadd.s32 s17, s16  }
0x10b: {  	[tilespmem:s13+$0x19500] =	vst v9;
	v7 =	vadd.s32 s11, v7;
	s17 =	spop (v2sf)  }
0x10c: {  	v8 =	vsub.s32 v12, v8;
	[tilespmem:s12+$0x193F0] =	vst v7;
	s11 =	sadd.s32 s11, s17  }
0x10d: {  	[tilespmem:s12+$0x19500] =	vst v7;
	v7 =	vadd.s32 s11, v8  }
0x10e: {  	[tilespmem:s14+$0x193F0] =	vst v7  }
0x10f: {  	s13 =	simm.s32 $0x0;
	[tilespmem:s14+$0x19500] =	vst v7;
	s14 =	rddreg [dreg:$0xf]  }
0x110: {  	[tilespmem:s13], [sflag:$0x1] =	stream.linear.gather [hbm4b:s14+s13], $0x1250, $0x38;
	[tilespmem:$0x19610] =	vst v63  }
0x111: {  	s15 =	rddreg [dreg:$0x10]  }
0x112: {  	[tilespmem:s29], [sflag:$0x1] =	stream.linear.gather [hbm4b:s15+s13], $0x1250, $0x38;
	[tilespmem:$0x19610] =	vst v63  }
0x113: {  	s16 =	rddreg [dreg:$0x11]  }
0x114: {  	[tilespmem:s31], [sflag:$0x2] =	stream.linear.gather [hbm4b:s16+s13], $0x1250, $0x38;
	[tilespmem:$0x19610] =	vst v63  }
0x115: {  	s17 =	spop (v2sf)  }
0x116: {  	[tilespmem:s0], [sflag:$0x2] =	stream.linear.gather [hbm4b:s18+s13], $0x1250, $0x38;
	[tilespmem:$0x19610] =	vst v63  }
0x117: {  	_ =	swait.ge [sflag:s3], $0x1250  }
0x118: {  	[sflag:s3] =	ssyncset.done $0x0  }
0x119: {  	[sflag:s3] =	ssyncadd.s32 $0xFFFFEDB0  }
0x11a: {  	_ =	swait.ge [sflag:s3], $0x1250  }
0x11b: {  	[sflag:s3] =	ssyncset.done $0x0  }
0x11c: {  	s12 =	simm.s32 $0x0;
	[sflag:s3] =	ssyncadd.s32 $0xFFFFEDB0  }
0x11d: {  	v8 =	vld [tilespmem:s12+$0x6DE0]  }
0x11e: {  	s11 =	simm.s32 $0x40;
	v7 =	vld [tilespmem:s12+$0x0]  }
.LBB2_12:
0x11f: {  	p0 =	sne.s32 s11, $0x4900;
	v9 =	vld [tilespmem:s12+$0x1250];
	_ =	sdelay $0x2  }
0x120: {  	v10 =	vshra.s32 v8, $0xE  }
0x121: {  	vm1 =	vgt.s32 v8, $0xFFFFFFFF;
	v10 =	vxor.u32 $0x80000000, v10  }
0x122: {  	v10 =	vnsel vm1, $0x80000100, v10  }
0x123: {  	(xrf1) =	vsort.ascd.msk.u32 $0xffff, v10, v1;
	_ =	sdelay $0xd  }
0x124: {  	v10, v11, _ =	vpop (xrf1)  }
0x125: {  	v10 =	vxor.u32 $0x80000000, v10  }
0x126: {  	v12 =	vperm.xlane v10, v3;
	_ =	sdelay $0x1  }
0x127: {  	vm1 =	veq.s32 v10, v12  }
0x128: {  	v12 =	vsel vm1, $0x80000000, v4  }
0x129: {  	(xrf0) =	vmax.scan.msk.u32 $0xffff, v12;
	_ =	sdelay $0x1  }
0x12a: {  	v12 =	vld.idx.msk [tilespmem:v10+s6+$0x0], $0xffff;
	_ =	sdelay $0x1  }
0x12b: {  	v14 =	vperm.xlane v10, v5;
	_ =	sdelay $0x1  }
0x12c: {  	vm1 =	vne.s32 v10, v14;
	v13, _, _ =	vpop (xrf0)  }
0x12d: {  	vm1 =	vmor vm1, vm0;
	v13 =	vxor.u32 $0x80000000, v13  }
0x12e: {  	v12 =	vsub.s32 v12, v13  }
0x12f: {  	v13 =	vadd.s32 v1, v12;
	_ =	sdelay $0x1  }
0x130: {  	v8 =	vperm.xlane v8, v11  }
0x131: {  	v12 =	vadd.s32 v6, v12  }
0x132: {  	v7 =	vperm.xlane v7, v11;
	v8 =	vand.u32 $0x3FFF, v8;
	[tilespmem:v10+s6+$0x0] =	vst.idx.msk vm1, v12  }
.Ltmp5:
0x133: {  	[tilespmem:v13+s7+$0x0] =	vst.idx.msk $0xffff, v8;
	v8 =	vperm.xlane v9, v11;
	(pc) =	sbr.rel @p0 .LBB2_12-.Ltmp5, $4  }
0x134: {  	[tilespmem:v13+s8+$0x0] =	vst.idx.msk $0xffff, v7  }
0x135: {  	s12 =	sshra.s32 s11, $0x2;
	[tilespmem:v13+s9+$0x0] =	vst.idx.msk $0xffff, v8  }
0x136: {  	v8 =	vld [tilespmem:s12+$0x6DE0]  }
0x137: {  	s11 =	sadd.s32 $0x40, s11;
	v7 =	vld [tilespmem:s12+$0x0]  }
0x138: {  	_ =	sdelay $0x2  }
0x139: {  	v9 =	vshra.s32 v8, $0xE  }
0x13a: {  	vm1 =	vgt.s32 v8, $0xFFFFFFFF;
	v9 =	vxor.u32 $0x80000000, v9  }
0x13b: {  	v9 =	vnsel vm1, $0x80000100, v9  }
0x13c: {  	(xrf1) =	vsort.ascd.msk.u32 $0xffff, v9, v1;
	_ =	sdelay $0xd  }
0x13d: {  	v9, v10, _ =	vpop (xrf1)  }
0x13e: {  	v9 =	vxor.u32 $0x80000000, v9  }
0x13f: {  	v11 =	vperm.xlane v9, v3;
	_ =	sdelay $0x1  }
0x140: {  	vm1 =	veq.s32 v9, v11  }
0x141: {  	v11 =	vsel vm1, $0x80000000, v4  }
0x142: {  	(xrf0) =	vmax.scan.msk.u32 $0xffff, v11;
	_ =	sdelay $0x2  }
0x143: {  	v11 =	vld.idx.msk [tilespmem:v9+s6+$0x0], $0xffff  }
0x144: {  	v12 =	vperm.xlane v9, v5;
	_ =	sdelay $0x1  }
0x145: {  	vm1 =	vne.s32 v9, v12;
	v62, _, _ =	vpop (xrf0)  }
0x146: {  	vm1 =	vmor vm1, vm0;
	v12 =	vxor.u32 $0x80000000, v62  }
0x147: {  	v11 =	vsub.s32 v11, v12  }
0x148: {  	v63 =	vld [tilespmem:s12+$0x1250];
	v13 =	vadd.s32 v1, v11;
	_ =	sdelay $0x1  }
0x149: {  	v8 =	vperm.xlane v8, v10  }
0x14a: {  	v11 =	vadd.s32 v6, v11  }
0x14b: {  	v7 =	vperm.xlane v7, v10;
	v8 =	vand.u32 $0x3FFF, v8;
	[tilespmem:v9+s6+$0x0] =	vst.idx.msk vm1, v11  }
0x14c: {  	[tilespmem:v13+s7+$0x0] =	vst.idx.msk $0xffff, v8;
	v8 =	vperm.xlane v63, v10  }
0x14d: {  	[tilespmem:v13+s8+$0x0] =	vst.idx.msk $0xffff, v7  }
0x14e: {  	s11 =	simm.s32 $0x0;
	[tilespmem:v13+s9+$0x0] =	vst.idx.msk $0xffff, v8  }
0x14f: {  	[tilespmem:s11], [sflag:$0x1] =	stream.linear.gather [hbm4b:s19+s11], $0x1250, $0x38;
	[tilespmem:$0x19610] =	vst v63  }
0x150: {  	_ = 	snop  }
0x151: {  	[tilespmem:s29], [sflag:$0x1] =	stream.linear.gather [hbm4b:s20+s11], $0x1250, $0x38;
	[tilespmem:$0x19610] =	vst v63  }
0x152: {  	_ =	swait.ge [sflag:s5], $0x1250  }
0x153: {  	[sflag:s5] =	ssyncset.done $0x0  }
0x154: {  	[sflag:s5] =	ssyncadd.s32 $0xFFFFEDB0  }
0x155: {  	_ =	swait.ge [sflag:s5], $0x1250  }
0x156: {  	[sflag:s5] =	ssyncset.done $0x0  }
0x157: {  	s12 =	simm.s32 $0x0;
	[sflag:s5] =	ssyncadd.s32 $0xFFFFEDB0  }
0x158: {  	v8 =	vld [tilespmem:s12+$0x8030]  }
0x159: {  	s11 =	simm.s32 $0x40;
	v7 =	vld [tilespmem:s12+$0x36F0]  }
.LBB2_14:
0x15a: {  	p0 =	sne.s32 s11, $0x4900;
	v9 =	vld [tilespmem:s12+$0x4940];
	_ =	sdelay $0x2  }
0x15b: {  	v10 =	vshra.s32 v8, $0xE  }
0x15c: {  	vm1 =	vgt.s32 v8, $0xFFFFFFFF;
	v10 =	vxor.u32 $0x80000000, v10  }
0x15d: {  	v10 =	vnsel vm1, $0x80000100, v10  }
0x15e: {  	(xrf1) =	vsort.ascd.msk.u32 $0xffff, v10, v1;
	_ =	sdelay $0xd  }
0x15f: {  	v10, v11, _ =	vpop (xrf1)  }
0x160: {  	v10 =	vxor.u32 $0x80000000, v10  }
0x161: {  	v12 =	vperm.xlane v10, v3;
	_ =	sdelay $0x1  }
0x162: {  	vm1 =	veq.s32 v10, v12  }
0x163: {  	v12 =	vsel vm1, $0x80000000, v4  }
0x164: {  	(xrf0) =	vmax.scan.msk.u32 $0xffff, v12;
	_ =	sdelay $0x1  }
0x165: {  	v12 =	vld.idx.msk [tilespmem:v10+s6+$0x0], $0xffff;
	_ =	sdelay $0x1  }
0x166: {  	v14 =	vperm.xlane v10, v5;
	_ =	sdelay $0x1  }
0x167: {  	vm1 =	vne.s32 v10, v14;
	v13, _, _ =	vpop (xrf0)  }
0x168: {  	vm1 =	vmor vm1, vm0;
	v13 =	vxor.u32 $0x80000000, v13  }
0x169: {  	v12 =	vsub.s32 v12, v13  }
0x16a: {  	v13 =	vadd.s32 v1, v12;
	_ =	sdelay $0x1  }
0x16b: {  	v8 =	vperm.xlane v8, v11  }
0x16c: {  	v12 =	vadd.s32 v6, v12  }
0x16d: {  	v7 =	vperm.xlane v7, v11;
	v8 =	vand.u32 $0x3FFF, v8;
	[tilespmem:v10+s6+$0x0] =	vst.idx.msk vm1, v12  }
.Ltmp6:
0x16e: {  	[tilespmem:v13+s7+$0x0] =	vst.idx.msk $0xffff, v8;
	v8 =	vperm.xlane v9, v11;
	(pc) =	sbr.rel @p0 .LBB2_14-.Ltmp6, $4  }
0x16f: {  	[tilespmem:v13+s8+$0x0] =	vst.idx.msk $0xffff, v7  }
0x170: {  	s12 =	sshra.s32 s11, $0x2;
	[tilespmem:v13+s9+$0x0] =	vst.idx.msk $0xffff, v8  }
0x171: {  	v8 =	vld [tilespmem:s12+$0x8030]  }
0x172: {  	s11 =	sadd.s32 $0x40, s11;
	v7 =	vld [tilespmem:s12+$0x36F0]  }
0x173: {  	_ =	sdelay $0x2  }
0x174: {  	v9 =	vshra.s32 v8, $0xE  }
0x175: {  	vm1 =	vgt.s32 v8, $0xFFFFFFFF;
	v9 =	vxor.u32 $0x80000000, v9  }
0x176: {  	v9 =	vnsel vm1, $0x80000100, v9  }
0x177: {  	(xrf1) =	vsort.ascd.msk.u32 $0xffff, v9, v1;
	_ =	sdelay $0xd  }
0x178: {  	v9, v10, _ =	vpop (xrf1)  }
0x179: {  	v9 =	vxor.u32 $0x80000000, v9  }
0x17a: {  	v11 =	vperm.xlane v9, v3;
	_ =	sdelay $0x1  }
0x17b: {  	vm1 =	veq.s32 v9, v11  }
0x17c: {  	v11 =	vsel vm1, $0x80000000, v4  }
0x17d: {  	(xrf0) =	vmax.scan.msk.u32 $0xffff, v11;
	_ =	sdelay $0x2  }
0x17e: {  	v11 =	vld.idx.msk [tilespmem:v9+s6+$0x0], $0xffff  }
0x17f: {  	v12 =	vperm.xlane v9, v5;
	_ =	sdelay $0x1  }
0x180: {  	vm1 =	vne.s32 v9, v12;
	v62, _, _ =	vpop (xrf0)  }
0x181: {  	vm1 =	vmor vm1, vm0;
	v12 =	vxor.u32 $0x80000000, v62  }
0x182: {  	v11 =	vsub.s32 v11, v12  }
0x183: {  	v63 =	vld [tilespmem:s12+$0x4940];
	v13 =	vadd.s32 v1, v11;
	_ =	sdelay $0x1  }
0x184: {  	v8 =	vperm.xlane v8, v10  }
0x185: {  	v11 =	vadd.s32 v6, v11  }
0x186: {  	v7 =	vperm.xlane v7, v10;
	v8 =	vand.u32 $0x3FFF, v8;
	[tilespmem:v9+s6+$0x0] =	vst.idx.msk vm1, v11  }
0x187: {  	[tilespmem:v13+s7+$0x0] =	vst.idx.msk $0xffff, v8;
	v8 =	vperm.xlane v63, v10  }
0x188: {  	[tilespmem:v13+s8+$0x0] =	vst.idx.msk $0xffff, v7  }
0x189: {  	s11 =	simm.s32 $0x0;
	[tilespmem:v13+s9+$0x0] =	vst.idx.msk $0xffff, v8  }
0x18a: {  	[tilespmem:s31], [sflag:$0x2] =	stream.linear.gather [hbm4b:s21+s11], $0x1250, $0x38;
	[tilespmem:$0x19610] =	vst v63  }
0x18b: {  	_ = 	snop  }
0x18c: {  	[tilespmem:s0], [sflag:$0x2] =	stream.linear.gather [hbm4b:s24+s11], $0x1250, $0x38;
	[tilespmem:$0x19610] =	vst v63  }
0x18d: {  	_ =	swait.ge [sflag:s3], $0x1250  }
0x18e: {  	[sflag:s3] =	ssyncset.done $0x0  }
0x18f: {  	[sflag:s3] =	ssyncadd.s32 $0xFFFFEDB0  }
0x190: {  	_ =	swait.ge [sflag:s3], $0x1250  }
0x191: {  	[sflag:s3] =	ssyncset.done $0x0  }
0x192: {  	s12 =	simm.s32 $0x0;
	[sflag:s3] =	ssyncadd.s32 $0xFFFFEDB0  }
0x193: {  	v8 =	vld [tilespmem:s12+$0x9280]  }
0x194: {  	s11 =	simm.s32 $0x40;
	v7 =	vld [tilespmem:s12+$0x0]  }
.LBB2_16:
0x195: {  	p0 =	sne.s32 s11, $0x4900;
	v9 =	vld [tilespmem:s12+$0x1250];
	_ =	sdelay $0x2  }
0x196: {  	v10 =	vshra.s32 v8, $0xE  }
0x197: {  	vm1 =	vgt.s32 v8, $0xFFFFFFFF;
	v10 =	vxor.u32 $0x80000000, v10  }
0x198: {  	v10 =	vnsel vm1, $0x80000100, v10  }
0x199: {  	(xrf1) =	vsort.ascd.msk.u32 $0xffff, v10, v1;
	_ =	sdelay $0xd  }
0x19a: {  	v10, v11, _ =	vpop (xrf1)  }
0x19b: {  	v10 =	vxor.u32 $0x80000000, v10  }
0x19c: {  	v12 =	vperm.xlane v10, v3;
	_ =	sdelay $0x1  }
0x19d: {  	vm1 =	veq.s32 v10, v12  }
0x19e: {  	v12 =	vsel vm1, $0x80000000, v4  }
0x19f: {  	(xrf0) =	vmax.scan.msk.u32 $0xffff, v12;
	_ =	sdelay $0x1  }
0x1a0: {  	v12 =	vld.idx.msk [tilespmem:v10+s6+$0x0], $0xffff;
	_ =	sdelay $0x1  }
0x1a1: {  	v14 =	vperm.xlane v10, v5;
	_ =	sdelay $0x1  }
0x1a2: {  	vm1 =	vne.s32 v10, v14;
	v13, _, _ =	vpop (xrf0)  }
0x1a3: {  	vm1 =	vmor vm1, vm0;
	v13 =	vxor.u32 $0x80000000, v13  }
0x1a4: {  	v12 =	vsub.s32 v12, v13  }
0x1a5: {  	v13 =	vadd.s32 v1, v12;
	_ =	sdelay $0x1  }
0x1a6: {  	v8 =	vperm.xlane v8, v11  }
0x1a7: {  	v12 =	vadd.s32 v6, v12  }
0x1a8: {  	v7 =	vperm.xlane v7, v11;
	v8 =	vand.u32 $0x3FFF, v8;
	[tilespmem:v10+s6+$0x0] =	vst.idx.msk vm1, v12  }
.Ltmp7:
0x1a9: {  	[tilespmem:v13+s7+$0x0] =	vst.idx.msk $0xffff, v8;
	v8 =	vperm.xlane v9, v11;
	(pc) =	sbr.rel @p0 .LBB2_16-.Ltmp7, $4  }
0x1aa: {  	[tilespmem:v13+s8+$0x0] =	vst.idx.msk $0xffff, v7  }
0x1ab: {  	s12 =	sshra.s32 s11, $0x2;
	[tilespmem:v13+s9+$0x0] =	vst.idx.msk $0xffff, v8  }
0x1ac: {  	v8 =	vld [tilespmem:s12+$0x9280]  }
0x1ad: {  	s11 =	sadd.s32 $0x40, s11;
	v7 =	vld [tilespmem:s12+$0x0]  }
0x1ae: {  	_ =	sdelay $0x2  }
0x1af: {  	v9 =	vshra.s32 v8, $0xE  }
0x1b0: {  	vm1 =	vgt.s32 v8, $0xFFFFFFFF;
	v9 =	vxor.u32 $0x80000000, v9  }
0x1b1: {  	v9 =	vnsel vm1, $0x80000100, v9  }
0x1b2: {  	(xrf1) =	vsort.ascd.msk.u32 $0xffff, v9, v1;
	_ =	sdelay $0xd  }
0x1b3: {  	v9, v10, _ =	vpop (xrf1)  }
0x1b4: {  	v9 =	vxor.u32 $0x80000000, v9  }
0x1b5: {  	v11 =	vperm.xlane v9, v3;
	_ =	sdelay $0x1  }
0x1b6: {  	vm1 =	veq.s32 v9, v11  }
0x1b7: {  	v11 =	vsel vm1, $0x80000000, v4  }
0x1b8: {  	(xrf0) =	vmax.scan.msk.u32 $0xffff, v11;
	_ =	sdelay $0x2  }
0x1b9: {  	v11 =	vld.idx.msk [tilespmem:v9+s6+$0x0], $0xffff  }
0x1ba: {  	v12 =	vperm.xlane v9, v5;
	_ =	sdelay $0x1  }
0x1bb: {  	vm1 =	vne.s32 v9, v12;
	v62, _, _ =	vpop (xrf0)  }
0x1bc: {  	vm1 =	vmor vm1, vm0;
	v12 =	vxor.u32 $0x80000000, v62  }
0x1bd: {  	v11 =	vsub.s32 v11, v12  }
0x1be: {  	v63 =	vld [tilespmem:s12+$0x1250];
	v13 =	vadd.s32 v1, v11;
	_ =	sdelay $0x1  }
0x1bf: {  	v8 =	vperm.xlane v8, v10  }
0x1c0: {  	v11 =	vadd.s32 v6, v11  }
0x1c1: {  	v7 =	vperm.xlane v7, v10;
	v8 =	vand.u32 $0x3FFF, v8;
	[tilespmem:v9+s6+$0x0] =	vst.idx.msk vm1, v11  }
0x1c2: {  	[tilespmem:v13+s7+$0x0] =	vst.idx.msk $0xffff, v8;
	v8 =	vperm.xlane v63, v10  }
0x1c3: {  	[tilespmem:v13+s8+$0x0] =	vst.idx.msk $0xffff, v7  }
0x1c4: {  	[tilespmem:v13+s9+$0x0] =	vst.idx.msk $0xffff, v8  }
0x1c5: {  	_ =	swait.ge [sflag:s5], $0x1250  }
0x1c6: {  	[sflag:s5] =	ssyncset.done $0x0  }
0x1c7: {  	[sflag:s5] =	ssyncadd.s32 $0xFFFFEDB0  }
0x1c8: {  	_ =	swait.ge [sflag:s5], $0x1250  }
0x1c9: {  	[sflag:s5] =	ssyncset.done $0x0  }
0x1ca: {  	s12 =	simm.s32 $0x0;
	[sflag:s5] =	ssyncadd.s32 $0xFFFFEDB0  }
0x1cb: {  	v8 =	vld [tilespmem:s12+$0xA4D0]  }
0x1cc: {  	s11 =	simm.s32 $0x40;
	v7 =	vld [tilespmem:s12+$0x36F0]  }
.LBB2_18:
0x1cd: {  	p0 =	sne.s32 s11, $0x4900;
	v9 =	vld [tilespmem:s12+$0x4940];
	_ =	sdelay $0x2  }
0x1ce: {  	v10 =	vshra.s32 v8, $0xE  }
0x1cf: {  	vm1 =	vgt.s32 v8, $0xFFFFFFFF;
	v10 =	vxor.u32 $0x80000000, v10  }
0x1d0: {  	v10 =	vnsel vm1, $0x80000100, v10  }
0x1d1: {  	(xrf1) =	vsort.ascd.msk.u32 $0xffff, v10, v1;
	_ =	sdelay $0xd  }
0x1d2: {  	v10, v11, _ =	vpop (xrf1)  }
0x1d3: {  	v10 =	vxor.u32 $0x80000000, v10  }
0x1d4: {  	v12 =	vperm.xlane v10, v3;
	_ =	sdelay $0x1  }
0x1d5: {  	vm1 =	veq.s32 v10, v12  }
0x1d6: {  	v12 =	vsel vm1, $0x80000000, v4  }
0x1d7: {  	(xrf0) =	vmax.scan.msk.u32 $0xffff, v12;
	_ =	sdelay $0x1  }
0x1d8: {  	v12 =	vld.idx.msk [tilespmem:v10+s6+$0x0], $0xffff;
	_ =	sdelay $0x1  }
0x1d9: {  	v14 =	vperm.xlane v10, v5;
	_ =	sdelay $0x1  }
0x1da: {  	vm1 =	vne.s32 v10, v14;
	v13, _, _ =	vpop (xrf0)  }
0x1db: {  	vm1 =	vmor vm1, vm0;
	v13 =	vxor.u32 $0x80000000, v13  }
0x1dc: {  	v12 =	vsub.s32 v12, v13  }
0x1dd: {  	v13 =	vadd.s32 v1, v12;
	_ =	sdelay $0x1  }
0x1de: {  	v8 =	vperm.xlane v8, v11  }
0x1df: {  	v12 =	vadd.s32 v6, v12  }
0x1e0: {  	v7 =	vperm.xlane v7, v11;
	v8 =	vand.u32 $0x3FFF, v8;
	[tilespmem:v10+s6+$0x0] =	vst.idx.msk vm1, v12  }
.Ltmp8:
0x1e1: {  	[tilespmem:v13+s7+$0x0] =	vst.idx.msk $0xffff, v8;
	v8 =	vperm.xlane v9, v11;
	(pc) =	sbr.rel @p0 .LBB2_18-.Ltmp8, $4  }
0x1e2: {  	[tilespmem:v13+s8+$0x0] =	vst.idx.msk $0xffff, v7  }
0x1e3: {  	s12 =	sshra.s32 s11, $0x2;
	[tilespmem:v13+s9+$0x0] =	vst.idx.msk $0xffff, v8  }
0x1e4: {  	v8 =	vld [tilespmem:s12+$0xA4D0]  }
0x1e5: {  	s11 =	sadd.s32 $0x40, s11;
	v7 =	vld [tilespmem:s12+$0x36F0]  }
0x1e6: {  	_ =	sdelay $0x2  }
0x1e7: {  	v9 =	vshra.s32 v8, $0xE  }
0x1e8: {  	vm1 =	vgt.s32 v8, $0xFFFFFFFF;
	v9 =	vxor.u32 $0x80000000, v9  }
0x1e9: {  	v9 =	vnsel vm1, $0x80000100, v9  }
0x1ea: {  	(xrf1) =	vsort.ascd.msk.u32 $0xffff, v9, v1;
	_ =	sdelay $0xd  }
0x1eb: {  	v9, v10, _ =	vpop (xrf1)  }
0x1ec: {  	v9 =	vxor.u32 $0x80000000, v9  }
0x1ed: {  	v11 =	vperm.xlane v9, v3;
	_ =	sdelay $0x1  }
0x1ee: {  	vm1 =	veq.s32 v9, v11  }
0x1ef: {  	v11 =	vsel vm1, $0x80000000, v4  }
0x1f0: {  	(xrf0) =	vmax.scan.msk.u32 $0xffff, v11;
	_ =	sdelay $0x2  }
0x1f1: {  	v61 =	vld.idx.msk [tilespmem:v9+s6+$0x0], $0xffff  }
0x1f2: {  	v12 =	vperm.xlane v9, v5;
	_ =	sdelay $0x1  }
0x1f3: {  	vm1 =	vne.s32 v9, v12;
	v62, _, _ =	vpop (xrf0)  }
0x1f4: {  	vm1 =	vmor vm1, vm0;
	v12 =	vxor.u32 $0x80000000, v62  }
0x1f5: {  	v11 =	vsub.s32 v61, v12  }
0x1f6: {  	v63 =	vld [tilespmem:s12+$0x4940];
	v13 =	vadd.s32 v1, v11;
	_ =	sdelay $0x1  }
0x1f7: {  	v8 =	vperm.xlane v8, v10  }
0x1f8: {  	v11 =	vadd.s32 v6, v11  }
0x1f9: {  	v7 =	vperm.xlane v7, v10;
	v8 =	vand.u32 $0x3FFF, v8;
	[tilespmem:v9+s6+$0x0] =	vst.idx.msk vm1, v11  }
0x1fa: {  	[tilespmem:v13+s7+$0x0] =	vst.idx.msk $0xffff, v8;
	v8 =	vperm.xlane v63, v10  }
0x1fb: {  	[tilespmem:v13+s8+$0x0] =	vst.idx.msk $0xffff, v7  }
0x1fc: {  	[tilespmem:v13+s9+$0x0] =	vst.idx.msk $0xffff, v8  }
0x1fd: {  	[hbm4b:s22+s2] =	stream.linear.scatter [tilespmem:s7], [sflag:$0x1], $0x4940, $0x38;
	[tilespmem:$0x19610] =	vst v63  }
0x1fe: {  	_ = 	snop  }
0x1ff: {  	[hbm4b:s23+s2] =	stream.linear.scatter [tilespmem:s8], [sflag:$0x1], $0x4940, $0x38;
	[tilespmem:$0x19610] =	vst v63  }
0x200: {  	_ = 	snop  }
0x201: {  	[hbm4b:s25+s2] =	stream.linear.scatter [tilespmem:s9], [sflag:$0x1], $0x4940, $0x38;
	[tilespmem:$0x19610] =	vst v63  }
0x202: {  	s11 =	simm.s32 $0x193F0  }
0x203: {  	[hbm4b:s26+s2] =	stream.linear.scatter [tilespmem:s11], [sflag:$0x1], $0x110, $0x38;
	[tilespmem:$0x19610] =	vst v63  }
0x204: {  	_ =	swait.ge [sflag:s3], $0x4940  }
0x205: {  	[sflag:s3] =	ssyncset.done $0x0  }
0x206: {  	[sflag:s3] =	ssyncadd.s32 $0xFFFFB6C0  }
0x207: {  	_ =	swait.ge [sflag:s3], $0x4940  }
0x208: {  	[sflag:s3] =	ssyncset.done $0x0  }
0x209: {  	s10 =	sadd.s32 $0x1, s10;
	[sflag:s3] =	ssyncadd.s32 $0xFFFFB6C0  }
0x20a: {  	p0 =	sne.s32 s10, s28;
	_ =	swait.ge [sflag:s3], $0x4940  }
.Ltmp9:
0x20b: {  	[sflag:s3] =	ssyncset.done $0x0;
	(pc) =	sbr.rel @p0 .LBB2_1-.Ltmp9, $4  }
0x20c: {  	[sflag:s3] =	ssyncadd.s32 $0xFFFFB6C0  }
0x20d: {  	_ =	swait.ge [sflag:s3], $0x110  }
0x20e: {  	[sflag:s3] =	ssyncset.done $0x0  }
0x20f: {  	[sflag:s3] =	ssyncadd.s32 $0xFFFFFEF0  }
0x210: {  	_ =	sfence.sel $0x180000  }
0x211: {  	[bflag:$0x0] =	sbarrier.arrive $0xFFFF  }
0x212: {  	_ =	strace $0x90000047  }
0x213: {  	s0 =	stileid.u32;
	[bflag:$0x2] =	sbarrier.arrive $0xFFFF  }
0x214: {  	p0 =	sne.s32 s0, $0x0;
	s0 =	rddreg [dreg:$0x2]  }
0x215: {  	s0 =	sadd.s32 @!p0 $0x100000, s0  }
0x216: {  	[sflag:s0] =	ssyncadd.tile.s32 @!p0 $0x1;
	_ =	shalt  }
.Lfunc_end2:
_tile_overlayer_lowered:
.L_overlay_start_2:
0x217: {  	(tag) =	ssettag $0x2  }
0x218: {  	s0 =	rddreg [dreg:$0x0];
	s2 =	stileid.u32  }
0x219: {  	s1 =	rddreg [dreg:$0x1];
	p0 =	sne.s32 s2, $0x0  }
0x21a: {  	s3 =	rddreg [dreg:$0x2];
	[bflag:$0x3] =	sbarrier.arrive $0xFFFF;
	s2 =	simm.s32 @!p0 $0x1C03  }
0x21b: {  	[timem:s3], [sflag:s2] =	dma.local @!p0 [hbm:s0], s1  }
0x21c: {  	s0 =	simm.s32 @!p0 $0x3  }
0x21d: {  	_ =	swait.ge @!p0 [sflag:s0], s1  }
0x21e: {  	s1 =	ssub.s32 @!p0 $0x0, s1;
	[sflag:s0] =	ssyncset.done @!p0 $0x0  }
0x21f: {  	[sflag:s0] =	ssyncadd.s32 @!p0 s1  }
0x220: {  	[bflag:$0x3] =	sbarrier.arrive $0xFFFF  }
0x221: {  	_ =	shalt  }

// kernel: kernel.7.cloned.1.call-start
scs
__scs_entry_jumppad:
0x0: {  	(pc) =	sbr.rel $0x88, $3  }
0x1: {  	(tag) =	ssettag $0x0;
	lr =	simm.s32 $0x1  }
0x2: {  	[smem:$0x3FA0] =	sst lr;
	_ =	strace $0xD0000000  }
0x3: {  	_ = 	snop  }
0x4: {  	_ = 	snop  }
0x5: {  	_ = 	snop  }
0x6: {  	_ = 	snop  }
0x7: {  	_ = 	snop  }
__scs_overlays_trampoline_lowered:
0x8: {  	[smem:$0x3FAF] =	sst s0  }
0x9: {  	[smem:$0x3FB0] =	sst s1  }
0xa: {  	[smem:$0x3FB1] =	sst s2  }
0xb: {  	[smem:$0x3FB2] =	sst s3  }
0xc: {  	[smem:$0x3FB3] =	sst s4  }
0xd: {  	[smem:$0x3FB4] =	sst s5  }
0xe: {  	[smem:$0x3FB5] =	sst s6  }
0xf: {  	[smem:$0x3FB6] =	sst s7  }
0x10: {  	[smem:$0x3FB7] =	sst s8  }
0x11: {  	[smem:$0x3FB8] =	sst s9;
	s0 =	simm.s32 @!p0 $0x0  }
0x12: {  	s1 =	sld [smem:$0x3F9E];
	s0 =	simm.s32 @p0 $0x1  }
0x13: {  	[smem:$0x3FB9] =	sst s0;
	s0 =	simm.s32 @!p1 $0x0  }
0x14: {  	s2 =	sld [smem:$0x3F9D];
	s0 =	simm.s32 @p1 $0x1  }
0x15: {  	[smem:$0x3FBA] =	sst s0;
	s0 =	simm.s32 @!p2 $0x0  }
0x16: {  	s3 =	sld [smem:$0x3FDB];
	s0 =	simm.s32 @p2 $0x1  }
0x17: {  	s4 =	simm.s32 $0x1BF5;
	[smem:$0x3FBC] =	sst s0  }
0x18: {  	s0 =	sld [smem:$0x3F9F];
	_ =	swait.ge [sflag:s4], $0x0  }
0x19: {  	s7 =	sld [smem:$0x3FA0]  }
0x1a: {  	s8 =	sadd.s32 $0xFFFFE003, lr  }
0x1b: {  	s9 =	sadd.s32 $0xFFFFFEF7, lr;
	s5 =	simm.s32 $0xFFFFFFFF;
	p2 =	slt.u32 s8, $0xFFFFF086  }
0x1c: {  	p1 =	slt.u32 s9, $0xF7A;
	s5 =	simm.s32 @!p2 $0x0  }
0x1d: {  	s5 =	simm.s32 @p1 $0x1;
	p0 =	seq.s32 s7, s2  }
0x1e: {  	s7 =	smul.u32 @!p0 $0xF7A, s2;
	p2 =	seq.s32 @!p0 s5, $0x0  }
0x1f: {  	s9 =	smul.u32 $0xF7A, s1;
	s8 =	simm.s32 @!p0 $0x1BF5;
	p2 =	por !p2, p0  }
0x20: {  	[sflag:s8] =	ssyncset.s32 @!p0 $0xFFFFF086;
	s6 =	sadd.s32 @!p0 s3, s7;
	s7 =	simm.s32 @!p0 $0x108  }
0x21: {  	s3 =	sadd.s32 s3, s9;
	s6 =	sadd.s32 @!p0 $0x88, s6;
	s7 =	simm.s32 @p2 $0x1082  }
0x22: {  	[simem:s7], [sflag:s8] =	dma.local @!p0 [hbm:s6], $0xF7A  }
0x23: {  	s9 =	sor.u32 $0xD0000000, s2;
	s6 =	simm.s32 $0x108;
	_ =	swait.ge @!p0 [sflag:s8], $0x0  }
0x24: {  	s3 =	sadd.s32 $0x88, s3;
	s6 =	simm.s32 @!p1 $0x1082;
	[sflag:s4] =	ssyncset.s32 $0xFFFFF086  }
0x25: {  	[simem:s6], [sflag:s4] =	dma.local [hbm:s3], $0xF7A  }
0x26: {  	[smem:$0x3FA0] =	sst s1;
	(tag) =	ssettag s2;
	_ =	strace s9  }
0x27: {  	s1 =	sld [smem:$0x3FB0]  }
0x28: {  	s2 =	sld [smem:$0x3FB1]  }
0x29: {  	s4 =	sld [smem:$0x3FB3]  }
0x2a: {  	p0 =	seq.s32 s5, $0x0;
	s5 =	sld [smem:$0x3FB4]  }
0x2b: {  	s6 =	sld [smem:$0x3FB5]  }
0x2c: {  	s7 =	sld [smem:$0x3FB6]  }
0x2d: {  	s3 =	simm.s32 $0x108;
	s8 =	sld [smem:$0x3FB7]  }
0x2e: {  	s3 =	simm.s32 @!p0 $0x1082;
	s9 =	sld [smem:$0x3FB8]  }
0x2f: {  	lr =	sadd.s32 s0, s3;
	s0 =	sld [smem:$0x3FAF]  }
0x30: {  	s3 =	sld [smem:$0x3FB2]  }
0x31: {  	[smem:$0x3FBB] =	sst s10  }
0x32: {  	s10 =	sld [smem:$0x3FB9];
	_ =	sdelay $0x3  }
0x33: {  	p0 =	seq.s32 s10, $0x1;
	s10 =	sld [smem:$0x3FBB];
	_ =	sdelay $0x3  }
0x34: {  	[smem:$0x3FBB] =	sst s10  }
0x35: {  	s10 =	sld [smem:$0x3FBA];
	_ =	sdelay $0x3  }
0x36: {  	p1 =	seq.s32 s10, $0x1;
	s10 =	sld [smem:$0x3FBB];
	_ =	sdelay $0x3  }
0x37: {  	[smem:$0x3FBB] =	sst s10  }
0x38: {  	s10 =	sld [smem:$0x3FBC]  }
0x39: {  	_ = 	snop;
	(pc) =	sbr.ind lr, $3  }
0x3a: {  	_ = 	snop  }
0x3b: {  	_ = 	snop  }
0x3c: {  	p2 =	seq.s32 s10, $0x1;
	s10 =	sld [smem:$0x3FBB]  }
0x3d: {  	_ =	shalt  }
0x3e: {  	_ =	shalt  }
0x3f: {  	_ =	shalt  }
0x40: {  	_ =	shalt  }
0x41: {  	_ =	shalt  }
0x42: {  	_ =	shalt  }
0x43: {  	_ =	shalt  }
0x44: {  	_ =	shalt  }
0x45: {  	_ =	shalt  }
0x46: {  	_ =	shalt  }
0x47: {  	_ =	shalt  }
0x48: {  	_ =	shalt  }
0x49: {  	_ =	shalt  }
0x4a: {  	_ =	shalt  }
0x4b: {  	_ =	shalt  }
0x4c: {  	_ =	shalt  }
0x4d: {  	_ =	shalt  }
0x4e: {  	_ =	shalt  }
0x4f: {  	_ =	shalt  }
0x50: {  	_ =	shalt  }
0x51: {  	_ =	shalt  }
0x52: {  	_ =	shalt  }
0x53: {  	_ =	shalt  }
0x54: {  	_ =	shalt  }
0x55: {  	_ =	shalt  }
0x56: {  	_ =	shalt  }
0x57: {  	_ =	shalt  }
0x58: {  	_ =	shalt  }
0x59: {  	_ =	shalt  }
0x5a: {  	_ =	shalt  }
0x5b: {  	_ =	shalt  }
0x5c: {  	_ =	shalt  }
0x5d: {  	_ =	shalt  }
0x5e: {  	_ =	shalt  }
0x5f: {  	_ =	shalt  }
0x60: {  	_ =	shalt  }
0x61: {  	_ =	shalt  }
0x62: {  	_ =	shalt  }
0x63: {  	_ =	shalt  }
0x64: {  	_ =	shalt  }
0x65: {  	_ =	shalt  }
0x66: {  	_ =	shalt  }
0x67: {  	_ =	shalt  }
0x68: {  	_ =	shalt  }
0x69: {  	_ =	shalt  }
0x6a: {  	_ =	shalt  }
0x6b: {  	_ =	shalt  }
0x6c: {  	_ =	shalt  }
0x6d: {  	_ =	shalt  }
0x6e: {  	_ =	shalt  }
0x6f: {  	_ =	shalt  }
0x70: {  	_ =	shalt  }
0x71: {  	_ =	shalt  }
0x72: {  	_ =	shalt  }
0x73: {  	_ =	shalt  }
0x74: {  	_ =	shalt  }
0x75: {  	_ =	shalt  }
0x76: {  	_ =	shalt  }
0x77: {  	_ =	shalt  }
0x78: {  	_ =	shalt  }
0x79: {  	_ =	shalt  }
0x7a: {  	_ =	shalt  }
0x7b: {  	_ =	shalt  }
0x7c: {  	_ =	shalt  }
0x7d: {  	_ =	shalt  }
0x7e: {  	_ =	shalt  }
0x7f: {  	_ =	shalt  }
0x80: {  	_ =	shalt  }
0x81: {  	_ =	shalt  }
0x82: {  	_ =	shalt  }
0x83: {  	_ =	shalt  }
0x84: {  	_ =	shalt  }
0x85: {  	_ =	shalt  }
0x86: {  	_ =	shalt  }
0x87: {  	_ =	shalt  }
.Lfunc_end0:
.L_simem_size_0:
called_computation.1_lowered:
.L_overlay_start_0:
0x88: {  	s2 =	sld [smem:$0x3FD9]  }
0x89: {  	s3 =	sld [smem:$0x3FFE];
	_ =	sdelay $0x1  }
0x8a: {  	s1 =	srdreg.scid  }
0x8b: {  	s0 =	sand.u32 $0x1, s1  }
0x8c: {  	s14 =	sshll.u32 s0, $0xA;
	s2 =	sadd.s32 s3, s2  }
0x8d: {  	s2 =	sadd.s32 s2, s14  }
0x8e: {  	[smem:$0x3FC7] =	sst s2  }
0x8f: {  	_ = 	snop  }
0x90: {  	s2 =	sld [smem:$0x3FD0];
	_ =	sdelay $0x2  }
0x91: {  	s15 =	simm.s32 $0xA;
	s4 =	simm.s32 $0x10  }
0x92: {  	[smem:s4], [sflag:s15] =	dma.local [hbm:s2], $0x1  }
0x93: {  	_ =	swait.eq [sflag:s15], $0x1  }
0x94: {  	[sflag:s15] =	ssyncset.done $0x0  }
0x95: {  	[sflag:s15] =	ssyncadd.s32 $0xFFFFFFFF  }
0x96: {  	s16 =	sld [smem:$0x11];
	(tm) =	ssettm $0x1  }
0x97: {  	s17 =	sld [smem:$0x3FFB];
	_ =	sdelay $0x3  }
0x98: {  	_ =	strace s17  }
0x99: {  	s3 =	sld [smem:$0x3FFC];
	_ =	sdelay $0x3  }
0x9a: {  	_ =	strace s3  }
0x9b: {  	s3 =	sld [smem:$0x3FFD];
	_ =	sdelay $0x3  }
0x9c: {  	_ =	strace s3  }
0x9d: {  	_ =	strace $0x8FFFFFFF  }
0x9e: {  	s18 =	sld [smem:$0x3FDB];
	_ =	sdelay $0x1  }
0x9f: {  	s19 =	simm.s32 $_scs_section_size  }
0xa0: {  	s5 =	simm.s32 $_size__tile_overlayer_lowered;
	s6 =	simm.s32 $_tile_overlayer_lowered  }
0xa1: {  	s22 =	simm.s32 $0x1BFF;
	s21 =	sshll.u32 s6, $0x1;
	s3 =	sadd.s32 s19, s18  }
0xa2: {  	s7 =	simm.s32 $0x0;
	s20 =	sshll.u32 s5, $0x1;
	s5 =	sadd.s32 s21, s3  }
0xa3: {  	[timem:s7], [sflag:s22] =	dma.local [hbm:s5], s20  }
0xa4: {  	_ =	swait.ge [sflag:s22], s20  }
0xa5: {  	s4 =	ssub.s32 $0x0, s20;
	[sflag:s22] =	ssyncset.done $0x0  }
0xa6: {  	[sflag:s22] =	ssyncadd.s32 s4;
	_ =	sdelay $0x1  }
0xa7: {  	s23 =	simm.s32 $0x1B8B  }
0xa8: {  	_ =	swait.ge [sflag:s23], $0x1  }
0xa9: {  	[sflag:s23] =	ssyncset.done $0x0  }
0xaa: {  	s25 =	simm.s32 $0x1B8E;
	s24 =	sld [smem:$0x3FFE];
	[sflag:s23] =	ssyncadd.s32 $0xFFFFFFFF  }
0xab: {  	s26 =	simm.s32 $execute0_lowered;
	[smem:$0x3FD2] =	sst s25  }
0xac: {  	s5 =	sshll.u32 s26, $0x1;
	_ =	strace $0x80000049;
	[dreg:$0x1] =	wrdreg $0xFFFFFFFF  }
0xad: {  	s28 =	simm.s32 $_size_execute0_lowered;
	s3 =	sadd.s32 s3, s5;
	[dreg:$0x0] =	wrdreg $0x0  }
0xae: {  	s5 =	sshll.u32 s28, $0x1;
	[dreg:$0x2] =	wrdreg s3  }
0xaf: {  	[dreg:$0x3] =	wrdreg s5  }
0xb0: {  	[dreg:$0x4] =	wrdreg $0xC0  }
0xb1: {  	_ =	task [dreg:s7], $0x5FFFF  }
0xb2: {  	[dreg:$0x1] =	wrdreg $0xFFFFFFFF  }
0xb3: {  	[dreg:$0x0] =	wrdreg $0x60  }
0xb4: {  	[dreg:$0x2] =	wrdreg s24  }
0xb5: {  	[dreg:$0x3] =	wrdreg s16  }
0xb6: {  	[dreg:$0x4] =	wrdreg $0x9  }
0xb7: {  	_ =	task.clear_ibuf [dreg:s7], $0x5FFFF;
	_ =	strace $0x90000049  }
0xb8: {  	s29 =	simm.s32 $0x9;
	_ =	strace $0x8000004B  }
0xb9: {  	_ =	swait.ge [sflag:s29], $0x1  }
0xba: {  	[sflag:s29] =	ssyncadd.s32 $0xFFFFFFFF  }
0xbb: {  	_ =	strace $0x9000004B  }
0xbc: {  	_ =	sfence  }
0xbd: {  	s30 =	sld [smem:$0x0];
	_ =	sdelay $0x2  }
0xbe: {  	s31 =	sshll.u32 s1, $0xD;
	s1 =	sshrl.u32 s1, $0x2  }
0xbf: {  	s3 =	sand.u32 $0x4000, s31;
	s1 =	sadd.s32 s1, s30  }
0xc0: {  	s0 =	sor.u32 s3, s0;
	s1 =	sshll.u32 s1, $0x11  }
0xc1: {  	s0 =	sor.u32 s1, s0  }
0xc2: {  	s0 =	sadd.s32 $0x8F2B, s0  }
0xc3: {  	[sflag:s0] =	ssyncadd.remote.s32 $0x1  }
0xc4: {  	_ =	sfence.sel $0xFFFF  }
0xc5: {  	[dreg:$0x0] =	wrdreg $0xFFFFFFFF;
	(pc) =	sbr.abs _section_cstart, $3  }
0xc6: {  	[dreg:$0x1] =	wrdreg $0xFFFFFFFF  }
0xc7: {  	_ =	task.clear_ibuf [dreg:s7], $0x2FFFF;
	_ =	strace $0x9FFFFFFF  }
0xc8: {  	(tm) =	ssettm $0x7FFFFFFF  }
0xc9: {  	_ =	shalt  }
tec
execute0_lowered:
.L_overlay_start_1:
0x0: {  	(tag) =	ssettag $0x1  }
0x1: {  	v0 =	vlaneseq.u32  }
0x2: {  	v2 =	vimm.s32 $0xEDCBA987;
	v3 =	vimm.f32 $5.000000000e+01;
	v5 =	vimm.s32 $0x0  }
0x3: {  	v6 =	vimm.f32 $0.0e+00;
	v9 =	vimm.s32 $0x54321000;
	v10 =	vimm.s32 $0xDCBA9876  }
0x4: {  	s0 =	rddreg [dreg:$0x0];
	v11 =	vimm.s32 $0xBA987654;
	v12 =	vimm.s32 $0x32100000;
	v13 =	vimm.s32 $0xE40000  }
0x5: {  	s9 =	rddreg [dreg:$0x1];
	s2 =	simm.s32 $0x0;
	s1 =	srdreg.scid;
	v14 =	vimm.s32 $0x7060504;
	vm0 =	vcmask $0x3F04;
	vm3 =	vcmask $0x3F30  }
0x6: {  	s10 =	stileid.u32;
	s20 =	simm.s32 $0x1;
	s21 =	simm.s32 $0x12200;
	vm1 =	vcmask $0x3F08;
	vm2 =	vcmask $0x3F10;
	vm4 =	vcmask $0x3F3C  }
0x7: {  	s22 =	simm.s32 $0x80;
	s23 =	simm.s32 $0x2200;
	[smem:$0x7FF] =	sst s2;
	v1 =	vmul.u32 $0x110, v0;
	v4 =	vunpack.c.l.s4.s8 v2;
	v10 =	vunpack.c.l.s4.s8 v10  }
0x8: {  	s28 =	simm.s32 $0x16200;
	s3 =	sadd.s32 $0x4AA00, s0;
	v11 =	vunpack.c.l.s4.s8 v11;
	v9 =	vunpack.c.l.s4.s8 v9;
	v12 =	vunpack.c.l.s4.s8 v12;
	_ =	strace $0x8000004A  }
0x9: {  	s4 =	sadd.s32 $0x5D000, s0;
	s5 =	sadd.s32 $0x6F600, s0;
	s6 =	sadd.s32 $0x81C00, s0;
	v13 =	vunpack.c.l.s2.s4 v13;
	v14 =	vunpack.c.0.s8.s32 v14;
	(erf) = vrcp.f32 v3  }
0xa: {  	s1 =	sand.u32 $0x1, s1;
	s24 =	sadd.s32 $0x82200, s0;
	s8 =	sshll.u32 s10, $0x4;
	v3 =	vimm.s32 $0x65432100;
	v10 =	vunpack.c.0.s8.s32 v10;
	v11 =	vunpack.c.0.s8.s32 v11  }
0xb: {  	s26 =	sshrl.u32 s10, $0x2;
	s30 =	sadd.s32 $0xA2200, s0;
	s13 =	sadd.s32 $0xC2200, s0;
	v2 =	vor.u32 $0x1, v1;
	v9 =	vunpack.c.0.s8.s32 v9;
	v12 =	vunpack.c.0.s8.s32 v12  }
0xc: {  	s14 =	sadd.s32 $0xE2200, s0;
	s15 =	sadd.s32 $0x800, s9;
	[dreg:$0x3] =	wrdreg s6;
	v13 =	vunpack.c.l.s4.s8 v13;
	v10 =	vand.u32 $0xF, v10;
	v11 =	vand.u32 $0xF, v11  }
0xd: {  	s16 =	sadd.s32 $0x1000, s9;
	s17 =	sadd.s32 $0x1800, s9;
	[dreg:$0x4] =	wrdreg s24;
	v7 =	vunpack.c.l.s4.s8 v3;
	v9 =	vcombine.low v9, v10;
	v10 =	vcombine.low v12, v11  }
0xe: {  	s25 =	ssub.s32 $0x2, s1;
	s1 =	sshll.u32 s1, $0x3;
	s29 =	sshll.u32 s26, $0x13;
	v11 =	vunpack.c.0.s8.s32 v13;
	v12 =	vimm.s32 $0xFFEDCBA9;
	v13 =	vimm.s32 $0x87654321  }
.Ltmp0:
0xf: {  	[dreg:$0x8] =	wrdreg s30;
	s24 =	simm.s32 $0x6200;
	v8 =	vunpack.c.0.s8.s32 v4;
	v12 =	vunpack.c.l.s4.s8 v12;
	v13 =	vunpack.c.l.s4.s8 v13;
	(pc) =	sbr.rel .LBB2_1-.Ltmp0, $4  }
0x10: {  	v4 =	vadd.s32 $0x1101, v1;
	s7 =	sshrl.u32 s25, $0x1;
	s1 =	sor.u32 s1, s8;
	[dreg:$0x6] =	wrdreg s29;
	v3 =	vadd.s32 $0x1100, v1;
	v7 =	vunpack.c.0.s8.s32 v7  }
0x11: {  	s6 =	ssub.s32 s25, s7;
	[dreg:$0x5] =	wrdreg s1;
	s1 =	sshll.u32 s26, $0xD;
	v8 =	vand.u32 $0xF, v8;
	v15 =	vunpack.c.0.s8.s32 v12;
	v13 =	vunpack.c.0.s8.s32 v13  }
0x12: {  	s25 =	simm.s32 $0xA200;
	[dreg:$0x7] =	wrdreg s1;
	s31 =	smax.u32 s6, $0x1;
	v7 =	vcombine.low v7, v8;
	v8 =	vimm.f32 $1.000000000e+01;
	v11 =	vand.u32 $0x3, v11  }
0x13: {  	s26 =	simm.s32 $0xE200;
	s6 =	simm.s32 $0x0;
	[dreg:$0x9] =	wrdreg s31;
	v11 =	vsel vm3, v14, v11;
	vm3 =	vcmask $0x3F20;
	v13 =	vcombine.low v13, v15;
	v12 =	vpop (erf)  }
.LBB2_57:
0x14: {  	s1 =	simm.s32 $0x2  }
0x15: {  	_ =	swait.ge [sflag:s1], $0x4000  }
0x16: {  	[sflag:s1] =	ssyncset.done $0x0  }
0x17: {  	[sflag:s1] =	ssyncadd.s32 $0xFFFFC000  }
0x18: {  	_ =	swait.ge [sflag:s1], $0x4000  }
0x19: {  	[sflag:s1] =	ssyncset.done $0x0  }
0x1a: {  	[sflag:s1] =	ssyncadd.s32 $0xFFFFC000  }
0x1b: {  	_ =	swait.ge [sflag:s1], $0x4000  }
0x1c: {  	[sflag:s1] =	ssyncset.done $0x0  }
0x1d: {  	[sflag:s1] =	ssyncadd.s32 $0xFFFFC000  }
0x1e: {  	_ =	swait.ge [sflag:s1], $0x4000  }
0x1f: {  	[sflag:s1] =	ssyncset.done $0x0  }
0x20: {  	[sflag:s1] =	ssyncadd.s32 $0xFFFFC000  }
0x21: {  	_ =	swait.ge [sflag:s1], $0x100  }
0x22: {  	[sflag:s1] =	ssyncset.done $0x0  }
0x23: {  	[sflag:s1] =	ssyncadd.s32 $0xFFFFFF00  }
0x24: {  	_ =	swait.ge [sflag:s1], $0x100  }
0x25: {  	[sflag:s1] =	ssyncset.done $0x0  }
0x26: {  	[sflag:s1] =	ssyncadd.s32 $0xFFFFFF00  }
0x27: {  	_ =	swait.ge [sflag:s1], $0x100  }
0x28: {  	[sflag:s1] =	ssyncset.done $0x0  }
0x29: {  	[sflag:s1] =	ssyncadd.s32 $0xFFFFFF00  }
0x2a: {  	_ =	swait.ge [sflag:s1], $0x100  }
0x2b: {  	s6 =	rddreg [dreg:$0xa]  }
0x2c: {  	s0 =	rddreg [dreg:$0x9];
	s6 =	sadd.s32 $0x1, s6  }
0x2d: {  	p0 =	sne.s32 s6, s0  }
.Ltmp1:
0x2e: {  	_ = 	snop;
	(pc) =	sbr.rel @!p0 .LBB2_58-.Ltmp1, $3  }
0x2f: {  	_ =	sdelay $0x1  }
0x30: {  	[sflag:s1] =	ssyncset.done $0x0  }
0x31: {  	[sflag:s1] =	ssyncadd.s32 $0xFFFFFF00  }
.LBB2_1:
0x32: {  	[dreg:$0xa] =	wrdreg s6  }
0x33: {  	s0 =	rddreg [dreg:$0x3];
	s31 =	simm.s32 $0x3  }
0x34: {  	[tilespmem:s2], [sflag:$0x3] =	stream.linear.gather [hbm4b:s0+s2], $0x2200, $0x38;
	[tilespmem:$0x18600] =	vst v63  }
0x35: {  	_ =	swait.ge [sflag:s31], $0x2200  }
0x36: {  	[sflag:s31] =	ssyncset.done $0x0  }
0x37: {  	s18 =	simm.s32 $0x0;
	[sflag:s31] =	ssyncadd.s32 $0xFFFFDE00  }
.LBB2_2:
0x38: {  	s0 =	rddreg [dreg:$0x5]  }
0x39: {  	s19 =	sadd.s32 s0, s18  }
0x3a: {  	v14 =	vadd.s32 s19, v1  }
0x3b: {  	v15 =	vadd.s32 s19, v2;
	_ =	sdelay $0x2  }
0x3c: {  	s0 =	simm.s32 $0x0  }
0x3d: {  	v14 =	vld.idx.msk [tilespmem:v14+s0+$0x0], $0xffff  }
0x3e: {  	v15 =	vld.idx.msk [tilespmem:v15+s0+$0x0], $0xffff;
	_ =	sdelay $0x4  }
0x3f: {  	v15 =	vsub.s32 v15, v14  }
0x40: {  	(xrf0) =	vadd.scan.msk.s32 $0xffff, v15  }
0x41: {  	v16 =	vadd.s32 s19, v3  }
0x42: {  	v18 =	vadd.s32 s19, v4  }
.Ltmp2:
0x43: {  	_ = 	snop;
	(pc) =	sbr.rel .LBB2_3-.Ltmp2, $3  }
0x44: {  	_ =	sdelay $0x1  }
0x45: {  	v16 =	vld.idx.msk [tilespmem:v16+s0+$0x0], $0xffff;
	v20, _, _ =	vpop (xrf0)  }
0x46: {  	v18 =	vld.idx.msk [tilespmem:v18+s0+$0x0], $0xffff;
	v17 =	vsub.s32 v20, v15  }
.LBB2_6:
0x47: {  	_ =	sdelay $0x3  }
0x48: {  	v19 =	vadd.s32 v24, v22  }
0x49: {  	[tilespmem:v23+s21+$0x0] =	vst.idx.msk vm5, v19  }
.LBB2_7:
0x4a: {  	s0 =	sadd.s32 $0x1, s0  }
0x4b: {  	p0 =	sne.s32 s0, $0x10  }
.Ltmp3:
0x4c: {  	_ = 	snop;
	(pc) =	sbr.rel @!p0 .LBB2_8-.Ltmp3, $1  }
0x4d: {  	_ =	sdelay $0x3  }
.LBB2_3:
0x4e: {  	v19 =	vmov s0  }
0x4f: {  	vm5 =	veq.s32 v19, v0  }
0x50: {  	v19 =	vnsel vm5, $0x0, v15  }
0x51: {  	(xrf0) =	vadd.scan.msk.s32 $0xffff, v19;
	_ =	sdelay $0x5  }
0x52: {  	v21, _, _ =	vpop (xrf0)  }
0x53: {  	(v2sf) =	vpush v21, $0xF;
	_ =	sdelay $0xe  }
0x54: {  	s1 =	spop (v2sf)  }
0x55: {  	s1 =	sadd.s32 $0xF, s1  }
0x56: {  	s6 =	sand.u32 $0xF, s1  }
0x57: {  	s31 =	sshra.s32 s1, $0x1F;
	p1 =	slt.s32 s1, $0x1;
	p0 =	sne.s32 s6, $0x0  }
0x58: {  	s6 =	sshrl.u32 s31, $0x1C;
	p0 =	por !p1, !p0  }
0x59: {  	s1 =	sadd.s32 s6, s1;
	s6 =	simm.s32 $0x1;
	p0 =	por !p0, !p0  }
0x5a: {  	s1 =	sshra.s32 s1, $0x4;
	s6 =	simm.s32 @!p0 $0x0  }
0x5b: {  	s1 =	ssub.s32 s1, s6  }
0x5c: {  	p0 =	slt.s32 s1, $0x1  }
.Ltmp4:
0x5d: {  	_ = 	snop;
	(pc) =	sbr.rel @p0 .LBB2_7-.Ltmp4, $1  }
0x5e: {  	_ =	sdelay $0x3  }
0x5f: {  	v19 =	vnsel vm5, $0x0, v14  }
0x60: {  	(xrf0) =	vadd.scan.msk.s32 $0xffff, v19;
	_ =	sdelay $0x5  }
0x61: {  	v19, _, _ =	vpop (xrf0)  }
0x62: {  	(v2sf) =	vpush v19, $0xF;
	_ =	sdelay $0x2  }
0x63: {  	v19 =	vnsel vm5, $0x0, v17  }
0x64: {  	(xrf0) =	vadd.scan.msk.s32 $0xffff, v19;
	_ =	sdelay $0x5  }
0x65: {  	v19, _, _ =	vpop (xrf0)  }
0x66: {  	s6 =	simm.s32 $0x0;
	v19 =	vbroadcast v19, $0xF  }
0x67: {  	v21 =	vbroadcast v21, $0xF;
	p0 =	sne.s32 s1, $0x1;
	v22 =	vor.u32 s6, v0  }
.Ltmp5:
0x68: {  	v23 =	vadd.s32 v19, v22;
	(pc) =	sbr.rel @!p0 .LBB2_6-.Ltmp5, $4  }
0x69: {  	s7 =	smul.u32 $0x4940, s0;
	vm5 =	vlt.s32 v22, v21;
	vm6 =	vlt.u32 v23, $0x1000  }
0x6a: {  	vm5 =	vmand vm5, vm6;
	s31 =	spop (v2sf)  }
0x6b: {  	s6 =	sadd.s32 s7, s31  }
0x6c: {  	s1 =	sadd.s32 $0xFFFFFFFF, s1;
	v24 =	vmov s6;
	s6 =	simm.s32 $0x10  }
.LBB2_5:
0x6d: {  	v25 =	vor.u32 s6, v0;
	p0 =	sne.s32 s1, $0x1;
	s1 =	sadd.s32 $0xFFFFFFFF, s1  }
.Ltmp6:
0x6e: {  	v26 =	vadd.s32 v19, v25;
	(pc) =	sbr.rel @p0 .LBB2_5-.Ltmp6, $3  }
0x6f: {  	v27 =	vadd.s32 v24, v22;
	vm6 =	vlt.s32 v25, v21;
	v22 =	vmovc v25;
	vm7 =	vlt.u32 v26, $0x1000  }
0x70: {  	[tilespmem:v23+s21+$0x0] =	vst.idx.msk vm5, v27;
	vm5 =	vmand vm6, vm7;
	v23 =	vmov v26;
	_ =	sdelay $0x1  }
0x71: {  	s6 =	sadd.s32 $0x10, s6  }
.Ltmp7:
0x72: {  	_ = 	snop;
	(pc) =	sbr.rel .LBB2_6-.Ltmp7, $1  }
0x73: {  	_ =	sdelay $0x3  }
.LBB2_8:
0x74: {  	v18 =	vsub.s32 v18, v16  }
0x75: {  	(xrf0) =	vadd.scan.msk.s32 $0xffff, v18;
	_ =	sdelay $0x3  }
.Ltmp8:
0x76: {  	_ = 	snop;
	(pc) =	sbr.rel .LBB2_9-.Ltmp8, $4  }
0x77: {  	_ = 	snop  }
0x78: {  	v19 =	vbroadcast v20, $0xF;
	v21, _, _ =	vpop (xrf0)  }
0x79: {  	v22 =	vsub.s32 v21, v18  }
0x7a: {  	s0 =	simm.s32 $0x0;
	v19 =	vadd.s32 v19, v22  }
.LBB2_12:
0x7b: {  	_ =	sdelay $0x3  }
0x7c: {  	v22 =	vadd.s32 v26, v23  }
0x7d: {  	[tilespmem:v25+s21+$0x0] =	vst.idx.msk vm5, v22  }
.LBB2_13:
0x7e: {  	s0 =	sadd.s32 $0x1, s0  }
0x7f: {  	p0 =	sne.s32 s0, $0x10  }
.Ltmp9:
0x80: {  	_ = 	snop;
	(pc) =	sbr.rel @!p0 .LBB2_14-.Ltmp9, $1  }
0x81: {  	_ =	sdelay $0x3  }
.LBB2_9:
0x82: {  	v22 =	vmov s0  }
0x83: {  	vm5 =	veq.s32 v22, v0  }
0x84: {  	v22 =	vnsel vm5, $0x0, v18  }
0x85: {  	(xrf0) =	vadd.scan.msk.s32 $0xffff, v22;
	_ =	sdelay $0x5  }
0x86: {  	v24, _, _ =	vpop (xrf0)  }
0x87: {  	(v2sf) =	vpush v24, $0xF;
	_ =	sdelay $0xe  }
0x88: {  	s1 =	spop (v2sf)  }
0x89: {  	s1 =	sadd.s32 $0xF, s1  }
0x8a: {  	s6 =	sand.u32 $0xF, s1  }
0x8b: {  	s31 =	sshra.s32 s1, $0x1F;
	p1 =	slt.s32 s1, $0x1;
	p0 =	sne.s32 s6, $0x0  }
0x8c: {  	s6 =	sshrl.u32 s31, $0x1C;
	p0 =	por !p1, !p0  }
0x8d: {  	s1 =	sadd.s32 s6, s1;
	s6 =	simm.s32 $0x1;
	p0 =	por !p0, !p0  }
0x8e: {  	s1 =	sshra.s32 s1, $0x4;
	s6 =	simm.s32 @!p0 $0x0  }
0x8f: {  	s1 =	ssub.s32 s1, s6  }
0x90: {  	p0 =	slt.s32 s1, $0x1  }
.Ltmp10:
0x91: {  	_ = 	snop;
	(pc) =	sbr.rel @p0 .LBB2_13-.Ltmp10, $1  }
0x92: {  	_ =	sdelay $0x3  }
0x93: {  	v22 =	vnsel vm5, $0x0, v16  }
0x94: {  	(xrf0) =	vadd.scan.msk.s32 $0xffff, v22;
	_ =	sdelay $0x5  }
0x95: {  	v22, _, _ =	vpop (xrf0)  }
0x96: {  	(v2sf) =	vpush v22, $0xF;
	_ =	sdelay $0x3  }
0x97: {  	v22 =	vnsel vm5, $0x0, v19  }
0x98: {  	(xrf0) =	vadd.scan.msk.s32 $0xffff, v22;
	_ =	sdelay $0x5  }
0x99: {  	v22, _, _ =	vpop (xrf0)  }
0x9a: {  	s7 =	simm.s32 $0x0;
	v22 =	vbroadcast v22, $0xF  }
0x9b: {  	s6 =	smul.u32 $0x4940, s0;
	v24 =	vbroadcast v24, $0xF;
	p0 =	sne.s32 s1, $0x1;
	v23 =	vor.u32 s7, v0  }
.Ltmp11:
0x9c: {  	v25 =	vadd.s32 v22, v23;
	(pc) =	sbr.rel @!p0 .LBB2_12-.Ltmp11, $4  }
0x9d: {  	vm5 =	vlt.s32 v23, v24;
	vm6 =	vlt.u32 v25, $0x1000;
	s31 =	spop (v2sf)  }
0x9e: {  	vm5 =	vmand vm5, vm6;
	s6 =	sadd.s32 s31, s6  }
0x9f: {  	s6 =	sadd.s32 $0x49400, s6  }
0xa0: {  	s1 =	sadd.s32 $0xFFFFFFFF, s1;
	v26 =	vmov s6;
	s6 =	simm.s32 $0x10  }
.LBB2_11:
0xa1: {  	v27 =	vor.u32 s6, v0;
	p0 =	sne.s32 s1, $0x1;
	s1 =	sadd.s32 $0xFFFFFFFF, s1  }
.Ltmp12:
0xa2: {  	v28 =	vadd.s32 v22, v27;
	(pc) =	sbr.rel @p0 .LBB2_11-.Ltmp12, $3  }
0xa3: {  	v29 =	vadd.s32 v26, v23;
	vm6 =	vlt.s32 v27, v24;
	v23 =	vmovc v27;
	vm7 =	vlt.u32 v28, $0x1000  }
0xa4: {  	[tilespmem:v25+s21+$0x0] =	vst.idx.msk vm5, v29;
	vm5 =	vmand vm6, vm7;
	v25 =	vmov v28;
	_ =	sdelay $0x1  }
0xa5: {  	s6 =	sadd.s32 $0x10, s6  }
.Ltmp13:
0xa6: {  	_ = 	snop;
	(pc) =	sbr.rel .LBB2_12-.Ltmp13, $1  }
0xa7: {  	_ =	sdelay $0x3  }
.LBB2_14:
0xa8: {  	(v2sf) =	vpush v20, $0xF  }
0xa9: {  	(v2sf) =	vpush v21, $0xF;
	_ =	sdelay $0xd  }
0xaa: {  	s0 =	spop (v2sf)  }
0xab: {  	s1 =	spop (v2sf)  }
0xac: {  	s6 =	sadd.s32 s0, s1  }
0xad: {  	p0 =	slt.s32 s6, $0x1000;
	s1 =	smov.u32 s6  }
0xae: {  	s1 =	simm.s32 @!p0 $0x1000  }
0xaf: {  	s31 =	sadd.s32 $0x7F, s1  }
0xb0: {  	s7 =	sand.u32 $0x7F, s31  }
0xb1: {  	p6 =	slt.s32 s6, $0xFFFFFF82;
	s8 =	sshra.s32 s31, $0x1F;
	p1 =	sne.s32 s7, $0x0  }
0xb2: {  	s9 =	sshrl.u32 s8, $0x19;
	p0 =	por !p6, !p1  }
0xb3: {  	s7 =	simm.s32 $0x1;
	s0 =	sadd.s32 s9, s31;
	p0 =	por !p0, !p0  }
0xb4: {  	s0 =	sshra.s32 s0, $0x7;
	s7 =	simm.s32 @!p0 $0x0  }
0xb5: {  	s7 =	ssub.s32 s0, s7  }
0xb6: {  	v20 =	vadd.s32 s1, v0;
	s10 =	sadd.s32 $0x10, s1;
	s8 =	sshll.u32 s7, $0x7  }
0xb7: {  	s11 =	sadd.s32 $0x20, s1;
	v63 =	vadd.s32 s10, v0;
	vm5 =	vlt.s32 v20, s8  }
0xb8: {  	s12 =	sadd.s32 $0x30, s1;
	v22 =	vadd.s32 s11, v0;
	vm6 =	vlt.s32 v63, s8  }
0xb9: {  	s29 =	sadd.s32 $0x40, s1;
	v23 =	vadd.s32 s12, v0;
	vm7 =	vlt.s32 v22, s8  }
0xba: {  	s30 =	sadd.s32 $0x50, s1;
	v24 =	vadd.s32 s29, v0;
	vm8 =	vlt.s32 v23, s8  }
0xbb: {  	v25 =	vadd.s32 s30, v0;
	s9 =	sadd.s32 $0x60, s1;
	vm9 =	vlt.s32 v24, s8  }
0xbc: {  	s31 =	sadd.s32 $0x70, s1;
	v26 =	vadd.s32 s9, v0;
	s0 =	simm.s32 $0x12200;
	vm10 =	vlt.s32 v25, s8  }
0xbd: {  	[tilespmem:v20+s0+$0x0] =	vst.idx.msk vm5, v5;
	vm5 =	vlt.s32 v26, s8;
	v20 =	vadd.s32 s31, v0  }
0xbe: {  	[tilespmem:v63+s0+$0x0] =	vst.idx.msk vm6, v5;
	vm6 =	vlt.s32 v20, s8  }
0xbf: {  	p0 =	slt.s32 s7, $0x1;
	[tilespmem:v22+s0+$0x0] =	vst.idx.msk vm7, v5  }
.Ltmp14:
0xc0: {  	[tilespmem:v23+s0+$0x0] =	vst.idx.msk vm8, v5;
	(pc) =	sbr.rel @p0 .LBB2_18-.Ltmp14, $4  }
0xc1: {  	[tilespmem:v24+s0+$0x0] =	vst.idx.msk vm9, v5  }
0xc2: {  	[tilespmem:v25+s0+$0x0] =	vst.idx.msk vm10, v5  }
0xc3: {  	[tilespmem:v26+s0+$0x0] =	vst.idx.msk vm5, v5  }
0xc4: {  	[tilespmem:v20+s0+$0x0] =	vst.idx.msk vm6, v5  }
0xc5: {  	p0 =	sne.s32 s7, $0x1  }
.Ltmp15:
0xc6: {  	s8 =	simm.s32 $0x13200;
	s31 =	simm.s32 $0x14200;
	(pc) =	sbr.rel @!p0 .LBB2_17-.Ltmp15, $4  }
0xc7: {  	s9 =	simm.s32 $0x15200;
	s29 =	sadd.s32 $0xFFFFFFFF, s7;
	s30 =	simm.s32 $0x15280  }
0xc8: {  	[tilespmem:s8], [sflag:$0x1] =	stream.indirect.gather [hbm4b:s3+s22], $0x1, s0, s22, $0xb8;
	[tilespmem:$0x18600] =	vst v63  }
0xc9: {  	s10 =	simm.s32 $0x12280;
	s11 =	simm.s32 $0x14280;
	s8 =	simm.s32 $0x13280  }
0xca: {  	[tilespmem:s31], [sflag:$0x1] =	stream.indirect.gather [hbm4b:s4+s22], $0x1, s0, s22, $0xb8;
	[tilespmem:$0x18600] =	vst v63  }
.LBB2_16:
0xcb: {  	[tilespmem:s9], [sflag:$0x1] =	stream.indirect.gather [hbm4b:s5+s22], $0x1, s0, s22, $0xb8;
	[tilespmem:$0x18600] =	vst v63  }
0xcc: {  	p0 =	sne.s32 s29, $0x1  }
.Ltmp16:
0xcd: {  	s29 =	sadd.s32 $0xFFFFFFFF, s29;
	(pc) =	sbr.rel @p0 .LBB2_16-.Ltmp16, $4  }
0xce: {  	[tilespmem:s8], [sflag:$0x1] =	stream.indirect.gather [hbm4b:s3+s22], $0x1, s10, s22, $0xb8;
	[tilespmem:$0x18600] =	vst v63  }
0xcf: {  	s9 =	smov.u32 s30;
	s30 =	sadd.s32 $0x80, s30;
	s0 =	smov.u32 s10  }
0xd0: {  	[tilespmem:s11], [sflag:$0x1] =	stream.indirect.gather [hbm4b:s4+s22], $0x1, s10, s22, $0xb8;
	[tilespmem:$0x18600] =	vst v63  }
0xd1: {  	s8 =	sadd.s32 $0x80, s8;
	s10 =	sadd.s32 $0x80, s10;
	s11 =	sadd.s32 $0x80, s11  }
.LBB2_17:
0xd2: {  	[tilespmem:s9], [sflag:$0x1] =	stream.indirect.gather [hbm4b:s5+s22], $0x1, s0, s22, $0xb8;
	[tilespmem:$0x18600] =	vst v63  }
.LBB2_18:
0xd3: {  	p0 =	sne.s32 s18, $0x0  }
0xd4: {  	s0 =	simm.s32 @p0 $0x2  }
0xd5: {  	_ =	swait.ge @p0 [sflag:s0], $0x4000  }
0xd6: {  	[sflag:s0] =	ssyncset.done @p0 $0x0  }
0xd7: {  	[sflag:s0] =	ssyncadd.s32 @p0 $0xFFFFC000  }
0xd8: {  	_ =	swait.ge @p0 [sflag:s0], $0x4000  }
0xd9: {  	[sflag:s0] =	ssyncset.done @p0 $0x0  }
0xda: {  	[sflag:s0] =	ssyncadd.s32 @p0 $0xFFFFC000  }
0xdb: {  	_ =	swait.ge @p0 [sflag:s0], $0x4000  }
0xdc: {  	[sflag:s0] =	ssyncset.done @p0 $0x0  }
0xdd: {  	[sflag:s0] =	ssyncadd.s32 @p0 $0xFFFFC000  }
0xde: {  	_ =	swait.ge @p0 [sflag:s0], $0x4000  }
0xdf: {  	[sflag:s0] =	ssyncset.done @p0 $0x0  }
0xe0: {  	[sflag:s0] =	ssyncadd.s32 @p0 $0xFFFFC000  }
0xe1: {  	_ =	swait.ge @p0 [sflag:s0], $0x100  }
0xe2: {  	[sflag:s0] =	ssyncset.done @p0 $0x0  }
0xe3: {  	[sflag:s0] =	ssyncadd.s32 @p0 $0xFFFFFF00  }
0xe4: {  	_ =	swait.ge @p0 [sflag:s0], $0x100  }
0xe5: {  	[sflag:s0] =	ssyncset.done @p0 $0x0  }
0xe6: {  	[sflag:s0] =	ssyncadd.s32 @p0 $0xFFFFFF00  }
0xe7: {  	_ =	swait.ge @p0 [sflag:s0], $0x100  }
0xe8: {  	[sflag:s0] =	ssyncset.done @p0 $0x0  }
0xe9: {  	[sflag:s0] =	ssyncadd.s32 @p0 $0xFFFFFF00  }
0xea: {  	_ =	swait.ge @p0 [sflag:s0], $0x100  }
0xeb: {  	[sflag:s0] =	ssyncset.done @p0 $0x0  }
0xec: {  	v20 =	vmov s1;
	s8 =	simm.s32 $0x40;
	[sflag:s0] =	ssyncadd.s32 @p0 $0xFFFFFF00;
	s0 =	simm.s32 $0x0  }
.LBB2_19:
0xed: {  	p0 =	seq.s32 s8, $0xFFC0;
	[tilespmem:s0+$0xE200] =	vst v8;
	s9 =	smov.u32 s8;
	s8 =	sadd.s32 $0x40, s8  }
.Ltmp17:
0xee: {  	[tilespmem:s0+$0xA200] =	vst v6;
	(pc) =	sbr.rel @!p0 .LBB2_19-.Ltmp17, $3  }
0xef: {  	[tilespmem:s0+$0x2200] =	vst v6  }
0xf0: {  	[tilespmem:s0+$0x6200] =	vst v6;
	_ =	sdelay $0x1  }
0xf1: {  	s0 =	sshra.s32 s9, $0x2  }
0xf2: {  	p0 =	sgt.s32 s7, $0x0  }
.Ltmp18:
0xf3: {  	_ = 	snop;
	(pc) =	sbr.rel @!p0 .LBB2_24-.Ltmp18, $4  }
0xf4: {  	[tilespmem:s0+$0xE200] =	vst v8  }
0xf5: {  	[tilespmem:s0+$0xA200] =	vst v6  }
0xf6: {  	[tilespmem:s0+$0x2200] =	vst v6  }
0xf7: {  	[tilespmem:s0+$0x6200] =	vst v6  }
0xf8: {  	_ =	swait.ge [sflag:s20], $0x80  }
0xf9: {  	[sflag:s20] =	ssyncset.done $0x0  }
0xfa: {  	p0 =	sne.s32 s7, $0x1;
	[sflag:s20] =	ssyncadd.s32 $0xFFFFFF80  }
.Ltmp19:
0xfb: {  	_ =	swait.ge [sflag:s20], $0x80;
	(pc) =	sbr.rel @!p0 .LBB2_23-.Ltmp19, $4  }
0xfc: {  	[sflag:s20] =	ssyncset.done $0x0  }
0xfd: {  	[sflag:s20] =	ssyncadd.s32 $0xFFFFFF80  }
0xfe: {  	_ =	swait.ge [sflag:s20], $0x80  }
0xff: {  	s0 =	sadd.s32 $0xFFFFFFFF, s7;
	[sflag:s20] =	ssyncset.done $0x0  }
.LBB2_22:
0x100: {  	p0 =	sne.s32 s0, $0x1;
	s0 =	sadd.s32 $0xFFFFFFFF, s0;
	[sflag:s20] =	ssyncadd.s32 $0xFFFFFF80  }
0x101: {  	_ =	swait.ge [sflag:s20], $0x80  }
0x102: {  	[sflag:s20] =	ssyncset.done $0x0  }
0x103: {  	[sflag:s20] =	ssyncadd.s32 $0xFFFFFF80  }
.Ltmp20:
0x104: {  	_ =	swait.ge [sflag:s20], $0x80;
	(pc) =	sbr.rel @p0 .LBB2_22-.Ltmp20, $4  }
0x105: {  	[sflag:s20] =	ssyncset.done $0x0  }
0x106: {  	[sflag:s20] =	ssyncadd.s32 $0xFFFFFF80  }
0x107: {  	_ =	swait.ge [sflag:s20], $0x80  }
0x108: {  	[sflag:s20] =	ssyncset.done $0x0  }
.LBB2_23:
0x109: {  	[sflag:s20] =	ssyncadd.s32 $0xFFFFFF80  }
.LBB2_24:
0x10a: {  	s0 =	sadd.s32 $0xF, s1  }
0x10b: {  	s1 =	sand.u32 $0xF, s0  }
0x10c: {  	p0 =	slt.s32 s6, $0xFFFFFFF2;
	s7 =	sshra.s32 s0, $0x1F;
	p1 =	sne.s32 s1, $0x0  }
0x10d: {  	s31 =	sshrl.u32 s7, $0x1C;
	p0 =	por !p0, !p1  }
0x10e: {  	s1 =	simm.s32 $0x1;
	s0 =	sadd.s32 s31, s0;
	p0 =	por !p0, !p0  }
0x10f: {  	s0 =	sshra.s32 s0, $0x4;
	s1 =	simm.s32 @!p0 $0x0  }
0x110: {  	s0 =	ssub.s32 s0, s1  }
0x111: {  	p0 =	sgt.s32 s0, $0x0  }
.Ltmp21:
0x112: {  	_ = 	snop;
	(pc) =	sbr.rel @!p0 .LBB2_28-.Ltmp21, $1  }
0x113: {  	_ =	sdelay $0x3  }
0x114: {  	s1 =	simm.s32 $0x13200  }
0x115: {  	v21 =	vld [tilespmem:s1+$0x0];
	_ =	sdelay $0x1  }
0x116: {  	s8 =	simm.s32 $0x0  }
0x117: {  	v22 =	vor.u32 s8, v0  }
0x118: {  	vm5 =	vlt.s32 v22, v20  }
0x119: {  	v22 =	vnsel vm5, $0x3FFF, v21  }
0x11a: {  	v21 =	vxor.u32 $0x80000000, v22  }
0x11b: {  	(xrf1) =	vsort.ascd.msk.u32 $0xffff, v21, v0;
	_ =	sdelay $0x7  }
0x11c: {  	s29 =	simm.s32 $0x15200  }
0x11d: {  	s7 =	simm.s32 $0x14200;
	v21 =	vld [tilespmem:s29+$0x0]  }
0x11e: {  	v23 =	vld [tilespmem:s7+$0x0];
	_ =	sdelay $0x3  }
0x11f: {  	v24 =	vnsel vm5, $0xFF800000, v21;
	v21, v25, _ =	vpop (xrf1)  }
0x120: {  	v26 =	vnsel vm5, $0x7F800000, v23;
	v21 =	vxor.u32 $0x80000000, v21;
	v24 =	vperm.xlane v24, v25  }
0x121: {  	v25 =	vperm.xlane v26, v25;
	v49 =	vperm.xlane v21, v7  }
0x122: {  	v27 =	vperm.xlane v24, v7  }
0x123: {  	v28 =	vperm.xlane v25, v7;
	vm6 =	veq.s32 v21, v49  }
0x124: {  	vm6 =	vmand vm6, vm0;
	v50 =	vmax.f32 v24, v27  }
0x125: {  	v51 =	vperm.xlane v21, v9;
	v28 =	vmin.f32 v25, v28;
	v24 =	vsel vm6, v50, v24  }
0x126: {  	v25 =	vsel vm6, v28, v25;
	v53 =	vperm.xlane v24, v9  }
0x127: {  	v56 =	vsel vm5, $0x3F800000, v6;
	vm6 =	veq.s32 v21, v51;
	v54 =	vperm.xlane v25, v9  }
0x128: {  	v23 =	vnsel vm5, $0x0, v23;
	[tilespmem:v22+s23+$0x0] =	vst.idx.add.f32.msk $0xffff, v56;
	vm6 =	vmand vm6, vm1;
	v55 =	vmax.f32 v24, v53  }
0x129: {  	v52 =	vperm.xlane v21, v10;
	v27 =	vmin.f32 v25, v54;
	v24 =	vsel vm6, v55, v24  }
0x12a: {  	v57 =	vperm.xlane v21, v13;
	v25 =	vsel vm6, v27, v25;
	v58 =	vperm.xlane v24, v10  }
0x12b: {  	v29 =	vperm.xlane v21, v11;
	vm7 =	veq.s32 v21, v52;
	v59 =	vperm.xlane v25, v10  }
0x12c: {  	[tilespmem:v22+s24+$0x0] =	vst.idx.add.f32.msk $0xffff, v23;
	vm5 =	vne.s32 v21, v57;
	vm6 =	vmand vm7, vm2;
	v22 =	vmax.f32 v24, v58  }
0x12d: {  	vm5 =	vmor vm5, vm4;
	v60 =	vld.idx.msk [tilespmem:v21+s25+$0x0], $0xffff;
	v23 =	vmin.f32 v25, v59;
	v22 =	vsel vm6, v22, v24  }
0x12e: {  	p0 =	seq.s32 s0, $0x1;
	v61 =	vld.idx.msk [tilespmem:v21+s26+$0x0], $0xffff;
	v23 =	vsel vm6, v23, v25;
	v62 =	vperm.xlane v22, v11  }
.Ltmp22:
0x12f: {  	vm6 =	veq.s32 v21, v29;
	v63 =	vperm.xlane v23, v11;
	(pc) =	sbr.rel @p0 .LBB2_27-.Ltmp22, $4  }
0x130: {  	vm6 =	vmand vm6, vm3;
	v25 =	vmax.f32 v22, v62  }
0x131: {  	v27 =	vmin.f32 v23, v63;
	v22 =	vsel vm6, v25, v22  }
0x132: {  	v23 =	vsel vm6, v27, v23;
	v22 =	vmax.f32 v60, v22  }
0x133: {  	s30 =	sadd.s32 $0xFFFFFFFF, s0;
	s31 =	simm.s32 $0x10;
	[tilespmem:v21+s25+$0x0] =	vst.idx.msk vm5, v22;
	v22 =	vmin.f32 v61, v23  }
.LBB2_26:
0x134: {  	[tilespmem:v21+s26+$0x0] =	vst.idx.msk vm5, v22;
	s1 =	sadd.s32 $0x10, s1;
	s7 =	sadd.s32 $0x10, s7;
	s29 =	sadd.s32 $0x10, s29  }
0x135: {  	p0 =	seq.s32 s30, $0x1;
	s30 =	sadd.s32 $0xFFFFFFFF, s30;
	v21 =	vld [tilespmem:s1+$0x0];
	_ =	sdelay $0x2  }
0x136: {  	v22 =	vor.u32 s31, v0  }
0x137: {  	vm5 =	vlt.s32 v22, v20  }
0x138: {  	v22 =	vnsel vm5, $0x3FFF, v21  }
0x139: {  	v21 =	vxor.u32 $0x80000000, v22  }
0x13a: {  	(xrf1) =	vsort.ascd.msk.u32 $0xffff, v21, v0;
	_ =	sdelay $0x7  }
0x13b: {  	v21 =	vld [tilespmem:s29+$0x0]  }
0x13c: {  	v23 =	vld [tilespmem:s7+$0x0];
	_ =	sdelay $0x3  }
0x13d: {  	v24 =	vnsel vm5, $0xFF800000, v21  }
0x13e: {  	v25 =	vnsel vm5, $0x7F800000, v23;
	v23 =	vnsel vm5, $0x0, v23;
	v21, v26, _ =	vpop (xrf1)  }
0x13f: {  	v21 =	vxor.u32 $0x80000000, v21;
	v25 =	vperm.xlane v25, v26;
	v24 =	vperm.xlane v24, v26  }
0x140: {  	v26 =	vperm.xlane v21, v7;
	v27 =	vperm.xlane v21, v9  }
0x141: {  	v28 =	vperm.xlane v25, v7;
	v29 =	vperm.xlane v24, v7  }
0x142: {  	vm6 =	veq.s32 v21, v26;
	vm7 =	veq.s32 v21, v27;
	v26 =	vperm.xlane v21, v10  }
0x143: {  	vm6 =	vmand vm6, vm0;
	v27 =	vmin.f32 v25, v28;
	v28 =	vmax.f32 v24, v29  }
0x144: {  	v25 =	vsel vm6, v27, v25;
	v24 =	vsel vm6, v28, v24;
	vm6 =	veq.s32 v21, v26  }
0x145: {  	v26 =	vperm.xlane v25, v9;
	v27 =	vperm.xlane v24, v9  }
0x146: {  	v30 =	vperm.xlane v21, v13;
	v29 =	vperm.xlane v21, v11;
	v28 =	vsel vm5, $0x3F800000, v6  }
0x147: {  	vm5 =	vmand vm7, vm1;
	[tilespmem:v22+s23+$0x0] =	vst.idx.add.f32.msk $0xffff, v28;
	v26 =	vmin.f32 v25, v26;
	v27 =	vmax.f32 v24, v27  }
0x148: {  	v25 =	vsel vm5, v26, v25;
	v24 =	vsel vm5, v27, v24;
	vm5 =	vne.s32 v21, v30  }
0x149: {  	vm7 =	veq.s32 v21, v29;
	v26 =	vperm.xlane v25, v10;
	v27 =	vperm.xlane v24, v10  }
0x14a: {  	[tilespmem:v22+s24+$0x0] =	vst.idx.add.f32.msk $0xffff, v23  }
0x14b: {  	vm6 =	vmand vm6, vm2;
	v22 =	vmin.f32 v25, v26;
	v23 =	vmax.f32 v24, v27;
	v26 =	vld.idx.msk [tilespmem:v21+s25+$0x0], $0xffff  }
0x14c: {  	vm5 =	vmor vm5, vm4;
	v22 =	vsel vm6, v22, v25;
	v23 =	vsel vm6, v23, v24;
	v24 =	vld.idx.msk [tilespmem:v21+s26+$0x0], $0xffff  }
0x14d: {  	v25 =	vperm.xlane v22, v11;
	v27 =	vperm.xlane v23, v11  }
.Ltmp23:
0x14e: {  	(pc) =	sbr.rel @!p0 .LBB2_26-.Ltmp23, $4  }
0x14f: {  	vm6 =	vmand vm7, vm3;
	v25 =	vmin.f32 v22, v25;
	v27 =	vmax.f32 v23, v27  }
0x150: {  	v22 =	vsel vm6, v25, v22;
	v23 =	vsel vm6, v27, v23  }
0x151: {  	v23 =	vmax.f32 v26, v23  }
0x152: {  	s31 =	sadd.s32 $0x10, s31;
	v22 =	vmin.f32 v24, v22;
	[tilespmem:v21+s25+$0x0] =	vst.idx.msk vm5, v23  }
.LBB2_27:
0x153: {  	_ =	sdelay $0x4  }
0x154: {  	[tilespmem:v21+s26+$0x0] =	vst.idx.msk vm5, v22  }
.LBB2_28:
0x155: {  	p0 =	sgt.s32 s6, $0x1000  }
.Ltmp24:
0x156: {  	_ = 	snop;
	(pc) =	sbr.rel @p0 .LBB2_29-.Ltmp24, $2  }
0x157: {  	_ =	sdelay $0x2  }
0x158: {  	s7 =	simm.s32 $0x1000  }
.LBB2_52:
0x159: {  	s6 =	simm.s32 $0xFFFFFC00  }
0x15a: {  	v14 =	vld [tilespmem:s6+$0x2600]  }
0x15b: {  	v15 =	vld [tilespmem:s6+$0x2A00]  }
0x15c: {  	v18 =	vld [tilespmem:s6+$0x2E00]  }
0x15d: {  	v20 =	vld [tilespmem:s6+$0x3200]  }
0x15e: {  	v21 =	vld [tilespmem:s6+$0x3600]  }
0x15f: {  	v22 =	vld [tilespmem:s6+$0x3A00];
	vm5 =	veq.f32 v14, $0.0e+00  }
0x160: {  	v28 =	vsel vm5, $0x3F800000, v14;
	v14 =	vld [tilespmem:s6+$0x3E00];
	vm5 =	veq.f32 v15, $0.0e+00  }
0x161: {  	v24 =	vld [tilespmem:s6+$0x4200];
	v31 =	vsel vm5, $0x3F800000, v15;
	vm5 =	veq.f32 v18, $0.0e+00  }
0x162: {  	v15 =	vld [tilespmem:s6+$0x4600];
	v35 =	vsel vm5, $0x3F800000, v18;
	vm5 =	veq.f32 v20, $0.0e+00  }
0x163: {  	v18 =	vld [tilespmem:s6+$0x4A00];
	v36 =	vsel vm5, $0x3F800000, v20;
	vm5 =	veq.f32 v21, $0.0e+00  }
0x164: {  	v26 =	vld [tilespmem:s6+$0x4E00];
	v37 =	vsel vm5, $0x3F800000, v21;
	vm5 =	veq.f32 v22, $0.0e+00  }
0x165: {  	v27 =	vld [tilespmem:s6+$0x5200];
	v38 =	vsel vm5, $0x3F800000, v22;
	vm5 =	veq.f32 v14, $0.0e+00  }
0x166: {  	v29 =	vld [tilespmem:s6+$0x5600];
	v39 =	vsel vm5, $0x3F800000, v14;
	vm5 =	veq.f32 v24, $0.0e+00  }
0x167: {  	v30 =	vld [tilespmem:s6+$0x5A00];
	v40 =	vsel vm5, $0x3F800000, v24;
	vm5 =	veq.f32 v15, $0.0e+00  }
0x168: {  	v32 =	vld [tilespmem:s6+$0x5E00];
	v41 =	vsel vm5, $0x3F800000, v15;
	vm5 =	veq.f32 v18, $0.0e+00  }
0x169: {  	v34 =	vld [tilespmem:s6+$0x6200];
	v42 =	vsel vm5, $0x3F800000, v18;
	vm5 =	veq.f32 v26, $0.0e+00  }
0x16a: {  	v44 =	vsel vm5, $0x3F800000, v26;
	vm5 =	veq.f32 v27, $0.0e+00  }
0x16b: {  	v46 =	vsel vm5, $0x3F800000, v27;
	vm5 =	veq.f32 v29, $0.0e+00  }
0x16c: {  	v48 =	vsel vm5, $0x3F800000, v29;
	vm5 =	veq.f32 v30, $0.0e+00  }
0x16d: {  	v50 =	vsel vm5, $0x3F800000, v30;
	vm5 =	veq.f32 v32, $0.0e+00  }
0x16e: {  	v32 =	vsel vm5, $0x3F800000, v32;
	vm5 =	veq.f32 v34, $0.0e+00  }
0x16f: {  	v34 =	vsel vm5, $0x3F800000, v34;
	(erf) = vrcp.f32 v32  }
0x170: {  	(erf) = vrcp.f32 v34  }
0x171: {  	v60 =	vld [tilespmem:s6+$0x9E00];
	(erf) = vrcp.f32 v50  }
0x172: {  	v54 =	vld [tilespmem:s6+$0xA200];
	(erf) = vrcp.f32 v48  }
0x173: {  	v61 =	vld [tilespmem:s6+$0x9A00];
	v16 =	vmul.f32 v28, v12  }
0x174: {  	v55 =	vld [tilespmem:s6+$0x9600];
	v17 =	vmul.f32 v31, v12;
	(erf) = vrcp.f32 v46  }
0x175: {  	v57 =	vld [tilespmem:s6+$0x8E00];
	v19 =	vmul.f32 v35, v12  }
0x176: {  	v58 =	vld [tilespmem:s6+$0x8600];
	[tilespmem:s6+$0x2600] =	vst v16;
	v20 =	vmul.f32 v36, v12;
	v16 =	vmax.f32 v16, v17  }
0x177: {  	v21 =	vmul.f32 v37, v12;
	v16 =	vmax.f32 v16, v19;
	v14 =	vld [tilespmem:s6+$0xA600]  }
0x178: {  	[tilespmem:s6+$0x3200] =	vst v20;
	v22 =	vmul.f32 v38, v12;
	v16 =	vmax.f32 v16, v20;
	v20 =	vld [tilespmem:s6+$0x11200];
	v56 =	vpop (erf);
	(erf) = vrcp.f32 v44  }
0x179: {  	v23 =	vmul.f32 v39, v12;
	v24 =	vld [tilespmem:s6+$0xEA00];
	v62 =	vpop (erf);
	(erf) = vrcp.f32 v42  }
0x17a: {  	v16 =	vmax.f32 v16, v21;
	v15 =	vld [tilespmem:s6+$0xE600];
	v45 =	vmul.f32 v44, v12;
	v63 =	vpop (erf);
	(erf) = vrcp.f32 v41  }
0x17b: {  	[tilespmem:s6+$0x3A00] =	vst v22;
	v16 =	vmax.f32 v16, v22;
	v22 =	vld [tilespmem:s6+$0xB600];
	v44 =	vmul.f32 v56, v60;
	v60 =	vpop (erf);
	(erf) = vrcp.f32 v40  }
0x17c: {  	v33 =	vmul.f32 v41, v12;
	v18 =	vld [tilespmem:s6+$0xAA00];
	(erf) = vrcp.f32 v39  }
0x17d: {  	[tilespmem:s6+$0x3E00] =	vst v23;
	v16 =	vmax.f32 v16, v23;
	v23 =	vld [tilespmem:s6+$0xF600];
	v41 =	vmul.f32 v63, v61;
	v61 =	vpop (erf);
	(erf) = vrcp.f32 v38  }
0x17e: {  	v26 =	vld [tilespmem:s6+$0xC600]  }
0x17f: {  	[tilespmem:s6+$0x2A00] =	vst v17;
	v25 =	vmul.f32 v40, v12;
	v27 =	vld [tilespmem:s6+$0x10600]  }
0x180: {  	[tilespmem:s6+$0x2E00] =	vst v19;
	v43 =	vmul.f32 v42, v12;
	v47 =	vmul.f32 v46, v12;
	v46 =	vld [tilespmem:s6+$0x9200]  }
0x181: {  	[tilespmem:s6+$0x3600] =	vst v21;
	v29 =	vld [tilespmem:s6+$0xCA00];
	v49 =	vmul.f32 v48, v12;
	v42 =	vmul.f32 v62, v54;
	v62 =	vpop (erf)  }
0x182: {  	[tilespmem:s6+$0x4200] =	vst v25;
	v30 =	vld [tilespmem:s6+$0x10A00];
	v51 =	vmul.f32 v50, v12;
	(erf) = vrcp.f32 v37;
	v63 =	vpop (erf)  }
0x183: {  	v16 =	vmax.f32 v16, v25;
	[tilespmem:s6+$0x4600] =	vst v33;
	v52 =	vmul.f32 v32, v12;
	v50 =	vld [tilespmem:s6+$0x8A00];
	(erf) = vrcp.f32 v36;
	v59 =	vpop (erf)  }
0x184: {  	[tilespmem:s6+$0x16600] =	vst v16;
	v32 =	vld [tilespmem:s6+$0xAE00];
	v40 =	vmul.f32 v60, v55;
	(erf) = vrcp.f32 v35;
	v60 =	vpop (erf)  }
0x185: {  	[tilespmem:s6+$0x4A00] =	vst v43;
	v48 =	vld [tilespmem:s6+$0x7A00];
	v39 =	vmul.f32 v61, v46;
	(erf) = vrcp.f32 v31;
	v61 =	vpop (erf)  }
0x186: {  	[tilespmem:s6+$0x4E00] =	vst v45;
	v54 =	vld [tilespmem:s6+$0x7E00];
	v38 =	vmul.f32 v62, v57;
	v62 =	vpop (erf);
	(erf) = vrcp.f32 v28  }
0x187: {  	[tilespmem:s6+$0x5200] =	vst v47;
	v56 =	vld [tilespmem:s6+$0x8200]  }
0x188: {  	[tilespmem:s6+$0x5600] =	vst v49;
	v46 =	vld [tilespmem:s6+$0x7600];
	v37 =	vmul.f32 v63, v50;
	v36 =	vmul.f32 v59, v58  }
0x189: {  	[tilespmem:s6+$0x5A00] =	vst v51;
	v57 =	vld [tilespmem:s6+$0x7200]  }
0x18a: {  	v53 =	vmul.f32 v34, v12;
	v50 =	vld [tilespmem:s6+$0x6A00];
	[tilespmem:s6+$0x8600] =	vst v36;
	v36 =	vmax.f32 v36, v37  }
0x18b: {  	[tilespmem:s6+$0x5E00] =	vst v52;
	v31 =	vmul.f32 v61, v54;
	v54 =	vld [tilespmem:s6+$0x6600];
	v17 =	vmax.f32 v36, v38;
	v63 =	vpop (erf)  }
0x18c: {  	v33 =	vmax.f32 v33, v43;
	[tilespmem:s6+$0x6200] =	vst v53;
	v55 =	vld [tilespmem:s6+$0x6E00];
	v35 =	vmul.f32 v60, v56;
	v17 =	vmax.f32 v17, v39;
	v60 =	vpop (erf)  }
0x18d: {  	v21 =	vmax.f32 v33, v45;
	v34 =	vld [tilespmem:s6+$0xEE00];
	[tilespmem:s6+$0x9E00] =	vst v44;
	v17 =	vmax.f32 v17, v40;
	v61 =	vpop (erf)  }
0x18e: {  	v21 =	vmax.f32 v21, v47;
	[tilespmem:s6+$0xA200] =	vst v42;
	v59 =	vld [tilespmem:s6+$0xB200];
	v17 =	vmax.f32 v17, v41;
	v57 =	vmul.f32 v60, v57;
	v60 =	vpop (erf)  }
0x18f: {  	[tilespmem:s6+$0x9A00] =	vst v41;
	v58 =	vld [tilespmem:s6+$0xF200];
	v28 =	vmul.f32 v62, v48;
	v46 =	vmul.f32 v63, v46;
	v17 =	vmax.f32 v17, v44;
	v63 =	vpop (erf)  }
0x190: {  	[tilespmem:s6+$0x9600] =	vst v40;
	v56 =	vld [tilespmem:s6+$0x10E00];
	v17 =	vmax.f32 v17, v42;
	v62 =	vmul.f32 v60, v50;
	v19 =	vmul.f32 v63, v54  }
0x191: {  	v21 =	vmax.f32 v21, v49;
	v48 =	vld [tilespmem:s6+$0xCE00];
	v55 =	vmul.f32 v61, v55;
	[tilespmem:s6+$0x17A00] =	vst v17  }
0x192: {  	v17 =	vmax.f32 v21, v51;
	v21 =	vld [tilespmem:s6+$0x11600];
	[tilespmem:s6+$0x6600] =	vst v19;
	v19 =	vmax.f32 v19, v62  }
0x193: {  	[tilespmem:s6+$0x9200] =	vst v39;
	v61 =	vld [tilespmem:s6+$0xBE00];
	v16 =	vmax.f32 v17, v52;
	v17 =	vmax.f32 v19, v55  }
0x194: {  	[tilespmem:s6+$0x8E00] =	vst v38;
	v50 =	vld [tilespmem:s6+$0xD200];
	v17 =	vmax.f32 v17, v57  }
0x195: {  	[tilespmem:s6+$0x8A00] =	vst v37;
	v60 =	vld [tilespmem:s6+$0x11A00];
	v16 =	vmax.f32 v16, v53;
	v17 =	vmax.f32 v17, v46  }
0x196: {  	[tilespmem:s6+$0x16A00] =	vst v16;
	v19 =	vld [tilespmem:s6+$0xD600];
	v16 =	vmax.f32 v17, v28  }
0x197: {  	v15 =	vmax.f32 v15, v24;
	[tilespmem:s6+$0x6E00] =	vst v55;
	v55 =	vld [tilespmem:s6+$0xBA00];
	v16 =	vmax.f32 v16, v31  }
0x198: {  	v14 =	vmax.f32 v14, v18;
	v18 =	vmax.f32 v27, v30;
	[tilespmem:s6+$0x7200] =	vst v57;
	v17 =	vld [tilespmem:s6+$0xFA00];
	v16 =	vmax.f32 v16, v35  }
0x199: {  	v14 =	vmax.f32 v14, v32;
	v15 =	vmax.f32 v15, v34;
	v57 =	vld [tilespmem:s6+$0xDA00];
	[tilespmem:s6+$0x17600] =	vst v16;
	v16 =	vmax.f32 v26, v29  }
0x19a: {  	v14 =	vmax.f32 v14, v59;
	v18 =	vmax.f32 v18, v56;
	[tilespmem:s6+$0x6A00] =	vst v62;
	v62 =	vmax.f32 v16, v48;
	v16 =	vld [tilespmem:s6+$0xFE00]  }
0x19b: {  	[tilespmem:s6+$0x8200] =	vst v35;
	v18 =	vmax.f32 v18, v20;
	v20 =	vmax.f32 v14, v22;
	v63 =	vmax.f32 v15, v58;
	v15 =	vld [tilespmem:s6+$0xDE00]  }
0x19c: {  	[tilespmem:s6+$0x7E00] =	vst v31;
	v14 =	vld [tilespmem:s6+$0x11E00];
	v22 =	vmax.f32 v63, v23;
	v21 =	vmax.f32 v18, v21;
	v27 =	vmax.f32 v62, v50  }
0x19d: {  	[tilespmem:s6+$0x7A00] =	vst v28;
	v18 =	vld [tilespmem:s6+$0xC200];
	v23 =	vmax.f32 v20, v55;
	v20 =	vmax.f32 v22, v17;
	v19 =	vmax.f32 v27, v19  }
0x19e: {  	s7 =	simm.s32 $0xFFFFF040;
	s1 =	simm.s32 $0xFFFFF080;
	[tilespmem:s6+$0x7600] =	vst v46;
	v17 =	vmax.f32 v21, v60;
	v22 =	vmax.f32 v23, v61;
	v21 =	vld [tilespmem:s6+$0x10200];
	v19 =	vmax.f32 v19, v57  }
.LBB2_53:
0x19f: {  	p0 =	sne.s32 s1, $0xFFFFFFC0;
	v16 =	vmax.f32 v20, v16;
	v20 =	vld [tilespmem:s6+$0xE200]  }
0x1a0: {  	s0 =	sshra.s32 s7, $0x2;
	s7 =	smov.u32 s1;
	v15 =	vmax.f32 v19, v15;
	v19 =	vld [tilespmem:s6+$0x12200]  }
0x1a1: {  	v23 =	vld [tilespmem:s0+$0x2600];
	v14 =	vmax.f32 v17, v14  }
0x1a2: {  	v17 =	vld [tilespmem:s0+$0x2A00];
	v18 =	vmax.f32 v22, v18  }
0x1a3: {  	v22 =	vld [tilespmem:s0+$0x2E00];
	v16 =	vmax.f32 v16, v21;
	[tilespmem:s6+$0x16E00] =	vst v18  }
0x1a4: {  	v18 =	vld [tilespmem:s0+$0x3200];
	[tilespmem:s6+$0x17E00] =	vst v16;
	v15 =	vmax.f32 v15, v20  }
0x1a5: {  	v20 =	vld [tilespmem:s0+$0x3600];
	v14 =	vmax.f32 v14, v19;
	[tilespmem:s6+$0x17200] =	vst v15  }
0x1a6: {  	vm5 =	veq.f32 v23, $0.0e+00;
	v19 =	vld [tilespmem:s0+$0x3A00];
	[tilespmem:s6+$0x18200] =	vst v14;
	s6 =	smov.u32 s0  }
0x1a7: {  	v14 =	vsel vm5, $0x3F800000, v23;
	vm5 =	veq.f32 v17, $0.0e+00;
	v21 =	vld [tilespmem:s6+$0x3E00]  }
0x1a8: {  	v23 =	vmul.f32 v14, v12;
	v15 =	vsel vm5, $0x3F800000, v17;
	vm5 =	veq.f32 v22, $0.0e+00;
	v24 =	vld [tilespmem:s6+$0x4200]  }
0x1a9: {  	v25 =	vmul.f32 v15, v12;
	v16 =	vsel vm5, $0x3F800000, v22;
	vm5 =	veq.f32 v18, $0.0e+00;
	v22 =	vld [tilespmem:s6+$0x4600]  }
0x1aa: {  	[tilespmem:s6+$0x2600] =	vst v23;
	v26 =	vmul.f32 v16, v12;
	v17 =	vsel vm5, $0x3F800000, v18;
	vm5 =	veq.f32 v20, $0.0e+00;
	v18 =	vld [tilespmem:s6+$0x4A00]  }
0x1ab: {  	[tilespmem:s6+$0x2A00] =	vst v25;
	v27 =	vmul.f32 v17, v12;
	v20 =	vsel vm5, $0x3F800000, v20;
	vm5 =	veq.f32 v19, $0.0e+00;
	v28 =	vld [tilespmem:s6+$0x4E00]  }
0x1ac: {  	[tilespmem:s6+$0x2E00] =	vst v26;
	v29 =	vmul.f32 v20, v12;
	v19 =	vsel vm5, $0x3F800000, v19;
	vm5 =	veq.f32 v21, $0.0e+00;
	v30 =	vld [tilespmem:s6+$0x5200]  }
0x1ad: {  	[tilespmem:s6+$0x3200] =	vst v27;
	v31 =	vmul.f32 v19, v12;
	v21 =	vsel vm5, $0x3F800000, v21;
	vm5 =	veq.f32 v24, $0.0e+00;
	v32 =	vld [tilespmem:s6+$0x5600]  }
0x1ae: {  	[tilespmem:s6+$0x3600] =	vst v29;
	v33 =	vmul.f32 v21, v12;
	v24 =	vsel vm5, $0x3F800000, v24;
	vm5 =	veq.f32 v22, $0.0e+00;
	v34 =	vld [tilespmem:s6+$0x5A00]  }
0x1af: {  	[tilespmem:s6+$0x3A00] =	vst v31;
	v35 =	vmul.f32 v24, v12;
	v22 =	vsel vm5, $0x3F800000, v22;
	vm5 =	veq.f32 v18, $0.0e+00;
	v36 =	vld [tilespmem:s6+$0x5E00]  }
0x1b0: {  	[tilespmem:s6+$0x3E00] =	vst v33;
	v37 =	vmul.f32 v22, v12;
	v18 =	vsel vm5, $0x3F800000, v18;
	vm5 =	veq.f32 v28, $0.0e+00;
	v38 =	vld [tilespmem:s6+$0x6200]  }
0x1b1: {  	v39 =	vld [tilespmem:s6+$0xA600];
	[tilespmem:s6+$0x4200] =	vst v35;
	v40 =	vmul.f32 v18, v12;
	v28 =	vsel vm5, $0x3F800000, v28;
	vm5 =	veq.f32 v30, $0.0e+00  }
0x1b2: {  	v41 =	vld [tilespmem:s6+$0xE600];
	[tilespmem:s6+$0x4600] =	vst v37;
	v42 =	vmul.f32 v28, v12;
	v30 =	vsel vm5, $0x3F800000, v30;
	vm5 =	veq.f32 v32, $0.0e+00  }
0x1b3: {  	v43 =	vld [tilespmem:s6+$0xAA00];
	[tilespmem:s6+$0x4A00] =	vst v40;
	v44 =	vmul.f32 v30, v12;
	v32 =	vsel vm5, $0x3F800000, v32;
	vm5 =	veq.f32 v34, $0.0e+00  }
0x1b4: {  	v45 =	vld [tilespmem:s6+$0xEA00];
	[tilespmem:s6+$0x4E00] =	vst v42;
	v46 =	vmul.f32 v32, v12;
	v34 =	vsel vm5, $0x3F800000, v34;
	vm5 =	veq.f32 v36, $0.0e+00  }
0x1b5: {  	v47 =	vld [tilespmem:s6+$0xC600];
	[tilespmem:s6+$0x5200] =	vst v44;
	v48 =	vmul.f32 v34, v12;
	v36 =	vsel vm5, $0x3F800000, v36;
	vm5 =	veq.f32 v38, $0.0e+00  }
0x1b6: {  	v49 =	vld [tilespmem:s6+$0x10600];
	[tilespmem:s6+$0x5600] =	vst v46;
	v50 =	vmul.f32 v36, v12;
	v38 =	vsel vm5, $0x3F800000, v38;
	(erf) = vrcp.f32 v36  }
0x1b7: {  	v23 =	vmax.f32 v23, v25;
	v25 =	vld [tilespmem:s6+$0xCA00];
	[tilespmem:s6+$0x5A00] =	vst v48;
	v36 =	vmul.f32 v38, v12;
	(erf) = vrcp.f32 v38  }
0x1b8: {  	v37 =	vmax.f32 v37, v40;
	v38 =	vmax.f32 v39, v43;
	v39 =	vld [tilespmem:s6+$0x10A00];
	[tilespmem:s6+$0x5E00] =	vst v50;
	(erf) = vrcp.f32 v34  }
0x1b9: {  	v23 =	vmax.f32 v23, v26;
	v34 =	vmax.f32 v41, v45;
	v40 =	vld [tilespmem:s6+$0xAE00];
	[tilespmem:s6+$0x6200] =	vst v36;
	(erf) = vrcp.f32 v32  }
0x1ba: {  	v23 =	vmax.f32 v23, v27;
	v27 =	vmax.f32 v37, v42;
	v26 =	vld [tilespmem:s6+$0xEE00];
	(erf) = vrcp.f32 v30  }
0x1bb: {  	v23 =	vmax.f32 v23, v29;
	v27 =	vmax.f32 v27, v44;
	v29 =	vld [tilespmem:s6+$0x9E00];
	(erf) = vrcp.f32 v28  }
0x1bc: {  	v27 =	vmax.f32 v27, v46;
	v25 =	vmax.f32 v47, v25;
	v28 =	vld [tilespmem:s6+$0xA200];
	(erf) = vrcp.f32 v18  }
0x1bd: {  	v18 =	vmax.f32 v23, v31;
	v23 =	vmax.f32 v49, v39;
	v30 =	vld [tilespmem:s6+$0x9A00];
	(erf) = vrcp.f32 v22  }
0x1be: {  	v27 =	vmax.f32 v27, v48;
	v22 =	vmax.f32 v38, v40;
	v31 =	vld [tilespmem:s6+$0x9600];
	(erf) = vrcp.f32 v24  }
0x1bf: {  	v18 =	vmax.f32 v18, v33;
	v24 =	vmax.f32 v34, v26;
	v26 =	vld [tilespmem:s6+$0x9200];
	(erf) = vrcp.f32 v21;
	v21 =	vpop (erf)  }
0x1c0: {  	v27 =	vmax.f32 v27, v50;
	v32 =	vld [tilespmem:s6+$0x8E00];
	v21 =	vmul.f32 v21, v29;
	(erf) = vrcp.f32 v19;
	v19 =	vpop (erf)  }
0x1c1: {  	v18 =	vmax.f32 v18, v35;
	v29 =	vld [tilespmem:s6+$0x8A00];
	v19 =	vmul.f32 v19, v28;
	(erf) = vrcp.f32 v20;
	v20 =	vpop (erf)  }
0x1c2: {  	v27 =	vmax.f32 v27, v36;
	v28 =	vld [tilespmem:s6+$0x8600];
	v20 =	vmul.f32 v20, v30;
	[tilespmem:s6+$0x9E00] =	vst v21;
	(erf) = vrcp.f32 v17;
	v17 =	vpop (erf)  }
0x1c3: {  	v30 =	vld [tilespmem:s6+$0x8200];
	v17 =	vmul.f32 v17, v31;
	[tilespmem:s6+$0xA200] =	vst v19;
	(erf) = vrcp.f32 v16;
	v16 =	vpop (erf)  }
0x1c4: {  	v31 =	vld [tilespmem:s6+$0x7E00];
	v16 =	vmul.f32 v16, v26;
	[tilespmem:s6+$0x9A00] =	vst v20;
	(erf) = vrcp.f32 v15;
	v15 =	vpop (erf)  }
0x1c5: {  	v26 =	vld [tilespmem:s6+$0x7A00];
	v15 =	vmul.f32 v15, v32;
	[tilespmem:s6+$0x9600] =	vst v17;
	(erf) = vrcp.f32 v14;
	v14 =	vpop (erf)  }
0x1c6: {  	v32 =	vld [tilespmem:s6+$0x7600];
	v14 =	vmul.f32 v14, v29;
	[tilespmem:s6+$0x9200] =	vst v16;
	v29 =	vpop (erf)  }
0x1c7: {  	v33 =	vld [tilespmem:s6+$0x7200];
	v36 =	vmul.f32 v29, v28;
	[tilespmem:s6+$0x8E00] =	vst v15;
	v29 =	vpop (erf)  }
0x1c8: {  	v34 =	vld [tilespmem:s6+$0x6E00];
	v29 =	vmul.f32 v29, v30;
	[tilespmem:s6+$0x8A00] =	vst v14;
	v30 =	vpop (erf)  }
0x1c9: {  	v35 =	vld [tilespmem:s6+$0x6A00];
	v30 =	vmul.f32 v30, v31;
	[tilespmem:s6+$0x8600] =	vst v36;
	v14 =	vmax.f32 v36, v14;
	v28 =	vpop (erf)  }
0x1ca: {  	v31 =	vld [tilespmem:s6+$0x6600];
	v26 =	vmul.f32 v28, v26;
	[tilespmem:s6+$0x8200] =	vst v29;
	v14 =	vmax.f32 v14, v15;
	v15 =	vpop (erf)  }
0x1cb: {  	v15 =	vmul.f32 v15, v32;
	[tilespmem:s6+$0x7E00] =	vst v30;
	v28 =	vld [tilespmem:s6+$0xCE00];
	v14 =	vmax.f32 v14, v16;
	v16 =	vpop (erf)  }
0x1cc: {  	v16 =	vmul.f32 v16, v33;
	[tilespmem:s6+$0x7A00] =	vst v26;
	v32 =	vld [tilespmem:s6+$0x10E00];
	v14 =	vmax.f32 v14, v17;
	v17 =	vpop (erf)  }
0x1cd: {  	v17 =	vmul.f32 v17, v34;
	v33 =	vld [tilespmem:s6+$0xB200];
	[tilespmem:s6+$0x7600] =	vst v15;
	v14 =	vmax.f32 v14, v20;
	v20 =	vpop (erf)  }
0x1ce: {  	v20 =	vmul.f32 v20, v35;
	v34 =	vld [tilespmem:s6+$0xF200];
	[tilespmem:s6+$0x7200] =	vst v16;
	v14 =	vmax.f32 v14, v21;
	v21 =	vpop (erf)  }
0x1cf: {  	v21 =	vmul.f32 v21, v31;
	[tilespmem:s6+$0x6E00] =	vst v17;
	v31 =	vld [tilespmem:s6+$0xD200];
	v14 =	vmax.f32 v14, v19  }
0x1d0: {  	[tilespmem:s6+$0x6A00] =	vst v20;
	v19 =	vmax.f32 v25, v28;
	v25 =	vld [tilespmem:s6+$0x11200]  }
0x1d1: {  	[tilespmem:s6+$0x6600] =	vst v21;
	v20 =	vmax.f32 v21, v20;
	v21 =	vld [tilespmem:s6+$0xB600];
	v23 =	vmax.f32 v23, v32  }
0x1d2: {  	v17 =	vmax.f32 v20, v17;
	v20 =	vmax.f32 v22, v33;
	v22 =	vld [tilespmem:s6+$0xF600];
	[tilespmem:s6+$0x17A00] =	vst v14  }
0x1d3: {  	v14 =	vmax.f32 v17, v16;
	v16 =	vmax.f32 v24, v34;
	[tilespmem:s6+$0x16600] =	vst v18;
	v17 =	vld [tilespmem:s6+$0xD600]  }
0x1d4: {  	v14 =	vmax.f32 v14, v15;
	v15 =	vmax.f32 v19, v31;
	v18 =	vld [tilespmem:s6+$0x11600];
	[tilespmem:s6+$0x16A00] =	vst v27  }
0x1d5: {  	v19 =	vld [tilespmem:s6+$0xBA00];
	v14 =	vmax.f32 v14, v26;
	v23 =	vmax.f32 v23, v25  }
0x1d6: {  	v20 =	vmax.f32 v20, v21;
	v21 =	vld [tilespmem:s6+$0xFA00];
	v14 =	vmax.f32 v14, v30  }
0x1d7: {  	v22 =	vmax.f32 v16, v22;
	v14 =	vmax.f32 v14, v29;
	v24 =	vld [tilespmem:s6+$0xDA00]  }
0x1d8: {  	[tilespmem:s6+$0x17600] =	vst v14;
	v14 =	vmax.f32 v15, v17;
	v17 =	vld [tilespmem:s6+$0x11A00]  }
0x1d9: {  	v25 =	vld [tilespmem:s6+$0xBE00];
	v23 =	vmax.f32 v23, v18  }
.Ltmp25:
0x1da: {  	v26 =	vmax.f32 v20, v19;
	v16 =	vld [tilespmem:s6+$0xFE00];
	(pc) =	sbr.rel @p0 .LBB2_53-.Ltmp25, $4  }
0x1db: {  	v20 =	vmax.f32 v22, v21;
	v15 =	vld [tilespmem:s6+$0xDE00]  }
0x1dc: {  	v19 =	vmax.f32 v14, v24;
	v14 =	vld [tilespmem:s6+$0x11E00]  }
0x1dd: {  	v18 =	vld [tilespmem:s6+$0xC200];
	v17 =	vmax.f32 v23, v17  }
0x1de: {  	s1 =	sadd.s32 $0x40, s1;
	v22 =	vmax.f32 v26, v25;
	v21 =	vld [tilespmem:s6+$0x10200]  }
0x1df: {  	v23 =	vld [tilespmem:s6+$0xE200]  }
0x1e0: {  	s1 =	sshra.s32 s7, $0x2;
	v24 =	vld [tilespmem:s6+$0x12200]  }
0x1e1: {  	v25 =	vld [tilespmem:s1+$0x2600]  }
0x1e2: {  	v16 =	vmax.f32 v20, v16;
	v26 =	vld [tilespmem:s1+$0x2A00];
	v18 =	vmax.f32 v22, v18  }
0x1e3: {  	v15 =	vmax.f32 v19, v15;
	v22 =	vld [tilespmem:s1+$0x2E00];
	[tilespmem:s6+$0x16E00] =	vst v18;
	v16 =	vmax.f32 v16, v21  }
0x1e4: {  	v14 =	vmax.f32 v17, v14;
	v18 =	vld [tilespmem:s1+$0x3200];
	[tilespmem:s6+$0x17E00] =	vst v16;
	v15 =	vmax.f32 v15, v23  }
0x1e5: {  	v14 =	vmax.f32 v14, v24;
	v16 =	vld [tilespmem:s1+$0x3600];
	[tilespmem:s6+$0x17200] =	vst v15  }
0x1e6: {  	v15 =	vld [tilespmem:s1+$0x3A00];
	[tilespmem:s6+$0x18200] =	vst v14  }
0x1e7: {  	v14 =	vld [tilespmem:s1+$0x3E00]  }
0x1e8: {  	v17 =	vld [tilespmem:s1+$0x4200]  }
0x1e9: {  	v19 =	vld [tilespmem:s1+$0x4600]  }
0x1ea: {  	v20 =	vld [tilespmem:s1+$0x4A00]  }
0x1eb: {  	v21 =	vld [tilespmem:s1+$0x4E00]  }
0x1ec: {  	v23 =	vld [tilespmem:s1+$0x5200]  }
0x1ed: {  	v61 =	vld [tilespmem:s1+$0x5600]  }
0x1ee: {  	v27 =	vld [tilespmem:s1+$0x5A00]  }
0x1ef: {  	v28 =	vld [tilespmem:s1+$0x5E00]  }
0x1f0: {  	v29 =	vld [tilespmem:s1+$0x6200]  }
0x1f1: {  	v30 =	vld [tilespmem:s1+$0xA600]  }
0x1f2: {  	v31 =	vld [tilespmem:s1+$0xE600]  }
0x1f3: {  	v32 =	vld [tilespmem:s1+$0xAA00]  }
0x1f4: {  	vm5 =	veq.f32 v25, $0.0e+00;
	v33 =	vld [tilespmem:s1+$0xEA00]  }
0x1f5: {  	v25 =	vsel vm5, $0x3F800000, v25;
	vm5 =	veq.f32 v26, $0.0e+00;
	v34 =	vld [tilespmem:s1+$0xC600]  }
0x1f6: {  	vm6 =	veq.f32 v22, $0.0e+00;
	v26 =	vsel vm5, $0x3F800000, v26;
	v35 =	vld [tilespmem:s1+$0x10600]  }
0x1f7: {  	v36 =	vmul.f32 v25, v12;
	v37 =	vld [tilespmem:s1+$0xCA00];
	v22 =	vsel vm6, $0x3F800000, v22;
	vm5 =	veq.f32 v18, $0.0e+00  }
0x1f8: {  	v39 =	vld [tilespmem:s1+$0x10A00];
	v38 =	vmul.f32 v26, v12;
	v18 =	vsel vm5, $0x3F800000, v18;
	vm5 =	veq.f32 v16, $0.0e+00  }
0x1f9: {  	v41 =	vld [tilespmem:s1+$0xAE00];
	v40 =	vmul.f32 v22, v12;
	v16 =	vsel vm5, $0x3F800000, v16;
	vm5 =	veq.f32 v15, $0.0e+00  }
0x1fa: {  	v43 =	vld [tilespmem:s1+$0xEE00];
	[tilespmem:s1+$0x2600] =	vst v36;
	v36 =	vmax.f32 v36, v38;
	v15 =	vsel vm5, $0x3F800000, v15;
	vm5 =	veq.f32 v14, $0.0e+00  }
0x1fb: {  	v45 =	vld [tilespmem:s1+$0x9E00];
	v42 =	vmul.f32 v18, v12;
	v14 =	vsel vm5, $0x3F800000, v14;
	vm5 =	veq.f32 v17, $0.0e+00  }
0x1fc: {  	v47 =	vld [tilespmem:s1+$0xA200];
	v44 =	vmul.f32 v16, v12;
	v17 =	vsel vm5, $0x3F800000, v17;
	vm5 =	veq.f32 v28, $0.0e+00  }
0x1fd: {  	v48 =	vld [tilespmem:s1+$0x9A00];
	v46 =	vmul.f32 v15, v12;
	v28 =	vsel vm5, $0x3F800000, v28;
	vm5 =	veq.f32 v29, $0.0e+00  }
0x1fe: {  	v49 =	vld [tilespmem:s1+$0x9600];
	v54 =	vmul.f32 v14, v12;
	v56 =	vmul.f32 v17, v12;
	v29 =	vsel vm5, $0x3F800000, v29  }
0x1ff: {  	v50 =	vld [tilespmem:s1+$0x9200];
	vm5 =	veq.f32 v27, $0.0e+00;
	(erf) = vrcp.f32 v28;
	v28 =	vmul.f32 v28, v12  }
0x200: {  	v51 =	vld [tilespmem:s1+$0x8E00];
	[tilespmem:s1+$0x2A00] =	vst v38;
	v27 =	vsel vm5, $0x3F800000, v27;
	vm5 =	veq.f32 v61, $0.0e+00;
	(erf) = vrcp.f32 v29  }
0x201: {  	v52 =	vld [tilespmem:s1+$0x8A00];
	[tilespmem:s1+$0x2E00] =	vst v40;
	v24 =	vsel vm5, $0x3F800000, v61;
	vm5 =	veq.f32 v23, $0.0e+00;
	(erf) = vrcp.f32 v27  }
0x202: {  	v53 =	vld [tilespmem:s1+$0x8600];
	[tilespmem:s1+$0x3200] =	vst v42;
	v23 =	vsel vm5, $0x3F800000, v23;
	vm5 =	veq.f32 v21, $0.0e+00;
	(erf) = vrcp.f32 v24  }
0x203: {  	v55 =	vld [tilespmem:s1+$0x8200];
	[tilespmem:s1+$0x3600] =	vst v44;
	v21 =	vsel vm5, $0x3F800000, v21;
	vm5 =	veq.f32 v20, $0.0e+00;
	(erf) = vrcp.f32 v23  }
0x204: {  	v57 =	vld [tilespmem:s1+$0x7E00];
	[tilespmem:s1+$0x3A00] =	vst v46;
	v20 =	vsel vm5, $0x3F800000, v20;
	vm5 =	veq.f32 v19, $0.0e+00;
	(erf) = vrcp.f32 v21  }
0x205: {  	v58 =	vld [tilespmem:s1+$0x7600];
	[tilespmem:s1+$0x3E00] =	vst v54;
	v29 =	vmul.f32 v29, v12;
	v19 =	vsel vm5, $0x3F800000, v19;
	(erf) = vrcp.f32 v20  }
0x206: {  	v59 =	vld [tilespmem:s1+$0x7200];
	v36 =	vmax.f32 v36, v40;
	[tilespmem:s1+$0x4200] =	vst v56;
	v27 =	vmul.f32 v27, v12;
	(erf) = vrcp.f32 v19  }
0x207: {  	v38 =	vld [tilespmem:s1+$0x6E00];
	v30 =	vmax.f32 v30, v32;
	[tilespmem:s1+$0x5E00] =	vst v28;
	v24 =	vmul.f32 v24, v12;
	(erf) = vrcp.f32 v17  }
0x208: {  	v40 =	vld [tilespmem:s1+$0x10E00];
	v31 =	vmax.f32 v31, v33;
	[tilespmem:s1+$0x6200] =	vst v29;
	v20 =	vmul.f32 v20, v12;
	(erf) = vrcp.f32 v14;
	v14 =	vpop (erf)  }
0x209: {  	v32 =	vld [tilespmem:s1+$0x6A00];
	v34 =	vmax.f32 v34, v37;
	v23 =	vmul.f32 v23, v12;
	[tilespmem:s1+$0x5A00] =	vst v27;
	(erf) = vrcp.f32 v15;
	v15 =	vpop (erf)  }
0x20a: {  	v33 =	vld [tilespmem:s1+$0xCE00];
	v36 =	vmax.f32 v36, v42;
	[tilespmem:s1+$0x5600] =	vst v24;
	v19 =	vmul.f32 v19, v12;
	(erf) = vrcp.f32 v16;
	v16 =	vpop (erf)  }
0x20b: {  	v37 =	vld [tilespmem:s1+$0xD200];
	v30 =	vmax.f32 v30, v41;
	v21 =	vmul.f32 v21, v12;
	[tilespmem:s1+$0x4A00] =	vst v20;
	(erf) = vrcp.f32 v18;
	v18 =	vpop (erf)  }
0x20c: {  	v42 =	vld [tilespmem:s1+$0xB200];
	v36 =	vmax.f32 v36, v44;
	[tilespmem:s1+$0x4600] =	vst v19;
	v19 =	vmax.f32 v19, v20;
	(erf) = vrcp.f32 v22;
	v20 =	vpop (erf)  }
0x20d: {  	v41 =	vld [tilespmem:s1+$0xB600];
	[tilespmem:s1+$0x5200] =	vst v23;
	v19 =	vmax.f32 v19, v21;
	v14 =	vmul.f32 v14, v45;
	(erf) = vrcp.f32 v26;
	v62 =	vpop (erf)  }
0x20e: {  	v44 =	vld [tilespmem:s1+$0xF200];
	[tilespmem:s1+$0x4E00] =	vst v21;
	v19 =	vmax.f32 v19, v23;
	v15 =	vmul.f32 v15, v47;
	(erf) = vrcp.f32 v25;
	v63 =	vpop (erf)  }
0x20f: {  	v36 =	vmax.f32 v36, v46;
	v46 =	vld [tilespmem:s1+$0xF600];
	v19 =	vmax.f32 v19, v24;
	v16 =	vmul.f32 v16, v48;
	[tilespmem:s1+$0x9E00] =	vst v14;
	v21 =	vpop (erf)  }
0x210: {  	v17 =	vld [tilespmem:s1+$0x7A00];
	v18 =	vmul.f32 v18, v49;
	[tilespmem:s1+$0xA200] =	vst v15;
	v19 =	vmax.f32 v19, v27;
	v23 =	vpop (erf)  }
0x211: {  	v35 =	vmax.f32 v35, v39;
	v36 =	vmax.f32 v36, v54;
	v45 =	vld [tilespmem:s1+$0x11200];
	[tilespmem:s1+$0x9A00] =	vst v16;
	v19 =	vmax.f32 v19, v28;
	v24 =	vpop (erf)  }
0x212: {  	v47 =	vld [tilespmem:s1+$0xD600];
	v28 =	vmax.f32 v36, v56;
	[tilespmem:s1+$0x9600] =	vst v18;
	v25 =	vmul.f32 v63, v52;
	v21 =	vmul.f32 v21, v53;
	v39 =	vpop (erf)  }
0x213: {  	v22 =	vld [tilespmem:s1+$0x6600];
	v20 =	vmul.f32 v20, v50;
	v26 =	vmul.f32 v62, v51;
	[tilespmem:s1+$0x16600] =	vst v28;
	v27 =	vpop (erf)  }
0x214: {  	v31 =	vmax.f32 v31, v43;
	v30 =	vmax.f32 v30, v42;
	v63 =	vld [tilespmem:s1+$0x11600];
	[tilespmem:s1+$0x8600] =	vst v21;
	v21 =	vmax.f32 v21, v25;
	v60 =	vpop (erf)  }
0x215: {  	v30 =	vmax.f32 v30, v41;
	v19 =	vmax.f32 v19, v29;
	v52 =	vld [tilespmem:s1+$0xBA00];
	[tilespmem:s1+$0x9200] =	vst v20;
	v21 =	vmax.f32 v21, v26;
	v61 =	vpop (erf)  }
0x216: {  	[tilespmem:s1+$0x16A00] =	vst v19;
	v53 =	vld [tilespmem:s1+$0xFA00];
	v23 =	vmul.f32 v23, v55;
	v24 =	vmul.f32 v24, v57;
	v20 =	vmax.f32 v21, v20;
	v62 =	vpop (erf)  }
0x217: {  	[tilespmem:s1+$0x8E00] =	vst v26;
	v55 =	vld [tilespmem:s1+$0xDA00];
	v17 =	vmul.f32 v39, v17;
	v54 =	vmul.f32 v27, v58;
	v18 =	vmax.f32 v20, v18;
	v51 =	vpop (erf)  }
0x218: {  	[tilespmem:s1+$0x8A00] =	vst v25;
	v57 =	vld [tilespmem:s1+$0x11A00];
	v16 =	vmax.f32 v18, v16;
	v21 =	vmul.f32 v62, v32;
	v22 =	vmul.f32 v51, v22  }
0x219: {  	[tilespmem:s1+$0x8200] =	vst v23;
	v58 =	vld [tilespmem:s1+$0xFE00];
	v56 =	vmul.f32 v60, v59;
	v20 =	vmul.f32 v61, v38;
	v14 =	vmax.f32 v16, v14  }
0x21a: {  	[tilespmem:s1+$0x7E00] =	vst v24;
	v60 =	vld [tilespmem:s1+$0xDE00];
	v14 =	vmax.f32 v14, v15;
	v15 =	vmax.f32 v34, v33;
	v18 =	vmax.f32 v22, v21  }
0x21b: {  	v59 =	vmax.f32 v35, v40;
	v61 =	vld [tilespmem:s1+$0xC200];
	v15 =	vmax.f32 v15, v37;
	[tilespmem:s1+$0x6A00] =	vst v21;
	v16 =	vmax.f32 v18, v20  }
0x21c: {  	[tilespmem:s1+$0x17A00] =	vst v14;
	v14 =	vmul.u32 $0x8, v0;
	v21 =	vmax.f32 v59, v45;
	v18 =	vld [tilespmem:s1+$0xBE00];
	v16 =	vmax.f32 v16, v56  }
0x21d: {  	v62 =	vld [tilespmem:s1+$0xE200];
	[tilespmem:s1+$0x6E00] =	vst v20;
	v15 =	vmax.f32 v15, v47;
	v20 =	vmax.f32 v31, v44;
	v16 =	vmax.f32 v16, v54  }
0x21e: {  	s0 =	simm.s32 $0x0;
	[tilespmem:s1+$0x6600] =	vst v22;
	v22 =	vld [tilespmem:s1+$0x10200];
	v21 =	vmax.f32 v21, v63;
	v27 =	vmax.f32 v15, v55;
	v16 =	vmax.f32 v16, v17  }
0x21f: {  	[tilespmem:s1+$0x7A00] =	vst v17;
	v15 =	vmov s0;
	v20 =	vmax.f32 v20, v46;
	v17 =	vld [tilespmem:s1+$0x11E00];
	v16 =	vmax.f32 v16, v24  }
0x220: {  	[tilespmem:s1+$0x7600] =	vst v54;
	v63 =	vld [tilespmem:s1+$0x12200];
	v19 =	vmax.f32 v21, v57;
	v16 =	vmax.f32 v16, v23;
	v23 =	vmax.f32 v30, v52  }
0x221: {  	[tilespmem:s1+$0x7200] =	vst v56;
	v15 =	vshll.u32 v15, $0x3;
	v20 =	vmax.f32 v20, v53;
	v18 =	vmax.f32 v23, v18  }
0x222: {  	v15 =	vor.u32 v14, v15;
	[tilespmem:s1+$0x17600] =	vst v16;
	v16 =	vmax.f32 v20, v58;
	v18 =	vmax.f32 v18, v61  }
0x223: {  	v20 =	vmax.f32 v27, v60;
	v16 =	vmax.f32 v16, v22;
	[tilespmem:s1+$0x16E00] =	vst v18;
	v18 =	vor.u32 $0x1, v15  }
0x224: {  	v17 =	vmax.f32 v19, v17;
	[tilespmem:s1+$0x17E00] =	vst v16;
	v16 =	vmax.f32 v20, v62;
	v19 =	vor.u32 $0x2, v15  }
0x225: {  	v17 =	vmax.f32 v17, v63;
	[tilespmem:s1+$0x17200] =	vst v16;
	v16 =	vor.u32 $0x3, v15  }
0x226: {  	[tilespmem:s1+$0x18200] =	vst v17;
	v17 =	vor.u32 $0x4, v15  }
0x227: {  	v20 =	vor.u32 $0x5, v15;
	v21 =	vld.idx.msk [tilespmem:v15+s28+$0x0], $0xffff  }
0x228: {  	v22 =	vor.u32 $0x6, v15;
	v18 =	vld.idx.msk [tilespmem:v18+s28+$0x0], $0xffff  }
0x229: {  	v23 =	vor.u32 $0x7, v15;
	v19 =	vld.idx.msk [tilespmem:v19+s28+$0x0], $0xffff  }
0x22a: {  	v16 =	vld.idx.msk [tilespmem:v16+s28+$0x0], $0xffff  }
0x22b: {  	v17 =	vld.idx.msk [tilespmem:v17+s28+$0x0], $0xffff  }
0x22c: {  	v20 =	vld.idx.msk [tilespmem:v20+s28+$0x0], $0xffff  }
0x22d: {  	v22 =	vld.idx.msk [tilespmem:v22+s28+$0x0], $0xffff;
	v18 =	vmax.f32 v21, v18  }
0x22e: {  	v21 =	vld.idx.msk [tilespmem:v23+s28+$0x0], $0xffff;
	v18 =	vmax.f32 v18, v19  }
0x22f: {  	v16 =	vmax.f32 v18, v16  }
0x230: {  	v16 =	vmax.f32 v16, v17;
	v17 =	vor.u32 $0x400, v15  }
0x231: {  	v18 =	vor.u32 $0x401, v15;
	v16 =	vmax.f32 v16, v20  }
0x232: {  	v19 =	vor.u32 $0x402, v15;
	v16 =	vmax.f32 v16, v22  }
0x233: {  	s6 =	simm.s32 $0x18400;
	v20 =	vor.u32 $0x403, v15;
	v16 =	vmax.f32 v16, v21  }
0x234: {  	[tilespmem:s6+$0xFFFFFE00] =	vst v16;
	v16 =	vor.u32 $0x404, v15  }
0x235: {  	v21 =	vor.u32 $0x405, v15;
	v17 =	vld.idx.msk [tilespmem:v17+s28+$0x0], $0xffff  }
0x236: {  	v22 =	vor.u32 $0x406, v15;
	v18 =	vld.idx.msk [tilespmem:v18+s28+$0x0], $0xffff  }
0x237: {  	v23 =	vor.u32 $0x407, v15;
	v19 =	vld.idx.msk [tilespmem:v19+s28+$0x0], $0xffff  }
0x238: {  	v20 =	vld.idx.msk [tilespmem:v20+s28+$0x0], $0xffff  }
0x239: {  	v16 =	vld.idx.msk [tilespmem:v16+s28+$0x0], $0xffff  }
0x23a: {  	v21 =	vld.idx.msk [tilespmem:v21+s28+$0x0], $0xffff  }
0x23b: {  	v22 =	vld.idx.msk [tilespmem:v22+s28+$0x0], $0xffff;
	v17 =	vmax.f32 v17, v18  }
0x23c: {  	v18 =	vld.idx.msk [tilespmem:v23+s28+$0x0], $0xffff;
	v17 =	vmax.f32 v17, v19  }
0x23d: {  	v17 =	vmax.f32 v17, v20  }
0x23e: {  	v16 =	vmax.f32 v17, v16;
	v17 =	vor.u32 $0x800, v15  }
0x23f: {  	v19 =	vor.u32 $0x801, v15;
	v16 =	vmax.f32 v16, v21  }
0x240: {  	v20 =	vor.u32 $0x802, v15;
	v16 =	vmax.f32 v16, v22  }
0x241: {  	v16 =	vmax.f32 v16, v18;
	v18 =	vor.u32 $0x803, v15  }
0x242: {  	[tilespmem:s6+$0xFFFFFE80] =	vst v16;
	v16 =	vor.u32 $0x804, v15  }
0x243: {  	v21 =	vor.u32 $0x805, v15;
	v17 =	vld.idx.msk [tilespmem:v17+s28+$0x0], $0xffff  }
0x244: {  	v22 =	vor.u32 $0x806, v15;
	v19 =	vld.idx.msk [tilespmem:v19+s28+$0x0], $0xffff  }
0x245: {  	v23 =	vor.u32 $0x807, v15;
	v20 =	vld.idx.msk [tilespmem:v20+s28+$0x0], $0xffff  }
0x246: {  	v18 =	vld.idx.msk [tilespmem:v18+s28+$0x0], $0xffff  }
0x247: {  	v16 =	vld.idx.msk [tilespmem:v16+s28+$0x0], $0xffff  }
0x248: {  	v21 =	vld.idx.msk [tilespmem:v21+s28+$0x0], $0xffff  }
0x249: {  	v22 =	vld.idx.msk [tilespmem:v22+s28+$0x0], $0xffff;
	v17 =	vmax.f32 v17, v19  }
0x24a: {  	v19 =	vld.idx.msk [tilespmem:v23+s28+$0x0], $0xffff;
	v17 =	vmax.f32 v17, v20  }
0x24b: {  	v17 =	vmax.f32 v17, v18  }
0x24c: {  	v16 =	vmax.f32 v17, v16;
	v17 =	vor.u32 $0xC00, v15  }
0x24d: {  	v18 =	vor.u32 $0xC01, v15;
	v16 =	vmax.f32 v16, v21  }
0x24e: {  	v20 =	vor.u32 $0xC02, v15;
	v16 =	vmax.f32 v16, v22  }
0x24f: {  	v16 =	vmax.f32 v16, v19;
	v19 =	vor.u32 $0xC03, v15  }
0x250: {  	[tilespmem:s6+$0xFFFFFF00] =	vst v16;
	v16 =	vor.u32 $0xC04, v15  }
0x251: {  	v21 =	vor.u32 $0xC05, v15;
	v17 =	vld.idx.msk [tilespmem:v17+s28+$0x0], $0xffff  }
0x252: {  	v22 =	vor.u32 $0xC06, v15;
	v18 =	vld.idx.msk [tilespmem:v18+s28+$0x0], $0xffff  }
0x253: {  	v23 =	vor.u32 $0xC07, v15;
	v20 =	vld.idx.msk [tilespmem:v20+s28+$0x0], $0xffff  }
0x254: {  	v19 =	vld.idx.msk [tilespmem:v19+s28+$0x0], $0xffff  }
0x255: {  	v16 =	vld.idx.msk [tilespmem:v16+s28+$0x0], $0xffff  }
0x256: {  	v21 =	vld.idx.msk [tilespmem:v21+s28+$0x0], $0xffff  }
0x257: {  	v22 =	vld.idx.msk [tilespmem:v22+s28+$0x0], $0xffff;
	v17 =	vmax.f32 v17, v18  }
0x258: {  	v18 =	vld.idx.msk [tilespmem:v23+s28+$0x0], $0xffff;
	v17 =	vmax.f32 v17, v20  }
0x259: {  	v17 =	vmax.f32 v17, v19  }
0x25a: {  	v16 =	vmax.f32 v17, v16;
	v17 =	vor.u32 $0x1000, v15  }
0x25b: {  	v19 =	vor.u32 $0x1001, v15;
	v16 =	vmax.f32 v16, v21  }
0x25c: {  	v20 =	vor.u32 $0x1002, v15;
	v16 =	vmax.f32 v16, v22  }
0x25d: {  	v16 =	vmax.f32 v16, v18;
	v18 =	vor.u32 $0x1003, v15  }
0x25e: {  	[tilespmem:s6+$0xFFFFFF80] =	vst v16;
	v16 =	vor.u32 $0x1004, v15  }
0x25f: {  	v21 =	vor.u32 $0x1005, v15;
	v17 =	vld.idx.msk [tilespmem:v17+s28+$0x0], $0xffff  }
0x260: {  	v22 =	vor.u32 $0x1006, v15;
	v19 =	vld.idx.msk [tilespmem:v19+s28+$0x0], $0xffff  }
0x261: {  	v23 =	vor.u32 $0x1007, v15;
	v20 =	vld.idx.msk [tilespmem:v20+s28+$0x0], $0xffff  }
0x262: {  	v18 =	vld.idx.msk [tilespmem:v18+s28+$0x0], $0xffff  }
0x263: {  	v16 =	vld.idx.msk [tilespmem:v16+s28+$0x0], $0xffff  }
0x264: {  	v21 =	vld.idx.msk [tilespmem:v21+s28+$0x0], $0xffff  }
0x265: {  	v22 =	vld.idx.msk [tilespmem:v22+s28+$0x0], $0xffff;
	v17 =	vmax.f32 v17, v19  }
0x266: {  	v19 =	vld.idx.msk [tilespmem:v23+s28+$0x0], $0xffff;
	v17 =	vmax.f32 v17, v20  }
0x267: {  	v17 =	vmax.f32 v17, v18  }
0x268: {  	v16 =	vmax.f32 v17, v16;
	v17 =	vor.u32 $0x1400, v15  }
0x269: {  	v18 =	vor.u32 $0x1401, v15;
	v16 =	vmax.f32 v16, v21  }
0x26a: {  	v20 =	vor.u32 $0x1402, v15;
	v16 =	vmax.f32 v16, v22  }
0x26b: {  	v16 =	vmax.f32 v16, v19;
	v19 =	vor.u32 $0x1403, v15  }
0x26c: {  	[tilespmem:s6+$0x0] =	vst v16;
	v16 =	vor.u32 $0x1404, v15  }
0x26d: {  	v21 =	vor.u32 $0x1405, v15;
	v17 =	vld.idx.msk [tilespmem:v17+s28+$0x0], $0xffff  }
0x26e: {  	v22 =	vor.u32 $0x1406, v15;
	v18 =	vld.idx.msk [tilespmem:v18+s28+$0x0], $0xffff  }
0x26f: {  	v23 =	vor.u32 $0x1407, v15;
	v20 =	vld.idx.msk [tilespmem:v20+s28+$0x0], $0xffff  }
0x270: {  	v19 =	vld.idx.msk [tilespmem:v19+s28+$0x0], $0xffff  }
0x271: {  	v16 =	vld.idx.msk [tilespmem:v16+s28+$0x0], $0xffff  }
0x272: {  	v21 =	vld.idx.msk [tilespmem:v21+s28+$0x0], $0xffff  }
0x273: {  	v22 =	vld.idx.msk [tilespmem:v22+s28+$0x0], $0xffff;
	v17 =	vmax.f32 v17, v18  }
0x274: {  	v18 =	vld.idx.msk [tilespmem:v23+s28+$0x0], $0xffff;
	v17 =	vmax.f32 v17, v20  }
0x275: {  	v17 =	vmax.f32 v17, v19  }
0x276: {  	v16 =	vmax.f32 v17, v16;
	v17 =	vor.u32 $0x1800, v15  }
0x277: {  	v19 =	vor.u32 $0x1801, v15;
	v16 =	vmax.f32 v16, v21  }
0x278: {  	v20 =	vor.u32 $0x1802, v15;
	v16 =	vmax.f32 v16, v22  }
0x279: {  	v16 =	vmax.f32 v16, v18;
	v18 =	vor.u32 $0x1803, v15  }
0x27a: {  	[tilespmem:s6+$0x80] =	vst v16;
	v16 =	vor.u32 $0x1804, v15  }
0x27b: {  	v21 =	vor.u32 $0x1805, v15;
	v17 =	vld.idx.msk [tilespmem:v17+s28+$0x0], $0xffff  }
0x27c: {  	v22 =	vor.u32 $0x1806, v15;
	v19 =	vld.idx.msk [tilespmem:v19+s28+$0x0], $0xffff  }
0x27d: {  	v23 =	vor.u32 $0x1807, v15;
	v20 =	vld.idx.msk [tilespmem:v20+s28+$0x0], $0xffff  }
0x27e: {  	v18 =	vld.idx.msk [tilespmem:v18+s28+$0x0], $0xffff  }
0x27f: {  	v16 =	vld.idx.msk [tilespmem:v16+s28+$0x0], $0xffff  }
0x280: {  	v21 =	vld.idx.msk [tilespmem:v21+s28+$0x0], $0xffff  }
0x281: {  	v22 =	vld.idx.msk [tilespmem:v22+s28+$0x0], $0xffff;
	v17 =	vmax.f32 v17, v19  }
0x282: {  	v19 =	vld.idx.msk [tilespmem:v23+s28+$0x0], $0xffff;
	v17 =	vmax.f32 v17, v20  }
0x283: {  	v17 =	vmax.f32 v17, v18  }
0x284: {  	v16 =	vmax.f32 v17, v16;
	v17 =	vor.u32 $0x1C00, v15  }
0x285: {  	v18 =	vor.u32 $0x1C01, v15;
	v16 =	vmax.f32 v16, v21  }
0x286: {  	v16 =	vmax.f32 v16, v22;
	v22 =	vor.u32 $0x1C04, v15  }
0x287: {  	v20 =	vor.u32 $0x1C02, v15;
	v16 =	vmax.f32 v16, v19  }
0x288: {  	v23 =	vor.u32 $0x1C05, v15;
	[tilespmem:s6+$0x100] =	vst v16  }
0x289: {  	v19 =	vor.u32 $0x1C03, v15;
	v16 =	vld.idx.msk [tilespmem:v17+s28+$0x0], $0xffff  }
0x28a: {  	v21 =	vld.idx.msk [tilespmem:v18+s28+$0x0], $0xffff  }
0x28b: {  	v17 =	vld.idx.msk [tilespmem:v22+s28+$0x0], $0xffff;
	v22 =	vor.u32 $0x1C06, v15  }
0x28c: {  	v18 =	vld.idx.msk [tilespmem:v20+s28+$0x0], $0xffff;
	v15 =	vor.u32 $0x1C07, v15  }
0x28d: {  	v20 =	vld.idx.msk [tilespmem:v23+s28+$0x0], $0xffff  }
0x28e: {  	s7 =	simm.s32 $0x18400;
	s1 =	simm.s32 $0x10;
	v19 =	vld.idx.msk [tilespmem:v19+s28+$0x0], $0xffff  }
.LBB2_55:
0x28f: {  	p0 =	sne.s32 s1, $0x70  }
0x290: {  	v22 =	vld.idx.msk [tilespmem:v22+s28+$0x0], $0xffff;
	s6 =	sadd.s32 $0x10, s6;
	s0 =	smov.u32 s1;
	s1 =	sadd.s32 $0x10, s1  }
0x291: {  	v16 =	vmax.f32 v16, v21;
	v21 =	vld.idx.msk [tilespmem:v15+s28+$0x0], $0xffff  }
0x292: {  	v15 =	vmov s0;
	v16 =	vmax.f32 v16, v18  }
0x293: {  	v15 =	vshll.u32 v15, $0x3;
	v16 =	vmax.f32 v16, v19  }
0x294: {  	v15 =	vor.u32 v14, v15;
	v16 =	vmax.f32 v16, v17  }
0x295: {  	v17 =	vor.u32 $0x1, v15;
	v18 =	vor.u32 $0x2, v15;
	v16 =	vmax.f32 v16, v20  }
0x296: {  	v19 =	vor.u32 $0x4, v15;
	v20 =	vor.u32 $0x5, v15;
	v16 =	vmax.f32 v16, v22  }
0x297: {  	v23 =	vor.u32 $0x7, v15;
	v22 =	vor.u32 $0x3, v15;
	v16 =	vmax.f32 v16, v21  }
0x298: {  	[tilespmem:s7+$0x180] =	vst v16;
	s7 =	smov.u32 s6  }
0x299: {  	v16 =	vld.idx.msk [tilespmem:v15+s28+$0x0], $0xffff  }
0x29a: {  	v21 =	vor.u32 $0x6, v15;
	v18 =	vld.idx.msk [tilespmem:v18+s28+$0x0], $0xffff  }
0x29b: {  	v17 =	vld.idx.msk [tilespmem:v17+s28+$0x0], $0xffff  }
0x29c: {  	v22 =	vld.idx.msk [tilespmem:v22+s28+$0x0], $0xffff  }
0x29d: {  	v19 =	vld.idx.msk [tilespmem:v19+s28+$0x0], $0xffff  }
0x29e: {  	v20 =	vld.idx.msk [tilespmem:v20+s28+$0x0], $0xffff  }
0x29f: {  	v21 =	vld.idx.msk [tilespmem:v21+s28+$0x0], $0xffff;
	_ =	sdelay $0x1  }
0x2a0: {  	v16 =	vmax.f32 v16, v17;
	v17 =	vld.idx.msk [tilespmem:v23+s28+$0x0], $0xffff  }
0x2a1: {  	v16 =	vmax.f32 v16, v18  }
0x2a2: {  	v16 =	vmax.f32 v16, v22  }
0x2a3: {  	v18 =	vor.u32 $0x400, v15;
	v16 =	vmax.f32 v16, v19  }
0x2a4: {  	v19 =	vor.u32 $0x401, v15;
	v16 =	vmax.f32 v16, v20  }
0x2a5: {  	v20 =	vor.u32 $0x402, v15;
	v16 =	vmax.f32 v16, v21  }
0x2a6: {  	v16 =	vmax.f32 v16, v17;
	v17 =	vor.u32 $0x403, v15  }
0x2a7: {  	[tilespmem:s6+$0xFFFFFE00] =	vst v16;
	v16 =	vor.u32 $0x404, v15  }
0x2a8: {  	v21 =	vor.u32 $0x405, v15;
	v18 =	vld.idx.msk [tilespmem:v18+s28+$0x0], $0xffff  }
0x2a9: {  	v22 =	vor.u32 $0x406, v15;
	v19 =	vld.idx.msk [tilespmem:v19+s28+$0x0], $0xffff  }
0x2aa: {  	v23 =	vor.u32 $0x407, v15;
	v20 =	vld.idx.msk [tilespmem:v20+s28+$0x0], $0xffff  }
0x2ab: {  	v17 =	vld.idx.msk [tilespmem:v17+s28+$0x0], $0xffff  }
0x2ac: {  	v16 =	vld.idx.msk [tilespmem:v16+s28+$0x0], $0xffff  }
0x2ad: {  	v21 =	vld.idx.msk [tilespmem:v21+s28+$0x0], $0xffff  }
0x2ae: {  	v22 =	vld.idx.msk [tilespmem:v22+s28+$0x0], $0xffff  }
0x2af: {  	v18 =	vmax.f32 v18, v19;
	v19 =	vld.idx.msk [tilespmem:v23+s28+$0x0], $0xffff  }
0x2b0: {  	v18 =	vmax.f32 v18, v20  }
0x2b1: {  	v17 =	vmax.f32 v18, v17  }
0x2b2: {  	v16 =	vmax.f32 v17, v16;
	v17 =	vor.u32 $0x800, v15  }
0x2b3: {  	v18 =	vor.u32 $0x801, v15;
	v16 =	vmax.f32 v16, v21  }
0x2b4: {  	v20 =	vor.u32 $0x802, v15;
	v16 =	vmax.f32 v16, v22  }
0x2b5: {  	v16 =	vmax.f32 v16, v19;
	v19 =	vor.u32 $0x803, v15  }
0x2b6: {  	[tilespmem:s6+$0xFFFFFE80] =	vst v16;
	v16 =	vor.u32 $0x804, v15  }
0x2b7: {  	v21 =	vor.u32 $0x805, v15;
	v17 =	vld.idx.msk [tilespmem:v17+s28+$0x0], $0xffff  }
0x2b8: {  	v22 =	vor.u32 $0x806, v15;
	v18 =	vld.idx.msk [tilespmem:v18+s28+$0x0], $0xffff  }
0x2b9: {  	v23 =	vor.u32 $0x807, v15;
	v20 =	vld.idx.msk [tilespmem:v20+s28+$0x0], $0xffff  }
0x2ba: {  	v19 =	vld.idx.msk [tilespmem:v19+s28+$0x0], $0xffff  }
0x2bb: {  	v16 =	vld.idx.msk [tilespmem:v16+s28+$0x0], $0xffff  }
0x2bc: {  	v21 =	vld.idx.msk [tilespmem:v21+s28+$0x0], $0xffff  }
0x2bd: {  	v22 =	vld.idx.msk [tilespmem:v22+s28+$0x0], $0xffff  }
0x2be: {  	v17 =	vmax.f32 v17, v18;
	v18 =	vld.idx.msk [tilespmem:v23+s28+$0x0], $0xffff  }
0x2bf: {  	v17 =	vmax.f32 v17, v20  }
0x2c0: {  	v17 =	vmax.f32 v17, v19  }
0x2c1: {  	v16 =	vmax.f32 v17, v16;
	v17 =	vor.u32 $0xC00, v15  }
0x2c2: {  	v19 =	vor.u32 $0xC01, v15;
	v16 =	vmax.f32 v16, v21  }
0x2c3: {  	v20 =	vor.u32 $0xC02, v15;
	v16 =	vmax.f32 v16, v22  }
0x2c4: {  	v16 =	vmax.f32 v16, v18;
	v18 =	vor.u32 $0xC03, v15  }
0x2c5: {  	[tilespmem:s6+$0xFFFFFF00] =	vst v16;
	v16 =	vor.u32 $0xC04, v15  }
0x2c6: {  	v21 =	vor.u32 $0xC05, v15;
	v17 =	vld.idx.msk [tilespmem:v17+s28+$0x0], $0xffff  }
0x2c7: {  	v22 =	vor.u32 $0xC06, v15;
	v19 =	vld.idx.msk [tilespmem:v19+s28+$0x0], $0xffff  }
0x2c8: {  	v23 =	vor.u32 $0xC07, v15;
	v20 =	vld.idx.msk [tilespmem:v20+s28+$0x0], $0xffff  }
0x2c9: {  	v18 =	vld.idx.msk [tilespmem:v18+s28+$0x0], $0xffff  }
0x2ca: {  	v16 =	vld.idx.msk [tilespmem:v16+s28+$0x0], $0xffff  }
0x2cb: {  	v21 =	vld.idx.msk [tilespmem:v21+s28+$0x0], $0xffff  }
0x2cc: {  	v22 =	vld.idx.msk [tilespmem:v22+s28+$0x0], $0xffff  }
0x2cd: {  	v17 =	vmax.f32 v17, v19;
	v19 =	vld.idx.msk [tilespmem:v23+s28+$0x0], $0xffff  }
0x2ce: {  	v17 =	vmax.f32 v17, v20  }
0x2cf: {  	v17 =	vmax.f32 v17, v18  }
0x2d0: {  	v16 =	vmax.f32 v17, v16;
	v17 =	vor.u32 $0x1000, v15  }
0x2d1: {  	v18 =	vor.u32 $0x1001, v15;
	v16 =	vmax.f32 v16, v21  }
0x2d2: {  	v20 =	vor.u32 $0x1002, v15;
	v16 =	vmax.f32 v16, v22  }
0x2d3: {  	v16 =	vmax.f32 v16, v19;
	v19 =	vor.u32 $0x1003, v15  }
0x2d4: {  	[tilespmem:s6+$0xFFFFFF80] =	vst v16;
	v16 =	vor.u32 $0x1004, v15  }
0x2d5: {  	v21 =	vor.u32 $0x1005, v15;
	v17 =	vld.idx.msk [tilespmem:v17+s28+$0x0], $0xffff  }
0x2d6: {  	v22 =	vor.u32 $0x1006, v15;
	v18 =	vld.idx.msk [tilespmem:v18+s28+$0x0], $0xffff  }
0x2d7: {  	v23 =	vor.u32 $0x1007, v15;
	v20 =	vld.idx.msk [tilespmem:v20+s28+$0x0], $0xffff  }
0x2d8: {  	v19 =	vld.idx.msk [tilespmem:v19+s28+$0x0], $0xffff  }
0x2d9: {  	v16 =	vld.idx.msk [tilespmem:v16+s28+$0x0], $0xffff  }
0x2da: {  	v21 =	vld.idx.msk [tilespmem:v21+s28+$0x0], $0xffff  }
0x2db: {  	v22 =	vld.idx.msk [tilespmem:v22+s28+$0x0], $0xffff  }
0x2dc: {  	v17 =	vmax.f32 v17, v18;
	v18 =	vld.idx.msk [tilespmem:v23+s28+$0x0], $0xffff  }
0x2dd: {  	v17 =	vmax.f32 v17, v20  }
0x2de: {  	v17 =	vmax.f32 v17, v19  }
0x2df: {  	v16 =	vmax.f32 v17, v16;
	v17 =	vor.u32 $0x1400, v15  }
0x2e0: {  	v19 =	vor.u32 $0x1401, v15;
	v16 =	vmax.f32 v16, v21  }
0x2e1: {  	v20 =	vor.u32 $0x1402, v15;
	v16 =	vmax.f32 v16, v22  }
0x2e2: {  	v16 =	vmax.f32 v16, v18;
	v18 =	vor.u32 $0x1403, v15  }
0x2e3: {  	[tilespmem:s6+$0x0] =	vst v16;
	v16 =	vor.u32 $0x1404, v15  }
0x2e4: {  	v21 =	vor.u32 $0x1405, v15;
	v17 =	vld.idx.msk [tilespmem:v17+s28+$0x0], $0xffff  }
0x2e5: {  	v22 =	vor.u32 $0x1406, v15;
	v19 =	vld.idx.msk [tilespmem:v19+s28+$0x0], $0xffff  }
0x2e6: {  	v23 =	vor.u32 $0x1407, v15;
	v20 =	vld.idx.msk [tilespmem:v20+s28+$0x0], $0xffff  }
0x2e7: {  	v18 =	vld.idx.msk [tilespmem:v18+s28+$0x0], $0xffff  }
0x2e8: {  	v16 =	vld.idx.msk [tilespmem:v16+s28+$0x0], $0xffff  }
0x2e9: {  	v21 =	vld.idx.msk [tilespmem:v21+s28+$0x0], $0xffff  }
0x2ea: {  	v22 =	vld.idx.msk [tilespmem:v22+s28+$0x0], $0xffff  }
0x2eb: {  	v17 =	vmax.f32 v17, v19;
	v19 =	vld.idx.msk [tilespmem:v23+s28+$0x0], $0xffff  }
0x2ec: {  	v17 =	vmax.f32 v17, v20  }
0x2ed: {  	v17 =	vmax.f32 v17, v18  }
0x2ee: {  	v16 =	vmax.f32 v17, v16;
	v17 =	vor.u32 $0x1800, v15  }
0x2ef: {  	v18 =	vor.u32 $0x1801, v15;
	v16 =	vmax.f32 v16, v21  }
0x2f0: {  	v20 =	vor.u32 $0x1802, v15;
	v16 =	vmax.f32 v16, v22  }
0x2f1: {  	v16 =	vmax.f32 v16, v19;
	v19 =	vor.u32 $0x1803, v15  }
0x2f2: {  	[tilespmem:s6+$0x80] =	vst v16;
	v16 =	vor.u32 $0x1804, v15  }
0x2f3: {  	v21 =	vor.u32 $0x1805, v15;
	v17 =	vld.idx.msk [tilespmem:v17+s28+$0x0], $0xffff  }
0x2f4: {  	v22 =	vor.u32 $0x1806, v15;
	v18 =	vld.idx.msk [tilespmem:v18+s28+$0x0], $0xffff  }
0x2f5: {  	v23 =	vor.u32 $0x1807, v15;
	v20 =	vld.idx.msk [tilespmem:v20+s28+$0x0], $0xffff  }
0x2f6: {  	v19 =	vld.idx.msk [tilespmem:v19+s28+$0x0], $0xffff  }
0x2f7: {  	v16 =	vld.idx.msk [tilespmem:v16+s28+$0x0], $0xffff  }
0x2f8: {  	v21 =	vld.idx.msk [tilespmem:v21+s28+$0x0], $0xffff  }
0x2f9: {  	v22 =	vld.idx.msk [tilespmem:v22+s28+$0x0], $0xffff  }
0x2fa: {  	v17 =	vmax.f32 v17, v18;
	v18 =	vld.idx.msk [tilespmem:v23+s28+$0x0], $0xffff  }
0x2fb: {  	v17 =	vmax.f32 v17, v20  }
0x2fc: {  	v17 =	vmax.f32 v17, v19  }
0x2fd: {  	v16 =	vmax.f32 v17, v16;
	v17 =	vor.u32 $0x1C00, v15  }
0x2fe: {  	v19 =	vor.u32 $0x1C01, v15;
	v16 =	vmax.f32 v16, v21  }
0x2ff: {  	v20 =	vor.u32 $0x1C02, v15;
	v16 =	vmax.f32 v16, v22  }
0x300: {  	v23 =	vor.u32 $0x1C03, v15;
	v16 =	vmax.f32 v16, v18  }
0x301: {  	v24 =	vor.u32 $0x1C04, v15;
	[tilespmem:s6+$0x100] =	vst v16  }
0x302: {  	v25 =	vor.u32 $0x1C05, v15;
	v16 =	vld.idx.msk [tilespmem:v17+s28+$0x0], $0xffff  }
.Ltmp26:
0x303: {  	v22 =	vor.u32 $0x1C06, v15;
	v21 =	vld.idx.msk [tilespmem:v19+s28+$0x0], $0xffff;
	(pc) =	sbr.rel @p0 .LBB2_55-.Ltmp26, $4  }
0x304: {  	v15 =	vor.u32 $0x1C07, v15;
	v18 =	vld.idx.msk [tilespmem:v20+s28+$0x0], $0xffff  }
0x305: {  	v19 =	vld.idx.msk [tilespmem:v23+s28+$0x0], $0xffff  }
0x306: {  	v17 =	vld.idx.msk [tilespmem:v24+s28+$0x0], $0xffff  }
0x307: {  	v20 =	vld.idx.msk [tilespmem:v25+s28+$0x0], $0xffff  }
0x308: {  	_ =	sdelay $0x3  }
0x309: {  	v14 =	vld.idx.msk [tilespmem:v22+s28+$0x0], $0xffff;
	v16 =	vmax.f32 v16, v21  }
0x30a: {  	v15 =	vld.idx.msk [tilespmem:v15+s28+$0x0], $0xffff;
	v16 =	vmax.f32 v16, v18  }
0x30b: {  	v16 =	vmax.f32 v16, v19  }
0x30c: {  	v16 =	vmax.f32 v16, v17  }
0x30d: {  	s0 =	sand.u32 $0x3F, s19;
	v16 =	vmax.f32 v16, v20  }
0x30e: {  	s6 =	rddreg [dreg:$0x6];
	s1 =	sshll.u32 s0, $0xB;
	v14 =	vmax.f32 v16, v14  }
0x30f: {  	s31 =	rddreg [dreg:$0x4];
	s1 =	sor.u32 s6, s1;
	v14 =	vmax.f32 v14, v15  }
0x310: {  	s6 =	sadd.s32 s31, s1;
	[tilespmem:s7+$0x180] =	vst v14;
	s7 =	rddreg [dreg:$0x8]  }
0x311: {  	[hbm4b:s6+s2] =	stream.linear.scatter [tilespmem:s23], [sflag:$0x2], $0x4000, $0x38;
	[tilespmem:$0x18600] =	vst v63  }
0x312: {  	s6 =	sadd.s32 s1, s7  }
0x313: {  	[hbm4b:s6+s2] =	stream.linear.scatter [tilespmem:s25], [sflag:$0x2], $0x4000, $0x38;
	[tilespmem:$0x18600] =	vst v63  }
0x314: {  	s9 =	rddreg [dreg:$0x7];
	s0 =	sshll.u32 s0, $0x5;
	s8 =	sadd.s32 s1, s13  }
0x315: {  	[hbm4b:s8+s2] =	stream.linear.scatter [tilespmem:s24], [sflag:$0x2], $0x4000, $0x38;
	[tilespmem:$0x18600] =	vst v63  }
0x316: {  	s10 =	rddreg [dreg:$0x1];
	s0 =	sor.u32 s9, s0;
	s1 =	sadd.s32 s1, s14  }
0x317: {  	[hbm4b:s1+s2] =	stream.linear.scatter [tilespmem:s26], [sflag:$0x2], $0x4000, $0x38;
	[tilespmem:$0x18600] =	vst v63  }
0x318: {  	s11 =	simm.s32 $0x18200;
	s18 =	sadd.s32 $0x1, s18;
	s1 =	sadd.s32 s10, s0  }
0x319: {  	[hbm4b:s1+s2] =	stream.linear.scatter [tilespmem:s11], [sflag:$0x2], $0x100, $0x38;
	[tilespmem:$0x18600] =	vst v63  }
0x31a: {  	s19 =	simm.s32 $0x18300;
	p0 =	sne.s32 s18, $0x8;
	s12 =	sadd.s32 s0, s15  }
0x31b: {  	[hbm4b:s12+s2] =	stream.linear.scatter [tilespmem:s19], [sflag:$0x2], $0x100, $0x38;
	[tilespmem:$0x18600] =	vst v63  }
.Ltmp27:
0x31c: {  	_ = 	snop;
	(pc) =	sbr.rel @p0 .LBB2_2-.Ltmp27, $4  }
.Ltmp28:
0x31d: {  	s30 =	simm.s32 $0x18400;
	s29 =	sadd.s32 s0, s16;
	(pc) =	sbr.rel @!p0 .LBB2_57-.Ltmp28, $4  }
0x31e: {  	[hbm4b:s29+s2] =	stream.linear.scatter [tilespmem:s30], [sflag:$0x2], $0x100, $0x38;
	[tilespmem:$0x18600] =	vst v63  }
0x31f: {  	s31 =	simm.s32 $0x18500;
	s0 =	sadd.s32 s0, s17  }
0x320: {  	[hbm4b:s0+s2] =	stream.linear.scatter [tilespmem:s31], [sflag:$0x2], $0x100, $0x38;
	[tilespmem:$0x18600] =	vst v63  }
0x321: {  	_ = 	snop  }
.LBB2_50:
0x322: {  	_ =	sdelay $0x4  }
0x323: {  	[tilespmem:v21+s26+$0x0] =	vst.idx.msk vm5, v22  }
.LBB2_51:
0x324: {  	s7 =	sadd.s32 $0x1000, s7  }
0x325: {  	p0 =	slt.s32 s7, s6  }
.Ltmp29:
0x326: {  	_ = 	snop;
	(pc) =	sbr.rel @!p0 .LBB2_52-.Ltmp29, $1  }
0x327: {  	_ =	sdelay $0x3  }
.LBB2_29:
.Ltmp30:
0x328: {  	(pc) =	sbr.rel .LBB2_30-.Ltmp30, $2  }
0x329: {  	_ =	sdelay $0x2  }
0x32a: {  	v20 =	vmov s7;
	s0 =	simm.s32 $0x0  }
.LBB2_33:
0x32b: {  	_ =	sdelay $0x3  }
0x32c: {  	v21 =	vadd.s32 v24, v23  }
0x32d: {  	[tilespmem:v25+s21+$0x0] =	vst.idx.msk vm5, v21  }
.LBB2_34:
0x32e: {  	s0 =	sadd.s32 $0x1, s0  }
0x32f: {  	p0 =	sne.s32 s0, $0x10  }
.Ltmp31:
0x330: {  	_ = 	snop;
	(pc) =	sbr.rel @!p0 .LBB2_35-.Ltmp31, $1  }
0x331: {  	_ =	sdelay $0x3  }
.LBB2_30:
0x332: {  	v21 =	vmov s0  }
0x333: {  	vm5 =	veq.s32 v21, v0  }
0x334: {  	v21 =	vnsel vm5, $0x0, v15  }
0x335: {  	(xrf0) =	vadd.scan.msk.s32 $0xffff, v21;
	_ =	sdelay $0x5  }
0x336: {  	v22, _, _ =	vpop (xrf0)  }
0x337: {  	(v2sf) =	vpush v22, $0xF;
	_ =	sdelay $0xe  }
0x338: {  	s1 =	spop (v2sf)  }
0x339: {  	s1 =	sadd.s32 $0xF, s1  }
0x33a: {  	s8 =	sand.u32 $0xF, s1  }
0x33b: {  	s31 =	sshra.s32 s1, $0x1F;
	p1 =	slt.s32 s1, $0x1;
	p0 =	sne.s32 s8, $0x0  }
0x33c: {  	s8 =	sshrl.u32 s31, $0x1C;
	p0 =	por !p1, !p0  }
0x33d: {  	s1 =	sadd.s32 s8, s1;
	s8 =	simm.s32 $0x1;
	p0 =	por !p0, !p0  }
0x33e: {  	s1 =	sshra.s32 s1, $0x4;
	s8 =	simm.s32 @!p0 $0x0  }
0x33f: {  	s1 =	ssub.s32 s1, s8  }
0x340: {  	p0 =	slt.s32 s1, $0x1  }
.Ltmp32:
0x341: {  	_ = 	snop;
	(pc) =	sbr.rel @p0 .LBB2_34-.Ltmp32, $1  }
0x342: {  	_ =	sdelay $0x3  }
0x343: {  	v21 =	vnsel vm5, $0x0, v14  }
0x344: {  	(xrf0) =	vadd.scan.msk.s32 $0xffff, v21;
	_ =	sdelay $0x5  }
0x345: {  	v21, _, _ =	vpop (xrf0)  }
0x346: {  	(v2sf) =	vpush v21, $0xF;
	_ =	sdelay $0x2  }
0x347: {  	v21 =	vnsel vm5, $0x0, v17  }
0x348: {  	(xrf0) =	vadd.scan.msk.s32 $0xffff, v21;
	_ =	sdelay $0x5  }
0x349: {  	v21, _, _ =	vpop (xrf0)  }
0x34a: {  	s8 =	simm.s32 $0x0;
	v21 =	vbroadcast v21, $0xF  }
0x34b: {  	p0 =	sne.s32 s1, $0x1;
	v23 =	vor.u32 s8, v0  }
.Ltmp33:
0x34c: {  	v22 =	vbroadcast v22, $0xF;
	v24 =	vadd.s32 v21, v23;
	(pc) =	sbr.rel @!p0 .LBB2_33-.Ltmp33, $4  }
0x34d: {  	s31 =	smul.u32 $0x4940, s0;
	v25 =	vsub.s32 v24, v20  }
0x34e: {  	vm5 =	vlt.s32 v23, v22;
	vm6 =	vlt.u32 v25, $0x1000;
	s9 =	spop (v2sf)  }
0x34f: {  	v26 =	vand.u32 $0x7F, v24;
	v25 =	vand.u32 $0xFFFFFF80, v25;
	vm5 =	vmand vm5, vm6;
	s8 =	sadd.s32 s31, s9  }
0x350: {  	s1 =	sadd.s32 $0xFFFFFFFF, s1;
	s29 =	simm.s32 $0x10;
	v25 =	vor.u32 v26, v25;
	v24 =	vmov s8  }
.LBB2_32:
0x351: {  	v26 =	vor.u32 s29, v0;
	p0 =	sne.s32 s1, $0x1;
	s1 =	sadd.s32 $0xFFFFFFFF, s1  }
.Ltmp34:
0x352: {  	v27 =	vadd.s32 v21, v26;
	(pc) =	sbr.rel @p0 .LBB2_32-.Ltmp34, $4  }
0x353: {  	v28 =	vsub.s32 v27, v20  }
0x354: {  	v29 =	vadd.s32 v24, v23;
	vm6 =	vlt.s32 v26, v22;
	v23 =	vmovc v26;
	vm7 =	vlt.u32 v28, $0x1000  }
0x355: {  	v27 =	vand.u32 $0x7F, v27;
	v26 =	vand.u32 $0xFFFFFF80, v28;
	[tilespmem:v25+s21+$0x0] =	vst.idx.msk vm5, v29;
	vm5 =	vmand vm6, vm7  }
0x356: {  	s29 =	sadd.s32 $0x10, s29;
	v25 =	vor.u32 v27, v26  }
.Ltmp35:
0x357: {  	_ = 	snop;
	(pc) =	sbr.rel .LBB2_33-.Ltmp35, $1  }
0x358: {  	_ =	sdelay $0x3  }
.LBB2_35:
.Ltmp36:
0x359: {  	(pc) =	sbr.rel .LBB2_36-.Ltmp36, $2  }
0x35a: {  	_ =	sdelay $0x2  }
0x35b: {  	s0 =	simm.s32 $0x0  }
.LBB2_39:
0x35c: {  	_ =	sdelay $0x3  }
0x35d: {  	v21 =	vadd.s32 v24, v23  }
0x35e: {  	[tilespmem:v25+s21+$0x0] =	vst.idx.msk vm5, v21  }
.LBB2_40:
0x35f: {  	s0 =	sadd.s32 $0x1, s0  }
0x360: {  	p0 =	sne.s32 s0, $0x10  }
.Ltmp37:
0x361: {  	_ = 	snop;
	(pc) =	sbr.rel @!p0 .LBB2_41-.Ltmp37, $1  }
0x362: {  	_ =	sdelay $0x3  }
.LBB2_36:
0x363: {  	v21 =	vmov s0  }
0x364: {  	vm5 =	veq.s32 v21, v0  }
0x365: {  	v21 =	vnsel vm5, $0x0, v18  }
0x366: {  	(xrf0) =	vadd.scan.msk.s32 $0xffff, v21;
	_ =	sdelay $0x5  }
0x367: {  	v22, _, _ =	vpop (xrf0)  }
0x368: {  	(v2sf) =	vpush v22, $0xF;
	_ =	sdelay $0xe  }
0x369: {  	s1 =	spop (v2sf)  }
0x36a: {  	s1 =	sadd.s32 $0xF, s1  }
0x36b: {  	s8 =	sand.u32 $0xF, s1  }
0x36c: {  	s31 =	sshra.s32 s1, $0x1F;
	p1 =	slt.s32 s1, $0x1;
	p0 =	sne.s32 s8, $0x0  }
0x36d: {  	s8 =	sshrl.u32 s31, $0x1C;
	p0 =	por !p1, !p0  }
0x36e: {  	s1 =	sadd.s32 s8, s1;
	s8 =	simm.s32 $0x1;
	p0 =	por !p0, !p0  }
0x36f: {  	s1 =	sshra.s32 s1, $0x4;
	s8 =	simm.s32 @!p0 $0x0  }
0x370: {  	s1 =	ssub.s32 s1, s8  }
0x371: {  	p0 =	slt.s32 s1, $0x1  }
.Ltmp38:
0x372: {  	_ = 	snop;
	(pc) =	sbr.rel @p0 .LBB2_40-.Ltmp38, $1  }
0x373: {  	_ =	sdelay $0x3  }
0x374: {  	v21 =	vnsel vm5, $0x0, v16  }
0x375: {  	(xrf0) =	vadd.scan.msk.s32 $0xffff, v21;
	_ =	sdelay $0x5  }
0x376: {  	v21, _, _ =	vpop (xrf0)  }
0x377: {  	(v2sf) =	vpush v21, $0xF;
	_ =	sdelay $0x3  }
0x378: {  	v21 =	vnsel vm5, $0x0, v19  }
0x379: {  	(xrf0) =	vadd.scan.msk.s32 $0xffff, v21;
	_ =	sdelay $0x5  }
0x37a: {  	v21, _, _ =	vpop (xrf0)  }
0x37b: {  	s8 =	simm.s32 $0x0;
	v21 =	vbroadcast v21, $0xF  }
0x37c: {  	s9 =	smul.u32 $0x4940, s0;
	p0 =	sne.s32 s1, $0x1;
	v23 =	vor.u32 s8, v0  }
.Ltmp39:
0x37d: {  	v22 =	vbroadcast v22, $0xF;
	v24 =	vadd.s32 v21, v23;
	(pc) =	sbr.rel @!p0 .LBB2_39-.Ltmp39, $4  }
0x37e: {  	v25 =	vsub.s32 v24, v20;
	s31 =	spop (v2sf)  }
0x37f: {  	vm5 =	vlt.s32 v23, v22;
	vm6 =	vlt.u32 v25, $0x1000;
	s8 =	sadd.s32 s31, s9  }
0x380: {  	v26 =	vand.u32 $0x7F, v24;
	v25 =	vand.u32 $0xFFFFFF80, v25;
	vm5 =	vmand vm5, vm6;
	s8 =	sadd.s32 $0x49400, s8  }
0x381: {  	s1 =	sadd.s32 $0xFFFFFFFF, s1;
	s29 =	simm.s32 $0x10;
	v25 =	vor.u32 v26, v25;
	v24 =	vmov s8  }
.LBB2_38:
0x382: {  	v26 =	vor.u32 s29, v0;
	p0 =	sne.s32 s1, $0x1;
	s1 =	sadd.s32 $0xFFFFFFFF, s1  }
.Ltmp40:
0x383: {  	v27 =	vadd.s32 v21, v26;
	(pc) =	sbr.rel @p0 .LBB2_38-.Ltmp40, $4  }
0x384: {  	v28 =	vsub.s32 v27, v20  }
0x385: {  	v29 =	vadd.s32 v24, v23;
	vm6 =	vlt.s32 v26, v22;
	v23 =	vmovc v26;
	vm7 =	vlt.u32 v28, $0x1000  }
0x386: {  	v27 =	vand.u32 $0x7F, v27;
	v26 =	vand.u32 $0xFFFFFF80, v28;
	[tilespmem:v25+s21+$0x0] =	vst.idx.msk vm5, v29;
	vm5 =	vmand vm6, vm7  }
0x387: {  	s29 =	sadd.s32 $0x10, s29;
	v25 =	vor.u32 v27, v26  }
.Ltmp41:
0x388: {  	_ = 	snop;
	(pc) =	sbr.rel .LBB2_39-.Ltmp41, $1  }
0x389: {  	_ =	sdelay $0x3  }
.LBB2_41:
0x38a: {  	s1 =	ssub.s32 s6, s7  }
0x38b: {  	p0 =	slt.s32 s1, $0x1000;
	s29 =	smov.u32 s1  }
0x38c: {  	s29 =	simm.s32 @!p0 $0x1000  }
0x38d: {  	s0 =	sadd.s32 $0x7F, s29  }
0x38e: {  	s8 =	sand.u32 $0x7F, s0  }
0x38f: {  	p6 =	slt.s32 s1, $0xFFFFFF82;
	s9 =	sshra.s32 s0, $0x1F;
	p1 =	sne.s32 s8, $0x0  }
0x390: {  	s10 =	sshrl.u32 s9, $0x19;
	p0 =	por !p6, !p1  }
0x391: {  	s8 =	simm.s32 $0x1;
	s0 =	sadd.s32 s10, s0;
	p0 =	por !p0, !p0  }
0x392: {  	s0 =	sshra.s32 s0, $0x7;
	s8 =	simm.s32 @!p0 $0x0  }
0x393: {  	s0 =	ssub.s32 s0, s8  }
0x394: {  	v20 =	vadd.s32 s29, v0;
	s11 =	sadd.s32 $0x10, s29;
	s8 =	sshll.u32 s0, $0x7  }
0x395: {  	s12 =	sadd.s32 $0x20, s29;
	v21 =	vadd.s32 s11, v0;
	vm5 =	vlt.s32 v20, s8  }
0x396: {  	s31 =	sadd.s32 $0x30, s29;
	v22 =	vadd.s32 s12, v0;
	vm6 =	vlt.s32 v21, s8  }
0x397: {  	v23 =	vadd.s32 s31, v0;
	s10 =	sadd.s32 $0x40, s29;
	vm7 =	vlt.s32 v22, s8  }
0x398: {  	s11 =	sadd.s32 $0x50, s29;
	v24 =	vadd.s32 s10, v0;
	vm8 =	vlt.s32 v23, s8  }
0x399: {  	s12 =	sadd.s32 $0x60, s29;
	v25 =	vadd.s32 s11, v0;
	vm9 =	vlt.s32 v24, s8  }
0x39a: {  	s30 =	simm.s32 $0x12200;
	s31 =	sadd.s32 $0x70, s29;
	v26 =	vadd.s32 s12, v0;
	vm10 =	vlt.s32 v25, s8  }
0x39b: {  	[tilespmem:v20+s30+$0x0] =	vst.idx.msk vm5, v5;
	vm5 =	vlt.s32 v26, s8;
	v20 =	vadd.s32 s31, v0  }
0x39c: {  	[tilespmem:v21+s30+$0x0] =	vst.idx.msk vm6, v5;
	vm6 =	vlt.s32 v20, s8  }
0x39d: {  	p0 =	slt.s32 s0, $0x1;
	[tilespmem:v22+s30+$0x0] =	vst.idx.msk vm7, v5  }
.Ltmp42:
0x39e: {  	[tilespmem:v23+s30+$0x0] =	vst.idx.msk vm8, v5;
	(pc) =	sbr.rel @p0 .LBB2_47-.Ltmp42, $4  }
0x39f: {  	[tilespmem:v24+s30+$0x0] =	vst.idx.msk vm9, v5  }
0x3a0: {  	[tilespmem:v25+s30+$0x0] =	vst.idx.msk vm10, v5  }
0x3a1: {  	[tilespmem:v26+s30+$0x0] =	vst.idx.msk vm5, v5  }
0x3a2: {  	[tilespmem:v20+s30+$0x0] =	vst.idx.msk vm6, v5  }
0x3a3: {  	p0 =	sne.s32 s0, $0x1  }
.Ltmp43:
0x3a4: {  	s8 =	simm.s32 $0x13200;
	s12 =	simm.s32 $0x14200;
	(pc) =	sbr.rel @!p0 .LBB2_44-.Ltmp43, $4  }
0x3a5: {  	[tilespmem:s8], [sflag:$0x1] =	stream.indirect.gather [hbm4b:s3+s22], $0x1, s30, s22, $0xb8;
	[tilespmem:$0x18600] =	vst v63  }
0x3a6: {  	s10 =	simm.s32 $0x15200;
	s31 =	sadd.s32 $0xFFFFFFFF, s0;
	s9 =	simm.s32 $0x13280  }
0x3a7: {  	[tilespmem:s12], [sflag:$0x1] =	stream.indirect.gather [hbm4b:s4+s22], $0x1, s30, s22, $0xb8;
	[tilespmem:$0x18600] =	vst v63  }
0x3a8: {  	s11 =	simm.s32 $0x12280;
	s8 =	simm.s32 $0x15280;
	s12 =	simm.s32 $0x14280  }
.LBB2_43:
0x3a9: {  	[tilespmem:s10], [sflag:$0x1] =	stream.indirect.gather [hbm4b:s5+s22], $0x1, s30, s22, $0xb8;
	[tilespmem:$0x18600] =	vst v63  }
0x3aa: {  	p1 =	sne.s32 s31, $0x1  }
.Ltmp44:
0x3ab: {  	s31 =	sadd.s32 $0xFFFFFFFF, s31;
	(pc) =	sbr.rel @p1 .LBB2_43-.Ltmp44, $4  }
0x3ac: {  	[tilespmem:s9], [sflag:$0x1] =	stream.indirect.gather [hbm4b:s3+s22], $0x1, s11, s22, $0xb8;
	[tilespmem:$0x18600] =	vst v63  }
0x3ad: {  	s10 =	smov.u32 s8;
	s8 =	sadd.s32 $0x80, s8;
	s30 =	smov.u32 s11  }
0x3ae: {  	[tilespmem:s12], [sflag:$0x1] =	stream.indirect.gather [hbm4b:s4+s22], $0x1, s11, s22, $0xb8;
	[tilespmem:$0x18600] =	vst v63  }
0x3af: {  	s9 =	sadd.s32 $0x80, s9;
	s11 =	sadd.s32 $0x80, s11;
	s12 =	sadd.s32 $0x80, s12  }
.LBB2_44:
0x3b0: {  	[tilespmem:s10], [sflag:$0x1] =	stream.indirect.gather [hbm4b:s5+s22], $0x1, s30, s22, $0xb8;
	[tilespmem:$0x18600] =	vst v63  }
0x3b1: {  	_ =	swait.ge [sflag:s20], $0x80  }
0x3b2: {  	[sflag:s20] =	ssyncset.done $0x0  }
0x3b3: {  	[sflag:s20] =	ssyncadd.s32 $0xFFFFFF80  }
.Ltmp45:
0x3b4: {  	_ =	swait.ge [sflag:s20], $0x80;
	(pc) =	sbr.rel @!p0 .LBB2_46-.Ltmp45, $4  }
0x3b5: {  	[sflag:s20] =	ssyncset.done $0x0  }
0x3b6: {  	[sflag:s20] =	ssyncadd.s32 $0xFFFFFF80  }
0x3b7: {  	_ =	swait.ge [sflag:s20], $0x80  }
0x3b8: {  	s0 =	sadd.s32 $0xFFFFFFFF, s0;
	[sflag:s20] =	ssyncset.done $0x0  }
.LBB2_45:
0x3b9: {  	p0 =	sne.s32 s0, $0x1;
	s0 =	sadd.s32 $0xFFFFFFFF, s0;
	[sflag:s20] =	ssyncadd.s32 $0xFFFFFF80  }
0x3ba: {  	_ =	swait.ge [sflag:s20], $0x80  }
0x3bb: {  	[sflag:s20] =	ssyncset.done $0x0  }
0x3bc: {  	[sflag:s20] =	ssyncadd.s32 $0xFFFFFF80  }
.Ltmp46:
0x3bd: {  	_ =	swait.ge [sflag:s20], $0x80;
	(pc) =	sbr.rel @p0 .LBB2_45-.Ltmp46, $4  }
0x3be: {  	[sflag:s20] =	ssyncset.done $0x0  }
0x3bf: {  	[sflag:s20] =	ssyncadd.s32 $0xFFFFFF80  }
0x3c0: {  	_ =	swait.ge [sflag:s20], $0x80  }
0x3c1: {  	[sflag:s20] =	ssyncset.done $0x0  }
.LBB2_46:
0x3c2: {  	[sflag:s20] =	ssyncadd.s32 $0xFFFFFF80  }
.LBB2_47:
0x3c3: {  	s0 =	sadd.s32 $0xF, s29  }
0x3c4: {  	s8 =	sand.u32 $0xF, s0  }
0x3c5: {  	p0 =	slt.s32 s1, $0xFFFFFFF2;
	s9 =	sshra.s32 s0, $0x1F;
	p1 =	sne.s32 s8, $0x0  }
0x3c6: {  	s31 =	sshrl.u32 s9, $0x1C;
	p0 =	por !p0, !p1  }
0x3c7: {  	s1 =	simm.s32 $0x1;
	s0 =	sadd.s32 s31, s0;
	p0 =	por !p0, !p0  }
0x3c8: {  	s0 =	sshra.s32 s0, $0x4;
	s1 =	simm.s32 @!p0 $0x0  }
0x3c9: {  	s0 =	ssub.s32 s0, s1  }
0x3ca: {  	p0 =	slt.s32 s0, $0x1  }
.Ltmp47:
0x3cb: {  	_ = 	snop;
	(pc) =	sbr.rel @p0 .LBB2_51-.Ltmp47, $1  }
0x3cc: {  	_ =	sdelay $0x3  }
0x3cd: {  	s1 =	simm.s32 $0x13200  }
0x3ce: {  	v21 =	vld [tilespmem:s1+$0x0];
	_ =	sdelay $0x1  }
0x3cf: {  	s8 =	simm.s32 $0x0  }
0x3d0: {  	v20 =	vmov s29;
	v22 =	vor.u32 s8, v0  }
0x3d1: {  	vm5 =	vlt.s32 v22, v20  }
0x3d2: {  	v22 =	vnsel vm5, $0x3FFF, v21  }
0x3d3: {  	v21 =	vxor.u32 $0x80000000, v22  }
0x3d4: {  	(xrf1) =	vsort.ascd.msk.u32 $0xffff, v21, v0;
	_ =	sdelay $0x7  }
0x3d5: {  	s29 =	simm.s32 $0x15200  }
0x3d6: {  	s30 =	simm.s32 $0x14200;
	v21 =	vld [tilespmem:s29+$0x0]  }
0x3d7: {  	v23 =	vld [tilespmem:s30+$0x0];
	_ =	sdelay $0x3  }
0x3d8: {  	v24 =	vnsel vm5, $0xFF800000, v21;
	v21, v25, _ =	vpop (xrf1)  }
0x3d9: {  	v26 =	vnsel vm5, $0x7F800000, v23;
	v21 =	vxor.u32 $0x80000000, v21;
	v24 =	vperm.xlane v24, v25  }
0x3da: {  	v25 =	vperm.xlane v26, v25;
	v49 =	vperm.xlane v21, v7  }
0x3db: {  	v27 =	vperm.xlane v24, v7  }
0x3dc: {  	v28 =	vperm.xlane v25, v7;
	vm6 =	veq.s32 v21, v49  }
0x3dd: {  	vm6 =	vmand vm6, vm0;
	v50 =	vmax.f32 v24, v27  }
0x3de: {  	v51 =	vperm.xlane v21, v9;
	v28 =	vmin.f32 v25, v28;
	v24 =	vsel vm6, v50, v24  }
0x3df: {  	v25 =	vsel vm6, v28, v25;
	v53 =	vperm.xlane v24, v9  }
0x3e0: {  	v56 =	vsel vm5, $0x3F800000, v6;
	vm6 =	veq.s32 v21, v51;
	v54 =	vperm.xlane v25, v9  }
0x3e1: {  	v23 =	vnsel vm5, $0x0, v23;
	[tilespmem:v22+s23+$0x0] =	vst.idx.add.f32.msk $0xffff, v56;
	vm6 =	vmand vm6, vm1;
	v55 =	vmax.f32 v24, v53  }
0x3e2: {  	v52 =	vperm.xlane v21, v10;
	v27 =	vmin.f32 v25, v54;
	v24 =	vsel vm6, v55, v24  }
0x3e3: {  	v57 =	vperm.xlane v21, v13;
	v25 =	vsel vm6, v27, v25;
	v58 =	vperm.xlane v24, v10  }
0x3e4: {  	v29 =	vperm.xlane v21, v11;
	vm7 =	veq.s32 v21, v52;
	v59 =	vperm.xlane v25, v10  }
0x3e5: {  	[tilespmem:v22+s24+$0x0] =	vst.idx.add.f32.msk $0xffff, v23;
	vm5 =	vne.s32 v21, v57;
	vm6 =	vmand vm7, vm2;
	v22 =	vmax.f32 v24, v58  }
0x3e6: {  	vm5 =	vmor vm5, vm4;
	v60 =	vld.idx.msk [tilespmem:v21+s25+$0x0], $0xffff;
	v23 =	vmin.f32 v25, v59;
	v22 =	vsel vm6, v22, v24  }
0x3e7: {  	p0 =	sne.s32 s0, $0x1;
	v61 =	vld.idx.msk [tilespmem:v21+s26+$0x0], $0xffff;
	v23 =	vsel vm6, v23, v25;
	v62 =	vperm.xlane v22, v11  }
.Ltmp48:
0x3e8: {  	vm6 =	veq.s32 v21, v29;
	v63 =	vperm.xlane v23, v11;
	(pc) =	sbr.rel @!p0 .LBB2_50-.Ltmp48, $4  }
0x3e9: {  	vm6 =	vmand vm6, vm3;
	v25 =	vmax.f32 v22, v62  }
0x3ea: {  	v27 =	vmin.f32 v23, v63;
	v22 =	vsel vm6, v25, v22  }
0x3eb: {  	v23 =	vsel vm6, v27, v23;
	v22 =	vmax.f32 v60, v22  }
0x3ec: {  	s31 =	sadd.s32 $0xFFFFFFFF, s0;
	s0 =	simm.s32 $0x10;
	[tilespmem:v21+s25+$0x0] =	vst.idx.msk vm5, v22;
	v22 =	vmin.f32 v61, v23  }
.LBB2_49:
0x3ed: {  	[tilespmem:v21+s26+$0x0] =	vst.idx.msk vm5, v22;
	s1 =	sadd.s32 $0x10, s1;
	s30 =	sadd.s32 $0x10, s30;
	s29 =	sadd.s32 $0x10, s29  }
0x3ee: {  	p0 =	sne.s32 s31, $0x1;
	s31 =	sadd.s32 $0xFFFFFFFF, s31;
	v21 =	vld [tilespmem:s1+$0x0];
	_ =	sdelay $0x2  }
0x3ef: {  	v22 =	vor.u32 s0, v0  }
0x3f0: {  	vm5 =	vlt.s32 v22, v20  }
0x3f1: {  	v22 =	vnsel vm5, $0x3FFF, v21  }
0x3f2: {  	v21 =	vxor.u32 $0x80000000, v22  }
0x3f3: {  	(xrf1) =	vsort.ascd.msk.u32 $0xffff, v21, v0;
	_ =	sdelay $0x7  }
0x3f4: {  	v21 =	vld [tilespmem:s29+$0x0]  }
0x3f5: {  	v23 =	vld [tilespmem:s30+$0x0];
	_ =	sdelay $0x3  }
0x3f6: {  	v24 =	vnsel vm5, $0xFF800000, v21  }
0x3f7: {  	v25 =	vnsel vm5, $0x7F800000, v23;
	v23 =	vnsel vm5, $0x0, v23;
	v21, v26, _ =	vpop (xrf1)  }
0x3f8: {  	v21 =	vxor.u32 $0x80000000, v21;
	v25 =	vperm.xlane v25, v26;
	v24 =	vperm.xlane v24, v26  }
0x3f9: {  	v26 =	vperm.xlane v21, v7;
	v27 =	vperm.xlane v21, v9  }
0x3fa: {  	v28 =	vperm.xlane v25, v7;
	v29 =	vperm.xlane v24, v7  }
0x3fb: {  	vm6 =	veq.s32 v21, v26;
	vm7 =	veq.s32 v21, v27;
	v26 =	vperm.xlane v21, v10  }
0x3fc: {  	vm6 =	vmand vm6, vm0;
	v27 =	vmin.f32 v25, v28;
	v28 =	vmax.f32 v24, v29  }
0x3fd: {  	v25 =	vsel vm6, v27, v25;
	v24 =	vsel vm6, v28, v24;
	vm6 =	veq.s32 v21, v26  }
0x3fe: {  	v26 =	vperm.xlane v25, v9;
	v27 =	vperm.xlane v24, v9  }
0x3ff: {  	v30 =	vperm.xlane v21, v13;
	v29 =	vperm.xlane v21, v11;
	v28 =	vsel vm5, $0x3F800000, v6  }
0x400: {  	vm5 =	vmand vm7, vm1;
	[tilespmem:v22+s23+$0x0] =	vst.idx.add.f32.msk $0xffff, v28;
	v26 =	vmin.f32 v25, v26;
	v27 =	vmax.f32 v24, v27  }
0x401: {  	v25 =	vsel vm5, v26, v25;
	v24 =	vsel vm5, v27, v24;
	vm5 =	vne.s32 v21, v30  }
0x402: {  	vm7 =	veq.s32 v21, v29;
	v26 =	vperm.xlane v25, v10;
	v27 =	vperm.xlane v24, v10  }
0x403: {  	[tilespmem:v22+s24+$0x0] =	vst.idx.add.f32.msk $0xffff, v23  }
0x404: {  	vm6 =	vmand vm6, vm2;
	v22 =	vmin.f32 v25, v26;
	v23 =	vmax.f32 v24, v27;
	v26 =	vld.idx.msk [tilespmem:v21+s25+$0x0], $0xffff  }
0x405: {  	vm5 =	vmor vm5, vm4;
	v22 =	vsel vm6, v22, v25;
	v23 =	vsel vm6, v23, v24;
	v24 =	vld.idx.msk [tilespmem:v21+s26+$0x0], $0xffff  }
0x406: {  	v25 =	vperm.xlane v22, v11;
	v27 =	vperm.xlane v23, v11  }
.Ltmp49:
0x407: {  	(pc) =	sbr.rel @p0 .LBB2_49-.Ltmp49, $4  }
0x408: {  	vm6 =	vmand vm7, vm3;
	v25 =	vmin.f32 v22, v25;
	v27 =	vmax.f32 v23, v27  }
0x409: {  	v22 =	vsel vm6, v25, v22;
	v23 =	vsel vm6, v27, v23  }
0x40a: {  	v23 =	vmax.f32 v26, v23  }
0x40b: {  	s0 =	sadd.s32 $0x10, s0;
	v22 =	vmin.f32 v24, v22;
	[tilespmem:v21+s25+$0x0] =	vst.idx.msk vm5, v23  }
.Ltmp50:
0x40c: {  	_ = 	snop;
	(pc) =	sbr.rel .LBB2_50-.Ltmp50, $1  }
0x40d: {  	_ =	sdelay $0x3  }
.LBB2_58:
0x40e: {  	_ =	sfence.sel $0x180000  }
0x40f: {  	[bflag:$0x0] =	sbarrier.arrive $0xFFFF  }
0x410: {  	_ =	strace $0x9000004A  }
0x411: {  	s0 =	stileid.u32;
	[bflag:$0x2] =	sbarrier.arrive $0xFFFF  }
0x412: {  	p0 =	sne.s32 s0, $0x0;
	s0 =	rddreg [dreg:$0x2]  }
0x413: {  	s0 =	sadd.s32 @!p0 $0x100000, s0  }
0x414: {  	[sflag:s0] =	ssyncadd.tile.s32 @!p0 $0x1;
	_ =	shalt  }
.Lfunc_end2:
_tile_overlayer_lowered:
.L_overlay_start_2:
0x415: {  	(tag) =	ssettag $0x2  }
0x416: {  	s0 =	rddreg [dreg:$0x0];
	s2 =	stileid.u32  }
0x417: {  	s1 =	rddreg [dreg:$0x1];
	p0 =	sne.s32 s2, $0x0  }
0x418: {  	s3 =	rddreg [dreg:$0x2];
	[bflag:$0x3] =	sbarrier.arrive $0xFFFF;
	s2 =	simm.s32 @!p0 $0x1C03  }
0x419: {  	[timem:s3], [sflag:s2] =	dma.local @!p0 [hbm:s0], s1  }
0x41a: {  	s0 =	simm.s32 @!p0 $0x3  }
0x41b: {  	_ =	swait.ge @!p0 [sflag:s0], s1  }
0x41c: {  	s1 =	ssub.s32 @!p0 $0x0, s1;
	[sflag:s0] =	ssyncset.done @!p0 $0x0  }
0x41d: {  	[sflag:s0] =	ssyncadd.s32 @!p0 s1  }
0x41e: {  	[bflag:$0x3] =	sbarrier.arrive $0xFFFF  }
0x41f: {  	_ =	shalt  }

</sc_bundles>
